<compile_context>
chip_gen: v7x
topology: tpu7x:2x2x1
jax: 0.10.2.dev20260603
libtpu: 0.0.44.dev20260713+nightly
codegen_flags: <defaults>
</compile_context>

<pallas_src>
import functools

import jax
import jax.numpy as jnp
from jax import lax
from jax.experimental import pallas as pl
from jax.experimental.pallas import tpu as pltpu
from jax.experimental.pallas import tpu_sc as plsc

N = 10000
E = 320000
NC, NS = 2, 16
NW = NC * NS
CHUNK = 125
EPW = E // NW
NCHUNK = EPW // CHUNK
NBUF = 8
NPAD = 10240
F32 = jnp.float32


def _mesh():
    return plsc.VectorSubcoreMesh(
        core_axis_name="c", subcore_axis_name="s",
        num_cores=NC, num_subcores=NS)



@functools.partial(
    pl.kernel,
    out_type=jax.ShapeDtypeStruct((NC, NPAD), F32),
    mesh=_mesh(),
    scratch_types=[
        pltpu.VMEM((NCHUNK, CHUNK), jnp.int32),
        pltpu.VMEM((CHUNK,), F32),
        pltpu.VMEM_SHARED((NPAD,), F32),
        pltpu.SemaphoreType.DMA,
    ],
    compiler_params=pltpu.CompilerParams(use_tc_tiling_on_sc=False),
)
def _deg_kernel(col_hbm, zero_hbm, out_hbm, col_v, ones_v, accum, sem):
    cid = lax.axis_index("c")
    sid = lax.axis_index("s")
    wid = cid * NS + sid
    for k in range(0, CHUNK - 15, 16):
        ones_v[pl.ds(k, 16)] = jnp.full((16,), 1.0, F32)
    ones_v[pl.ds(CHUNK - 16, 16)] = jnp.full((16,), 1.0, F32)
    pltpu.sync_copy(col_hbm.at[wid], col_v)
    sl = pl.ds(sid * 640, 640)
    pltpu.sync_copy(zero_hbm.at[sl], accum.at[sl])
    plsc.subcore_barrier()

    def body(i, carry):
        pltpu.async_copy(ones_v, accum.at[col_v.at[i]], sem, add=True)
        return carry

    lax.fori_loop(0, NCHUNK, body, 0)

    def drain(i, carry):
        pltpu.make_async_copy(ones_v, accum.at[col_v.at[0]], sem).wait()
        return carry

    lax.fori_loop(0, NCHUNK, drain, 0)
    plsc.subcore_barrier()
    pltpu.sync_copy(accum.at[sl], out_hbm.at[cid].at[sl])


def _make_agg(F):
    @functools.partial(
        pl.kernel,
        out_type=jax.ShapeDtypeStruct((NC, NPAD, F), F32),
        mesh=_mesh(),
        scratch_types=[
            pltpu.VMEM((NCHUNK, CHUNK), jnp.int32),
            pltpu.VMEM((NCHUNK, CHUNK), jnp.int32),
            pltpu.VMEM((NBUF, CHUNK, F), F32),
            pltpu.VMEM((NPAD // NS, F), F32),
            pltpu.VMEM_SHARED((NPAD, F), F32),
            [pltpu.SemaphoreType.DMA] * NBUF,
            [pltpu.SemaphoreType.DMA] * NBUF,
        ],
        compiler_params=pltpu.CompilerParams(use_tc_tiling_on_sc=False),
    )
    def agg(g_hbm, row_hbm, col_hbm, out_hbm, row_v, col_v, rows_v,
            stage_v, accum, gsem, ssem):
        cid = lax.axis_index("c")
        sid = lax.axis_index("s")
        wid = cid * NS + sid
        pltpu.sync_copy(row_hbm.at[wid], row_v)
        pltpu.sync_copy(col_hbm.at[wid], col_v)

        sl = pl.ds(sid * (NPAD // NS), NPAD // NS)
        pltpu.sync_copy(g_hbm.at[sl], stage_v)
        pltpu.sync_copy(stage_v, accum.at[sl])
        plsc.subcore_barrier()

        def gather(j, b):
            pltpu.async_copy(g_hbm.at[row_v.at[j]], rows_v.at[b], gsem[b])

        def wait_gather(b):
            pltpu.make_async_copy(
                g_hbm.at[row_v.at[0]], rows_v.at[b], gsem[b]).wait()

        def scatter(j, b):
            pltpu.async_copy(
                rows_v.at[b], accum.at[col_v.at[j]], ssem[b], add=True)

        def wait_scatter(j, b):
            pltpu.make_async_copy(
                rows_v.at[b], accum.at[col_v.at[j]], ssem[b]).wait()

        for b in range(NBUF):
            gather(b, b)

        def body(k, carry):
            j0 = NBUF * k
            for b in range(NBUF):
                wait_gather(b)
                scatter(j0 + b, b)
            for b in range(NBUF):
                wait_scatter(j0 + b, b)
                gather(j0 + NBUF + b, b)
            return carry

        lax.fori_loop(0, NCHUNK // NBUF - 1, body, 0)
        j0 = NCHUNK - NBUF
        for b in range(NBUF):
            wait_gather(b)
            scatter(j0 + b, b)
        for b in range(NBUF):
            wait_scatter(j0 + b, b)
        plsc.subcore_barrier()

        pltpu.sync_copy(accum.at[sl], stage_v)
        pltpu.sync_copy(stage_v, out_hbm.at[cid].at[sl])

    return agg


_agg32 = _make_agg(32)



NP4 = NPAD // 4


def _tca_body(p4, x4, w1, dinv4_o, g1_o):
    dinv_p = lax.rsqrt(p4[0] + p4[1] + 1.0)
    lane = lax.broadcasted_iota(jnp.int32, (1, 128), 1) // 32
    dinv4 = sum(
        dinv_p[:, k:k + 1] * jnp.where(lane == k, 1.0, 0.0).astype(F32)
        for k in range(4))
    xv = x4[...]
    w = w1[...]
    h = jnp.concatenate(
        [jnp.dot(xv[:, 128 * k:128 * (k + 1)], w,
                 preferred_element_type=F32) for k in range(4)], axis=1)
    dinv4_o[...] = dinv4
    g1_o[...] = h * dinv4


_tca = pl.pallas_call(
    _tca_body,
    out_shape=[jax.ShapeDtypeStruct((NP4, 128), F32),
               jax.ShapeDtypeStruct((NP4, 128), F32)],
)


def _mid_packed_body(a, g, dinv4, bb, wb, out):
    b4 = jnp.tile(bb[...], (1, 4))
    y = jnp.tanh((a[0] + a[1] - g[...]) * dinv4[...] + b4)
    w = wb[...]
    h = jnp.concatenate(
        [jnp.dot(y[:, 32 * k:32 * (k + 1)], w,
                 preferred_element_type=F32) for k in range(4)], axis=1)
    out[...] = h * dinv4[...]


def _make_mid():
    return pl.pallas_call(
        _mid_packed_body,
        out_shape=jax.ShapeDtypeStruct((NP4, 128), F32),
    )


_mid_a = _make_mid()
_mid_b = _make_mid()


def _final_body(a, g, dinv4, bb, wcb, bc, out):
    b4 = jnp.tile(bb[...], (1, 4))
    y = jnp.tanh((a[0] + a[1] - g[...]) * dinv4[...] + b4)
    w = wcb[...]
    h = jnp.concatenate(
        [jnp.dot(y[:, 32 * k:32 * (k + 1)], w,
                 preferred_element_type=F32) for k in range(4)], axis=1)
    out[...] = h + jnp.tile(bc[...], (1, 4))


_tc_final = pl.pallas_call(
    _final_body,
    out_shape=jax.ShapeDtypeStruct((NP4, 16), F32),
)



@jax.jit
def kernel(x, edge_index, W1, b1, W2, b2, W3, b3, Wc, bc):
    ei = edge_index.astype(jnp.int32)
    row2 = ei[0].reshape(NW, NCHUNK, CHUNK)
    col2 = ei[1].reshape(NW, NCHUNK, CHUNK)
    zero = jnp.zeros((NPAD,), F32)

    degp = _deg_kernel(col2, zero)
    p4 = degp.reshape(NC, NP4, 4)
    x4 = jnp.pad(x, ((0, NPAD - N), (0, 0))).reshape(NP4, 512)

    dinv4, g1p = _tca(p4, x4, W1)

    def packed(t):
        return t.reshape(NC, NP4, 128)

    w2b = jnp.concatenate([W2, jnp.zeros((32, 16), F32)], 1)
    w3b = jnp.concatenate(
        [jnp.concatenate([W3, jnp.zeros((16, 24), F32)], 1),
         jnp.zeros((16, 32), F32)], 0)
    wcb = jnp.concatenate([Wc, jnp.zeros((24, 4), F32)], 0)
    b2b = jnp.concatenate([b2, jnp.zeros((16,), F32)]).reshape(1, 32)
    b3b = jnp.concatenate([b3, jnp.zeros((24,), F32)]).reshape(1, 32)

    a = packed(_agg32(g1p.reshape(NPAD, 32), row2, col2))
    g2p = _mid_a(a, g1p, dinv4, b1.reshape(1, 32), w2b)

    a = packed(_agg32(g2p.reshape(NPAD, 32), row2, col2))
    g3p = _mid_b(a, g2p, dinv4, b2b, w3b)

    a = packed(_agg32(g3p.reshape(NPAD, 32), row2, col2))
    outp = _tc_final(a, g3p, dinv4, b3b, wcb, bc.reshape(1, 4))
    return outp.reshape(NPAD, 4)[:N]

# --- scband reference (transcript-rebuilt; emitter-appended) ---
"""Pipeline reference for scband-gcn-46978352283765 (READ-ONLY COPY).

The authoritative reference and input builder live on the scoring server;
editing this copy changes nothing except your own understanding.
"""

import jax, jax.numpy as jnp
import numpy as np

N_NODES = 10000


def gcn_conv(x, edge_index, W, b):
    n = x.shape[0]
    row = edge_index[0]
    col = edge_index[1]
    loop = jnp.arange(n, dtype=edge_index.dtype)
    row = jnp.concatenate([row, loop])
    col = jnp.concatenate([col, loop])
    deg = jnp.zeros((n,), dtype=x.dtype).at[col].add(1.0)
    deg_inv_sqrt = jax.lax.rsqrt(jnp.where(deg > 0, deg, 1.0))
    norm = deg_inv_sqrt[row] * deg_inv_sqrt[col]
    h = x @ W
    msg = h[row] * norm[:, None]
    out = jnp.zeros((n, W.shape[1]), dtype=x.dtype).at[col].add(msg)
    return out + b


def setup_inputs(seed: int = 0) -> dict:
    key = jax.random.key(seed)
    ks = jax.random.split(key, 12)
    x = jax.random.normal(ks[0], (N_NODES, 128), dtype=jnp.float32)
    edge_index = jax.random.randint(ks[1], (2, 320000), 0, N_NODES, dtype=jnp.int64)
    W1 = jax.random.normal(ks[2], (128, 32), dtype=jnp.float32) * (1.0 / np.sqrt(128))
    b1 = jnp.zeros((32,), dtype=jnp.float32)
    W2 = jax.random.normal(ks[3], (32, 16), dtype=jnp.float32) * (1.0 / np.sqrt(32))
    b2 = jnp.zeros((16,), dtype=jnp.float32)
    W3 = jax.random.normal(ks[4], (16, 8), dtype=jnp.float32) * (1.0 / np.sqrt(16))
    b3 = jnp.zeros((8,), dtype=jnp.float32)
    Wc = jax.random.normal(ks[5], (8, 4), dtype=jnp.float32) * (1.0 / np.sqrt(8))
    bc = jnp.zeros((4,), dtype=jnp.float32)
    return {"x": x, "edge_index": edge_index, "W1": W1, "b1": b1, "W2": W2, "b2": b2, "W3": W3, "b3": b3, "Wc": Wc, "bc": bc}


def reference(x, edge_index, W1, b1, W2, b2, W3, b3, Wc, bc):
    y = jnp.tanh(gcn_conv(x, edge_index, W1, b1))
    y = jnp.tanh(gcn_conv(y, edge_index, W2, b2))
    y = jnp.tanh(gcn_conv(y, edge_index, W3, b3))
    out = y @ Wc + bc
    return out

if __name__ == "__main__":
    import jax
    _d = setup_inputs()
    print(jax.jit(kernel)(*tuple(_d.values())))

</pallas_src>

<mosaic_0001>
#map = affine_map<(d0, d1) -> (0, 0)>
#map1 = affine_map<(d0, d1) -> (0, 0, 0)>
module attributes {stable_mosaic.version = 14 : i64} {
  func.func @agg(%arg0: i32, %arg1: i32, %arg2: memref<10240x32xf32, #tpu.memory_space<hbm>>, %arg3: memref<32x80x125xi32, #tpu.memory_space<hbm>>, %arg4: memref<32x80x125xi32, #tpu.memory_space<hbm>>, %arg5: memref<2x10240x32xf32, #tpu.memory_space<hbm>>, %arg6: memref<80x125xi32, #tpu.memory_space<vmem>>, %arg7: memref<80x125xi32, #tpu.memory_space<vmem>>, %arg8: memref<8x125x32xf32, #tpu.memory_space<vmem>>, %arg9: memref<640x32xf32, #tpu.memory_space<vmem>>, %arg10: memref<10240x32xf32, #tpu.memory_space<vmem_shared>>, %arg11: memref<!tpu.dma_semaphore, #tpu.memory_space<semaphore_mem>>, %arg12: memref<!tpu.dma_semaphore, #tpu.memory_space<semaphore_mem>>, %arg13: memref<!tpu.dma_semaphore, #tpu.memory_space<semaphore_mem>>, %arg14: memref<!tpu.dma_semaphore, #tpu.memory_space<semaphore_mem>>, %arg15: memref<!tpu.dma_semaphore, #tpu.memory_space<semaphore_mem>>, %arg16: memref<!tpu.dma_semaphore, #tpu.memory_space<semaphore_mem>>, %arg17: memref<!tpu.dma_semaphore, #tpu.memory_space<semaphore_mem>>, %arg18: memref<!tpu.dma_semaphore, #tpu.memory_space<semaphore_mem>>, %arg19: memref<!tpu.dma_semaphore, #tpu.memory_space<semaphore_mem>>, %arg20: memref<!tpu.dma_semaphore, #tpu.memory_space<semaphore_mem>>, %arg21: memref<!tpu.dma_semaphore, #tpu.memory_space<semaphore_mem>>, %arg22: memref<!tpu.dma_semaphore, #tpu.memory_space<semaphore_mem>>, %arg23: memref<!tpu.dma_semaphore, #tpu.memory_space<semaphore_mem>>, %arg24: memref<!tpu.dma_semaphore, #tpu.memory_space<semaphore_mem>>, %arg25: memref<!tpu.dma_semaphore, #tpu.memory_space<semaphore_mem>>, %arg26: memref<!tpu.dma_semaphore, #tpu.memory_space<semaphore_mem>>) attributes {dimension_semantics = [#tpu.dimension_semantics<core_parallel>, #tpu.dimension_semantics<subcore_parallel>], iteration_bounds = array<i64: 2, 16>, scalar_prefetch = 0 : i64, scratch_operands = 21 : i64, tpu.core_type = #tpu.core_type<sc_vector_subcore>, window_params = [{transform_indices = #map}, {transform_indices = #map1}, {transform_indices = #map1}, {transform_indices = #map1}]} {
    %mul3A = arith.constant 16 : i32
    %mul3A_0 = arith.muli %arg0, %mul3A : i32
    %add3A = arith.addi %mul3A_0, %arg1 : i32
    "tpu.region"() ({
      %run_scoped3A = tpu.sem_alloc : memref<!tpu.dma_semaphore, #tpu.memory_space<semaphore_mem>>
      %dma_start3A_391 = arith.constant 0 : i32
      %dma_start3A_392 = arith.constant 0 : i32
      %dma_start3A_393 = tpu.memref_slice %arg3[%add3A, %dma_start3A_391, %dma_start3A_392] : memref<32x80x125xi32, #tpu.memory_space<hbm>> -> memref<1x80x125xi32, #tpu.memory_space<hbm>>
      %dma_start3A_394 = tpu.memref_squeeze %dma_start3A_393 : memref<1x80x125xi32, #tpu.memory_space<hbm>> -> memref<80x125xi32, #tpu.memory_space<hbm>>
      %dma_start3A_395 = arith.constant 0 : i32
      %dma_start3A_396 = arith.constant 0 : i32
      %dma_start3A_397 = tpu.memref_slice %arg3[%add3A, %dma_start3A_395, %dma_start3A_396] : memref<32x80x125xi32, #tpu.memory_space<hbm>> -> memref<1x80x125xi32, #tpu.memory_space<hbm>>
      %dma_start3A_398 = tpu.memref_squeeze %dma_start3A_397 : memref<1x80x125xi32, #tpu.memory_space<hbm>> -> memref<80x125xi32, #tpu.memory_space<hbm>>
      tpu.enqueue_dma source(%dma_start3A_398 : memref<80x125xi32, #tpu.memory_space<hbm>>) target(%arg6 : memref<80x125xi32, #tpu.memory_space<vmem>>) target_semaphore(%run_scoped3A : memref<!tpu.dma_semaphore, #tpu.memory_space<semaphore_mem>>)
      %dma_wait3A_399 = arith.constant 0 : i32
      %dma_wait3A_400 = arith.constant 0 : i32
      %dma_wait3A_401 = tpu.memref_slice %arg3[%add3A, %dma_wait3A_399, %dma_wait3A_400] : memref<32x80x125xi32, #tpu.memory_space<hbm>> -> memref<1x80x125xi32, #tpu.memory_space<hbm>>
      %dma_wait3A_402 = tpu.memref_squeeze %dma_wait3A_401 : memref<1x80x125xi32, #tpu.memory_space<hbm>> -> memref<80x125xi32, #tpu.memory_space<hbm>>
      %dma_wait3A_403 = arith.constant 0 : i32
      %dma_wait3A_404 = arith.constant 0 : i32
      %dma_wait3A_405 = tpu.memref_slice %arg3[%add3A, %dma_wait3A_403, %dma_wait3A_404] : memref<32x80x125xi32, #tpu.memory_space<hbm>> -> memref<1x80x125xi32, #tpu.memory_space<hbm>>
      %dma_wait3A_406 = tpu.memref_squeeze %dma_wait3A_405 : memref<1x80x125xi32, #tpu.memory_space<hbm>> -> memref<80x125xi32, #tpu.memory_space<hbm>>
      tpu.wait_dma2 semaphore(%run_scoped3A : memref<!tpu.dma_semaphore, #tpu.memory_space<semaphore_mem>>) src(%dma_wait3A_406 : memref<80x125xi32, #tpu.memory_space<hbm>>) dst(%arg6 : memref<80x125xi32, #tpu.memory_space<vmem>>)
      tpu.yield
    }) : () -> ()
    "tpu.region"() ({
      %run_scoped3A = tpu.sem_alloc : memref<!tpu.dma_semaphore, #tpu.memory_space<semaphore_mem>>
      %dma_start3A_391 = arith.constant 0 : i32
      %dma_start3A_392 = arith.constant 0 : i32
      %dma_start3A_393 = tpu.memref_slice %arg4[%add3A, %dma_start3A_391, %dma_start3A_392] : memref<32x80x125xi32, #tpu.memory_space<hbm>> -> memref<1x80x125xi32, #tpu.memory_space<hbm>>
      %dma_start3A_394 = tpu.memref_squeeze %dma_start3A_393 : memref<1x80x125xi32, #tpu.memory_space<hbm>> -> memref<80x125xi32, #tpu.memory_space<hbm>>
      %dma_start3A_395 = arith.constant 0 : i32
      %dma_start3A_396 = arith.constant 0 : i32
      %dma_start3A_397 = tpu.memref_slice %arg4[%add3A, %dma_start3A_395, %dma_start3A_396] : memref<32x80x125xi32, #tpu.memory_space<hbm>> -> memref<1x80x125xi32, #tpu.memory_space<hbm>>
      %dma_start3A_398 = tpu.memref_squeeze %dma_start3A_397 : memref<1x80x125xi32, #tpu.memory_space<hbm>> -> memref<80x125xi32, #tpu.memory_space<hbm>>
      tpu.enqueue_dma source(%dma_start3A_398 : memref<80x125xi32, #tpu.memory_space<hbm>>) target(%arg7 : memref<80x125xi32, #tpu.memory_space<vmem>>) target_semaphore(%run_scoped3A : memref<!tpu.dma_semaphore, #tpu.memory_space<semaphore_mem>>)
      %dma_wait3A_399 = arith.constant 0 : i32
      %dma_wait3A_400 = arith.constant 0 : i32
      %dma_wait3A_401 = tpu.memref_slice %arg4[%add3A, %dma_wait3A_399, %dma_wait3A_400] : memref<32x80x125xi32, #tpu.memory_space<hbm>> -> memref<1x80x125xi32, #tpu.memory_space<hbm>>
      %dma_wait3A_402 = tpu.memref_squeeze %dma_wait3A_401 : memref<1x80x125xi32, #tpu.memory_space<hbm>> -> memref<80x125xi32, #tpu.memory_space<hbm>>
      %dma_wait3A_403 = arith.constant 0 : i32
      %dma_wait3A_404 = arith.constant 0 : i32
      %dma_wait3A_405 = tpu.memref_slice %arg4[%add3A, %dma_wait3A_403, %dma_wait3A_404] : memref<32x80x125xi32, #tpu.memory_space<hbm>> -> memref<1x80x125xi32, #tpu.memory_space<hbm>>
      %dma_wait3A_406 = tpu.memref_squeeze %dma_wait3A_405 : memref<1x80x125xi32, #tpu.memory_space<hbm>> -> memref<80x125xi32, #tpu.memory_space<hbm>>
      tpu.wait_dma2 semaphore(%run_scoped3A : memref<!tpu.dma_semaphore, #tpu.memory_space<semaphore_mem>>) src(%dma_wait3A_406 : memref<80x125xi32, #tpu.memory_space<hbm>>) dst(%arg7 : memref<80x125xi32, #tpu.memory_space<vmem>>)
      tpu.yield
    }) : () -> ()
    %mul3A_1 = arith.constant 640 : i32
    %mul3A_2 = arith.muli %arg1, %mul3A_1 : i32
    "tpu.region"() ({
      %run_scoped3A = tpu.sem_alloc : memref<!tpu.dma_semaphore, #tpu.memory_space<semaphore_mem>>
      %dma_start3A_391 = arith.constant 0 : i32
      %dma_start3A_392 = tpu.memref_slice %arg2[%mul3A_2, %dma_start3A_391] : memref<10240x32xf32, #tpu.memory_space<hbm>> -> memref<640x32xf32, #tpu.memory_space<hbm>>
      %dma_start3A_393 = arith.constant 0 : i32
      %dma_start3A_394 = tpu.memref_slice %arg2[%mul3A_2, %dma_start3A_393] : memref<10240x32xf32, #tpu.memory_space<hbm>> -> memref<640x32xf32, #tpu.memory_space<hbm>>
      tpu.enqueue_dma source(%dma_start3A_394 : memref<640x32xf32, #tpu.memory_space<hbm>>) target(%arg9 : memref<640x32xf32, #tpu.memory_space<vmem>>) target_semaphore(%run_scoped3A : memref<!tpu.dma_semaphore, #tpu.memory_space<semaphore_mem>>)
      %dma_wait3A_395 = arith.constant 0 : i32
      %dma_wait3A_396 = tpu.memref_slice %arg2[%mul3A_2, %dma_wait3A_395] : memref<10240x32xf32, #tpu.memory_space<hbm>> -> memref<640x32xf32, #tpu.memory_space<hbm>>
      %dma_wait3A_397 = arith.constant 0 : i32
      %dma_wait3A_398 = tpu.memref_slice %arg2[%mul3A_2, %dma_wait3A_397] : memref<10240x32xf32, #tpu.memory_space<hbm>> -> memref<640x32xf32, #tpu.memory_space<hbm>>
      tpu.wait_dma2 semaphore(%run_scoped3A : memref<!tpu.dma_semaphore, #tpu.memory_space<semaphore_mem>>) src(%dma_wait3A_398 : memref<640x32xf32, #tpu.memory_space<hbm>>) dst(%arg9 : memref<640x32xf32, #tpu.memory_space<vmem>>)
      tpu.yield
    }) : () -> ()
    "tpu.region"() ({
      %run_scoped3A = tpu.sem_alloc : memref<!tpu.dma_semaphore, #tpu.memory_space<semaphore_mem>>
      %dma_start3A_391 = arith.constant 0 : i32
      %dma_start3A_392 = tpu.memref_slice %arg10[%mul3A_2, %dma_start3A_391] : memref<10240x32xf32, #tpu.memory_space<vmem_shared>> -> memref<640x32xf32, #tpu.memory_space<vmem_shared>>
      %dma_start3A_393 = arith.constant 0 : i32
      %dma_start3A_394 = tpu.memref_slice %arg10[%mul3A_2, %dma_start3A_393] : memref<10240x32xf32, #tpu.memory_space<vmem_shared>> -> memref<640x32xf32, #tpu.memory_space<vmem_shared>>
      tpu.enqueue_dma source(%arg9 : memref<640x32xf32, #tpu.memory_space<vmem>>) target(%dma_start3A_394 : memref<640x32xf32, #tpu.memory_space<vmem_shared>>) target_semaphore(%run_scoped3A : memref<!tpu.dma_semaphore, #tpu.memory_space<semaphore_mem>>)
      %dma_wait3A_395 = arith.constant 0 : i32
      %dma_wait3A_396 = tpu.memref_slice %arg10[%mul3A_2, %dma_wait3A_395] : memref<10240x32xf32, #tpu.memory_space<vmem_shared>> -> memref<640x32xf32, #tpu.memory_space<vmem_shared>>
      %dma_wait3A_397 = arith.constant 0 : i32
      %dma_wait3A_398 = tpu.memref_slice %arg10[%mul3A_2, %dma_wait3A_397] : memref<10240x32xf32, #tpu.memory_space<vmem_shared>> -> memref<640x32xf32, #tpu.memory_space<vmem_shared>>
      tpu.wait_dma2 semaphore(%run_scoped3A : memref<!tpu.dma_semaphore, #tpu.memory_space<semaphore_mem>>) src(%arg9 : memref<640x32xf32, #tpu.memory_space<vmem>>) dst(%dma_wait3A_398 : memref<640x32xf32, #tpu.memory_space<vmem_shared>>)
      tpu.yield
    }) : () -> ()
    %barrier3A = arith.constant 0 : index
    tpu.barrier barrier_id(%barrier3A)
    %dma_start3A = arith.constant 0 : i32
    %dma_start3A_3 = arith.constant 0 : i32
    %dma_start3A_4 = arith.constant 0 : i32
    %dma_start3A_5 = arith.constant 0 : i32
    %dma_start3A_6 = tpu.memref_slice %arg8[%dma_start3A_3, %dma_start3A_4, %dma_start3A_5] : memref<8x125x32xf32, #tpu.memory_space<vmem>> -> memref<1x125x32xf32, #tpu.memory_space<vmem>>
    %dma_start3A_7 = tpu.memref_squeeze %dma_start3A_6 : memref<1x125x32xf32, #tpu.memory_space<vmem>> -> memref<125x32xf32, #tpu.memory_space<vmem>>
    %dma_start3A_8 = arith.constant 0 : i32
    %dma_start3A_9 = tpu.memref_slice %arg6[%dma_start3A, %dma_start3A_8] : memref<80x125xi32, #tpu.memory_space<vmem>> -> memref<1x125xi32, #tpu.memory_space<vmem>>
    %dma_start3A_10 = tpu.memref_squeeze %dma_start3A_9 : memref<1x125xi32, #tpu.memory_space<vmem>> -> memref<125xi32, #tpu.memory_space<vmem>>
    %dma_start3A_11 = arith.constant 0 : i32
    %dma_start3A_12 = arith.constant 0 : i32
    %dma_start3A_13 = tpu.memref_slice %arg2[%dma_start3A_11, %dma_start3A_12] : memref<10240x32xf32, #tpu.memory_space<hbm>> -> memref<10240x32xf32, #tpu.memory_space<hbm>>
    tpu.enqueue_indirect_dma source(%dma_start3A_13 : memref<10240x32xf32, #tpu.memory_space<hbm>>) target(%dma_start3A_7 : memref<125x32xf32, #tpu.memory_space<vmem>>) offsets(%dma_start3A_10 : memref<125xi32, #tpu.memory_space<vmem>>) semaphore(%arg11 : memref<!tpu.dma_semaphore, #tpu.memory_space<semaphore_mem>>)
    %dma_start3A_14 = arith.constant 1 : i32
    %dma_start3A_15 = arith.constant 1 : i32
    %dma_start3A_16 = arith.constant 0 : i32
    %dma_start3A_17 = arith.constant 0 : i32
    %dma_start3A_18 = tpu.memref_slice %arg8[%dma_start3A_15, %dma_start3A_16, %dma_start3A_17] : memref<8x125x32xf32, #tpu.memory_space<vmem>> -> memref<1x125x32xf32, #tpu.memory_space<vmem>>
    %dma_start3A_19 = tpu.memref_squeeze %dma_start3A_18 : memref<1x125x32xf32, #tpu.memory_space<vmem>> -> memref<125x32xf32, #tpu.memory_space<vmem>>
    %dma_start3A_20 = arith.constant 0 : i32
    %dma_start3A_21 = tpu.memref_slice %arg6[%dma_start3A_14, %dma_start3A_20] : memref<80x125xi32, #tpu.memory_space<vmem>> -> memref<1x125xi32, #tpu.memory_space<vmem>>
    %dma_start3A_22 = tpu.memref_squeeze %dma_start3A_21 : memref<1x125xi32, #tpu.memory_space<vmem>> -> memref<125xi32, #tpu.memory_space<vmem>>
    %dma_start3A_23 = arith.constant 0 : i32
    %dma_start3A_24 = arith.constant 0 : i32
    %dma_start3A_25 = tpu.memref_slice %arg2[%dma_start3A_23, %dma_start3A_24] : memref<10240x32xf32, #tpu.memory_space<hbm>> -> memref<10240x32xf32, #tpu.memory_space<hbm>>
    tpu.enqueue_indirect_dma source(%dma_start3A_25 : memref<10240x32xf32, #tpu.memory_space<hbm>>) target(%dma_start3A_19 : memref<125x32xf32, #tpu.memory_space<vmem>>) offsets(%dma_start3A_22 : memref<125xi32, #tpu.memory_space<vmem>>) semaphore(%arg12 : memref<!tpu.dma_semaphore, #tpu.memory_space<semaphore_mem>>)
    %dma_start3A_26 = arith.constant 2 : i32
    %dma_start3A_27 = arith.constant 2 : i32
    %dma_start3A_28 = arith.constant 0 : i32
    %dma_start3A_29 = arith.constant 0 : i32
    %dma_start3A_30 = tpu.memref_slice %arg8[%dma_start3A_27, %dma_start3A_28, %dma_start3A_29] : memref<8x125x32xf32, #tpu.memory_space<vmem>> -> memref<1x125x32xf32, #tpu.memory_space<vmem>>
    %dma_start3A_31 = tpu.memref_squeeze %dma_start3A_30 : memref<1x125x32xf32, #tpu.memory_space<vmem>> -> memref<125x32xf32, #tpu.memory_space<vmem>>
    %dma_start3A_32 = arith.constant 0 : i32
    %dma_start3A_33 = tpu.memref_slice %arg6[%dma_start3A_26, %dma_start3A_32] : memref<80x125xi32, #tpu.memory_space<vmem>> -> memref<1x125xi32, #tpu.memory_space<vmem>>
    %dma_start3A_34 = tpu.memref_squeeze %dma_start3A_33 : memref<1x125xi32, #tpu.memory_space<vmem>> -> memref<125xi32, #tpu.memory_space<vmem>>
    %dma_start3A_35 = arith.constant 0 : i32
    %dma_start3A_36 = arith.constant 0 : i32
    %dma_start3A_37 = tpu.memref_slice %arg2[%dma_start3A_35, %dma_start3A_36] : memref<10240x32xf32, #tpu.memory_space<hbm>> -> memref<10240x32xf32, #tpu.memory_space<hbm>>
    tpu.enqueue_indirect_dma source(%dma_start3A_37 : memref<10240x32xf32, #tpu.memory_space<hbm>>) target(%dma_start3A_31 : memref<125x32xf32, #tpu.memory_space<vmem>>) offsets(%dma_start3A_34 : memref<125xi32, #tpu.memory_space<vmem>>) semaphore(%arg13 : memref<!tpu.dma_semaphore, #tpu.memory_space<semaphore_mem>>)
    %dma_start3A_38 = arith.constant 3 : i32
    %dma_start3A_39 = arith.constant 3 : i32
    %dma_start3A_40 = arith.constant 0 : i32
    %dma_start3A_41 = arith.constant 0 : i32
    %dma_start3A_42 = tpu.memref_slice %arg8[%dma_start3A_39, %dma_start3A_40, %dma_start3A_41] : memref<8x125x32xf32, #tpu.memory_space<vmem>> -> memref<1x125x32xf32, #tpu.memory_space<vmem>>
    %dma_start3A_43 = tpu.memref_squeeze %dma_start3A_42 : memref<1x125x32xf32, #tpu.memory_space<vmem>> -> memref<125x32xf32, #tpu.memory_space<vmem>>
    %dma_start3A_44 = arith.constant 0 : i32
    %dma_start3A_45 = tpu.memref_slice %arg6[%dma_start3A_38, %dma_start3A_44] : memref<80x125xi32, #tpu.memory_space<vmem>> -> memref<1x125xi32, #tpu.memory_space<vmem>>
    %dma_start3A_46 = tpu.memref_squeeze %dma_start3A_45 : memref<1x125xi32, #tpu.memory_space<vmem>> -> memref<125xi32, #tpu.memory_space<vmem>>
    %dma_start3A_47 = arith.constant 0 : i32
    %dma_start3A_48 = arith.constant 0 : i32
    %dma_start3A_49 = tpu.memref_slice %arg2[%dma_start3A_47, %dma_start3A_48] : memref<10240x32xf32, #tpu.memory_space<hbm>> -> memref<10240x32xf32, #tpu.memory_space<hbm>>
    tpu.enqueue_indirect_dma source(%dma_start3A_49 : memref<10240x32xf32, #tpu.memory_space<hbm>>) target(%dma_start3A_43 : memref<125x32xf32, #tpu.memory_space<vmem>>) offsets(%dma_start3A_46 : memref<125xi32, #tpu.memory_space<vmem>>) semaphore(%arg14 : memref<!tpu.dma_semaphore, #tpu.memory_space<semaphore_mem>>)
    %dma_start3A_50 = arith.constant 4 : i32
    %dma_start3A_51 = arith.constant 4 : i32
    %dma_start3A_52 = arith.constant 0 : i32
    %dma_start3A_53 = arith.constant 0 : i32
    %dma_start3A_54 = tpu.memref_slice %arg8[%dma_start3A_51, %dma_start3A_52, %dma_start3A_53] : memref<8x125x32xf32, #tpu.memory_space<vmem>> -> memref<1x125x32xf32, #tpu.memory_space<vmem>>
    %dma_start3A_55 = tpu.memref_squeeze %dma_start3A_54 : memref<1x125x32xf32, #tpu.memory_space<vmem>> -> memref<125x32xf32, #tpu.memory_space<vmem>>
    %dma_start3A_56 = arith.constant 0 : i32
    %dma_start3A_57 = tpu.memref_slice %arg6[%dma_start3A_50, %dma_start3A_56] : memref<80x125xi32, #tpu.memory_space<vmem>> -> memref<1x125xi32, #tpu.memory_space<vmem>>
    %dma_start3A_58 = tpu.memref_squeeze %dma_start3A_57 : memref<1x125xi32, #tpu.memory_space<vmem>> -> memref<125xi32, #tpu.memory_space<vmem>>
    %dma_start3A_59 = arith.constant 0 : i32
    %dma_start3A_60 = arith.constant 0 : i32
    %dma_start3A_61 = tpu.memref_slice %arg2[%dma_start3A_59, %dma_start3A_60] : memref<10240x32xf32, #tpu.memory_space<hbm>> -> memref<10240x32xf32, #tpu.memory_space<hbm>>
    tpu.enqueue_indirect_dma source(%dma_start3A_61 : memref<10240x32xf32, #tpu.memory_space<hbm>>) target(%dma_start3A_55 : memref<125x32xf32, #tpu.memory_space<vmem>>) offsets(%dma_start3A_58 : memref<125xi32, #tpu.memory_space<vmem>>) semaphore(%arg15 : memref<!tpu.dma_semaphore, #tpu.memory_space<semaphore_mem>>)
    %dma_start3A_62 = arith.constant 5 : i32
    %dma_start3A_63 = arith.constant 5 : i32
    %dma_start3A_64 = arith.constant 0 : i32
    %dma_start3A_65 = arith.constant 0 : i32
    %dma_start3A_66 = tpu.memref_slice %arg8[%dma_start3A_63, %dma_start3A_64, %dma_start3A_65] : memref<8x125x32xf32, #tpu.memory_space<vmem>> -> memref<1x125x32xf32, #tpu.memory_space<vmem>>
    %dma_start3A_67 = tpu.memref_squeeze %dma_start3A_66 : memref<1x125x32xf32, #tpu.memory_space<vmem>> -> memref<125x32xf32, #tpu.memory_space<vmem>>
    %dma_start3A_68 = arith.constant 0 : i32
    %dma_start3A_69 = tpu.memref_slice %arg6[%dma_start3A_62, %dma_start3A_68] : memref<80x125xi32, #tpu.memory_space<vmem>> -> memref<1x125xi32, #tpu.memory_space<vmem>>
    %dma_start3A_70 = tpu.memref_squeeze %dma_start3A_69 : memref<1x125xi32, #tpu.memory_space<vmem>> -> memref<125xi32, #tpu.memory_space<vmem>>
    %dma_start3A_71 = arith.constant 0 : i32
    %dma_start3A_72 = arith.constant 0 : i32
    %dma_start3A_73 = tpu.memref_slice %arg2[%dma_start3A_71, %dma_start3A_72] : memref<10240x32xf32, #tpu.memory_space<hbm>> -> memref<10240x32xf32, #tpu.memory_space<hbm>>
    tpu.enqueue_indirect_dma source(%dma_start3A_73 : memref<10240x32xf32, #tpu.memory_space<hbm>>) target(%dma_start3A_67 : memref<125x32xf32, #tpu.memory_space<vmem>>) offsets(%dma_start3A_70 : memref<125xi32, #tpu.memory_space<vmem>>) semaphore(%arg16 : memref<!tpu.dma_semaphore, #tpu.memory_space<semaphore_mem>>)
    %dma_start3A_74 = arith.constant 6 : i32
    %dma_start3A_75 = arith.constant 6 : i32
    %dma_start3A_76 = arith.constant 0 : i32
    %dma_start3A_77 = arith.constant 0 : i32
    %dma_start3A_78 = tpu.memref_slice %arg8[%dma_start3A_75, %dma_start3A_76, %dma_start3A_77] : memref<8x125x32xf32, #tpu.memory_space<vmem>> -> memref<1x125x32xf32, #tpu.memory_space<vmem>>
    %dma_start3A_79 = tpu.memref_squeeze %dma_start3A_78 : memref<1x125x32xf32, #tpu.memory_space<vmem>> -> memref<125x32xf32, #tpu.memory_space<vmem>>
    %dma_start3A_80 = arith.constant 0 : i32
    %dma_start3A_81 = tpu.memref_slice %arg6[%dma_start3A_74, %dma_start3A_80] : memref<80x125xi32, #tpu.memory_space<vmem>> -> memref<1x125xi32, #tpu.memory_space<vmem>>
    %dma_start3A_82 = tpu.memref_squeeze %dma_start3A_81 : memref<1x125xi32, #tpu.memory_space<vmem>> -> memref<125xi32, #tpu.memory_space<vmem>>
    %dma_start3A_83 = arith.constant 0 : i32
    %dma_start3A_84 = arith.constant 0 : i32
    %dma_start3A_85 = tpu.memref_slice %arg2[%dma_start3A_83, %dma_start3A_84] : memref<10240x32xf32, #tpu.memory_space<hbm>> -> memref<10240x32xf32, #tpu.memory_space<hbm>>
    tpu.enqueue_indirect_dma source(%dma_start3A_85 : memref<10240x32xf32, #tpu.memory_space<hbm>>) target(%dma_start3A_79 : memref<125x32xf32, #tpu.memory_space<vmem>>) offsets(%dma_start3A_82 : memref<125xi32, #tpu.memory_space<vmem>>) semaphore(%arg17 : memref<!tpu.dma_semaphore, #tpu.memory_space<semaphore_mem>>)
    %dma_start3A_86 = arith.constant 7 : i32
    %dma_start3A_87 = arith.constant 7 : i32
    %dma_start3A_88 = arith.constant 0 : i32
    %dma_start3A_89 = arith.constant 0 : i32
    %dma_start3A_90 = tpu.memref_slice %arg8[%dma_start3A_87, %dma_start3A_88, %dma_start3A_89] : memref<8x125x32xf32, #tpu.memory_space<vmem>> -> memref<1x125x32xf32, #tpu.memory_space<vmem>>
    %dma_start3A_91 = tpu.memref_squeeze %dma_start3A_90 : memref<1x125x32xf32, #tpu.memory_space<vmem>> -> memref<125x32xf32, #tpu.memory_space<vmem>>
    %dma_start3A_92 = arith.constant 0 : i32
    %dma_start3A_93 = tpu.memref_slice %arg6[%dma_start3A_86, %dma_start3A_92] : memref<80x125xi32, #tpu.memory_space<vmem>> -> memref<1x125xi32, #tpu.memory_space<vmem>>
    %dma_start3A_94 = tpu.memref_squeeze %dma_start3A_93 : memref<1x125xi32, #tpu.memory_space<vmem>> -> memref<125xi32, #tpu.memory_space<vmem>>
    %dma_start3A_95 = arith.constant 0 : i32
    %dma_start3A_96 = arith.constant 0 : i32
    %dma_start3A_97 = tpu.memref_slice %arg2[%dma_start3A_95, %dma_start3A_96] : memref<10240x32xf32, #tpu.memory_space<hbm>> -> memref<10240x32xf32, #tpu.memory_space<hbm>>
    tpu.enqueue_indirect_dma source(%dma_start3A_97 : memref<10240x32xf32, #tpu.memory_space<hbm>>) target(%dma_start3A_91 : memref<125x32xf32, #tpu.memory_space<vmem>>) offsets(%dma_start3A_94 : memref<125xi32, #tpu.memory_space<vmem>>) semaphore(%arg18 : memref<!tpu.dma_semaphore, #tpu.memory_space<semaphore_mem>>)
    %scan3A = arith.constant 0 : i32
    %scan3A_98 = arith.constant 0 : i32
    %scan3A_99 = arith.constant 9 : i32
    %scan3A_100 = arith.addi %scan3A_98, %scan3A_99 : i32
    %scan3A_101 = arith.constant 1 : i32
    scf.for %scan3A_391 = %scan3A_98 to %scan3A_100 step %scan3A_101  : i32 {
      %mul3A_392 = arith.constant 8 : i32
      %mul3A_393 = arith.muli %mul3A_392, %scan3A_391 : i32
      %dma_wait3A_394 = arith.constant 0 : i32
      %dma_wait3A_395 = arith.constant 0 : i32
      %dma_wait3A_396 = arith.constant 0 : i32
      %dma_wait3A_397 = arith.constant 0 : i32
      %dma_wait3A_398 = tpu.memref_slice %arg8[%dma_wait3A_395, %dma_wait3A_396, %dma_wait3A_397] : memref<8x125x32xf32, #tpu.memory_space<vmem>> -> memref<1x125x32xf32, #tpu.memory_space<vmem>>
      %dma_wait3A_399 = tpu.memref_squeeze %dma_wait3A_398 : memref<1x125x32xf32, #tpu.memory_space<vmem>> -> memref<125x32xf32, #tpu.memory_space<vmem>>
      %dma_wait3A_400 = arith.constant 0 : i32
      %dma_wait3A_401 = tpu.memref_slice %arg6[%dma_wait3A_394, %dma_wait3A_400] : memref<80x125xi32, #tpu.memory_space<vmem>> -> memref<1x125xi32, #tpu.memory_space<vmem>>
      %dma_wait3A_402 = tpu.memref_squeeze %dma_wait3A_401 : memref<1x125xi32, #tpu.memory_space<vmem>> -> memref<125xi32, #tpu.memory_space<vmem>>
      %dma_wait3A_403 = arith.constant 0 : i32
      %dma_wait3A_404 = arith.constant 0 : i32
      %dma_wait3A_405 = tpu.memref_slice %arg2[%dma_wait3A_403, %dma_wait3A_404] : memref<10240x32xf32, #tpu.memory_space<hbm>> -> memref<10240x32xf32, #tpu.memory_space<hbm>>
      tpu.wait_indirect_dma semaphore(%arg11 : memref<!tpu.dma_semaphore, #tpu.memory_space<semaphore_mem>>) src(%dma_wait3A_405 : memref<10240x32xf32, #tpu.memory_space<hbm>>) dst(%dma_wait3A_399 : memref<125x32xf32, #tpu.memory_space<vmem>>)
      %add3A_406 = arith.constant 0 : i32
      %add3A_407 = arith.addi %mul3A_393, %add3A_406 : i32
      %dma_start3A_408 = arith.constant 0 : i32
      %dma_start3A_409 = arith.constant 0 : i32
      %dma_start3A_410 = arith.constant 0 : i32
      %dma_start3A_411 = tpu.memref_slice %arg8[%dma_start3A_408, %dma_start3A_409, %dma_start3A_410] : memref<8x125x32xf32, #tpu.memory_space<vmem>> -> memref<1x125x32xf32, #tpu.memory_space<vmem>>
      %dma_start3A_412 = tpu.memref_squeeze %dma_start3A_411 : memref<1x125x32xf32, #tpu.memory_space<vmem>> -> memref<125x32xf32, #tpu.memory_space<vmem>>
      %dma_start3A_413 = arith.constant 0 : i32
      %dma_start3A_414 = tpu.memref_slice %arg7[%add3A_407, %dma_start3A_413] : memref<80x125xi32, #tpu.memory_space<vmem>> -> memref<1x125xi32, #tpu.memory_space<vmem>>
      %dma_start3A_415 = tpu.memref_squeeze %dma_start3A_414 : memref<1x125xi32, #tpu.memory_space<vmem>> -> memref<125xi32, #tpu.memory_space<vmem>>
      %dma_start3A_416 = arith.constant 0 : i32
      %dma_start3A_417 = arith.constant 0 : i32
      %dma_start3A_418 = tpu.memref_slice %arg10[%dma_start3A_416, %dma_start3A_417] : memref<10240x32xf32, #tpu.memory_space<vmem_shared>> -> memref<10240x32xf32, #tpu.memory_space<vmem_shared>>
      tpu.enqueue_indirect_dma source(%dma_start3A_412 : memref<125x32xf32, #tpu.memory_space<vmem>>) target(%dma_start3A_418 : memref<10240x32xf32, #tpu.memory_space<vmem_shared>>) offsets(%dma_start3A_415 : memref<125xi32, #tpu.memory_space<vmem>>) semaphore(%arg19 : memref<!tpu.dma_semaphore, #tpu.memory_space<semaphore_mem>>) {add = true}
      %dma_wait3A_419 = arith.constant 0 : i32
      %dma_wait3A_420 = arith.constant 1 : i32
      %dma_wait3A_421 = arith.constant 0 : i32
      %dma_wait3A_422 = arith.constant 0 : i32
      %dma_wait3A_423 = tpu.memref_slice %arg8[%dma_wait3A_420, %dma_wait3A_421, %dma_wait3A_422] : memref<8x125x32xf32, #tpu.memory_space<vmem>> -> memref<1x125x32xf32, #tpu.memory_space<vmem>>
      %dma_wait3A_424 = tpu.memref_squeeze %dma_wait3A_423 : memref<1x125x32xf32, #tpu.memory_space<vmem>> -> memref<125x32xf32, #tpu.memory_space<vmem>>
      %dma_wait3A_425 = arith.constant 0 : i32
      %dma_wait3A_426 = tpu.memref_slice %arg6[%dma_wait3A_419, %dma_wait3A_425] : memref<80x125xi32, #tpu.memory_space<vmem>> -> memref<1x125xi32, #tpu.memory_space<vmem>>
      %dma_wait3A_427 = tpu.memref_squeeze %dma_wait3A_426 : memref<1x125xi32, #tpu.memory_space<vmem>> -> memref<125xi32, #tpu.memory_space<vmem>>
      %dma_wait3A_428 = arith.constant 0 : i32
      %dma_wait3A_429 = arith.constant 0 : i32
      %dma_wait3A_430 = tpu.memref_slice %arg2[%dma_wait3A_428, %dma_wait3A_429] : memref<10240x32xf32, #tpu.memory_space<hbm>> -> memref<10240x32xf32, #tpu.memory_space<hbm>>
      tpu.wait_indirect_dma semaphore(%arg12 : memref<!tpu.dma_semaphore, #tpu.memory_space<semaphore_mem>>) src(%dma_wait3A_430 : memref<10240x32xf32, #tpu.memory_space<hbm>>) dst(%dma_wait3A_424 : memref<125x32xf32, #tpu.memory_space<vmem>>)
      %add3A_431 = arith.constant 1 : i32
      %add3A_432 = arith.addi %mul3A_393, %add3A_431 : i32
      %dma_start3A_433 = arith.constant 1 : i32
      %dma_start3A_434 = arith.constant 0 : i32
      %dma_start3A_435 = arith.constant 0 : i32
      %dma_start3A_436 = tpu.memref_slice %arg8[%dma_start3A_433, %dma_start3A_434, %dma_start3A_435] : memref<8x125x32xf32, #tpu.memory_space<vmem>> -> memref<1x125x32xf32, #tpu.memory_space<vmem>>
      %dma_start3A_437 = tpu.memref_squeeze %dma_start3A_436 : memref<1x125x32xf32, #tpu.memory_space<vmem>> -> memref<125x32xf32, #tpu.memory_space<vmem>>
      %dma_start3A_438 = arith.constant 0 : i32
      %dma_start3A_439 = tpu.memref_slice %arg7[%add3A_432, %dma_start3A_438] : memref<80x125xi32, #tpu.memory_space<vmem>> -> memref<1x125xi32, #tpu.memory_space<vmem>>
      %dma_start3A_440 = tpu.memref_squeeze %dma_start3A_439 : memref<1x125xi32, #tpu.memory_space<vmem>> -> memref<125xi32, #tpu.memory_space<vmem>>
      %dma_start3A_441 = arith.constant 0 : i32
      %dma_start3A_442 = arith.constant 0 : i32
      %dma_start3A_443 = tpu.memref_slice %arg10[%dma_start3A_441, %dma_start3A_442] : memref<10240x32xf32, #tpu.memory_space<vmem_shared>> -> memref<10240x32xf32, #tpu.memory_space<vmem_shared>>
      tpu.enqueue_indirect_dma source(%dma_start3A_437 : memref<125x32xf32, #tpu.memory_space<vmem>>) target(%dma_start3A_443 : memref<10240x32xf32, #tpu.memory_space<vmem_shared>>) offsets(%dma_start3A_440 : memref<125xi32, #tpu.memory_space<vmem>>) semaphore(%arg20 : memref<!tpu.dma_semaphore, #tpu.memory_space<semaphore_mem>>) {add = true}
      %dma_wait3A_444 = arith.constant 0 : i32
      %dma_wait3A_445 = arith.constant 2 : i32
      %dma_wait3A_446 = arith.constant 0 : i32
      %dma_wait3A_447 = arith.constant 0 : i32
      %dma_wait3A_448 = tpu.memref_slice %arg8[%dma_wait3A_445, %dma_wait3A_446, %dma_wait3A_447] : memref<8x125x32xf32, #tpu.memory_space<vmem>> -> memref<1x125x32xf32, #tpu.memory_space<vmem>>
      %dma_wait3A_449 = tpu.memref_squeeze %dma_wait3A_448 : memref<1x125x32xf32, #tpu.memory_space<vmem>> -> memref<125x32xf32, #tpu.memory_space<vmem>>
      %dma_wait3A_450 = arith.constant 0 : i32
      %dma_wait3A_451 = tpu.memref_slice %arg6[%dma_wait3A_444, %dma_wait3A_450] : memref<80x125xi32, #tpu.memory_space<vmem>> -> memref<1x125xi32, #tpu.memory_space<vmem>>
      %dma_wait3A_452 = tpu.memref_squeeze %dma_wait3A_451 : memref<1x125xi32, #tpu.memory_space<vmem>> -> memref<125xi32, #tpu.memory_space<vmem>>
      %dma_wait3A_453 = arith.constant 0 : i32
      %dma_wait3A_454 = arith.constant 0 : i32
      %dma_wait3A_455 = tpu.memref_slice %arg2[%dma_wait3A_453, %dma_wait3A_454] : memref<10240x32xf32, #tpu.memory_space<hbm>> -> memref<10240x32xf32, #tpu.memory_space<hbm>>
      tpu.wait_indirect_dma semaphore(%arg13 : memref<!tpu.dma_semaphore, #tpu.memory_space<semaphore_mem>>) src(%dma_wait3A_455 : memref<10240x32xf32, #tpu.memory_space<hbm>>) dst(%dma_wait3A_449 : memref<125x32xf32, #tpu.memory_space<vmem>>)
      %add3A_456 = arith.constant 2 : i32
      %add3A_457 = arith.addi %mul3A_393, %add3A_456 : i32
      %dma_start3A_458 = arith.constant 2 : i32
      %dma_start3A_459 = arith.constant 0 : i32
      %dma_start3A_460 = arith.constant 0 : i32
      %dma_start3A_461 = tpu.memref_slice %arg8[%dma_start3A_458, %dma_start3A_459, %dma_start3A_460] : memref<8x125x32xf32, #tpu.memory_space<vmem>> -> memref<1x125x32xf32, #tpu.memory_space<vmem>>
      %dma_start3A_462 = tpu.memref_squeeze %dma_start3A_461 : memref<1x125x32xf32, #tpu.memory_space<vmem>> -> memref<125x32xf32, #tpu.memory_space<vmem>>
      %dma_start3A_463 = arith.constant 0 : i32
      %dma_start3A_464 = tpu.memref_slice %arg7[%add3A_457, %dma_start3A_463] : memref<80x125xi32, #tpu.memory_space<vmem>> -> memref<1x125xi32, #tpu.memory_space<vmem>>
      %dma_start3A_465 = tpu.memref_squeeze %dma_start3A_464 : memref<1x125xi32, #tpu.memory_space<vmem>> -> memref<125xi32, #tpu.memory_space<vmem>>
      %dma_start3A_466 = arith.constant 0 : i32
      %dma_start3A_467 = arith.constant 0 : i32
      %dma_start3A_468 = tpu.memref_slice %arg10[%dma_start3A_466, %dma_start3A_467] : memref<10240x32xf32, #tpu.memory_space<vmem_shared>> -> memref<10240x32xf32, #tpu.memory_space<vmem_shared>>
      tpu.enqueue_indirect_dma source(%dma_start3A_462 : memref<125x32xf32, #tpu.memory_space<vmem>>) target(%dma_start3A_468 : memref<10240x32xf32, #tpu.memory_space<vmem_shared>>) offsets(%dma_start3A_465 : memref<125xi32, #tpu.memory_space<vmem>>) semaphore(%arg21 : memref<!tpu.dma_semaphore, #tpu.memory_space<semaphore_mem>>) {add = true}
      %dma_wait3A_469 = arith.constant 0 : i32
      %dma_wait3A_470 = arith.constant 3 : i32
      %dma_wait3A_471 = arith.constant 0 : i32
      %dma_wait3A_472 = arith.constant 0 : i32
      %dma_wait3A_473 = tpu.memref_slice %arg8[%dma_wait3A_470, %dma_wait3A_471, %dma_wait3A_472] : memref<8x125x32xf32, #tpu.memory_space<vmem>> -> memref<1x125x32xf32, #tpu.memory_space<vmem>>
      %dma_wait3A_474 = tpu.memref_squeeze %dma_wait3A_473 : memref<1x125x32xf32, #tpu.memory_space<vmem>> -> memref<125x32xf32, #tpu.memory_space<vmem>>
      %dma_wait3A_475 = arith.constant 0 : i32
      %dma_wait3A_476 = tpu.memref_slice %arg6[%dma_wait3A_469, %dma_wait3A_475] : memref<80x125xi32, #tpu.memory_space<vmem>> -> memref<1x125xi32, #tpu.memory_space<vmem>>
      %dma_wait3A_477 = tpu.memref_squeeze %dma_wait3A_476 : memref<1x125xi32, #tpu.memory_space<vmem>> -> memref<125xi32, #tpu.memory_space<vmem>>
      %dma_wait3A_478 = arith.constant 0 : i32
      %dma_wait3A_479 = arith.constant 0 : i32
      %dma_wait3A_480 = tpu.memref_slice %arg2[%dma_wait3A_478, %dma_wait3A_479] : memref<10240x32xf32, #tpu.memory_space<hbm>> -> memref<10240x32xf32, #tpu.memory_space<hbm>>
      tpu.wait_indirect_dma semaphore(%arg14 : memref<!tpu.dma_semaphore, #tpu.memory_space<semaphore_mem>>) src(%dma_wait3A_480 : memref<10240x32xf32, #tpu.memory_space<hbm>>) dst(%dma_wait3A_474 : memref<125x32xf32, #tpu.memory_space<vmem>>)
      %add3A_481 = arith.constant 3 : i32
      %add3A_482 = arith.addi %mul3A_393, %add3A_481 : i32
      %dma_start3A_483 = arith.constant 3 : i32
      %dma_start3A_484 = arith.constant 0 : i32
      %dma_start3A_485 = arith.constant 0 : i32
      %dma_start3A_486 = tpu.memref_slice %arg8[%dma_start3A_483, %dma_start3A_484, %dma_start3A_485] : memref<8x125x32xf32, #tpu.memory_space<vmem>> -> memref<1x125x32xf32, #tpu.memory_space<vmem>>
      %dma_start3A_487 = tpu.memref_squeeze %dma_start3A_486 : memref<1x125x32xf32, #tpu.memory_space<vmem>> -> memref<125x32xf32, #tpu.memory_space<vmem>>
      %dma_start3A_488 = arith.constant 0 : i32
      %dma_start3A_489 = tpu.memref_slice %arg7[%add3A_482, %dma_start3A_488] : memref<80x125xi32, #tpu.memory_space<vmem>> -> memref<1x125xi32, #tpu.memory_space<vmem>>
      %dma_start3A_490 = tpu.memref_squeeze %dma_start3A_489 : memref<1x125xi32, #tpu.memory_space<vmem>> -> memref<125xi32, #tpu.memory_space<vmem>>
      %dma_start3A_491 = arith.constant 0 : i32
      %dma_start3A_492 = arith.constant 0 : i32
      %dma_start3A_493 = tpu.memref_slice %arg10[%dma_start3A_491, %dma_start3A_492] : memref<10240x32xf32, #tpu.memory_space<vmem_shared>> -> memref<10240x32xf32, #tpu.memory_space<vmem_shared>>
      tpu.enqueue_indirect_dma source(%dma_start3A_487 : memref<125x32xf32, #tpu.memory_space<vmem>>) target(%dma_start3A_493 : memref<10240x32xf32, #tpu.memory_space<vmem_shared>>) offsets(%dma_start3A_490 : memref<125xi32, #tpu.memory_space<vmem>>) semaphore(%arg22 : memref<!tpu.dma_semaphore, #tpu.memory_space<semaphore_mem>>) {add = true}
      %dma_wait3A_494 = arith.constant 0 : i32
      %dma_wait3A_495 = arith.constant 4 : i32
      %dma_wait3A_496 = arith.constant 0 : i32
      %dma_wait3A_497 = arith.constant 0 : i32
      %dma_wait3A_498 = tpu.memref_slice %arg8[%dma_wait3A_495, %dma_wait3A_496, %dma_wait3A_497] : memref<8x125x32xf32, #tpu.memory_space<vmem>> -> memref<1x125x32xf32, #tpu.memory_space<vmem>>
      %dma_wait3A_499 = tpu.memref_squeeze %dma_wait3A_498 : memref<1x125x32xf32, #tpu.memory_space<vmem>> -> memref<125x32xf32, #tpu.memory_space<vmem>>
      %dma_wait3A_500 = arith.constant 0 : i32
      %dma_wait3A_501 = tpu.memref_slice %arg6[%dma_wait3A_494, %dma_wait3A_500] : memref<80x125xi32, #tpu.memory_space<vmem>> -> memref<1x125xi32, #tpu.memory_space<vmem>>
      %dma_wait3A_502 = tpu.memref_squeeze %dma_wait3A_501 : memref<1x125xi32, #tpu.memory_space<vmem>> -> memref<125xi32, #tpu.memory_space<vmem>>
      %dma_wait3A_503 = arith.constant 0 : i32
      %dma_wait3A_504 = arith.constant 0 : i32
      %dma_wait3A_505 = tpu.memref_slice %arg2[%dma_wait3A_503, %dma_wait3A_504] : memref<10240x32xf32, #tpu.memory_space<hbm>> -> memref<10240x32xf32, #tpu.memory_space<hbm>>
      tpu.wait_indirect_dma semaphore(%arg15 : memref<!tpu.dma_semaphore, #tpu.memory_space<semaphore_mem>>) src(%dma_wait3A_505 : memref<10240x32xf32, #tpu.memory_space<hbm>>) dst(%dma_wait3A_499 : memref<125x32xf32, #tpu.memory_space<vmem>>)
      %add3A_506 = arith.constant 4 : i32
      %add3A_507 = arith.addi %mul3A_393, %add3A_506 : i32
      %dma_start3A_508 = arith.constant 4 : i32
      %dma_start3A_509 = arith.constant 0 : i32
      %dma_start3A_510 = arith.constant 0 : i32
      %dma_start3A_511 = tpu.memref_slice %arg8[%dma_start3A_508, %dma_start3A_509, %dma_start3A_510] : memref<8x125x32xf32, #tpu.memory_space<vmem>> -> memref<1x125x32xf32, #tpu.memory_space<vmem>>
      %dma_start3A_512 = tpu.memref_squeeze %dma_start3A_511 : memref<1x125x32xf32, #tpu.memory_space<vmem>> -> memref<125x32xf32, #tpu.memory_space<vmem>>
      %dma_start3A_513 = arith.constant 0 : i32
      %dma_start3A_514 = tpu.memref_slice %arg7[%add3A_507, %dma_start3A_513] : memref<80x125xi32, #tpu.memory_space<vmem>> -> memref<1x125xi32, #tpu.memory_space<vmem>>
      %dma_start3A_515 = tpu.memref_squeeze %dma_start3A_514 : memref<1x125xi32, #tpu.memory_space<vmem>> -> memref<125xi32, #tpu.memory_space<vmem>>
      %dma_start3A_516 = arith.constant 0 : i32
      %dma_start3A_517 = arith.constant 0 : i32
      %dma_start3A_518 = tpu.memref_slice %arg10[%dma_start3A_516, %dma_start3A_517] : memref<10240x32xf32, #tpu.memory_space<vmem_shared>> -> memref<10240x32xf32, #tpu.memory_space<vmem_shared>>
      tpu.enqueue_indirect_dma source(%dma_start3A_512 : memref<125x32xf32, #tpu.memory_space<vmem>>) target(%dma_start3A_518 : memref<10240x32xf32, #tpu.memory_space<vmem_shared>>) offsets(%dma_start3A_515 : memref<125xi32, #tpu.memory_space<vmem>>) semaphore(%arg23 : memref<!tpu.dma_semaphore, #tpu.memory_space<semaphore_mem>>) {add = true}
      %dma_wait3A_519 = arith.constant 0 : i32
      %dma_wait3A_520 = arith.constant 5 : i32
      %dma_wait3A_521 = arith.constant 0 : i32
      %dma_wait3A_522 = arith.constant 0 : i32
      %dma_wait3A_523 = tpu.memref_slice %arg8[%dma_wait3A_520, %dma_wait3A_521, %dma_wait3A_522] : memref<8x125x32xf32, #tpu.memory_space<vmem>> -> memref<1x125x32xf32, #tpu.memory_space<vmem>>
      %dma_wait3A_524 = tpu.memref_squeeze %dma_wait3A_523 : memref<1x125x32xf32, #tpu.memory_space<vmem>> -> memref<125x32xf32, #tpu.memory_space<vmem>>
      %dma_wait3A_525 = arith.constant 0 : i32
      %dma_wait3A_526 = tpu.memref_slice %arg6[%dma_wait3A_519, %dma_wait3A_525] : memref<80x125xi32, #tpu.memory_space<vmem>> -> memref<1x125xi32, #tpu.memory_space<vmem>>
      %dma_wait3A_527 = tpu.memref_squeeze %dma_wait3A_526 : memref<1x125xi32, #tpu.memory_space<vmem>> -> memref<125xi32, #tpu.memory_space<vmem>>
      %dma_wait3A_528 = arith.constant 0 : i32
      %dma_wait3A_529 = arith.constant 0 : i32
      %dma_wait3A_530 = tpu.memref_slice %arg2[%dma_wait3A_528, %dma_wait3A_529] : memref<10240x32xf32, #tpu.memory_space<hbm>> -> memref<10240x32xf32, #tpu.memory_space<hbm>>
      tpu.wait_indirect_dma semaphore(%arg16 : memref<!tpu.dma_semaphore, #tpu.memory_space<semaphore_mem>>) src(%dma_wait3A_530 : memref<10240x32xf32, #tpu.memory_space<hbm>>) dst(%dma_wait3A_524 : memref<125x32xf32, #tpu.memory_space<vmem>>)
      %add3A_531 = arith.constant 5 : i32
      %add3A_532 = arith.addi %mul3A_393, %add3A_531 : i32
      %dma_start3A_533 = arith.constant 5 : i32
      %dma_start3A_534 = arith.constant 0 : i32
      %dma_start3A_535 = arith.constant 0 : i32
      %dma_start3A_536 = tpu.memref_slice %arg8[%dma_start3A_533, %dma_start3A_534, %dma_start3A_535] : memref<8x125x32xf32, #tpu.memory_space<vmem>> -> memref<1x125x32xf32, #tpu.memory_space<vmem>>
      %dma_start3A_537 = tpu.memref_squeeze %dma_start3A_536 : memref<1x125x32xf32, #tpu.memory_space<vmem>> -> memref<125x32xf32, #tpu.memory_space<vmem>>
      %dma_start3A_538 = arith.constant 0 : i32
      %dma_start3A_539 = tpu.memref_slice %arg7[%add3A_532, %dma_start3A_538] : memref<80x125xi32, #tpu.memory_space<vmem>> -> memref<1x125xi32, #tpu.memory_space<vmem>>
      %dma_start3A_540 = tpu.memref_squeeze %dma_start3A_539 : memref<1x125xi32, #tpu.memory_space<vmem>> -> memref<125xi32, #tpu.memory_space<vmem>>
      %dma_start3A_541 = arith.constant 0 : i32
      %dma_start3A_542 = arith.constant 0 : i32
      %dma_start3A_543 = tpu.memref_slice %arg10[%dma_start3A_541, %dma_start3A_542] : memref<10240x32xf32, #tpu.memory_space<vmem_shared>> -> memref<10240x32xf32, #tpu.memory_space<vmem_shared>>
      tpu.enqueue_indirect_dma source(%dma_start3A_537 : memref<125x32xf32, #tpu.memory_space<vmem>>) target(%dma_start3A_543 : memref<10240x32xf32, #tpu.memory_space<vmem_shared>>) offsets(%dma_start3A_540 : memref<125xi32, #tpu.memory_space<vmem>>) semaphore(%arg24 : memref<!tpu.dma_semaphore, #tpu.memory_space<semaphore_mem>>) {add = true}
      %dma_wait3A_544 = arith.constant 0 : i32
      %dma_wait3A_545 = arith.constant 6 : i32
      %dma_wait3A_546 = arith.constant 0 : i32
      %dma_wait3A_547 = arith.constant 0 : i32
      %dma_wait3A_548 = tpu.memref_slice %arg8[%dma_wait3A_545, %dma_wait3A_546, %dma_wait3A_547] : memref<8x125x32xf32, #tpu.memory_space<vmem>> -> memref<1x125x32xf32, #tpu.memory_space<vmem>>
      %dma_wait3A_549 = tpu.memref_squeeze %dma_wait3A_548 : memref<1x125x32xf32, #tpu.memory_space<vmem>> -> memref<125x32xf32, #tpu.memory_space<vmem>>
      %dma_wait3A_550 = arith.constant 0 : i32
      %dma_wait3A_551 = tpu.memref_slice %arg6[%dma_wait3A_544, %dma_wait3A_550] : memref<80x125xi32, #tpu.memory_space<vmem>> -> memref<1x125xi32, #tpu.memory_space<vmem>>
      %dma_wait3A_552 = tpu.memref_squeeze %dma_wait3A_551 : memref<1x125xi32, #tpu.memory_space<vmem>> -> memref<125xi32, #tpu.memory_space<vmem>>
      %dma_wait3A_553 = arith.constant 0 : i32
      %dma_wait3A_554 = arith.constant 0 : i32
      %dma_wait3A_555 = tpu.memref_slice %arg2[%dma_wait3A_553, %dma_wait3A_554] : memref<10240x32xf32, #tpu.memory_space<hbm>> -> memref<10240x32xf32, #tpu.memory_space<hbm>>
      tpu.wait_indirect_dma semaphore(%arg17 : memref<!tpu.dma_semaphore, #tpu.memory_space<semaphore_mem>>) src(%dma_wait3A_555 : memref<10240x32xf32, #tpu.memory_space<hbm>>) dst(%dma_wait3A_549 : memref<125x32xf32, #tpu.memory_space<vmem>>)
      %add3A_556 = arith.constant 6 : i32
      %add3A_557 = arith.addi %mul3A_393, %add3A_556 : i32
      %dma_start3A_558 = arith.constant 6 : i32
      %dma_start3A_559 = arith.constant 0 : i32
      %dma_start3A_560 = arith.constant 0 : i32
      %dma_start3A_561 = tpu.memref_slice %arg8[%dma_start3A_558, %dma_start3A_559, %dma_start3A_560] : memref<8x125x32xf32, #tpu.memory_space<vmem>> -> memref<1x125x32xf32, #tpu.memory_space<vmem>>
      %dma_start3A_562 = tpu.memref_squeeze %dma_start3A_561 : memref<1x125x32xf32, #tpu.memory_space<vmem>> -> memref<125x32xf32, #tpu.memory_space<vmem>>
      %dma_start3A_563 = arith.constant 0 : i32
      %dma_start3A_564 = tpu.memref_slice %arg7[%add3A_557, %dma_start3A_563] : memref<80x125xi32, #tpu.memory_space<vmem>> -> memref<1x125xi32, #tpu.memory_space<vmem>>
      %dma_start3A_565 = tpu.memref_squeeze %dma_start3A_564 : memref<1x125xi32, #tpu.memory_space<vmem>> -> memref<125xi32, #tpu.memory_space<vmem>>
      %dma_start3A_566 = arith.constant 0 : i32
      %dma_start3A_567 = arith.constant 0 : i32
      %dma_start3A_568 = tpu.memref_slice %arg10[%dma_start3A_566, %dma_start3A_567] : memref<10240x32xf32, #tpu.memory_space<vmem_shared>> -> memref<10240x32xf32, #tpu.memory_space<vmem_shared>>
      tpu.enqueue_indirect_dma source(%dma_start3A_562 : memref<125x32xf32, #tpu.memory_space<vmem>>) target(%dma_start3A_568 : memref<10240x32xf32, #tpu.memory_space<vmem_shared>>) offsets(%dma_start3A_565 : memref<125xi32, #tpu.memory_space<vmem>>) semaphore(%arg25 : memref<!tpu.dma_semaphore, #tpu.memory_space<semaphore_mem>>) {add = true}
      %dma_wait3A_569 = arith.constant 0 : i32
      %dma_wait3A_570 = arith.constant 7 : i32
      %dma_wait3A_571 = arith.constant 0 : i32
      %dma_wait3A_572 = arith.constant 0 : i32
      %dma_wait3A_573 = tpu.memref_slice %arg8[%dma_wait3A_570, %dma_wait3A_571, %dma_wait3A_572] : memref<8x125x32xf32, #tpu.memory_space<vmem>> -> memref<1x125x32xf32, #tpu.memory_space<vmem>>
      %dma_wait3A_574 = tpu.memref_squeeze %dma_wait3A_573 : memref<1x125x32xf32, #tpu.memory_space<vmem>> -> memref<125x32xf32, #tpu.memory_space<vmem>>
      %dma_wait3A_575 = arith.constant 0 : i32
      %dma_wait3A_576 = tpu.memref_slice %arg6[%dma_wait3A_569, %dma_wait3A_575] : memref<80x125xi32, #tpu.memory_space<vmem>> -> memref<1x125xi32, #tpu.memory_space<vmem>>
      %dma_wait3A_577 = tpu.memref_squeeze %dma_wait3A_576 : memref<1x125xi32, #tpu.memory_space<vmem>> -> memref<125xi32, #tpu.memory_space<vmem>>
      %dma_wait3A_578 = arith.constant 0 : i32
      %dma_wait3A_579 = arith.constant 0 : i32
      %dma_wait3A_580 = tpu.memref_slice %arg2[%dma_wait3A_578, %dma_wait3A_579] : memref<10240x32xf32, #tpu.memory_space<hbm>> -> memref<10240x32xf32, #tpu.memory_space<hbm>>
      tpu.wait_indirect_dma semaphore(%arg18 : memref<!tpu.dma_semaphore, #tpu.memory_space<semaphore_mem>>) src(%dma_wait3A_580 : memref<10240x32xf32, #tpu.memory_space<hbm>>) dst(%dma_wait3A_574 : memref<125x32xf32, #tpu.memory_space<vmem>>)
      %add3A_581 = arith.constant 7 : i32
      %add3A_582 = arith.addi %mul3A_393, %add3A_581 : i32
      %dma_start3A_583 = arith.constant 7 : i32
      %dma_start3A_584 = arith.constant 0 : i32
      %dma_start3A_585 = arith.constant 0 : i32
      %dma_start3A_586 = tpu.memref_slice %arg8[%dma_start3A_583, %dma_start3A_584, %dma_start3A_585] : memref<8x125x32xf32, #tpu.memory_space<vmem>> -> memref<1x125x32xf32, #tpu.memory_space<vmem>>
      %dma_start3A_587 = tpu.memref_squeeze %dma_start3A_586 : memref<1x125x32xf32, #tpu.memory_space<vmem>> -> memref<125x32xf32, #tpu.memory_space<vmem>>
      %dma_start3A_588 = arith.constant 0 : i32
      %dma_start3A_589 = tpu.memref_slice %arg7[%add3A_582, %dma_start3A_588] : memref<80x125xi32, #tpu.memory_space<vmem>> -> memref<1x125xi32, #tpu.memory_space<vmem>>
      %dma_start3A_590 = tpu.memref_squeeze %dma_start3A_589 : memref<1x125xi32, #tpu.memory_space<vmem>> -> memref<125xi32, #tpu.memory_space<vmem>>
      %dma_start3A_591 = arith.constant 0 : i32
      %dma_start3A_592 = arith.constant 0 : i32
      %dma_start3A_593 = tpu.memref_slice %arg10[%dma_start3A_591, %dma_start3A_592] : memref<10240x32xf32, #tpu.memory_space<vmem_shared>> -> memref<10240x32xf32, #tpu.memory_space<vmem_shared>>
      tpu.enqueue_indirect_dma source(%dma_start3A_587 : memref<125x32xf32, #tpu.memory_space<vmem>>) target(%dma_start3A_593 : memref<10240x32xf32, #tpu.memory_space<vmem_shared>>) offsets(%dma_start3A_590 : memref<125xi32, #tpu.memory_space<vmem>>) semaphore(%arg26 : memref<!tpu.dma_semaphore, #tpu.memory_space<semaphore_mem>>) {add = true}
      %add3A_594 = arith.constant 0 : i32
      %add3A_595 = arith.addi %mul3A_393, %add3A_594 : i32
      %dma_wait3A_596 = arith.constant 0 : i32
      %dma_wait3A_597 = arith.constant 0 : i32
      %dma_wait3A_598 = arith.constant 0 : i32
      %dma_wait3A_599 = tpu.memref_slice %arg8[%dma_wait3A_596, %dma_wait3A_597, %dma_wait3A_598] : memref<8x125x32xf32, #tpu.memory_space<vmem>> -> memref<1x125x32xf32, #tpu.memory_space<vmem>>
      %dma_wait3A_600 = tpu.memref_squeeze %dma_wait3A_599 : memref<1x125x32xf32, #tpu.memory_space<vmem>> -> memref<125x32xf32, #tpu.memory_space<vmem>>
      %dma_wait3A_601 = arith.constant 0 : i32
      %dma_wait3A_602 = tpu.memref_slice %arg7[%add3A_595, %dma_wait3A_601] : memref<80x125xi32, #tpu.memory_space<vmem>> -> memref<1x125xi32, #tpu.memory_space<vmem>>
      %dma_wait3A_603 = tpu.memref_squeeze %dma_wait3A_602 : memref<1x125xi32, #tpu.memory_space<vmem>> -> memref<125xi32, #tpu.memory_space<vmem>>
      %dma_wait3A_604 = arith.constant 0 : i32
      %dma_wait3A_605 = arith.constant 0 : i32
      %dma_wait3A_606 = tpu.memref_slice %arg10[%dma_wait3A_604, %dma_wait3A_605] : memref<10240x32xf32, #tpu.memory_space<vmem_shared>> -> memref<10240x32xf32, #tpu.memory_space<vmem_shared>>
      tpu.wait_indirect_dma semaphore(%arg19 : memref<!tpu.dma_semaphore, #tpu.memory_space<semaphore_mem>>) src(%dma_wait3A_600 : memref<125x32xf32, #tpu.memory_space<vmem>>) dst(%dma_wait3A_606 : memref<10240x32xf32, #tpu.memory_space<vmem_shared>>)
      %add3A_607 = arith.constant 8 : i32
      %add3A_608 = arith.addi %mul3A_393, %add3A_607 : i32
      %add3A_609 = arith.constant 0 : i32
      %add3A_610 = arith.addi %add3A_608, %add3A_609 : i32
      %dma_start3A_611 = arith.constant 0 : i32
      %dma_start3A_612 = arith.constant 0 : i32
      %dma_start3A_613 = arith.constant 0 : i32
      %dma_start3A_614 = tpu.memref_slice %arg8[%dma_start3A_611, %dma_start3A_612, %dma_start3A_613] : memref<8x125x32xf32, #tpu.memory_space<vmem>> -> memref<1x125x32xf32, #tpu.memory_space<vmem>>
      %dma_start3A_615 = tpu.memref_squeeze %dma_start3A_614 : memref<1x125x32xf32, #tpu.memory_space<vmem>> -> memref<125x32xf32, #tpu.memory_space<vmem>>
      %dma_start3A_616 = arith.constant 0 : i32
      %dma_start3A_617 = tpu.memref_slice %arg6[%add3A_610, %dma_start3A_616] : memref<80x125xi32, #tpu.memory_space<vmem>> -> memref<1x125xi32, #tpu.memory_space<vmem>>
      %dma_start3A_618 = tpu.memref_squeeze %dma_start3A_617 : memref<1x125xi32, #tpu.memory_space<vmem>> -> memref<125xi32, #tpu.memory_space<vmem>>
      %dma_start3A_619 = arith.constant 0 : i32
      %dma_start3A_620 = arith.constant 0 : i32
      %dma_start3A_621 = tpu.memref_slice %arg2[%dma_start3A_619, %dma_start3A_620] : memref<10240x32xf32, #tpu.memory_space<hbm>> -> memref<10240x32xf32, #tpu.memory_space<hbm>>
      tpu.enqueue_indirect_dma source(%dma_start3A_621 : memref<10240x32xf32, #tpu.memory_space<hbm>>) target(%dma_start3A_615 : memref<125x32xf32, #tpu.memory_space<vmem>>) offsets(%dma_start3A_618 : memref<125xi32, #tpu.memory_space<vmem>>) semaphore(%arg11 : memref<!tpu.dma_semaphore, #tpu.memory_space<semaphore_mem>>)
      %add3A_622 = arith.constant 1 : i32
      %add3A_623 = arith.addi %mul3A_393, %add3A_622 : i32
      %dma_wait3A_624 = arith.constant 1 : i32
      %dma_wait3A_625 = arith.constant 0 : i32
      %dma_wait3A_626 = arith.constant 0 : i32
      %dma_wait3A_627 = tpu.memref_slice %arg8[%dma_wait3A_624, %dma_wait3A_625, %dma_wait3A_626] : memref<8x125x32xf32, #tpu.memory_space<vmem>> -> memref<1x125x32xf32, #tpu.memory_space<vmem>>
      %dma_wait3A_628 = tpu.memref_squeeze %dma_wait3A_627 : memref<1x125x32xf32, #tpu.memory_space<vmem>> -> memref<125x32xf32, #tpu.memory_space<vmem>>
      %dma_wait3A_629 = arith.constant 0 : i32
      %dma_wait3A_630 = tpu.memref_slice %arg7[%add3A_623, %dma_wait3A_629] : memref<80x125xi32, #tpu.memory_space<vmem>> -> memref<1x125xi32, #tpu.memory_space<vmem>>
      %dma_wait3A_631 = tpu.memref_squeeze %dma_wait3A_630 : memref<1x125xi32, #tpu.memory_space<vmem>> -> memref<125xi32, #tpu.memory_space<vmem>>
      %dma_wait3A_632 = arith.constant 0 : i32
      %dma_wait3A_633 = arith.constant 0 : i32
      %dma_wait3A_634 = tpu.memref_slice %arg10[%dma_wait3A_632, %dma_wait3A_633] : memref<10240x32xf32, #tpu.memory_space<vmem_shared>> -> memref<10240x32xf32, #tpu.memory_space<vmem_shared>>
      tpu.wait_indirect_dma semaphore(%arg20 : memref<!tpu.dma_semaphore, #tpu.memory_space<semaphore_mem>>) src(%dma_wait3A_628 : memref<125x32xf32, #tpu.memory_space<vmem>>) dst(%dma_wait3A_634 : memref<10240x32xf32, #tpu.memory_space<vmem_shared>>)
      %add3A_635 = arith.constant 8 : i32
      %add3A_636 = arith.addi %mul3A_393, %add3A_635 : i32
      %add3A_637 = arith.constant 1 : i32
      %add3A_638 = arith.addi %add3A_636, %add3A_637 : i32
      %dma_start3A_639 = arith.constant 1 : i32
      %dma_start3A_640 = arith.constant 0 : i32
      %dma_start3A_641 = arith.constant 0 : i32
      %dma_start3A_642 = tpu.memref_slice %arg8[%dma_start3A_639, %dma_start3A_640, %dma_start3A_641] : memref<8x125x32xf32, #tpu.memory_space<vmem>> -> memref<1x125x32xf32, #tpu.memory_space<vmem>>
      %dma_start3A_643 = tpu.memref_squeeze %dma_start3A_642 : memref<1x125x32xf32, #tpu.memory_space<vmem>> -> memref<125x32xf32, #tpu.memory_space<vmem>>
      %dma_start3A_644 = arith.constant 0 : i32
      %dma_start3A_645 = tpu.memref_slice %arg6[%add3A_638, %dma_start3A_644] : memref<80x125xi32, #tpu.memory_space<vmem>> -> memref<1x125xi32, #tpu.memory_space<vmem>>
      %dma_start3A_646 = tpu.memref_squeeze %dma_start3A_645 : memref<1x125xi32, #tpu.memory_space<vmem>> -> memref<125xi32, #tpu.memory_space<vmem>>
      %dma_start3A_647 = arith.constant 0 : i32
      %dma_start3A_648 = arith.constant 0 : i32
      %dma_start3A_649 = tpu.memref_slice %arg2[%dma_start3A_647, %dma_start3A_648] : memref<10240x32xf32, #tpu.memory_space<hbm>> -> memref<10240x32xf32, #tpu.memory_space<hbm>>
      tpu.enqueue_indirect_dma source(%dma_start3A_649 : memref<10240x32xf32, #tpu.memory_space<hbm>>) target(%dma_start3A_643 : memref<125x32xf32, #tpu.memory_space<vmem>>) offsets(%dma_start3A_646 : memref<125xi32, #tpu.memory_space<vmem>>) semaphore(%arg12 : memref<!tpu.dma_semaphore, #tpu.memory_space<semaphore_mem>>)
      %add3A_650 = arith.constant 2 : i32
      %add3A_651 = arith.addi %mul3A_393, %add3A_650 : i32
      %dma_wait3A_652 = arith.constant 2 : i32
      %dma_wait3A_653 = arith.constant 0 : i32
      %dma_wait3A_654 = arith.constant 0 : i32
      %dma_wait3A_655 = tpu.memref_slice %arg8[%dma_wait3A_652, %dma_wait3A_653, %dma_wait3A_654] : memref<8x125x32xf32, #tpu.memory_space<vmem>> -> memref<1x125x32xf32, #tpu.memory_space<vmem>>
      %dma_wait3A_656 = tpu.memref_squeeze %dma_wait3A_655 : memref<1x125x32xf32, #tpu.memory_space<vmem>> -> memref<125x32xf32, #tpu.memory_space<vmem>>
      %dma_wait3A_657 = arith.constant 0 : i32
      %dma_wait3A_658 = tpu.memref_slice %arg7[%add3A_651, %dma_wait3A_657] : memref<80x125xi32, #tpu.memory_space<vmem>> -> memref<1x125xi32, #tpu.memory_space<vmem>>
      %dma_wait3A_659 = tpu.memref_squeeze %dma_wait3A_658 : memref<1x125xi32, #tpu.memory_space<vmem>> -> memref<125xi32, #tpu.memory_space<vmem>>
      %dma_wait3A_660 = arith.constant 0 : i32
      %dma_wait3A_661 = arith.constant 0 : i32
      %dma_wait3A_662 = tpu.memref_slice %arg10[%dma_wait3A_660, %dma_wait3A_661] : memref<10240x32xf32, #tpu.memory_space<vmem_shared>> -> memref<10240x32xf32, #tpu.memory_space<vmem_shared>>
      tpu.wait_indirect_dma semaphore(%arg21 : memref<!tpu.dma_semaphore, #tpu.memory_space<semaphore_mem>>) src(%dma_wait3A_656 : memref<125x32xf32, #tpu.memory_space<vmem>>) dst(%dma_wait3A_662 : memref<10240x32xf32, #tpu.memory_space<vmem_shared>>)
      %add3A_663 = arith.constant 8 : i32
      %add3A_664 = arith.addi %mul3A_393, %add3A_663 : i32
      %add3A_665 = arith.constant 2 : i32
      %add3A_666 = arith.addi %add3A_664, %add3A_665 : i32
      %dma_start3A_667 = arith.constant 2 : i32
      %dma_start3A_668 = arith.constant 0 : i32
      %dma_start3A_669 = arith.constant 0 : i32
      %dma_start3A_670 = tpu.memref_slice %arg8[%dma_start3A_667, %dma_start3A_668, %dma_start3A_669] : memref<8x125x32xf32, #tpu.memory_space<vmem>> -> memref<1x125x32xf32, #tpu.memory_space<vmem>>
      %dma_start3A_671 = tpu.memref_squeeze %dma_start3A_670 : memref<1x125x32xf32, #tpu.memory_space<vmem>> -> memref<125x32xf32, #tpu.memory_space<vmem>>
      %dma_start3A_672 = arith.constant 0 : i32
      %dma_start3A_673 = tpu.memref_slice %arg6[%add3A_666, %dma_start3A_672] : memref<80x125xi32, #tpu.memory_space<vmem>> -> memref<1x125xi32, #tpu.memory_space<vmem>>
      %dma_start3A_674 = tpu.memref_squeeze %dma_start3A_673 : memref<1x125xi32, #tpu.memory_space<vmem>> -> memref<125xi32, #tpu.memory_space<vmem>>
      %dma_start3A_675 = arith.constant 0 : i32
      %dma_start3A_676 = arith.constant 0 : i32
      %dma_start3A_677 = tpu.memref_slice %arg2[%dma_start3A_675, %dma_start3A_676] : memref<10240x32xf32, #tpu.memory_space<hbm>> -> memref<10240x32xf32, #tpu.memory_space<hbm>>
      tpu.enqueue_indirect_dma source(%dma_start3A_677 : memref<10240x32xf32, #tpu.memory_space<hbm>>) target(%dma_start3A_671 : memref<125x32xf32, #tpu.memory_space<vmem>>) offsets(%dma_start3A_674 : memref<125xi32, #tpu.memory_space<vmem>>) semaphore(%arg13 : memref<!tpu.dma_semaphore, #tpu.memory_space<semaphore_mem>>)
      %add3A_678 = arith.constant 3 : i32
      %add3A_679 = arith.addi %mul3A_393, %add3A_678 : i32
      %dma_wait3A_680 = arith.constant 3 : i32
      %dma_wait3A_681 = arith.constant 0 : i32
      %dma_wait3A_682 = arith.constant 0 : i32
      %dma_wait3A_683 = tpu.memref_slice %arg8[%dma_wait3A_680, %dma_wait3A_681, %dma_wait3A_682] : memref<8x125x32xf32, #tpu.memory_space<vmem>> -> memref<1x125x32xf32, #tpu.memory_space<vmem>>
      %dma_wait3A_684 = tpu.memref_squeeze %dma_wait3A_683 : memref<1x125x32xf32, #tpu.memory_space<vmem>> -> memref<125x32xf32, #tpu.memory_space<vmem>>
      %dma_wait3A_685 = arith.constant 0 : i32
      %dma_wait3A_686 = tpu.memref_slice %arg7[%add3A_679, %dma_wait3A_685] : memref<80x125xi32, #tpu.memory_space<vmem>> -> memref<1x125xi32, #tpu.memory_space<vmem>>
      %dma_wait3A_687 = tpu.memref_squeeze %dma_wait3A_686 : memref<1x125xi32, #tpu.memory_space<vmem>> -> memref<125xi32, #tpu.memory_space<vmem>>
      %dma_wait3A_688 = arith.constant 0 : i32
      %dma_wait3A_689 = arith.constant 0 : i32
      %dma_wait3A_690 = tpu.memref_slice %arg10[%dma_wait3A_688, %dma_wait3A_689] : memref<10240x32xf32, #tpu.memory_space<vmem_shared>> -> memref<10240x32xf32, #tpu.memory_space<vmem_shared>>
      tpu.wait_indirect_dma semaphore(%arg22 : memref<!tpu.dma_semaphore, #tpu.memory_space<semaphore_mem>>) src(%dma_wait3A_684 : memref<125x32xf32, #tpu.memory_space<vmem>>) dst(%dma_wait3A_690 : memref<10240x32xf32, #tpu.memory_space<vmem_shared>>)
      %add3A_691 = arith.constant 8 : i32
      %add3A_692 = arith.addi %mul3A_393, %add3A_691 : i32
      %add3A_693 = arith.constant 3 : i32
      %add3A_694 = arith.addi %add3A_692, %add3A_693 : i32
      %dma_start3A_695 = arith.constant 3 : i32
      %dma_start3A_696 = arith.constant 0 : i32
      %dma_start3A_697 = arith.constant 0 : i32
      %dma_start3A_698 = tpu.memref_slice %arg8[%dma_start3A_695, %dma_start3A_696, %dma_start3A_697] : memref<8x125x32xf32, #tpu.memory_space<vmem>> -> memref<1x125x32xf32, #tpu.memory_space<vmem>>
      %dma_start3A_699 = tpu.memref_squeeze %dma_start3A_698 : memref<1x125x32xf32, #tpu.memory_space<vmem>> -> memref<125x32xf32, #tpu.memory_space<vmem>>
      %dma_start3A_700 = arith.constant 0 : i32
      %dma_start3A_701 = tpu.memref_slice %arg6[%add3A_694, %dma_start3A_700] : memref<80x125xi32, #tpu.memory_space<vmem>> -> memref<1x125xi32, #tpu.memory_space<vmem>>
      %dma_start3A_702 = tpu.memref_squeeze %dma_start3A_701 : memref<1x125xi32, #tpu.memory_space<vmem>> -> memref<125xi32, #tpu.memory_space<vmem>>
      %dma_start3A_703 = arith.constant 0 : i32
      %dma_start3A_704 = arith.constant 0 : i32
      %dma_start3A_705 = tpu.memref_slice %arg2[%dma_start3A_703, %dma_start3A_704] : memref<10240x32xf32, #tpu.memory_space<hbm>> -> memref<10240x32xf32, #tpu.memory_space<hbm>>
      tpu.enqueue_indirect_dma source(%dma_start3A_705 : memref<10240x32xf32, #tpu.memory_space<hbm>>) target(%dma_start3A_699 : memref<125x32xf32, #tpu.memory_space<vmem>>) offsets(%dma_start3A_702 : memref<125xi32, #tpu.memory_space<vmem>>) semaphore(%arg14 : memref<!tpu.dma_semaphore, #tpu.memory_space<semaphore_mem>>)
      %add3A_706 = arith.constant 4 : i32
      %add3A_707 = arith.addi %mul3A_393, %add3A_706 : i32
      %dma_wait3A_708 = arith.constant 4 : i32
      %dma_wait3A_709 = arith.constant 0 : i32
      %dma_wait3A_710 = arith.constant 0 : i32
      %dma_wait3A_711 = tpu.memref_slice %arg8[%dma_wait3A_708, %dma_wait3A_709, %dma_wait3A_710] : memref<8x125x32xf32, #tpu.memory_space<vmem>> -> memref<1x125x32xf32, #tpu.memory_space<vmem>>
      %dma_wait3A_712 = tpu.memref_squeeze %dma_wait3A_711 : memref<1x125x32xf32, #tpu.memory_space<vmem>> -> memref<125x32xf32, #tpu.memory_space<vmem>>
      %dma_wait3A_713 = arith.constant 0 : i32
      %dma_wait3A_714 = tpu.memref_slice %arg7[%add3A_707, %dma_wait3A_713] : memref<80x125xi32, #tpu.memory_space<vmem>> -> memref<1x125xi32, #tpu.memory_space<vmem>>
      %dma_wait3A_715 = tpu.memref_squeeze %dma_wait3A_714 : memref<1x125xi32, #tpu.memory_space<vmem>> -> memref<125xi32, #tpu.memory_space<vmem>>
      %dma_wait3A_716 = arith.constant 0 : i32
      %dma_wait3A_717 = arith.constant 0 : i32
      %dma_wait3A_718 = tpu.memref_slice %arg10[%dma_wait3A_716, %dma_wait3A_717] : memref<10240x32xf32, #tpu.memory_space<vmem_shared>> -> memref<10240x32xf32, #tpu.memory_space<vmem_shared>>
      tpu.wait_indirect_dma semaphore(%arg23 : memref<!tpu.dma_semaphore, #tpu.memory_space<semaphore_mem>>) src(%dma_wait3A_712 : memref<125x32xf32, #tpu.memory_space<vmem>>) dst(%dma_wait3A_718 : memref<10240x32xf32, #tpu.memory_space<vmem_shared>>)
      %add3A_719 = arith.constant 8 : i32
      %add3A_720 = arith.addi %mul3A_393, %add3A_719 : i32
      %add3A_721 = arith.constant 4 : i32
      %add3A_722 = arith.addi %add3A_720, %add3A_721 : i32
      %dma_start3A_723 = arith.constant 4 : i32
      %dma_start3A_724 = arith.constant 0 : i32
      %dma_start3A_725 = arith.constant 0 : i32
      %dma_start3A_726 = tpu.memref_slice %arg8[%dma_start3A_723, %dma_start3A_724, %dma_start3A_725] : memref<8x125x32xf32, #tpu.memory_space<vmem>> -> memref<1x125x32xf32, #tpu.memory_space<vmem>>
      %dma_start3A_727 = tpu.memref_squeeze %dma_start3A_726 : memref<1x125x32xf32, #tpu.memory_space<vmem>> -> memref<125x32xf32, #tpu.memory_space<vmem>>
      %dma_start3A_728 = arith.constant 0 : i32
      %dma_start3A_729 = tpu.memref_slice %arg6[%add3A_722, %dma_start3A_728] : memref<80x125xi32, #tpu.memory_space<vmem>> -> memref<1x125xi32, #tpu.memory_space<vmem>>
      %dma_start3A_730 = tpu.memref_squeeze %dma_start3A_729 : memref<1x125xi32, #tpu.memory_space<vmem>> -> memref<125xi32, #tpu.memory_space<vmem>>
      %dma_start3A_731 = arith.constant 0 : i32
      %dma_start3A_732 = arith.constant 0 : i32
      %dma_start3A_733 = tpu.memref_slice %arg2[%dma_start3A_731, %dma_start3A_732] : memref<10240x32xf32, #tpu.memory_space<hbm>> -> memref<10240x32xf32, #tpu.memory_space<hbm>>
      tpu.enqueue_indirect_dma source(%dma_start3A_733 : memref<10240x32xf32, #tpu.memory_space<hbm>>) target(%dma_start3A_727 : memref<125x32xf32, #tpu.memory_space<vmem>>) offsets(%dma_start3A_730 : memref<125xi32, #tpu.memory_space<vmem>>) semaphore(%arg15 : memref<!tpu.dma_semaphore, #tpu.memory_space<semaphore_mem>>)
      %add3A_734 = arith.constant 5 : i32
      %add3A_735 = arith.addi %mul3A_393, %add3A_734 : i32
      %dma_wait3A_736 = arith.constant 5 : i32
      %dma_wait3A_737 = arith.constant 0 : i32
      %dma_wait3A_738 = arith.constant 0 : i32
      %dma_wait3A_739 = tpu.memref_slice %arg8[%dma_wait3A_736, %dma_wait3A_737, %dma_wait3A_738] : memref<8x125x32xf32, #tpu.memory_space<vmem>> -> memref<1x125x32xf32, #tpu.memory_space<vmem>>
      %dma_wait3A_740 = tpu.memref_squeeze %dma_wait3A_739 : memref<1x125x32xf32, #tpu.memory_space<vmem>> -> memref<125x32xf32, #tpu.memory_space<vmem>>
      %dma_wait3A_741 = arith.constant 0 : i32
      %dma_wait3A_742 = tpu.memref_slice %arg7[%add3A_735, %dma_wait3A_741] : memref<80x125xi32, #tpu.memory_space<vmem>> -> memref<1x125xi32, #tpu.memory_space<vmem>>
      %dma_wait3A_743 = tpu.memref_squeeze %dma_wait3A_742 : memref<1x125xi32, #tpu.memory_space<vmem>> -> memref<125xi32, #tpu.memory_space<vmem>>
      %dma_wait3A_744 = arith.constant 0 : i32
      %dma_wait3A_745 = arith.constant 0 : i32
      %dma_wait3A_746 = tpu.memref_slice %arg10[%dma_wait3A_744, %dma_wait3A_745] : memref<10240x32xf32, #tpu.memory_space<vmem_shared>> -> memref<10240x32xf32, #tpu.memory_space<vmem_shared>>
      tpu.wait_indirect_dma semaphore(%arg24 : memref<!tpu.dma_semaphore, #tpu.memory_space<semaphore_mem>>) src(%dma_wait3A_740 : memref<125x32xf32, #tpu.memory_space<vmem>>) dst(%dma_wait3A_746 : memref<10240x32xf32, #tpu.memory_space<vmem_shared>>)
      %add3A_747 = arith.constant 8 : i32
      %add3A_748 = arith.addi %mul3A_393, %add3A_747 : i32
      %add3A_749 = arith.constant 5 : i32
      %add3A_750 = arith.addi %add3A_748, %add3A_749 : i32
      %dma_start3A_751 = arith.constant 5 : i32
      %dma_start3A_752 = arith.constant 0 : i32
      %dma_start3A_753 = arith.constant 0 : i32
      %dma_start3A_754 = tpu.memref_slice %arg8[%dma_start3A_751, %dma_start3A_752, %dma_start3A_753] : memref<8x125x32xf32, #tpu.memory_space<vmem>> -> memref<1x125x32xf32, #tpu.memory_space<vmem>>
      %dma_start3A_755 = tpu.memref_squeeze %dma_start3A_754 : memref<1x125x32xf32, #tpu.memory_space<vmem>> -> memref<125x32xf32, #tpu.memory_space<vmem>>
      %dma_start3A_756 = arith.constant 0 : i32
      %dma_start3A_757 = tpu.memref_slice %arg6[%add3A_750, %dma_start3A_756] : memref<80x125xi32, #tpu.memory_space<vmem>> -> memref<1x125xi32, #tpu.memory_space<vmem>>
      %dma_start3A_758 = tpu.memref_squeeze %dma_start3A_757 : memref<1x125xi32, #tpu.memory_space<vmem>> -> memref<125xi32, #tpu.memory_space<vmem>>
      %dma_start3A_759 = arith.constant 0 : i32
      %dma_start3A_760 = arith.constant 0 : i32
      %dma_start3A_761 = tpu.memref_slice %arg2[%dma_start3A_759, %dma_start3A_760] : memref<10240x32xf32, #tpu.memory_space<hbm>> -> memref<10240x32xf32, #tpu.memory_space<hbm>>
      tpu.enqueue_indirect_dma source(%dma_start3A_761 : memref<10240x32xf32, #tpu.memory_space<hbm>>) target(%dma_start3A_755 : memref<125x32xf32, #tpu.memory_space<vmem>>) offsets(%dma_start3A_758 : memref<125xi32, #tpu.memory_space<vmem>>) semaphore(%arg16 : memref<!tpu.dma_semaphore, #tpu.memory_space<semaphore_mem>>)
      %add3A_762 = arith.constant 6 : i32
      %add3A_763 = arith.addi %mul3A_393, %add3A_762 : i32
      %dma_wait3A_764 = arith.constant 6 : i32
      %dma_wait3A_765 = arith.constant 0 : i32
      %dma_wait3A_766 = arith.constant 0 : i32
      %dma_wait3A_767 = tpu.memref_slice %arg8[%dma_wait3A_764, %dma_wait3A_765, %dma_wait3A_766] : memref<8x125x32xf32, #tpu.memory_space<vmem>> -> memref<1x125x32xf32, #tpu.memory_space<vmem>>
      %dma_wait3A_768 = tpu.memref_squeeze %dma_wait3A_767 : memref<1x125x32xf32, #tpu.memory_space<vmem>> -> memref<125x32xf32, #tpu.memory_space<vmem>>
      %dma_wait3A_769 = arith.constant 0 : i32
      %dma_wait3A_770 = tpu.memref_slice %arg7[%add3A_763, %dma_wait3A_769] : memref<80x125xi32, #tpu.memory_space<vmem>> -> memref<1x125xi32, #tpu.memory_space<vmem>>
      %dma_wait3A_771 = tpu.memref_squeeze %dma_wait3A_770 : memref<1x125xi32, #tpu.memory_space<vmem>> -> memref<125xi32, #tpu.memory_space<vmem>>
      %dma_wait3A_772 = arith.constant 0 : i32
      %dma_wait3A_773 = arith.constant 0 : i32
      %dma_wait3A_774 = tpu.memref_slice %arg10[%dma_wait3A_772, %dma_wait3A_773] : memref<10240x32xf32, #tpu.memory_space<vmem_shared>> -> memref<10240x32xf32, #tpu.memory_space<vmem_shared>>
      tpu.wait_indirect_dma semaphore(%arg25 : memref<!tpu.dma_semaphore, #tpu.memory_space<semaphore_mem>>) src(%dma_wait3A_768 : memref<125x32xf32, #tpu.memory_space<vmem>>) dst(%dma_wait3A_774 : memref<10240x32xf32, #tpu.memory_space<vmem_shared>>)
      %add3A_775 = arith.constant 8 : i32
      %add3A_776 = arith.addi %mul3A_393, %add3A_775 : i32
      %add3A_777 = arith.constant 6 : i32
      %add3A_778 = arith.addi %add3A_776, %add3A_777 : i32
      %dma_start3A_779 = arith.constant 6 : i32
      %dma_start3A_780 = arith.constant 0 : i32
      %dma_start3A_781 = arith.constant 0 : i32
      %dma_start3A_782 = tpu.memref_slice %arg8[%dma_start3A_779, %dma_start3A_780, %dma_start3A_781] : memref<8x125x32xf32, #tpu.memory_space<vmem>> -> memref<1x125x32xf32, #tpu.memory_space<vmem>>
      %dma_start3A_783 = tpu.memref_squeeze %dma_start3A_782 : memref<1x125x32xf32, #tpu.memory_space<vmem>> -> memref<125x32xf32, #tpu.memory_space<vmem>>
      %dma_start3A_784 = arith.constant 0 : i32
      %dma_start3A_785 = tpu.memref_slice %arg6[%add3A_778, %dma_start3A_784] : memref<80x125xi32, #tpu.memory_space<vmem>> -> memref<1x125xi32, #tpu.memory_space<vmem>>
      %dma_start3A_786 = tpu.memref_squeeze %dma_start3A_785 : memref<1x125xi32, #tpu.memory_space<vmem>> -> memref<125xi32, #tpu.memory_space<vmem>>
      %dma_start3A_787 = arith.constant 0 : i32
      %dma_start3A_788 = arith.constant 0 : i32
      %dma_start3A_789 = tpu.memref_slice %arg2[%dma_start3A_787, %dma_start3A_788] : memref<10240x32xf32, #tpu.memory_space<hbm>> -> memref<10240x32xf32, #tpu.memory_space<hbm>>
      tpu.enqueue_indirect_dma source(%dma_start3A_789 : memref<10240x32xf32, #tpu.memory_space<hbm>>) target(%dma_start3A_783 : memref<125x32xf32, #tpu.memory_space<vmem>>) offsets(%dma_start3A_786 : memref<125xi32, #tpu.memory_space<vmem>>) semaphore(%arg17 : memref<!tpu.dma_semaphore, #tpu.memory_space<semaphore_mem>>)
      %add3A_790 = arith.constant 7 : i32
      %add3A_791 = arith.addi %mul3A_393, %add3A_790 : i32
      %dma_wait3A_792 = arith.constant 7 : i32
      %dma_wait3A_793 = arith.constant 0 : i32
      %dma_wait3A_794 = arith.constant 0 : i32
      %dma_wait3A_795 = tpu.memref_slice %arg8[%dma_wait3A_792, %dma_wait3A_793, %dma_wait3A_794] : memref<8x125x32xf32, #tpu.memory_space<vmem>> -> memref<1x125x32xf32, #tpu.memory_space<vmem>>
      %dma_wait3A_796 = tpu.memref_squeeze %dma_wait3A_795 : memref<1x125x32xf32, #tpu.memory_space<vmem>> -> memref<125x32xf32, #tpu.memory_space<vmem>>
      %dma_wait3A_797 = arith.constant 0 : i32
      %dma_wait3A_798 = tpu.memref_slice %arg7[%add3A_791, %dma_wait3A_797] : memref<80x125xi32, #tpu.memory_space<vmem>> -> memref<1x125xi32, #tpu.memory_space<vmem>>
      %dma_wait3A_799 = tpu.memref_squeeze %dma_wait3A_798 : memref<1x125xi32, #tpu.memory_space<vmem>> -> memref<125xi32, #tpu.memory_space<vmem>>
      %dma_wait3A_800 = arith.constant 0 : i32
      %dma_wait3A_801 = arith.constant 0 : i32
      %dma_wait3A_802 = tpu.memref_slice %arg10[%dma_wait3A_800, %dma_wait3A_801] : memref<10240x32xf32, #tpu.memory_space<vmem_shared>> -> memref<10240x32xf32, #tpu.memory_space<vmem_shared>>
      tpu.wait_indirect_dma semaphore(%arg26 : memref<!tpu.dma_semaphore, #tpu.memory_space<semaphore_mem>>) src(%dma_wait3A_796 : memref<125x32xf32, #tpu.memory_space<vmem>>) dst(%dma_wait3A_802 : memref<10240x32xf32, #tpu.memory_space<vmem_shared>>)
      %add3A_803 = arith.constant 8 : i32
      %add3A_804 = arith.addi %mul3A_393, %add3A_803 : i32
      %add3A_805 = arith.constant 7 : i32
      %add3A_806 = arith.addi %add3A_804, %add3A_805 : i32
      %dma_start3A_807 = arith.constant 7 : i32
      %dma_start3A_808 = arith.constant 0 : i32
      %dma_start3A_809 = arith.constant 0 : i32
      %dma_start3A_810 = tpu.memref_slice %arg8[%dma_start3A_807, %dma_start3A_808, %dma_start3A_809] : memref<8x125x32xf32, #tpu.memory_space<vmem>> -> memref<1x125x32xf32, #tpu.memory_space<vmem>>
      %dma_start3A_811 = tpu.memref_squeeze %dma_start3A_810 : memref<1x125x32xf32, #tpu.memory_space<vmem>> -> memref<125x32xf32, #tpu.memory_space<vmem>>
      %dma_start3A_812 = arith.constant 0 : i32
      %dma_start3A_813 = tpu.memref_slice %arg6[%add3A_806, %dma_start3A_812] : memref<80x125xi32, #tpu.memory_space<vmem>> -> memref<1x125xi32, #tpu.memory_space<vmem>>
      %dma_start3A_814 = tpu.memref_squeeze %dma_start3A_813 : memref<1x125xi32, #tpu.memory_space<vmem>> -> memref<125xi32, #tpu.memory_space<vmem>>
      %dma_start3A_815 = arith.constant 0 : i32
      %dma_start3A_816 = arith.constant 0 : i32
      %dma_start3A_817 = tpu.memref_slice %arg2[%dma_start3A_815, %dma_start3A_816] : memref<10240x32xf32, #tpu.memory_space<hbm>> -> memref<10240x32xf32, #tpu.memory_space<hbm>>
      tpu.enqueue_indirect_dma source(%dma_start3A_817 : memref<10240x32xf32, #tpu.memory_space<hbm>>) target(%dma_start3A_811 : memref<125x32xf32, #tpu.memory_space<vmem>>) offsets(%dma_start3A_814 : memref<125xi32, #tpu.memory_space<vmem>>) semaphore(%arg18 : memref<!tpu.dma_semaphore, #tpu.memory_space<semaphore_mem>>)
    }
    %scan3A_102 = arith.constant 9 : i32
    %dma_wait3A = arith.constant 0 : i32
    %dma_wait3A_103 = arith.constant 0 : i32
    %dma_wait3A_104 = arith.constant 0 : i32
    %dma_wait3A_105 = arith.constant 0 : i32
    %dma_wait3A_106 = tpu.memref_slice %arg8[%dma_wait3A_103, %dma_wait3A_104, %dma_wait3A_105] : memref<8x125x32xf32, #tpu.memory_space<vmem>> -> memref<1x125x32xf32, #tpu.memory_space<vmem>>
    %dma_wait3A_107 = tpu.memref_squeeze %dma_wait3A_106 : memref<1x125x32xf32, #tpu.memory_space<vmem>> -> memref<125x32xf32, #tpu.memory_space<vmem>>
    %dma_wait3A_108 = arith.constant 0 : i32
    %dma_wait3A_109 = tpu.memref_slice %arg6[%dma_wait3A, %dma_wait3A_108] : memref<80x125xi32, #tpu.memory_space<vmem>> -> memref<1x125xi32, #tpu.memory_space<vmem>>
    %dma_wait3A_110 = tpu.memref_squeeze %dma_wait3A_109 : memref<1x125xi32, #tpu.memory_space<vmem>> -> memref<125xi32, #tpu.memory_space<vmem>>
    %dma_wait3A_111 = arith.constant 0 : i32
    %dma_wait3A_112 = arith.constant 0 : i32
    %dma_wait3A_113 = tpu.memref_slice %arg2[%dma_wait3A_111, %dma_wait3A_112] : memref<10240x32xf32, #tpu.memory_space<hbm>> -> memref<10240x32xf32, #tpu.memory_space<hbm>>
    tpu.wait_indirect_dma semaphore(%arg11 : memref<!tpu.dma_semaphore, #tpu.memory_space<semaphore_mem>>) src(%dma_wait3A_113 : memref<10240x32xf32, #tpu.memory_space<hbm>>) dst(%dma_wait3A_107 : memref<125x32xf32, #tpu.memory_space<vmem>>)
    %dma_start3A_114 = arith.constant 0 : i32
    %dma_start3A_115 = arith.constant 72 : i32
    %dma_start3A_116 = arith.constant 0 : i32
    %dma_start3A_117 = arith.constant 0 : i32
    %dma_start3A_118 = tpu.memref_slice %arg8[%dma_start3A_114, %dma_start3A_116, %dma_start3A_117] : memref<8x125x32xf32, #tpu.memory_space<vmem>> -> memref<1x125x32xf32, #tpu.memory_space<vmem>>
    %dma_start3A_119 = tpu.memref_squeeze %dma_start3A_118 : memref<1x125x32xf32, #tpu.memory_space<vmem>> -> memref<125x32xf32, #tpu.memory_space<vmem>>
    %dma_start3A_120 = arith.constant 0 : i32
    %dma_start3A_121 = tpu.memref_slice %arg7[%dma_start3A_115, %dma_start3A_120] : memref<80x125xi32, #tpu.memory_space<vmem>> -> memref<1x125xi32, #tpu.memory_space<vmem>>
    %dma_start3A_122 = tpu.memref_squeeze %dma_start3A_121 : memref<1x125xi32, #tpu.memory_space<vmem>> -> memref<125xi32, #tpu.memory_space<vmem>>
    %dma_start3A_123 = arith.constant 0 : i32
    %dma_start3A_124 = arith.constant 0 : i32
    %dma_start3A_125 = tpu.memref_slice %arg10[%dma_start3A_123, %dma_start3A_124] : memref<10240x32xf32, #tpu.memory_space<vmem_shared>> -> memref<10240x32xf32, #tpu.memory_space<vmem_shared>>
    tpu.enqueue_indirect_dma source(%dma_start3A_119 : memref<125x32xf32, #tpu.memory_space<vmem>>) target(%dma_start3A_125 : memref<10240x32xf32, #tpu.memory_space<vmem_shared>>) offsets(%dma_start3A_122 : memref<125xi32, #tpu.memory_space<vmem>>) semaphore(%arg19 : memref<!tpu.dma_semaphore, #tpu.memory_space<semaphore_mem>>) {add = true}
    %dma_wait3A_126 = arith.constant 0 : i32
    %dma_wait3A_127 = arith.constant 1 : i32
    %dma_wait3A_128 = arith.constant 0 : i32
    %dma_wait3A_129 = arith.constant 0 : i32
    %dma_wait3A_130 = tpu.memref_slice %arg8[%dma_wait3A_127, %dma_wait3A_128, %dma_wait3A_129] : memref<8x125x32xf32, #tpu.memory_space<vmem>> -> memref<1x125x32xf32, #tpu.memory_space<vmem>>
    %dma_wait3A_131 = tpu.memref_squeeze %dma_wait3A_130 : memref<1x125x32xf32, #tpu.memory_space<vmem>> -> memref<125x32xf32, #tpu.memory_space<vmem>>
    %dma_wait3A_132 = arith.constant 0 : i32
    %dma_wait3A_133 = tpu.memref_slice %arg6[%dma_wait3A_126, %dma_wait3A_132] : memref<80x125xi32, #tpu.memory_space<vmem>> -> memref<1x125xi32, #tpu.memory_space<vmem>>
    %dma_wait3A_134 = tpu.memref_squeeze %dma_wait3A_133 : memref<1x125xi32, #tpu.memory_space<vmem>> -> memref<125xi32, #tpu.memory_space<vmem>>
    %dma_wait3A_135 = arith.constant 0 : i32
    %dma_wait3A_136 = arith.constant 0 : i32
    %dma_wait3A_137 = tpu.memref_slice %arg2[%dma_wait3A_135, %dma_wait3A_136] : memref<10240x32xf32, #tpu.memory_space<hbm>> -> memref<10240x32xf32, #tpu.memory_space<hbm>>
    tpu.wait_indirect_dma semaphore(%arg12 : memref<!tpu.dma_semaphore, #tpu.memory_space<semaphore_mem>>) src(%dma_wait3A_137 : memref<10240x32xf32, #tpu.memory_space<hbm>>) dst(%dma_wait3A_131 : memref<125x32xf32, #tpu.memory_space<vmem>>)
    %dma_start3A_138 = arith.constant 1 : i32
    %dma_start3A_139 = arith.constant 73 : i32
    %dma_start3A_140 = arith.constant 0 : i32
    %dma_start3A_141 = arith.constant 0 : i32
    %dma_start3A_142 = tpu.memref_slice %arg8[%dma_start3A_138, %dma_start3A_140, %dma_start3A_141] : memref<8x125x32xf32, #tpu.memory_space<vmem>> -> memref<1x125x32xf32, #tpu.memory_space<vmem>>
    %dma_start3A_143 = tpu.memref_squeeze %dma_start3A_142 : memref<1x125x32xf32, #tpu.memory_space<vmem>> -> memref<125x32xf32, #tpu.memory_space<vmem>>
    %dma_start3A_144 = arith.constant 0 : i32
    %dma_start3A_145 = tpu.memref_slice %arg7[%dma_start3A_139, %dma_start3A_144] : memref<80x125xi32, #tpu.memory_space<vmem>> -> memref<1x125xi32, #tpu.memory_space<vmem>>
    %dma_start3A_146 = tpu.memref_squeeze %dma_start3A_145 : memref<1x125xi32, #tpu.memory_space<vmem>> -> memref<125xi32, #tpu.memory_space<vmem>>
    %dma_start3A_147 = arith.constant 0 : i32
    %dma_start3A_148 = arith.constant 0 : i32
    %dma_start3A_149 = tpu.memref_slice %arg10[%dma_start3A_147, %dma_start3A_148] : memref<10240x32xf32, #tpu.memory_space<vmem_shared>> -> memref<10240x32xf32, #tpu.memory_space<vmem_shared>>
    tpu.enqueue_indirect_dma source(%dma_start3A_143 : memref<125x32xf32, #tpu.memory_space<vmem>>) target(%dma_start3A_149 : memref<10240x32xf32, #tpu.memory_space<vmem_shared>>) offsets(%dma_start3A_146 : memref<125xi32, #tpu.memory_space<vmem>>) semaphore(%arg20 : memref<!tpu.dma_semaphore, #tpu.memory_space<semaphore_mem>>) {add = true}
    %dma_wait3A_150 = arith.constant 0 : i32
    %dma_wait3A_151 = arith.constant 2 : i32
    %dma_wait3A_152 = arith.constant 0 : i32
    %dma_wait3A_153 = arith.constant 0 : i32
    %dma_wait3A_154 = tpu.memref_slice %arg8[%dma_wait3A_151, %dma_wait3A_152, %dma_wait3A_153] : memref<8x125x32xf32, #tpu.memory_space<vmem>> -> memref<1x125x32xf32, #tpu.memory_space<vmem>>
    %dma_wait3A_155 = tpu.memref_squeeze %dma_wait3A_154 : memref<1x125x32xf32, #tpu.memory_space<vmem>> -> memref<125x32xf32, #tpu.memory_space<vmem>>
    %dma_wait3A_156 = arith.constant 0 : i32
    %dma_wait3A_157 = tpu.memref_slice %arg6[%dma_wait3A_150, %dma_wait3A_156] : memref<80x125xi32, #tpu.memory_space<vmem>> -> memref<1x125xi32, #tpu.memory_space<vmem>>
    %dma_wait3A_158 = tpu.memref_squeeze %dma_wait3A_157 : memref<1x125xi32, #tpu.memory_space<vmem>> -> memref<125xi32, #tpu.memory_space<vmem>>
    %dma_wait3A_159 = arith.constant 0 : i32
    %dma_wait3A_160 = arith.constant 0 : i32
    %dma_wait3A_161 = tpu.memref_slice %arg2[%dma_wait3A_159, %dma_wait3A_160] : memref<10240x32xf32, #tpu.memory_space<hbm>> -> memref<10240x32xf32, #tpu.memory_space<hbm>>
    tpu.wait_indirect_dma semaphore(%arg13 : memref<!tpu.dma_semaphore, #tpu.memory_space<semaphore_mem>>) src(%dma_wait3A_161 : memref<10240x32xf32, #tpu.memory_space<hbm>>) dst(%dma_wait3A_155 : memref<125x32xf32, #tpu.memory_space<vmem>>)
    %dma_start3A_162 = arith.constant 2 : i32
    %dma_start3A_163 = arith.constant 74 : i32
    %dma_start3A_164 = arith.constant 0 : i32
    %dma_start3A_165 = arith.constant 0 : i32
    %dma_start3A_166 = tpu.memref_slice %arg8[%dma_start3A_162, %dma_start3A_164, %dma_start3A_165] : memref<8x125x32xf32, #tpu.memory_space<vmem>> -> memref<1x125x32xf32, #tpu.memory_space<vmem>>
    %dma_start3A_167 = tpu.memref_squeeze %dma_start3A_166 : memref<1x125x32xf32, #tpu.memory_space<vmem>> -> memref<125x32xf32, #tpu.memory_space<vmem>>
    %dma_start3A_168 = arith.constant 0 : i32
    %dma_start3A_169 = tpu.memref_slice %arg7[%dma_start3A_163, %dma_start3A_168] : memref<80x125xi32, #tpu.memory_space<vmem>> -> memref<1x125xi32, #tpu.memory_space<vmem>>
    %dma_start3A_170 = tpu.memref_squeeze %dma_start3A_169 : memref<1x125xi32, #tpu.memory_space<vmem>> -> memref<125xi32, #tpu.memory_space<vmem>>
    %dma_start3A_171 = arith.constant 0 : i32
    %dma_start3A_172 = arith.constant 0 : i32
    %dma_start3A_173 = tpu.memref_slice %arg10[%dma_start3A_171, %dma_start3A_172] : memref<10240x32xf32, #tpu.memory_space<vmem_shared>> -> memref<10240x32xf32, #tpu.memory_space<vmem_shared>>
    tpu.enqueue_indirect_dma source(%dma_start3A_167 : memref<125x32xf32, #tpu.memory_space<vmem>>) target(%dma_start3A_173 : memref<10240x32xf32, #tpu.memory_space<vmem_shared>>) offsets(%dma_start3A_170 : memref<125xi32, #tpu.memory_space<vmem>>) semaphore(%arg21 : memref<!tpu.dma_semaphore, #tpu.memory_space<semaphore_mem>>) {add = true}
    %dma_wait3A_174 = arith.constant 0 : i32
    %dma_wait3A_175 = arith.constant 3 : i32
    %dma_wait3A_176 = arith.constant 0 : i32
    %dma_wait3A_177 = arith.constant 0 : i32
    %dma_wait3A_178 = tpu.memref_slice %arg8[%dma_wait3A_175, %dma_wait3A_176, %dma_wait3A_177] : memref<8x125x32xf32, #tpu.memory_space<vmem>> -> memref<1x125x32xf32, #tpu.memory_space<vmem>>
    %dma_wait3A_179 = tpu.memref_squeeze %dma_wait3A_178 : memref<1x125x32xf32, #tpu.memory_space<vmem>> -> memref<125x32xf32, #tpu.memory_space<vmem>>
    %dma_wait3A_180 = arith.constant 0 : i32
    %dma_wait3A_181 = tpu.memref_slice %arg6[%dma_wait3A_174, %dma_wait3A_180] : memref<80x125xi32, #tpu.memory_space<vmem>> -> memref<1x125xi32, #tpu.memory_space<vmem>>
    %dma_wait3A_182 = tpu.memref_squeeze %dma_wait3A_181 : memref<1x125xi32, #tpu.memory_space<vmem>> -> memref<125xi32, #tpu.memory_space<vmem>>
    %dma_wait3A_183 = arith.constant 0 : i32
    %dma_wait3A_184 = arith.constant 0 : i32
    %dma_wait3A_185 = tpu.memref_slice %arg2[%dma_wait3A_183, %dma_wait3A_184] : memref<10240x32xf32, #tpu.memory_space<hbm>> -> memref<10240x32xf32, #tpu.memory_space<hbm>>
    tpu.wait_indirect_dma semaphore(%arg14 : memref<!tpu.dma_semaphore, #tpu.memory_space<semaphore_mem>>) src(%dma_wait3A_185 : memref<10240x32xf32, #tpu.memory_space<hbm>>) dst(%dma_wait3A_179 : memref<125x32xf32, #tpu.memory_space<vmem>>)
    %dma_start3A_186 = arith.constant 3 : i32
    %dma_start3A_187 = arith.constant 75 : i32
    %dma_start3A_188 = arith.constant 0 : i32
    %dma_start3A_189 = arith.constant 0 : i32
    %dma_start3A_190 = tpu.memref_slice %arg8[%dma_start3A_186, %dma_start3A_188, %dma_start3A_189] : memref<8x125x32xf32, #tpu.memory_space<vmem>> -> memref<1x125x32xf32, #tpu.memory_space<vmem>>
    %dma_start3A_191 = tpu.memref_squeeze %dma_start3A_190 : memref<1x125x32xf32, #tpu.memory_space<vmem>> -> memref<125x32xf32, #tpu.memory_space<vmem>>
    %dma_start3A_192 = arith.constant 0 : i32
    %dma_start3A_193 = tpu.memref_slice %arg7[%dma_start3A_187, %dma_start3A_192] : memref<80x125xi32, #tpu.memory_space<vmem>> -> memref<1x125xi32, #tpu.memory_space<vmem>>
    %dma_start3A_194 = tpu.memref_squeeze %dma_start3A_193 : memref<1x125xi32, #tpu.memory_space<vmem>> -> memref<125xi32, #tpu.memory_space<vmem>>
    %dma_start3A_195 = arith.constant 0 : i32
    %dma_start3A_196 = arith.constant 0 : i32
    %dma_start3A_197 = tpu.memref_slice %arg10[%dma_start3A_195, %dma_start3A_196] : memref<10240x32xf32, #tpu.memory_space<vmem_shared>> -> memref<10240x32xf32, #tpu.memory_space<vmem_shared>>
    tpu.enqueue_indirect_dma source(%dma_start3A_191 : memref<125x32xf32, #tpu.memory_space<vmem>>) target(%dma_start3A_197 : memref<10240x32xf32, #tpu.memory_space<vmem_shared>>) offsets(%dma_start3A_194 : memref<125xi32, #tpu.memory_space<vmem>>) semaphore(%arg22 : memref<!tpu.dma_semaphore, #tpu.memory_space<semaphore_mem>>) {add = true}
    %dma_wait3A_198 = arith.constant 0 : i32
    %dma_wait3A_199 = arith.constant 4 : i32
    %dma_wait3A_200 = arith.constant 0 : i32
    %dma_wait3A_201 = arith.constant 0 : i32
    %dma_wait3A_202 = tpu.memref_slice %arg8[%dma_wait3A_199, %dma_wait3A_200, %dma_wait3A_201] : memref<8x125x32xf32, #tpu.memory_space<vmem>> -> memref<1x125x32xf32, #tpu.memory_space<vmem>>
    %dma_wait3A_203 = tpu.memref_squeeze %dma_wait3A_202 : memref<1x125x32xf32, #tpu.memory_space<vmem>> -> memref<125x32xf32, #tpu.memory_space<vmem>>
    %dma_wait3A_204 = arith.constant 0 : i32
    %dma_wait3A_205 = tpu.memref_slice %arg6[%dma_wait3A_198, %dma_wait3A_204] : memref<80x125xi32, #tpu.memory_space<vmem>> -> memref<1x125xi32, #tpu.memory_space<vmem>>
    %dma_wait3A_206 = tpu.memref_squeeze %dma_wait3A_205 : memref<1x125xi32, #tpu.memory_space<vmem>> -> memref<125xi32, #tpu.memory_space<vmem>>
    %dma_wait3A_207 = arith.constant 0 : i32
    %dma_wait3A_208 = arith.constant 0 : i32
    %dma_wait3A_209 = tpu.memref_slice %arg2[%dma_wait3A_207, %dma_wait3A_208] : memref<10240x32xf32, #tpu.memory_space<hbm>> -> memref<10240x32xf32, #tpu.memory_space<hbm>>
    tpu.wait_indirect_dma semaphore(%arg15 : memref<!tpu.dma_semaphore, #tpu.memory_space<semaphore_mem>>) src(%dma_wait3A_209 : memref<10240x32xf32, #tpu.memory_space<hbm>>) dst(%dma_wait3A_203 : memref<125x32xf32, #tpu.memory_space<vmem>>)
    %dma_start3A_210 = arith.constant 4 : i32
    %dma_start3A_211 = arith.constant 76 : i32
    %dma_start3A_212 = arith.constant 0 : i32
    %dma_start3A_213 = arith.constant 0 : i32
    %dma_start3A_214 = tpu.memref_slice %arg8[%dma_start3A_210, %dma_start3A_212, %dma_start3A_213] : memref<8x125x32xf32, #tpu.memory_space<vmem>> -> memref<1x125x32xf32, #tpu.memory_space<vmem>>
    %dma_start3A_215 = tpu.memref_squeeze %dma_start3A_214 : memref<1x125x32xf32, #tpu.memory_space<vmem>> -> memref<125x32xf32, #tpu.memory_space<vmem>>
    %dma_start3A_216 = arith.constant 0 : i32
    %dma_start3A_217 = tpu.memref_slice %arg7[%dma_start3A_211, %dma_start3A_216] : memref<80x125xi32, #tpu.memory_space<vmem>> -> memref<1x125xi32, #tpu.memory_space<vmem>>
    %dma_start3A_218 = tpu.memref_squeeze %dma_start3A_217 : memref<1x125xi32, #tpu.memory_space<vmem>> -> memref<125xi32, #tpu.memory_space<vmem>>
    %dma_start3A_219 = arith.constant 0 : i32
    %dma_start3A_220 = arith.constant 0 : i32
    %dma_start3A_221 = tpu.memref_slice %arg10[%dma_start3A_219, %dma_start3A_220] : memref<10240x32xf32, #tpu.memory_space<vmem_shared>> -> memref<10240x32xf32, #tpu.memory_space<vmem_shared>>
    tpu.enqueue_indirect_dma source(%dma_start3A_215 : memref<125x32xf32, #tpu.memory_space<vmem>>) target(%dma_start3A_221 : memref<10240x32xf32, #tpu.memory_space<vmem_shared>>) offsets(%dma_start3A_218 : memref<125xi32, #tpu.memory_space<vmem>>) semaphore(%arg23 : memref<!tpu.dma_semaphore, #tpu.memory_space<semaphore_mem>>) {add = true}
    %dma_wait3A_222 = arith.constant 0 : i32
    %dma_wait3A_223 = arith.constant 5 : i32
    %dma_wait3A_224 = arith.constant 0 : i32
    %dma_wait3A_225 = arith.constant 0 : i32
    %dma_wait3A_226 = tpu.memref_slice %arg8[%dma_wait3A_223, %dma_wait3A_224, %dma_wait3A_225] : memref<8x125x32xf32, #tpu.memory_space<vmem>> -> memref<1x125x32xf32, #tpu.memory_space<vmem>>
    %dma_wait3A_227 = tpu.memref_squeeze %dma_wait3A_226 : memref<1x125x32xf32, #tpu.memory_space<vmem>> -> memref<125x32xf32, #tpu.memory_space<vmem>>
    %dma_wait3A_228 = arith.constant 0 : i32
    %dma_wait3A_229 = tpu.memref_slice %arg6[%dma_wait3A_222, %dma_wait3A_228] : memref<80x125xi32, #tpu.memory_space<vmem>> -> memref<1x125xi32, #tpu.memory_space<vmem>>
    %dma_wait3A_230 = tpu.memref_squeeze %dma_wait3A_229 : memref<1x125xi32, #tpu.memory_space<vmem>> -> memref<125xi32, #tpu.memory_space<vmem>>
    %dma_wait3A_231 = arith.constant 0 : i32
    %dma_wait3A_232 = arith.constant 0 : i32
    %dma_wait3A_233 = tpu.memref_slice %arg2[%dma_wait3A_231, %dma_wait3A_232] : memref<10240x32xf32, #tpu.memory_space<hbm>> -> memref<10240x32xf32, #tpu.memory_space<hbm>>
    tpu.wait_indirect_dma semaphore(%arg16 : memref<!tpu.dma_semaphore, #tpu.memory_space<semaphore_mem>>) src(%dma_wait3A_233 : memref<10240x32xf32, #tpu.memory_space<hbm>>) dst(%dma_wait3A_227 : memref<125x32xf32, #tpu.memory_space<vmem>>)
    %dma_start3A_234 = arith.constant 5 : i32
    %dma_start3A_235 = arith.constant 77 : i32
    %dma_start3A_236 = arith.constant 0 : i32
    %dma_start3A_237 = arith.constant 0 : i32
    %dma_start3A_238 = tpu.memref_slice %arg8[%dma_start3A_234, %dma_start3A_236, %dma_start3A_237] : memref<8x125x32xf32, #tpu.memory_space<vmem>> -> memref<1x125x32xf32, #tpu.memory_space<vmem>>
    %dma_start3A_239 = tpu.memref_squeeze %dma_start3A_238 : memref<1x125x32xf32, #tpu.memory_space<vmem>> -> memref<125x32xf32, #tpu.memory_space<vmem>>
    %dma_start3A_240 = arith.constant 0 : i32
    %dma_start3A_241 = tpu.memref_slice %arg7[%dma_start3A_235, %dma_start3A_240] : memref<80x125xi32, #tpu.memory_space<vmem>> -> memref<1x125xi32, #tpu.memory_space<vmem>>
    %dma_start3A_242 = tpu.memref_squeeze %dma_start3A_241 : memref<1x125xi32, #tpu.memory_space<vmem>> -> memref<125xi32, #tpu.memory_space<vmem>>
    %dma_start3A_243 = arith.constant 0 : i32
    %dma_start3A_244 = arith.constant 0 : i32
    %dma_start3A_245 = tpu.memref_slice %arg10[%dma_start3A_243, %dma_start3A_244] : memref<10240x32xf32, #tpu.memory_space<vmem_shared>> -> memref<10240x32xf32, #tpu.memory_space<vmem_shared>>
    tpu.enqueue_indirect_dma source(%dma_start3A_239 : memref<125x32xf32, #tpu.memory_space<vmem>>) target(%dma_start3A_245 : memref<10240x32xf32, #tpu.memory_space<vmem_shared>>) offsets(%dma_start3A_242 : memref<125xi32, #tpu.memory_space<vmem>>) semaphore(%arg24 : memref<!tpu.dma_semaphore, #tpu.memory_space<semaphore_mem>>) {add = true}
    %dma_wait3A_246 = arith.constant 0 : i32
    %dma_wait3A_247 = arith.constant 6 : i32
    %dma_wait3A_248 = arith.constant 0 : i32
    %dma_wait3A_249 = arith.constant 0 : i32
    %dma_wait3A_250 = tpu.memref_slice %arg8[%dma_wait3A_247, %dma_wait3A_248, %dma_wait3A_249] : memref<8x125x32xf32, #tpu.memory_space<vmem>> -> memref<1x125x32xf32, #tpu.memory_space<vmem>>
    %dma_wait3A_251 = tpu.memref_squeeze %dma_wait3A_250 : memref<1x125x32xf32, #tpu.memory_space<vmem>> -> memref<125x32xf32, #tpu.memory_space<vmem>>
    %dma_wait3A_252 = arith.constant 0 : i32
    %dma_wait3A_253 = tpu.memref_slice %arg6[%dma_wait3A_246, %dma_wait3A_252] : memref<80x125xi32, #tpu.memory_space<vmem>> -> memref<1x125xi32, #tpu.memory_space<vmem>>
    %dma_wait3A_254 = tpu.memref_squeeze %dma_wait3A_253 : memref<1x125xi32, #tpu.memory_space<vmem>> -> memref<125xi32, #tpu.memory_space<vmem>>
    %dma_wait3A_255 = arith.constant 0 : i32
    %dma_wait3A_256 = arith.constant 0 : i32
    %dma_wait3A_257 = tpu.memref_slice %arg2[%dma_wait3A_255, %dma_wait3A_256] : memref<10240x32xf32, #tpu.memory_space<hbm>> -> memref<10240x32xf32, #tpu.memory_space<hbm>>
    tpu.wait_indirect_dma semaphore(%arg17 : memref<!tpu.dma_semaphore, #tpu.memory_space<semaphore_mem>>) src(%dma_wait3A_257 : memref<10240x32xf32, #tpu.memory_space<hbm>>) dst(%dma_wait3A_251 : memref<125x32xf32, #tpu.memory_space<vmem>>)
    %dma_start3A_258 = arith.constant 6 : i32
    %dma_start3A_259 = arith.constant 78 : i32
    %dma_start3A_260 = arith.constant 0 : i32
    %dma_start3A_261 = arith.constant 0 : i32
    %dma_start3A_262 = tpu.memref_slice %arg8[%dma_start3A_258, %dma_start3A_260, %dma_start3A_261] : memref<8x125x32xf32, #tpu.memory_space<vmem>> -> memref<1x125x32xf32, #tpu.memory_space<vmem>>
    %dma_start3A_263 = tpu.memref_squeeze %dma_start3A_262 : memref<1x125x32xf32, #tpu.memory_space<vmem>> -> memref<125x32xf32, #tpu.memory_space<vmem>>
    %dma_start3A_264 = arith.constant 0 : i32
    %dma_start3A_265 = tpu.memref_slice %arg7[%dma_start3A_259, %dma_start3A_264] : memref<80x125xi32, #tpu.memory_space<vmem>> -> memref<1x125xi32, #tpu.memory_space<vmem>>
    %dma_start3A_266 = tpu.memref_squeeze %dma_start3A_265 : memref<1x125xi32, #tpu.memory_space<vmem>> -> memref<125xi32, #tpu.memory_space<vmem>>
    %dma_start3A_267 = arith.constant 0 : i32
    %dma_start3A_268 = arith.constant 0 : i32
    %dma_start3A_269 = tpu.memref_slice %arg10[%dma_start3A_267, %dma_start3A_268] : memref<10240x32xf32, #tpu.memory_space<vmem_shared>> -> memref<10240x32xf32, #tpu.memory_space<vmem_shared>>
    tpu.enqueue_indirect_dma source(%dma_start3A_263 : memref<125x32xf32, #tpu.memory_space<vmem>>) target(%dma_start3A_269 : memref<10240x32xf32, #tpu.memory_space<vmem_shared>>) offsets(%dma_start3A_266 : memref<125xi32, #tpu.memory_space<vmem>>) semaphore(%arg25 : memref<!tpu.dma_semaphore, #tpu.memory_space<semaphore_mem>>) {add = true}
    %dma_wait3A_270 = arith.constant 0 : i32
    %dma_wait3A_271 = arith.constant 7 : i32
    %dma_wait3A_272 = arith.constant 0 : i32
    %dma_wait3A_273 = arith.constant 0 : i32
    %dma_wait3A_274 = tpu.memref_slice %arg8[%dma_wait3A_271, %dma_wait3A_272, %dma_wait3A_273] : memref<8x125x32xf32, #tpu.memory_space<vmem>> -> memref<1x125x32xf32, #tpu.memory_space<vmem>>
    %dma_wait3A_275 = tpu.memref_squeeze %dma_wait3A_274 : memref<1x125x32xf32, #tpu.memory_space<vmem>> -> memref<125x32xf32, #tpu.memory_space<vmem>>
    %dma_wait3A_276 = arith.constant 0 : i32
    %dma_wait3A_277 = tpu.memref_slice %arg6[%dma_wait3A_270, %dma_wait3A_276] : memref<80x125xi32, #tpu.memory_space<vmem>> -> memref<1x125xi32, #tpu.memory_space<vmem>>
    %dma_wait3A_278 = tpu.memref_squeeze %dma_wait3A_277 : memref<1x125xi32, #tpu.memory_space<vmem>> -> memref<125xi32, #tpu.memory_space<vmem>>
    %dma_wait3A_279 = arith.constant 0 : i32
    %dma_wait3A_280 = arith.constant 0 : i32
    %dma_wait3A_281 = tpu.memref_slice %arg2[%dma_wait3A_279, %dma_wait3A_280] : memref<10240x32xf32, #tpu.memory_space<hbm>> -> memref<10240x32xf32, #tpu.memory_space<hbm>>
    tpu.wait_indirect_dma semaphore(%arg18 : memref<!tpu.dma_semaphore, #tpu.memory_space<semaphore_mem>>) src(%dma_wait3A_281 : memref<10240x32xf32, #tpu.memory_space<hbm>>) dst(%dma_wait3A_275 : memref<125x32xf32, #tpu.memory_space<vmem>>)
    %dma_start3A_282 = arith.constant 7 : i32
    %dma_start3A_283 = arith.constant 79 : i32
    %dma_start3A_284 = arith.constant 0 : i32
    %dma_start3A_285 = arith.constant 0 : i32
    %dma_start3A_286 = tpu.memref_slice %arg8[%dma_start3A_282, %dma_start3A_284, %dma_start3A_285] : memref<8x125x32xf32, #tpu.memory_space<vmem>> -> memref<1x125x32xf32, #tpu.memory_space<vmem>>
    %dma_start3A_287 = tpu.memref_squeeze %dma_start3A_286 : memref<1x125x32xf32, #tpu.memory_space<vmem>> -> memref<125x32xf32, #tpu.memory_space<vmem>>
    %dma_start3A_288 = arith.constant 0 : i32
    %dma_start3A_289 = tpu.memref_slice %arg7[%dma_start3A_283, %dma_start3A_288] : memref<80x125xi32, #tpu.memory_space<vmem>> -> memref<1x125xi32, #tpu.memory_space<vmem>>
    %dma_start3A_290 = tpu.memref_squeeze %dma_start3A_289 : memref<1x125xi32, #tpu.memory_space<vmem>> -> memref<125xi32, #tpu.memory_space<vmem>>
    %dma_start3A_291 = arith.constant 0 : i32
    %dma_start3A_292 = arith.constant 0 : i32
    %dma_start3A_293 = tpu.memref_slice %arg10[%dma_start3A_291, %dma_start3A_292] : memref<10240x32xf32, #tpu.memory_space<vmem_shared>> -> memref<10240x32xf32, #tpu.memory_space<vmem_shared>>
    tpu.enqueue_indirect_dma source(%dma_start3A_287 : memref<125x32xf32, #tpu.memory_space<vmem>>) target(%dma_start3A_293 : memref<10240x32xf32, #tpu.memory_space<vmem_shared>>) offsets(%dma_start3A_290 : memref<125xi32, #tpu.memory_space<vmem>>) semaphore(%arg26 : memref<!tpu.dma_semaphore, #tpu.memory_space<semaphore_mem>>) {add = true}
    %dma_wait3A_294 = arith.constant 0 : i32
    %dma_wait3A_295 = arith.constant 72 : i32
    %dma_wait3A_296 = arith.constant 0 : i32
    %dma_wait3A_297 = arith.constant 0 : i32
    %dma_wait3A_298 = tpu.memref_slice %arg8[%dma_wait3A_294, %dma_wait3A_296, %dma_wait3A_297] : memref<8x125x32xf32, #tpu.memory_space<vmem>> -> memref<1x125x32xf32, #tpu.memory_space<vmem>>
    %dma_wait3A_299 = tpu.memref_squeeze %dma_wait3A_298 : memref<1x125x32xf32, #tpu.memory_space<vmem>> -> memref<125x32xf32, #tpu.memory_space<vmem>>
    %dma_wait3A_300 = arith.constant 0 : i32
    %dma_wait3A_301 = tpu.memref_slice %arg7[%dma_wait3A_295, %dma_wait3A_300] : memref<80x125xi32, #tpu.memory_space<vmem>> -> memref<1x125xi32, #tpu.memory_space<vmem>>
    %dma_wait3A_302 = tpu.memref_squeeze %dma_wait3A_301 : memref<1x125xi32, #tpu.memory_space<vmem>> -> memref<125xi32, #tpu.memory_space<vmem>>
    %dma_wait3A_303 = arith.constant 0 : i32
    %dma_wait3A_304 = arith.constant 0 : i32
    %dma_wait3A_305 = tpu.memref_slice %arg10[%dma_wait3A_303, %dma_wait3A_304] : memref<10240x32xf32, #tpu.memory_space<vmem_shared>> -> memref<10240x32xf32, #tpu.memory_space<vmem_shared>>
    tpu.wait_indirect_dma semaphore(%arg19 : memref<!tpu.dma_semaphore, #tpu.memory_space<semaphore_mem>>) src(%dma_wait3A_299 : memref<125x32xf32, #tpu.memory_space<vmem>>) dst(%dma_wait3A_305 : memref<10240x32xf32, #tpu.memory_space<vmem_shared>>)
    %dma_wait3A_306 = arith.constant 1 : i32
    %dma_wait3A_307 = arith.constant 73 : i32
    %dma_wait3A_308 = arith.constant 0 : i32
    %dma_wait3A_309 = arith.constant 0 : i32
    %dma_wait3A_310 = tpu.memref_slice %arg8[%dma_wait3A_306, %dma_wait3A_308, %dma_wait3A_309] : memref<8x125x32xf32, #tpu.memory_space<vmem>> -> memref<1x125x32xf32, #tpu.memory_space<vmem>>
    %dma_wait3A_311 = tpu.memref_squeeze %dma_wait3A_310 : memref<1x125x32xf32, #tpu.memory_space<vmem>> -> memref<125x32xf32, #tpu.memory_space<vmem>>
    %dma_wait3A_312 = arith.constant 0 : i32
    %dma_wait3A_313 = tpu.memref_slice %arg7[%dma_wait3A_307, %dma_wait3A_312] : memref<80x125xi32, #tpu.memory_space<vmem>> -> memref<1x125xi32, #tpu.memory_space<vmem>>
    %dma_wait3A_314 = tpu.memref_squeeze %dma_wait3A_313 : memref<1x125xi32, #tpu.memory_space<vmem>> -> memref<125xi32, #tpu.memory_space<vmem>>
    %dma_wait3A_315 = arith.constant 0 : i32
    %dma_wait3A_316 = arith.constant 0 : i32
    %dma_wait3A_317 = tpu.memref_slice %arg10[%dma_wait3A_315, %dma_wait3A_316] : memref<10240x32xf32, #tpu.memory_space<vmem_shared>> -> memref<10240x32xf32, #tpu.memory_space<vmem_shared>>
    tpu.wait_indirect_dma semaphore(%arg20 : memref<!tpu.dma_semaphore, #tpu.memory_space<semaphore_mem>>) src(%dma_wait3A_311 : memref<125x32xf32, #tpu.memory_space<vmem>>) dst(%dma_wait3A_317 : memref<10240x32xf32, #tpu.memory_space<vmem_shared>>)
    %dma_wait3A_318 = arith.constant 2 : i32
    %dma_wait3A_319 = arith.constant 74 : i32
    %dma_wait3A_320 = arith.constant 0 : i32
    %dma_wait3A_321 = arith.constant 0 : i32
    %dma_wait3A_322 = tpu.memref_slice %arg8[%dma_wait3A_318, %dma_wait3A_320, %dma_wait3A_321] : memref<8x125x32xf32, #tpu.memory_space<vmem>> -> memref<1x125x32xf32, #tpu.memory_space<vmem>>
    %dma_wait3A_323 = tpu.memref_squeeze %dma_wait3A_322 : memref<1x125x32xf32, #tpu.memory_space<vmem>> -> memref<125x32xf32, #tpu.memory_space<vmem>>
    %dma_wait3A_324 = arith.constant 0 : i32
    %dma_wait3A_325 = tpu.memref_slice %arg7[%dma_wait3A_319, %dma_wait3A_324] : memref<80x125xi32, #tpu.memory_space<vmem>> -> memref<1x125xi32, #tpu.memory_space<vmem>>
    %dma_wait3A_326 = tpu.memref_squeeze %dma_wait3A_325 : memref<1x125xi32, #tpu.memory_space<vmem>> -> memref<125xi32, #tpu.memory_space<vmem>>
    %dma_wait3A_327 = arith.constant 0 : i32
    %dma_wait3A_328 = arith.constant 0 : i32
    %dma_wait3A_329 = tpu.memref_slice %arg10[%dma_wait3A_327, %dma_wait3A_328] : memref<10240x32xf32, #tpu.memory_space<vmem_shared>> -> memref<10240x32xf32, #tpu.memory_space<vmem_shared>>
    tpu.wait_indirect_dma semaphore(%arg21 : memref<!tpu.dma_semaphore, #tpu.memory_space<semaphore_mem>>) src(%dma_wait3A_323 : memref<125x32xf32, #tpu.memory_space<vmem>>) dst(%dma_wait3A_329 : memref<10240x32xf32, #tpu.memory_space<vmem_shared>>)
    %dma_wait3A_330 = arith.constant 3 : i32
    %dma_wait3A_331 = arith.constant 75 : i32
    %dma_wait3A_332 = arith.constant 0 : i32
    %dma_wait3A_333 = arith.constant 0 : i32
    %dma_wait3A_334 = tpu.memref_slice %arg8[%dma_wait3A_330, %dma_wait3A_332, %dma_wait3A_333] : memref<8x125x32xf32, #tpu.memory_space<vmem>> -> memref<1x125x32xf32, #tpu.memory_space<vmem>>
    %dma_wait3A_335 = tpu.memref_squeeze %dma_wait3A_334 : memref<1x125x32xf32, #tpu.memory_space<vmem>> -> memref<125x32xf32, #tpu.memory_space<vmem>>
    %dma_wait3A_336 = arith.constant 0 : i32
    %dma_wait3A_337 = tpu.memref_slice %arg7[%dma_wait3A_331, %dma_wait3A_336] : memref<80x125xi32, #tpu.memory_space<vmem>> -> memref<1x125xi32, #tpu.memory_space<vmem>>
    %dma_wait3A_338 = tpu.memref_squeeze %dma_wait3A_337 : memref<1x125xi32, #tpu.memory_space<vmem>> -> memref<125xi32, #tpu.memory_space<vmem>>
    %dma_wait3A_339 = arith.constant 0 : i32
    %dma_wait3A_340 = arith.constant 0 : i32
    %dma_wait3A_341 = tpu.memref_slice %arg10[%dma_wait3A_339, %dma_wait3A_340] : memref<10240x32xf32, #tpu.memory_space<vmem_shared>> -> memref<10240x32xf32, #tpu.memory_space<vmem_shared>>
    tpu.wait_indirect_dma semaphore(%arg22 : memref<!tpu.dma_semaphore, #tpu.memory_space<semaphore_mem>>) src(%dma_wait3A_335 : memref<125x32xf32, #tpu.memory_space<vmem>>) dst(%dma_wait3A_341 : memref<10240x32xf32, #tpu.memory_space<vmem_shared>>)
    %dma_wait3A_342 = arith.constant 4 : i32
    %dma_wait3A_343 = arith.constant 76 : i32
    %dma_wait3A_344 = arith.constant 0 : i32
    %dma_wait3A_345 = arith.constant 0 : i32
    %dma_wait3A_346 = tpu.memref_slice %arg8[%dma_wait3A_342, %dma_wait3A_344, %dma_wait3A_345] : memref<8x125x32xf32, #tpu.memory_space<vmem>> -> memref<1x125x32xf32, #tpu.memory_space<vmem>>
    %dma_wait3A_347 = tpu.memref_squeeze %dma_wait3A_346 : memref<1x125x32xf32, #tpu.memory_space<vmem>> -> memref<125x32xf32, #tpu.memory_space<vmem>>
    %dma_wait3A_348 = arith.constant 0 : i32
    %dma_wait3A_349 = tpu.memref_slice %arg7[%dma_wait3A_343, %dma_wait3A_348] : memref<80x125xi32, #tpu.memory_space<vmem>> -> memref<1x125xi32, #tpu.memory_space<vmem>>
    %dma_wait3A_350 = tpu.memref_squeeze %dma_wait3A_349 : memref<1x125xi32, #tpu.memory_space<vmem>> -> memref<125xi32, #tpu.memory_space<vmem>>
    %dma_wait3A_351 = arith.constant 0 : i32
    %dma_wait3A_352 = arith.constant 0 : i32
    %dma_wait3A_353 = tpu.memref_slice %arg10[%dma_wait3A_351, %dma_wait3A_352] : memref<10240x32xf32, #tpu.memory_space<vmem_shared>> -> memref<10240x32xf32, #tpu.memory_space<vmem_shared>>
    tpu.wait_indirect_dma semaphore(%arg23 : memref<!tpu.dma_semaphore, #tpu.memory_space<semaphore_mem>>) src(%dma_wait3A_347 : memref<125x32xf32, #tpu.memory_space<vmem>>) dst(%dma_wait3A_353 : memref<10240x32xf32, #tpu.memory_space<vmem_shared>>)
    %dma_wait3A_354 = arith.constant 5 : i32
    %dma_wait3A_355 = arith.constant 77 : i32
    %dma_wait3A_356 = arith.constant 0 : i32
    %dma_wait3A_357 = arith.constant 0 : i32
    %dma_wait3A_358 = tpu.memref_slice %arg8[%dma_wait3A_354, %dma_wait3A_356, %dma_wait3A_357] : memref<8x125x32xf32, #tpu.memory_space<vmem>> -> memref<1x125x32xf32, #tpu.memory_space<vmem>>
    %dma_wait3A_359 = tpu.memref_squeeze %dma_wait3A_358 : memref<1x125x32xf32, #tpu.memory_space<vmem>> -> memref<125x32xf32, #tpu.memory_space<vmem>>
    %dma_wait3A_360 = arith.constant 0 : i32
    %dma_wait3A_361 = tpu.memref_slice %arg7[%dma_wait3A_355, %dma_wait3A_360] : memref<80x125xi32, #tpu.memory_space<vmem>> -> memref<1x125xi32, #tpu.memory_space<vmem>>
    %dma_wait3A_362 = tpu.memref_squeeze %dma_wait3A_361 : memref<1x125xi32, #tpu.memory_space<vmem>> -> memref<125xi32, #tpu.memory_space<vmem>>
    %dma_wait3A_363 = arith.constant 0 : i32
    %dma_wait3A_364 = arith.constant 0 : i32
    %dma_wait3A_365 = tpu.memref_slice %arg10[%dma_wait3A_363, %dma_wait3A_364] : memref<10240x32xf32, #tpu.memory_space<vmem_shared>> -> memref<10240x32xf32, #tpu.memory_space<vmem_shared>>
    tpu.wait_indirect_dma semaphore(%arg24 : memref<!tpu.dma_semaphore, #tpu.memory_space<semaphore_mem>>) src(%dma_wait3A_359 : memref<125x32xf32, #tpu.memory_space<vmem>>) dst(%dma_wait3A_365 : memref<10240x32xf32, #tpu.memory_space<vmem_shared>>)
    %dma_wait3A_366 = arith.constant 6 : i32
    %dma_wait3A_367 = arith.constant 78 : i32
    %dma_wait3A_368 = arith.constant 0 : i32
    %dma_wait3A_369 = arith.constant 0 : i32
    %dma_wait3A_370 = tpu.memref_slice %arg8[%dma_wait3A_366, %dma_wait3A_368, %dma_wait3A_369] : memref<8x125x32xf32, #tpu.memory_space<vmem>> -> memref<1x125x32xf32, #tpu.memory_space<vmem>>
    %dma_wait3A_371 = tpu.memref_squeeze %dma_wait3A_370 : memref<1x125x32xf32, #tpu.memory_space<vmem>> -> memref<125x32xf32, #tpu.memory_space<vmem>>
    %dma_wait3A_372 = arith.constant 0 : i32
    %dma_wait3A_373 = tpu.memref_slice %arg7[%dma_wait3A_367, %dma_wait3A_372] : memref<80x125xi32, #tpu.memory_space<vmem>> -> memref<1x125xi32, #tpu.memory_space<vmem>>
    %dma_wait3A_374 = tpu.memref_squeeze %dma_wait3A_373 : memref<1x125xi32, #tpu.memory_space<vmem>> -> memref<125xi32, #tpu.memory_space<vmem>>
    %dma_wait3A_375 = arith.constant 0 : i32
    %dma_wait3A_376 = arith.constant 0 : i32
    %dma_wait3A_377 = tpu.memref_slice %arg10[%dma_wait3A_375, %dma_wait3A_376] : memref<10240x32xf32, #tpu.memory_space<vmem_shared>> -> memref<10240x32xf32, #tpu.memory_space<vmem_shared>>
    tpu.wait_indirect_dma semaphore(%arg25 : memref<!tpu.dma_semaphore, #tpu.memory_space<semaphore_mem>>) src(%dma_wait3A_371 : memref<125x32xf32, #tpu.memory_space<vmem>>) dst(%dma_wait3A_377 : memref<10240x32xf32, #tpu.memory_space<vmem_shared>>)
    %dma_wait3A_378 = arith.constant 7 : i32
    %dma_wait3A_379 = arith.constant 79 : i32
    %dma_wait3A_380 = arith.constant 0 : i32
    %dma_wait3A_381 = arith.constant 0 : i32
    %dma_wait3A_382 = tpu.memref_slice %arg8[%dma_wait3A_378, %dma_wait3A_380, %dma_wait3A_381] : memref<8x125x32xf32, #tpu.memory_space<vmem>> -> memref<1x125x32xf32, #tpu.memory_space<vmem>>
    %dma_wait3A_383 = tpu.memref_squeeze %dma_wait3A_382 : memref<1x125x32xf32, #tpu.memory_space<vmem>> -> memref<125x32xf32, #tpu.memory_space<vmem>>
    %dma_wait3A_384 = arith.constant 0 : i32
    %dma_wait3A_385 = tpu.memref_slice %arg7[%dma_wait3A_379, %dma_wait3A_384] : memref<80x125xi32, #tpu.memory_space<vmem>> -> memref<1x125xi32, #tpu.memory_space<vmem>>
    %dma_wait3A_386 = tpu.memref_squeeze %dma_wait3A_385 : memref<1x125xi32, #tpu.memory_space<vmem>> -> memref<125xi32, #tpu.memory_space<vmem>>
    %dma_wait3A_387 = arith.constant 0 : i32
    %dma_wait3A_388 = arith.constant 0 : i32
    %dma_wait3A_389 = tpu.memref_slice %arg10[%dma_wait3A_387, %dma_wait3A_388] : memref<10240x32xf32, #tpu.memory_space<vmem_shared>> -> memref<10240x32xf32, #tpu.memory_space<vmem_shared>>
    tpu.wait_indirect_dma semaphore(%arg26 : memref<!tpu.dma_semaphore, #tpu.memory_space<semaphore_mem>>) src(%dma_wait3A_383 : memref<125x32xf32, #tpu.memory_space<vmem>>) dst(%dma_wait3A_389 : memref<10240x32xf32, #tpu.memory_space<vmem_shared>>)
    %barrier3A_390 = arith.constant 0 : index
    tpu.barrier barrier_id(%barrier3A_390)
    "tpu.region"() ({
      %run_scoped3A = tpu.sem_alloc : memref<!tpu.dma_semaphore, #tpu.memory_space<semaphore_mem>>
      %dma_start3A_391 = arith.constant 0 : i32
      %dma_start3A_392 = tpu.memref_slice %arg10[%mul3A_2, %dma_start3A_391] : memref<10240x32xf32, #tpu.memory_space<vmem_shared>> -> memref<640x32xf32, #tpu.memory_space<vmem_shared>>
      %dma_start3A_393 = arith.constant 0 : i32
      %dma_start3A_394 = tpu.memref_slice %arg10[%mul3A_2, %dma_start3A_393] : memref<10240x32xf32, #tpu.memory_space<vmem_shared>> -> memref<640x32xf32, #tpu.memory_space<vmem_shared>>
      tpu.enqueue_dma source(%dma_start3A_394 : memref<640x32xf32, #tpu.memory_space<vmem_shared>>) target(%arg9 : memref<640x32xf32, #tpu.memory_space<vmem>>) target_semaphore(%run_scoped3A : memref<!tpu.dma_semaphore, #tpu.memory_space<semaphore_mem>>)
      %dma_wait3A_395 = arith.constant 0 : i32
      %dma_wait3A_396 = tpu.memref_slice %arg10[%mul3A_2, %dma_wait3A_395] : memref<10240x32xf32, #tpu.memory_space<vmem_shared>> -> memref<640x32xf32, #tpu.memory_space<vmem_shared>>
      %dma_wait3A_397 = arith.constant 0 : i32
      %dma_wait3A_398 = tpu.memref_slice %arg10[%mul3A_2, %dma_wait3A_397] : memref<10240x32xf32, #tpu.memory_space<vmem_shared>> -> memref<640x32xf32, #tpu.memory_space<vmem_shared>>
      tpu.wait_dma2 semaphore(%run_scoped3A : memref<!tpu.dma_semaphore, #tpu.memory_space<semaphore_mem>>) src(%dma_wait3A_398 : memref<640x32xf32, #tpu.memory_space<vmem_shared>>) dst(%arg9 : memref<640x32xf32, #tpu.memory_space<vmem>>)
      tpu.yield
    }) : () -> ()
    "tpu.region"() ({
      %run_scoped3A = tpu.sem_alloc : memref<!tpu.dma_semaphore, #tpu.memory_space<semaphore_mem>>
      %dma_start3A_391 = arith.constant 0 : i32
      %dma_start3A_392 = arith.constant 0 : i32
      %dma_start3A_393 = tpu.memref_slice %arg5[%arg0, %dma_start3A_391, %dma_start3A_392] : memref<2x10240x32xf32, #tpu.memory_space<hbm>> -> memref<1x10240x32xf32, #tpu.memory_space<hbm>>
      %dma_start3A_394 = tpu.memref_squeeze %dma_start3A_393 : memref<1x10240x32xf32, #tpu.memory_space<hbm>> -> memref<10240x32xf32, #tpu.memory_space<hbm>>
      %dma_start3A_395 = arith.constant 0 : i32
      %dma_start3A_396 = tpu.memref_slice %dma_start3A_394[%mul3A_2, %dma_start3A_395] : memref<10240x32xf32, #tpu.memory_space<hbm>> -> memref<640x32xf32, #tpu.memory_space<hbm>>
      %dma_start3A_397 = arith.constant 0 : i32
      %dma_start3A_398 = arith.constant 0 : i32
      %dma_start3A_399 = tpu.memref_slice %arg5[%arg0, %dma_start3A_397, %dma_start3A_398] : memref<2x10240x32xf32, #tpu.memory_space<hbm>> -> memref<1x10240x32xf32, #tpu.memory_space<hbm>>
      %dma_start3A_400 = tpu.memref_squeeze %dma_start3A_399 : memref<1x10240x32xf32, #tpu.memory_space<hbm>> -> memref<10240x32xf32, #tpu.memory_space<hbm>>
      %dma_start3A_401 = arith.constant 0 : i32
      %dma_start3A_402 = tpu.memref_slice %dma_start3A_400[%mul3A_2, %dma_start3A_401] : memref<10240x32xf32, #tpu.memory_space<hbm>> -> memref<640x32xf32, #tpu.memory_space<hbm>>
      tpu.enqueue_dma source(%arg9 : memref<640x32xf32, #tpu.memory_space<vmem>>) target(%dma_start3A_402 : memref<640x32xf32, #tpu.memory_space<hbm>>) target_semaphore(%run_scoped3A : memref<!tpu.dma_semaphore, #tpu.memory_space<semaphore_mem>>)
      %dma_wait3A_403 = arith.constant 0 : i32
      %dma_wait3A_404 = arith.constant 0 : i32
      %dma_wait3A_405 = tpu.memref_slice %arg5[%arg0, %dma_wait3A_403, %dma_wait3A_404] : memref<2x10240x32xf32, #tpu.memory_space<hbm>> -> memref<1x10240x32xf32, #tpu.memory_space<hbm>>
      %dma_wait3A_406 = tpu.memref_squeeze %dma_wait3A_405 : memref<1x10240x32xf32, #tpu.memory_space<hbm>> -> memref<10240x32xf32, #tpu.memory_space<hbm>>
      %dma_wait3A_407 = arith.constant 0 : i32
      %dma_wait3A_408 = tpu.memref_slice %dma_wait3A_406[%mul3A_2, %dma_wait3A_407] : memref<10240x32xf32, #tpu.memory_space<hbm>> -> memref<640x32xf32, #tpu.memory_space<hbm>>
      %dma_wait3A_409 = arith.constant 0 : i32
      %dma_wait3A_410 = arith.constant 0 : i32
      %dma_wait3A_411 = tpu.memref_slice %arg5[%arg0, %dma_wait3A_409, %dma_wait3A_410] : memref<2x10240x32xf32, #tpu.memory_space<hbm>> -> memref<1x10240x32xf32, #tpu.memory_space<hbm>>
      %dma_wait3A_412 = tpu.memref_squeeze %dma_wait3A_411 : memref<1x10240x32xf32, #tpu.memory_space<hbm>> -> memref<10240x32xf32, #tpu.memory_space<hbm>>
      %dma_wait3A_413 = arith.constant 0 : i32
      %dma_wait3A_414 = tpu.memref_slice %dma_wait3A_412[%mul3A_2, %dma_wait3A_413] : memref<10240x32xf32, #tpu.memory_space<hbm>> -> memref<640x32xf32, #tpu.memory_space<hbm>>
      tpu.wait_dma2 semaphore(%run_scoped3A : memref<!tpu.dma_semaphore, #tpu.memory_space<semaphore_mem>>) src(%arg9 : memref<640x32xf32, #tpu.memory_space<vmem>>) dst(%dma_wait3A_414 : memref<640x32xf32, #tpu.memory_space<hbm>>)
      tpu.yield
    }) : () -> ()
    return
  }
}

#map = affine_map<(d0, d1) -> (0, 0, 0)>
#map1 = affine_map<(d0, d1) -> (0)>
#map2 = affine_map<(d0, d1) -> (0, 0)>
module attributes {stable_mosaic.version = 14 : i64} {
  func.func @_deg_kernel(%arg0: i32, %arg1: i32, %arg2: memref<32x80x125xi32, #tpu.memory_space<hbm>>, %arg3: memref<10240xf32, #tpu.memory_space<hbm>>, %arg4: memref<2x10240xf32, #tpu.memory_space<hbm>>, %arg5: memref<80x125xi32, #tpu.memory_space<vmem>>, %arg6: memref<125xf32, #tpu.memory_space<vmem>>, %arg7: memref<10240xf32, #tpu.memory_space<vmem_shared>>, %arg8: memref<!tpu.dma_semaphore, #tpu.memory_space<semaphore_mem>>) attributes {dimension_semantics = [#tpu.dimension_semantics<core_parallel>, #tpu.dimension_semantics<subcore_parallel>], iteration_bounds = array<i64: 2, 16>, scalar_prefetch = 0 : i64, scratch_operands = 4 : i64, tpu.core_type = #tpu.core_type<sc_vector_subcore>, window_params = [{transform_indices = #map}, {transform_indices = #map1}, {transform_indices = #map2}]} {
    %mul3A = arith.constant 16 : i32
    %mul3A_0 = arith.muli %arg0, %mul3A : i32
    %add3A = arith.addi %mul3A_0, %arg1 : i32
    %broadcast_in_dim3A = arith.constant 1.000000e+00 : f32
    %broadcast_in_dim3A_1 = vector.broadcast %broadcast_in_dim3A : f32 to vector<16xf32>
    %swap3A = arith.constant 0 : index
    %swap3A_2 = tpu.vector_load %arg6[%swap3A] {strides = array<i32>} : memref<125xf32, #tpu.memory_space<vmem>>, vector<16xf32>,
    %swap3A_3 = vector.shape_cast %swap3A_2 : vector<16xf32> to vector<16xf32>
    %swap3A_4 = vector.shape_cast %broadcast_in_dim3A_1 : vector<16xf32> to vector<16xf32>
    tpu.vector_store %arg6[%swap3A], %swap3A_4 {strides = array<i32>} : memref<125xf32, #tpu.memory_space<vmem>>, vector<16xf32>,
    %broadcast_in_dim3A_5 = arith.constant 1.000000e+00 : f32
    %broadcast_in_dim3A_6 = vector.broadcast %broadcast_in_dim3A_5 : f32 to vector<16xf32>
    %swap3A_7 = arith.constant 16 : index
    %swap3A_8 = tpu.vector_load %arg6[%swap3A_7] {strides = array<i32>} : memref<125xf32, #tpu.memory_space<vmem>>, vector<16xf32>,
    %swap3A_9 = vector.shape_cast %swap3A_8 : vector<16xf32> to vector<16xf32>
    %swap3A_10 = vector.shape_cast %broadcast_in_dim3A_6 : vector<16xf32> to vector<16xf32>
    tpu.vector_store %arg6[%swap3A_7], %swap3A_10 {strides = array<i32>} : memref<125xf32, #tpu.memory_space<vmem>>, vector<16xf32>,
    %broadcast_in_dim3A_11 = arith.constant 1.000000e+00 : f32
    %broadcast_in_dim3A_12 = vector.broadcast %broadcast_in_dim3A_11 : f32 to vector<16xf32>
    %swap3A_13 = arith.constant 32 : index
    %swap3A_14 = tpu.vector_load %arg6[%swap3A_13] {strides = array<i32>} : memref<125xf32, #tpu.memory_space<vmem>>, vector<16xf32>,
    %swap3A_15 = vector.shape_cast %swap3A_14 : vector<16xf32> to vector<16xf32>
    %swap3A_16 = vector.shape_cast %broadcast_in_dim3A_12 : vector<16xf32> to vector<16xf32>
    tpu.vector_store %arg6[%swap3A_13], %swap3A_16 {strides = array<i32>} : memref<125xf32, #tpu.memory_space<vmem>>, vector<16xf32>,
    %broadcast_in_dim3A_17 = arith.constant 1.000000e+00 : f32
    %broadcast_in_dim3A_18 = vector.broadcast %broadcast_in_dim3A_17 : f32 to vector<16xf32>
    %swap3A_19 = arith.constant 48 : index
    %swap3A_20 = tpu.vector_load %arg6[%swap3A_19] {strides = array<i32>} : memref<125xf32, #tpu.memory_space<vmem>>, vector<16xf32>,
    %swap3A_21 = vector.shape_cast %swap3A_20 : vector<16xf32> to vector<16xf32>
    %swap3A_22 = vector.shape_cast %broadcast_in_dim3A_18 : vector<16xf32> to vector<16xf32>
    tpu.vector_store %arg6[%swap3A_19], %swap3A_22 {strides = array<i32>} : memref<125xf32, #tpu.memory_space<vmem>>, vector<16xf32>,
    %broadcast_in_dim3A_23 = arith.constant 1.000000e+00 : f32
    %broadcast_in_dim3A_24 = vector.broadcast %broadcast_in_dim3A_23 : f32 to vector<16xf32>
    %swap3A_25 = arith.constant 64 : index
    %swap3A_26 = tpu.vector_load %arg6[%swap3A_25] {strides = array<i32>} : memref<125xf32, #tpu.memory_space<vmem>>, vector<16xf32>,
    %swap3A_27 = vector.shape_cast %swap3A_26 : vector<16xf32> to vector<16xf32>
    %swap3A_28 = vector.shape_cast %broadcast_in_dim3A_24 : vector<16xf32> to vector<16xf32>
    tpu.vector_store %arg6[%swap3A_25], %swap3A_28 {strides = array<i32>} : memref<125xf32, #tpu.memory_space<vmem>>, vector<16xf32>,
    %broadcast_in_dim3A_29 = arith.constant 1.000000e+00 : f32
    %broadcast_in_dim3A_30 = vector.broadcast %broadcast_in_dim3A_29 : f32 to vector<16xf32>
    %swap3A_31 = arith.constant 80 : index
    %swap3A_32 = tpu.vector_load %arg6[%swap3A_31] {strides = array<i32>} : memref<125xf32, #tpu.memory_space<vmem>>, vector<16xf32>,
    %swap3A_33 = vector.shape_cast %swap3A_32 : vector<16xf32> to vector<16xf32>
    %swap3A_34 = vector.shape_cast %broadcast_in_dim3A_30 : vector<16xf32> to vector<16xf32>
    tpu.vector_store %arg6[%swap3A_31], %swap3A_34 {strides = array<i32>} : memref<125xf32, #tpu.memory_space<vmem>>, vector<16xf32>,
    %broadcast_in_dim3A_35 = arith.constant 1.000000e+00 : f32
    %broadcast_in_dim3A_36 = vector.broadcast %broadcast_in_dim3A_35 : f32 to vector<16xf32>
    %swap3A_37 = arith.constant 96 : index
    %swap3A_38 = tpu.vector_load %arg6[%swap3A_37] {strides = array<i32>} : memref<125xf32, #tpu.memory_space<vmem>>, vector<16xf32>,
    %swap3A_39 = vector.shape_cast %swap3A_38 : vector<16xf32> to vector<16xf32>
    %swap3A_40 = vector.shape_cast %broadcast_in_dim3A_36 : vector<16xf32> to vector<16xf32>
    tpu.vector_store %arg6[%swap3A_37], %swap3A_40 {strides = array<i32>} : memref<125xf32, #tpu.memory_space<vmem>>, vector<16xf32>,
    %broadcast_in_dim3A_41 = arith.constant 1.000000e+00 : f32
    %broadcast_in_dim3A_42 = vector.broadcast %broadcast_in_dim3A_41 : f32 to vector<16xf32>
    %swap3A_43 = arith.constant 109 : index
    %swap3A_44 = tpu.vector_load %arg6[%swap3A_43] {strides = array<i32>} : memref<125xf32, #tpu.memory_space<vmem>>, vector<16xf32>,
    %swap3A_45 = vector.shape_cast %swap3A_44 : vector<16xf32> to vector<16xf32>
    %swap3A_46 = vector.shape_cast %broadcast_in_dim3A_42 : vector<16xf32> to vector<16xf32>
    tpu.vector_store %arg6[%swap3A_43], %swap3A_46 {strides = array<i32>} : memref<125xf32, #tpu.memory_space<vmem>>, vector<16xf32>,
    "tpu.region"() ({
      %run_scoped3A = tpu.sem_alloc : memref<!tpu.dma_semaphore, #tpu.memory_space<semaphore_mem>>
      %dma_start3A = arith.constant 0 : i32
      %dma_start3A_61 = arith.constant 0 : i32
      %dma_start3A_62 = tpu.memref_slice %arg2[%add3A, %dma_start3A, %dma_start3A_61] : memref<32x80x125xi32, #tpu.memory_space<hbm>> -> memref<1x80x125xi32, #tpu.memory_space<hbm>>
      %dma_start3A_63 = tpu.memref_squeeze %dma_start3A_62 : memref<1x80x125xi32, #tpu.memory_space<hbm>> -> memref<80x125xi32, #tpu.memory_space<hbm>>
      %dma_start3A_64 = arith.constant 0 : i32
      %dma_start3A_65 = arith.constant 0 : i32
      %dma_start3A_66 = tpu.memref_slice %arg2[%add3A, %dma_start3A_64, %dma_start3A_65] : memref<32x80x125xi32, #tpu.memory_space<hbm>> -> memref<1x80x125xi32, #tpu.memory_space<hbm>>
      %dma_start3A_67 = tpu.memref_squeeze %dma_start3A_66 : memref<1x80x125xi32, #tpu.memory_space<hbm>> -> memref<80x125xi32, #tpu.memory_space<hbm>>
      tpu.enqueue_dma source(%dma_start3A_67 : memref<80x125xi32, #tpu.memory_space<hbm>>) target(%arg5 : memref<80x125xi32, #tpu.memory_space<vmem>>) target_semaphore(%run_scoped3A : memref<!tpu.dma_semaphore, #tpu.memory_space<semaphore_mem>>)
      %dma_wait3A = arith.constant 0 : i32
      %dma_wait3A_68 = arith.constant 0 : i32
      %dma_wait3A_69 = tpu.memref_slice %arg2[%add3A, %dma_wait3A, %dma_wait3A_68] : memref<32x80x125xi32, #tpu.memory_space<hbm>> -> memref<1x80x125xi32, #tpu.memory_space<hbm>>
      %dma_wait3A_70 = tpu.memref_squeeze %dma_wait3A_69 : memref<1x80x125xi32, #tpu.memory_space<hbm>> -> memref<80x125xi32, #tpu.memory_space<hbm>>
      %dma_wait3A_71 = arith.constant 0 : i32
      %dma_wait3A_72 = arith.constant 0 : i32
      %dma_wait3A_73 = tpu.memref_slice %arg2[%add3A, %dma_wait3A_71, %dma_wait3A_72] : memref<32x80x125xi32, #tpu.memory_space<hbm>> -> memref<1x80x125xi32, #tpu.memory_space<hbm>>
      %dma_wait3A_74 = tpu.memref_squeeze %dma_wait3A_73 : memref<1x80x125xi32, #tpu.memory_space<hbm>> -> memref<80x125xi32, #tpu.memory_space<hbm>>
      tpu.wait_dma2 semaphore(%run_scoped3A : memref<!tpu.dma_semaphore, #tpu.memory_space<semaphore_mem>>) src(%dma_wait3A_74 : memref<80x125xi32, #tpu.memory_space<hbm>>) dst(%arg5 : memref<80x125xi32, #tpu.memory_space<vmem>>)
      tpu.yield
    }) : () -> ()
    %mul3A_47 = arith.constant 640 : i32
    %mul3A_48 = arith.muli %arg1, %mul3A_47 : i32
    "tpu.region"() ({
      %run_scoped3A = tpu.sem_alloc : memref<!tpu.dma_semaphore, #tpu.memory_space<semaphore_mem>>
      %dma_start3A = tpu.memref_slice %arg7[%mul3A_48] : memref<10240xf32, #tpu.memory_space<vmem_shared>> -> memref<640xf32, #tpu.memory_space<vmem_shared>>
      %dma_start3A_61 = tpu.memref_slice %arg3[%mul3A_48] : memref<10240xf32, #tpu.memory_space<hbm>> -> memref<640xf32, #tpu.memory_space<hbm>>
      tpu.enqueue_dma source(%dma_start3A_61 : memref<640xf32, #tpu.memory_space<hbm>>) target(%dma_start3A : memref<640xf32, #tpu.memory_space<vmem_shared>>) target_semaphore(%run_scoped3A : memref<!tpu.dma_semaphore, #tpu.memory_space<semaphore_mem>>)
      %dma_wait3A = tpu.memref_slice %arg7[%mul3A_48] : memref<10240xf32, #tpu.memory_space<vmem_shared>> -> memref<640xf32, #tpu.memory_space<vmem_shared>>
      %dma_wait3A_62 = tpu.memref_slice %arg3[%mul3A_48] : memref<10240xf32, #tpu.memory_space<hbm>> -> memref<640xf32, #tpu.memory_space<hbm>>
      tpu.wait_dma2 semaphore(%run_scoped3A : memref<!tpu.dma_semaphore, #tpu.memory_space<semaphore_mem>>) src(%dma_wait3A_62 : memref<640xf32, #tpu.memory_space<hbm>>) dst(%dma_wait3A : memref<640xf32, #tpu.memory_space<vmem_shared>>)
      tpu.yield
    }) : () -> ()
    %barrier3A = arith.constant 0 : index
    tpu.barrier barrier_id(%barrier3A)
    %scan3A = arith.constant 0 : i32
    %scan3A_49 = arith.constant 0 : i32
    %scan3A_50 = arith.constant 80 : i32
    %scan3A_51 = arith.addi %scan3A_49, %scan3A_50 : i32
    %scan3A_52 = arith.constant 1 : i32
    scf.for %scan3A_61 = %scan3A_49 to %scan3A_51 step %scan3A_52  : i32 {
      %dma_start3A = arith.constant 0 : i32
      %dma_start3A_62 = tpu.memref_slice %arg5[%scan3A_61, %dma_start3A] : memref<80x125xi32, #tpu.memory_space<vmem>> -> memref<1x125xi32, #tpu.memory_space<vmem>>
      %dma_start3A_63 = tpu.memref_squeeze %dma_start3A_62 : memref<1x125xi32, #tpu.memory_space<vmem>> -> memref<125xi32, #tpu.memory_space<vmem>>
      %dma_start3A_64 = arith.constant 0 : i32
      %dma_start3A_65 = tpu.memref_slice %arg7[%dma_start3A_64] : memref<10240xf32, #tpu.memory_space<vmem_shared>> -> memref<10240xf32, #tpu.memory_space<vmem_shared>>
      tpu.enqueue_indirect_dma source(%arg6 : memref<125xf32, #tpu.memory_space<vmem>>) target(%dma_start3A_65 : memref<10240xf32, #tpu.memory_space<vmem_shared>>) offsets(%dma_start3A_63 : memref<125xi32, #tpu.memory_space<vmem>>) semaphore(%arg8 : memref<!tpu.dma_semaphore, #tpu.memory_space<semaphore_mem>>) {add = true}
    }
    %scan3A_53 = arith.constant 80 : i32
    %scan3A_54 = arith.constant 0 : i32
    %scan3A_55 = arith.constant 0 : i32
    %scan3A_56 = arith.constant 80 : i32
    %scan3A_57 = arith.addi %scan3A_55, %scan3A_56 : i32
    %scan3A_58 = arith.constant 1 : i32
    scf.for %scan3A_61 = %scan3A_55 to %scan3A_57 step %scan3A_58  : i32 {
      %dma_wait3A = arith.constant 0 : i32
      %dma_wait3A_62 = arith.constant 0 : i32
      %dma_wait3A_63 = tpu.memref_slice %arg5[%dma_wait3A, %dma_wait3A_62] : memref<80x125xi32, #tpu.memory_space<vmem>> -> memref<1x125xi32, #tpu.memory_space<vmem>>
      %dma_wait3A_64 = tpu.memref_squeeze %dma_wait3A_63 : memref<1x125xi32, #tpu.memory_space<vmem>> -> memref<125xi32, #tpu.memory_space<vmem>>
      %dma_wait3A_65 = arith.constant 0 : i32
      %dma_wait3A_66 = tpu.memref_slice %arg7[%dma_wait3A_65] : memref<10240xf32, #tpu.memory_space<vmem_shared>> -> memref<10240xf32, #tpu.memory_space<vmem_shared>>
      tpu.wait_indirect_dma semaphore(%arg8 : memref<!tpu.dma_semaphore, #tpu.memory_space<semaphore_mem>>) src(%arg6 : memref<125xf32, #tpu.memory_space<vmem>>) dst(%dma_wait3A_66 : memref<10240xf32, #tpu.memory_space<vmem_shared>>)
    }
    %scan3A_59 = arith.constant 80 : i32
    %barrier3A_60 = arith.constant 0 : index
    tpu.barrier barrier_id(%barrier3A_60)
    "tpu.region"() ({
      %run_scoped3A = tpu.sem_alloc : memref<!tpu.dma_semaphore, #tpu.memory_space<semaphore_mem>>
      %dma_start3A = arith.constant 0 : i32
      %dma_start3A_61 = tpu.memref_slice %arg4[%arg0, %dma_start3A] : memref<2x10240xf32, #tpu.memory_space<hbm>> -> memref<1x10240xf32, #tpu.memory_space<hbm>>
      %dma_start3A_62 = tpu.memref_squeeze %dma_start3A_61 : memref<1x10240xf32, #tpu.memory_space<hbm>> -> memref<10240xf32, #tpu.memory_space<hbm>>
      %dma_start3A_63 = tpu.memref_slice %dma_start3A_62[%mul3A_48] : memref<10240xf32, #tpu.memory_space<hbm>> -> memref<640xf32, #tpu.memory_space<hbm>>
      %dma_start3A_64 = tpu.memref_slice %arg7[%mul3A_48] : memref<10240xf32, #tpu.memory_space<vmem_shared>> -> memref<640xf32, #tpu.memory_space<vmem_shared>>
      tpu.enqueue_dma source(%dma_start3A_64 : memref<640xf32, #tpu.memory_space<vmem_shared>>) target(%dma_start3A_63 : memref<640xf32, #tpu.memory_space<hbm>>) target_semaphore(%run_scoped3A : memref<!tpu.dma_semaphore, #tpu.memory_space<semaphore_mem>>)
      %dma_wait3A = arith.constant 0 : i32
      %dma_wait3A_65 = tpu.memref_slice %arg4[%arg0, %dma_wait3A] : memref<2x10240xf32, #tpu.memory_space<hbm>> -> memref<1x10240xf32, #tpu.memory_space<hbm>>
      %dma_wait3A_66 = tpu.memref_squeeze %dma_wait3A_65 : memref<1x10240xf32, #tpu.memory_space<hbm>> -> memref<10240xf32, #tpu.memory_space<hbm>>
      %dma_wait3A_67 = tpu.memref_slice %dma_wait3A_66[%mul3A_48] : memref<10240xf32, #tpu.memory_space<hbm>> -> memref<640xf32, #tpu.memory_space<hbm>>
      %dma_wait3A_68 = tpu.memref_slice %arg7[%mul3A_48] : memref<10240xf32, #tpu.memory_space<vmem_shared>> -> memref<640xf32, #tpu.memory_space<vmem_shared>>
      tpu.wait_dma2 semaphore(%run_scoped3A : memref<!tpu.dma_semaphore, #tpu.memory_space<semaphore_mem>>) src(%dma_wait3A_68 : memref<640xf32, #tpu.memory_space<vmem_shared>>) dst(%dma_wait3A_67 : memref<640xf32, #tpu.memory_space<hbm>>)
      tpu.yield
    }) : () -> ()
    return
  }
}

#map = affine_map<(d0, d1) -> (0, 0)>
#map1 = affine_map<(d0, d1) -> (0, 0, 0)>
module attributes {stable_mosaic.version = 14 : i64} {
  func.func @agg(%arg0: i32, %arg1: i32, %arg2: memref<10240x32xf32, #tpu.memory_space<hbm>>, %arg3: memref<32x80x125xi32, #tpu.memory_space<hbm>>, %arg4: memref<32x80x125xi32, #tpu.memory_space<hbm>>, %arg5: memref<2x10240x32xf32, #tpu.memory_space<hbm>>, %arg6: memref<80x125xi32, #tpu.memory_space<vmem>>, %arg7: memref<80x125xi32, #tpu.memory_space<vmem>>, %arg8: memref<8x125x32xf32, #tpu.memory_space<vmem>>, %arg9: memref<640x32xf32, #tpu.memory_space<vmem>>, %arg10: memref<10240x32xf32, #tpu.memory_space<vmem_shared>>, %arg11: memref<!tpu.dma_semaphore, #tpu.memory_space<semaphore_mem>>, %arg12: memref<!tpu.dma_semaphore, #tpu.memory_space<semaphore_mem>>, %arg13: memref<!tpu.dma_semaphore, #tpu.memory_space<semaphore_mem>>, %arg14: memref<!tpu.dma_semaphore, #tpu.memory_space<semaphore_mem>>, %arg15: memref<!tpu.dma_semaphore, #tpu.memory_space<semaphore_mem>>, %arg16: memref<!tpu.dma_semaphore, #tpu.memory_space<semaphore_mem>>, %arg17: memref<!tpu.dma_semaphore, #tpu.memory_space<semaphore_mem>>, %arg18: memref<!tpu.dma_semaphore, #tpu.memory_space<semaphore_mem>>, %arg19: memref<!tpu.dma_semaphore, #tpu.memory_space<semaphore_mem>>, %arg20: memref<!tpu.dma_semaphore, #tpu.memory_space<semaphore_mem>>, %arg21: memref<!tpu.dma_semaphore, #tpu.memory_space<semaphore_mem>>, %arg22: memref<!tpu.dma_semaphore, #tpu.memory_space<semaphore_mem>>, %arg23: memref<!tpu.dma_semaphore, #tpu.memory_space<semaphore_mem>>, %arg24: memref<!tpu.dma_semaphore, #tpu.memory_space<semaphore_mem>>, %arg25: memref<!tpu.dma_semaphore, #tpu.memory_space<semaphore_mem>>, %arg26: memref<!tpu.dma_semaphore, #tpu.memory_space<semaphore_mem>>) attributes {dimension_semantics = [#tpu.dimension_semantics<core_parallel>, #tpu.dimension_semantics<subcore_parallel>], iteration_bounds = array<i64: 2, 16>, scalar_prefetch = 0 : i64, scratch_operands = 21 : i64, tpu.core_type = #tpu.core_type<sc_vector_subcore>, window_params = [{transform_indices = #map}, {transform_indices = #map1}, {transform_indices = #map1}, {transform_indices = #map1}]} {
    %mul3A = arith.constant 16 : i32
    %mul3A_0 = arith.muli %arg0, %mul3A : i32
    %add3A = arith.addi %mul3A_0, %arg1 : i32
    "tpu.region"() ({
      %run_scoped3A = tpu.sem_alloc : memref<!tpu.dma_semaphore, #tpu.memory_space<semaphore_mem>>
      %dma_start3A_391 = arith.constant 0 : i32
      %dma_start3A_392 = arith.constant 0 : i32
      %dma_start3A_393 = tpu.memref_slice %arg3[%add3A, %dma_start3A_391, %dma_start3A_392] : memref<32x80x125xi32, #tpu.memory_space<hbm>> -> memref<1x80x125xi32, #tpu.memory_space<hbm>>
      %dma_start3A_394 = tpu.memref_squeeze %dma_start3A_393 : memref<1x80x125xi32, #tpu.memory_space<hbm>> -> memref<80x125xi32, #tpu.memory_space<hbm>>
      %dma_start3A_395 = arith.constant 0 : i32
      %dma_start3A_396 = arith.constant 0 : i32
      %dma_start3A_397 = tpu.memref_slice %arg3[%add3A, %dma_start3A_395, %dma_start3A_396] : memref<32x80x125xi32, #tpu.memory_space<hbm>> -> memref<1x80x125xi32, #tpu.memory_space<hbm>>
      %dma_start3A_398 = tpu.memref_squeeze %dma_start3A_397 : memref<1x80x125xi32, #tpu.memory_space<hbm>> -> memref<80x125xi32, #tpu.memory_space<hbm>>
      tpu.enqueue_dma source(%dma_start3A_398 : memref<80x125xi32, #tpu.memory_space<hbm>>) target(%arg6 : memref<80x125xi32, #tpu.memory_space<vmem>>) target_semaphore(%run_scoped3A : memref<!tpu.dma_semaphore, #tpu.memory_space<semaphore_mem>>)
      %dma_wait3A_399 = arith.constant 0 : i32
      %dma_wait3A_400 = arith.constant 0 : i32
      %dma_wait3A_401 = tpu.memref_slice %arg3[%add3A, %dma_wait3A_399, %dma_wait3A_400] : memref<32x80x125xi32, #tpu.memory_space<hbm>> -> memref<1x80x125xi32, #tpu.memory_space<hbm>>
      %dma_wait3A_402 = tpu.memref_squeeze %dma_wait3A_401 : memref<1x80x125xi32, #tpu.memory_space<hbm>> -> memref<80x125xi32, #tpu.memory_space<hbm>>
      %dma_wait3A_403 = arith.constant 0 : i32
      %dma_wait3A_404 = arith.constant 0 : i32
      %dma_wait3A_405 = tpu.memref_slice %arg3[%add3A, %dma_wait3A_403, %dma_wait3A_404] : memref<32x80x125xi32, #tpu.memory_space<hbm>> -> memref<1x80x125xi32, #tpu.memory_space<hbm>>
      %dma_wait3A_406 = tpu.memref_squeeze %dma_wait3A_405 : memref<1x80x125xi32, #tpu.memory_space<hbm>> -> memref<80x125xi32, #tpu.memory_space<hbm>>
      tpu.wait_dma2 semaphore(%run_scoped3A : memref<!tpu.dma_semaphore, #tpu.memory_space<semaphore_mem>>) src(%dma_wait3A_406 : memref<80x125xi32, #tpu.memory_space<hbm>>) dst(%arg6 : memref<80x125xi32, #tpu.memory_space<vmem>>)
      tpu.yield
    }) : () -> ()
    "tpu.region"() ({
      %run_scoped3A = tpu.sem_alloc : memref<!tpu.dma_semaphore, #tpu.memory_space<semaphore_mem>>
      %dma_start3A_391 = arith.constant 0 : i32
      %dma_start3A_392 = arith.constant 0 : i32
      %dma_start3A_393 = tpu.memref_slice %arg4[%add3A, %dma_start3A_391, %dma_start3A_392] : memref<32x80x125xi32, #tpu.memory_space<hbm>> -> memref<1x80x125xi32, #tpu.memory_space<hbm>>
      %dma_start3A_394 = tpu.memref_squeeze %dma_start3A_393 : memref<1x80x125xi32, #tpu.memory_space<hbm>> -> memref<80x125xi32, #tpu.memory_space<hbm>>
      %dma_start3A_395 = arith.constant 0 : i32
      %dma_start3A_396 = arith.constant 0 : i32
      %dma_start3A_397 = tpu.memref_slice %arg4[%add3A, %dma_start3A_395, %dma_start3A_396] : memref<32x80x125xi32, #tpu.memory_space<hbm>> -> memref<1x80x125xi32, #tpu.memory_space<hbm>>
      %dma_start3A_398 = tpu.memref_squeeze %dma_start3A_397 : memref<1x80x125xi32, #tpu.memory_space<hbm>> -> memref<80x125xi32, #tpu.memory_space<hbm>>
      tpu.enqueue_dma source(%dma_start3A_398 : memref<80x125xi32, #tpu.memory_space<hbm>>) target(%arg7 : memref<80x125xi32, #tpu.memory_space<vmem>>) target_semaphore(%run_scoped3A : memref<!tpu.dma_semaphore, #tpu.memory_space<semaphore_mem>>)
      %dma_wait3A_399 = arith.constant 0 : i32
      %dma_wait3A_400 = arith.constant 0 : i32
      %dma_wait3A_401 = tpu.memref_slice %arg4[%add3A, %dma_wait3A_399, %dma_wait3A_400] : memref<32x80x125xi32, #tpu.memory_space<hbm>> -> memref<1x80x125xi32, #tpu.memory_space<hbm>>
      %dma_wait3A_402 = tpu.memref_squeeze %dma_wait3A_401 : memref<1x80x125xi32, #tpu.memory_space<hbm>> -> memref<80x125xi32, #tpu.memory_space<hbm>>
      %dma_wait3A_403 = arith.constant 0 : i32
      %dma_wait3A_404 = arith.constant 0 : i32
      %dma_wait3A_405 = tpu.memref_slice %arg4[%add3A, %dma_wait3A_403, %dma_wait3A_404] : memref<32x80x125xi32, #tpu.memory_space<hbm>> -> memref<1x80x125xi32, #tpu.memory_space<hbm>>
      %dma_wait3A_406 = tpu.memref_squeeze %dma_wait3A_405 : memref<1x80x125xi32, #tpu.memory_space<hbm>> -> memref<80x125xi32, #tpu.memory_space<hbm>>
      tpu.wait_dma2 semaphore(%run_scoped3A : memref<!tpu.dma_semaphore, #tpu.memory_space<semaphore_mem>>) src(%dma_wait3A_406 : memref<80x125xi32, #tpu.memory_space<hbm>>) dst(%arg7 : memref<80x125xi32, #tpu.memory_space<vmem>>)
      tpu.yield
    }) : () -> ()
    %mul3A_1 = arith.constant 640 : i32
    %mul3A_2 = arith.muli %arg1, %mul3A_1 : i32
    "tpu.region"() ({
      %run_scoped3A = tpu.sem_alloc : memref<!tpu.dma_semaphore, #tpu.memory_space<semaphore_mem>>
      %dma_start3A_391 = arith.constant 0 : i32
      %dma_start3A_392 = tpu.memref_slice %arg2[%mul3A_2, %dma_start3A_391] : memref<10240x32xf32, #tpu.memory_space<hbm>> -> memref<640x32xf32, #tpu.memory_space<hbm>>
      %dma_start3A_393 = arith.constant 0 : i32
      %dma_start3A_394 = tpu.memref_slice %arg2[%mul3A_2, %dma_start3A_393] : memref<10240x32xf32, #tpu.memory_space<hbm>> -> memref<640x32xf32, #tpu.memory_space<hbm>>
      tpu.enqueue_dma source(%dma_start3A_394 : memref<640x32xf32, #tpu.memory_space<hbm>>) target(%arg9 : memref<640x32xf32, #tpu.memory_space<vmem>>) target_semaphore(%run_scoped3A : memref<!tpu.dma_semaphore, #tpu.memory_space<semaphore_mem>>)
      %dma_wait3A_395 = arith.constant 0 : i32
      %dma_wait3A_396 = tpu.memref_slice %arg2[%mul3A_2, %dma_wait3A_395] : memref<10240x32xf32, #tpu.memory_space<hbm>> -> memref<640x32xf32, #tpu.memory_space<hbm>>
      %dma_wait3A_397 = arith.constant 0 : i32
      %dma_wait3A_398 = tpu.memref_slice %arg2[%mul3A_2, %dma_wait3A_397] : memref<10240x32xf32, #tpu.memory_space<hbm>> -> memref<640x32xf32, #tpu.memory_space<hbm>>
      tpu.wait_dma2 semaphore(%run_scoped3A : memref<!tpu.dma_semaphore, #tpu.memory_space<semaphore_mem>>) src(%dma_wait3A_398 : memref<640x32xf32, #tpu.memory_space<hbm>>) dst(%arg9 : memref<640x32xf32, #tpu.memory_space<vmem>>)
      tpu.yield
    }) : () -> ()
    "tpu.region"() ({
      %run_scoped3A = tpu.sem_alloc : memref<!tpu.dma_semaphore, #tpu.memory_space<semaphore_mem>>
      %dma_start3A_391 = arith.constant 0 : i32
      %dma_start3A_392 = tpu.memref_slice %arg10[%mul3A_2, %dma_start3A_391] : memref<10240x32xf32, #tpu.memory_space<vmem_shared>> -> memref<640x32xf32, #tpu.memory_space<vmem_shared>>
      %dma_start3A_393 = arith.constant 0 : i32
      %dma_start3A_394 = tpu.memref_slice %arg10[%mul3A_2, %dma_start3A_393] : memref<10240x32xf32, #tpu.memory_space<vmem_shared>> -> memref<640x32xf32, #tpu.memory_space<vmem_shared>>
      tpu.enqueue_dma source(%arg9 : memref<640x32xf32, #tpu.memory_space<vmem>>) target(%dma_start3A_394 : memref<640x32xf32, #tpu.memory_space<vmem_shared>>) target_semaphore(%run_scoped3A : memref<!tpu.dma_semaphore, #tpu.memory_space<semaphore_mem>>)
      %dma_wait3A_395 = arith.constant 0 : i32
      %dma_wait3A_396 = tpu.memref_slice %arg10[%mul3A_2, %dma_wait3A_395] : memref<10240x32xf32, #tpu.memory_space<vmem_shared>> -> memref<640x32xf32, #tpu.memory_space<vmem_shared>>
      %dma_wait3A_397 = arith.constant 0 : i32
      %dma_wait3A_398 = tpu.memref_slice %arg10[%mul3A_2, %dma_wait3A_397] : memref<10240x32xf32, #tpu.memory_space<vmem_shared>> -> memref<640x32xf32, #tpu.memory_space<vmem_shared>>
      tpu.wait_dma2 semaphore(%run_scoped3A : memref<!tpu.dma_semaphore, #tpu.memory_space<semaphore_mem>>) src(%arg9 : memref<640x32xf32, #tpu.memory_space<vmem>>) dst(%dma_wait3A_398 : memref<640x32xf32, #tpu.memory_space<vmem_shared>>)
      tpu.yield
    }) : () -> ()
    %barrier3A = arith.constant 0 : index
    tpu.barrier barrier_id(%barrier3A)
    %dma_start3A = arith.constant 0 : i32
    %dma_start3A_3 = arith.constant 0 : i32
    %dma_start3A_4 = arith.constant 0 : i32
    %dma_start3A_5 = arith.constant 0 : i32
    %dma_start3A_6 = tpu.memref_slice %arg8[%dma_start3A_3, %dma_start3A_4, %dma_start3A_5] : memref<8x125x32xf32, #tpu.memory_space<vmem>> -> memref<1x125x32xf32, #tpu.memory_space<vmem>>
    %dma_start3A_7 = tpu.memref_squeeze %dma_start3A_6 : memref<1x125x32xf32, #tpu.memory_space<vmem>> -> memref<125x32xf32, #tpu.memory_space<vmem>>
    %dma_start3A_8 = arith.constant 0 : i32
    %dma_start3A_9 = tpu.memref_slice %arg6[%dma_start3A, %dma_start3A_8] : memref<80x125xi32, #tpu.memory_space<vmem>> -> memref<1x125xi32, #tpu.memory_space<vmem>>
    %dma_start3A_10 = tpu.memref_squeeze %dma_start3A_9 : memref<1x125xi32, #tpu.memory_space<vmem>> -> memref<125xi32, #tpu.memory_space<vmem>>
    %dma_start3A_11 = arith.constant 0 : i32
    %dma_start3A_12 = arith.constant 0 : i32
    %dma_start3A_13 = tpu.memref_slice %arg2[%dma_start3A_11, %dma_start3A_12] : memref<10240x32xf32, #tpu.memory_space<hbm>> -> memref<10240x32xf32, #tpu.memory_space<hbm>>
    tpu.enqueue_indirect_dma source(%dma_start3A_13 : memref<10240x32xf32, #tpu.memory_space<hbm>>) target(%dma_start3A_7 : memref<125x32xf32, #tpu.memory_space<vmem>>) offsets(%dma_start3A_10 : memref<125xi32, #tpu.memory_space<vmem>>) semaphore(%arg11 : memref<!tpu.dma_semaphore, #tpu.memory_space<semaphore_mem>>)
    %dma_start3A_14 = arith.constant 1 : i32
    %dma_start3A_15 = arith.constant 1 : i32
    %dma_start3A_16 = arith.constant 0 : i32
    %dma_start3A_17 = arith.constant 0 : i32
    %dma_start3A_18 = tpu.memref_slice %arg8[%dma_start3A_15, %dma_start3A_16, %dma_start3A_17] : memref<8x125x32xf32, #tpu.memory_space<vmem>> -> memref<1x125x32xf32, #tpu.memory_space<vmem>>
    %dma_start3A_19 = tpu.memref_squeeze %dma_start3A_18 : memref<1x125x32xf32, #tpu.memory_space<vmem>> -> memref<125x32xf32, #tpu.memory_space<vmem>>
    %dma_start3A_20 = arith.constant 0 : i32
    %dma_start3A_21 = tpu.memref_slice %arg6[%dma_start3A_14, %dma_start3A_20] : memref<80x125xi32, #tpu.memory_space<vmem>> -> memref<1x125xi32, #tpu.memory_space<vmem>>
    %dma_start3A_22 = tpu.memref_squeeze %dma_start3A_21 : memref<1x125xi32, #tpu.memory_space<vmem>> -> memref<125xi32, #tpu.memory_space<vmem>>
    %dma_start3A_23 = arith.constant 0 : i32
    %dma_start3A_24 = arith.constant 0 : i32
    %dma_start3A_25 = tpu.memref_slice %arg2[%dma_start3A_23, %dma_start3A_24] : memref<10240x32xf32, #tpu.memory_space<hbm>> -> memref<10240x32xf32, #tpu.memory_space<hbm>>
    tpu.enqueue_indirect_dma source(%dma_start3A_25 : memref<10240x32xf32, #tpu.memory_space<hbm>>) target(%dma_start3A_19 : memref<125x32xf32, #tpu.memory_space<vmem>>) offsets(%dma_start3A_22 : memref<125xi32, #tpu.memory_space<vmem>>) semaphore(%arg12 : memref<!tpu.dma_semaphore, #tpu.memory_space<semaphore_mem>>)
    %dma_start3A_26 = arith.constant 2 : i32
    %dma_start3A_27 = arith.constant 2 : i32
    %dma_start3A_28 = arith.constant 0 : i32
    %dma_start3A_29 = arith.constant 0 : i32
    %dma_start3A_30 = tpu.memref_slice %arg8[%dma_start3A_27, %dma_start3A_28, %dma_start3A_29] : memref<8x125x32xf32, #tpu.memory_space<vmem>> -> memref<1x125x32xf32, #tpu.memory_space<vmem>>
    %dma_start3A_31 = tpu.memref_squeeze %dma_start3A_30 : memref<1x125x32xf32, #tpu.memory_space<vmem>> -> memref<125x32xf32, #tpu.memory_space<vmem>>
    %dma_start3A_32 = arith.constant 0 : i32
    %dma_start3A_33 = tpu.memref_slice %arg6[%dma_start3A_26, %dma_start3A_32] : memref<80x125xi32, #tpu.memory_space<vmem>> -> memref<1x125xi32, #tpu.memory_space<vmem>>
    %dma_start3A_34 = tpu.memref_squeeze %dma_start3A_33 : memref<1x125xi32, #tpu.memory_space<vmem>> -> memref<125xi32, #tpu.memory_space<vmem>>
    %dma_start3A_35 = arith.constant 0 : i32
    %dma_start3A_36 = arith.constant 0 : i32
    %dma_start3A_37 = tpu.memref_slice %arg2[%dma_start3A_35, %dma_start3A_36] : memref<10240x32xf32, #tpu.memory_space<hbm>> -> memref<10240x32xf32, #tpu.memory_space<hbm>>
    tpu.enqueue_indirect_dma source(%dma_start3A_37 : memref<10240x32xf32, #tpu.memory_space<hbm>>) target(%dma_start3A_31 : memref<125x32xf32, #tpu.memory_space<vmem>>) offsets(%dma_start3A_34 : memref<125xi32, #tpu.memory_space<vmem>>) semaphore(%arg13 : memref<!tpu.dma_semaphore, #tpu.memory_space<semaphore_mem>>)
    %dma_start3A_38 = arith.constant 3 : i32
    %dma_start3A_39 = arith.constant 3 : i32
    %dma_start3A_40 = arith.constant 0 : i32
    %dma_start3A_41 = arith.constant 0 : i32
    %dma_start3A_42 = tpu.memref_slice %arg8[%dma_start3A_39, %dma_start3A_40, %dma_start3A_41] : memref<8x125x32xf32, #tpu.memory_space<vmem>> -> memref<1x125x32xf32, #tpu.memory_space<vmem>>
    %dma_start3A_43 = tpu.memref_squeeze %dma_start3A_42 : memref<1x125x32xf32, #tpu.memory_space<vmem>> -> memref<125x32xf32, #tpu.memory_space<vmem>>
    %dma_start3A_44 = arith.constant 0 : i32
    %dma_start3A_45 = tpu.memref_slice %arg6[%dma_start3A_38, %dma_start3A_44] : memref<80x125xi32, #tpu.memory_space<vmem>> -> memref<1x125xi32, #tpu.memory_space<vmem>>
    %dma_start3A_46 = tpu.memref_squeeze %dma_start3A_45 : memref<1x125xi32, #tpu.memory_space<vmem>> -> memref<125xi32, #tpu.memory_space<vmem>>
    %dma_start3A_47 = arith.constant 0 : i32
    %dma_start3A_48 = arith.constant 0 : i32
    %dma_start3A_49 = tpu.memref_slice %arg2[%dma_start3A_47, %dma_start3A_48] : memref<10240x32xf32, #tpu.memory_space<hbm>> -> memref<10240x32xf32, #tpu.memory_space<hbm>>
    tpu.enqueue_indirect_dma source(%dma_start3A_49 : memref<10240x32xf32, #tpu.memory_space<hbm>>) target(%dma_start3A_43 : memref<125x32xf32, #tpu.memory_space<vmem>>) offsets(%dma_start3A_46 : memref<125xi32, #tpu.memory_space<vmem>>) semaphore(%arg14 : memref<!tpu.dma_semaphore, #tpu.memory_space<semaphore_mem>>)
    %dma_start3A_50 = arith.constant 4 : i32
    %dma_start3A_51 = arith.constant 4 : i32
    %dma_start3A_52 = arith.constant 0 : i32
    %dma_start3A_53 = arith.constant 0 : i32
    %dma_start3A_54 = tpu.memref_slice %arg8[%dma_start3A_51, %dma_start3A_52, %dma_start3A_53] : memref<8x125x32xf32, #tpu.memory_space<vmem>> -> memref<1x125x32xf32, #tpu.memory_space<vmem>>
    %dma_start3A_55 = tpu.memref_squeeze %dma_start3A_54 : memref<1x125x32xf32, #tpu.memory_space<vmem>> -> memref<125x32xf32, #tpu.memory_space<vmem>>
    %dma_start3A_56 = arith.constant 0 : i32
    %dma_start3A_57 = tpu.memref_slice %arg6[%dma_start3A_50, %dma_start3A_56] : memref<80x125xi32, #tpu.memory_space<vmem>> -> memref<1x125xi32, #tpu.memory_space<vmem>>
    %dma_start3A_58 = tpu.memref_squeeze %dma_start3A_57 : memref<1x125xi32, #tpu.memory_space<vmem>> -> memref<125xi32, #tpu.memory_space<vmem>>
    %dma_start3A_59 = arith.constant 0 : i32
    %dma_start3A_60 = arith.constant 0 : i32
    %dma_start3A_61 = tpu.memref_slice %arg2[%dma_start3A_59, %dma_start3A_60] : memref<10240x32xf32, #tpu.memory_space<hbm>> -> memref<10240x32xf32, #tpu.memory_space<hbm>>
    tpu.enqueue_indirect_dma source(%dma_start3A_61 : memref<10240x32xf32, #tpu.memory_space<hbm>>) target(%dma_start3A_55 : memref<125x32xf32, #tpu.memory_space<vmem>>) offsets(%dma_start3A_58 : memref<125xi32, #tpu.memory_space<vmem>>) semaphore(%arg15 : memref<!tpu.dma_semaphore, #tpu.memory_space<semaphore_mem>>)
    %dma_start3A_62 = arith.constant 5 : i32
    %dma_start3A_63 = arith.constant 5 : i32
    %dma_start3A_64 = arith.constant 0 : i32
    %dma_start3A_65 = arith.constant 0 : i32
    %dma_start3A_66 = tpu.memref_slice %arg8[%dma_start3A_63, %dma_start3A_64, %dma_start3A_65] : memref<8x125x32xf32, #tpu.memory_space<vmem>> -> memref<1x125x32xf32, #tpu.memory_space<vmem>>
    %dma_start3A_67 = tpu.memref_squeeze %dma_start3A_66 : memref<1x125x32xf32, #tpu.memory_space<vmem>> -> memref<125x32xf32, #tpu.memory_space<vmem>>
    %dma_start3A_68 = arith.constant 0 : i32
    %dma_start3A_69 = tpu.memref_slice %arg6[%dma_start3A_62, %dma_start3A_68] : memref<80x125xi32, #tpu.memory_space<vmem>> -> memref<1x125xi32, #tpu.memory_space<vmem>>
    %dma_start3A_70 = tpu.memref_squeeze %dma_start3A_69 : memref<1x125xi32, #tpu.memory_space<vmem>> -> memref<125xi32, #tpu.memory_space<vmem>>
    %dma_start3A_71 = arith.constant 0 : i32
    %dma_start3A_72 = arith.constant 0 : i32
    %dma_start3A_73 = tpu.memref_slice %arg2[%dma_start3A_71, %dma_start3A_72] : memref<10240x32xf32, #tpu.memory_space<hbm>> -> memref<10240x32xf32, #tpu.memory_space<hbm>>
    tpu.enqueue_indirect_dma source(%dma_start3A_73 : memref<10240x32xf32, #tpu.memory_space<hbm>>) target(%dma_start3A_67 : memref<125x32xf32, #tpu.memory_space<vmem>>) offsets(%dma_start3A_70 : memref<125xi32, #tpu.memory_space<vmem>>) semaphore(%arg16 : memref<!tpu.dma_semaphore, #tpu.memory_space<semaphore_mem>>)
    %dma_start3A_74 = arith.constant 6 : i32
    %dma_start3A_75 = arith.constant 6 : i32
    %dma_start3A_76 = arith.constant 0 : i32
    %dma_start3A_77 = arith.constant 0 : i32
    %dma_start3A_78 = tpu.memref_slice %arg8[%dma_start3A_75, %dma_start3A_76, %dma_start3A_77] : memref<8x125x32xf32, #tpu.memory_space<vmem>> -> memref<1x125x32xf32, #tpu.memory_space<vmem>>
    %dma_start3A_79 = tpu.memref_squeeze %dma_start3A_78 : memref<1x125x32xf32, #tpu.memory_space<vmem>> -> memref<125x32xf32, #tpu.memory_space<vmem>>
    %dma_start3A_80 = arith.constant 0 : i32
    %dma_start3A_81 = tpu.memref_slice %arg6[%dma_start3A_74, %dma_start3A_80] : memref<80x125xi32, #tpu.memory_space<vmem>> -> memref<1x125xi32, #tpu.memory_space<vmem>>
    %dma_start3A_82 = tpu.memref_squeeze %dma_start3A_81 : memref<1x125xi32, #tpu.memory_space<vmem>> -> memref<125xi32, #tpu.memory_space<vmem>>
    %dma_start3A_83 = arith.constant 0 : i32
    %dma_start3A_84 = arith.constant 0 : i32
    %dma_start3A_85 = tpu.memref_slice %arg2[%dma_start3A_83, %dma_start3A_84] : memref<10240x32xf32, #tpu.memory_space<hbm>> -> memref<10240x32xf32, #tpu.memory_space<hbm>>
    tpu.enqueue_indirect_dma source(%dma_start3A_85 : memref<10240x32xf32, #tpu.memory_space<hbm>>) target(%dma_start3A_79 : memref<125x32xf32, #tpu.memory_space<vmem>>) offsets(%dma_start3A_82 : memref<125xi32, #tpu.memory_space<vmem>>) semaphore(%arg17 : memref<!tpu.dma_semaphore, #tpu.memory_space<semaphore_mem>>)
    %dma_start3A_86 = arith.constant 7 : i32
    %dma_start3A_87 = arith.constant 7 : i32
    %dma_start3A_88 = arith.constant 0 : i32
    %dma_start3A_89 = arith.constant 0 : i32
    %dma_start3A_90 = tpu.memref_slice %arg8[%dma_start3A_87, %dma_start3A_88, %dma_start3A_89] : memref<8x125x32xf32, #tpu.memory_space<vmem>> -> memref<1x125x32xf32, #tpu.memory_space<vmem>>
    %dma_start3A_91 = tpu.memref_squeeze %dma_start3A_90 : memref<1x125x32xf32, #tpu.memory_space<vmem>> -> memref<125x32xf32, #tpu.memory_space<vmem>>
    %dma_start3A_92 = arith.constant 0 : i32
    %dma_start3A_93 = tpu.memref_slice %arg6[%dma_start3A_86, %dma_start3A_92] : memref<80x125xi32, #tpu.memory_space<vmem>> -> memref<1x125xi32, #tpu.memory_space<vmem>>
    %dma_start3A_94 = tpu.memref_squeeze %dma_start3A_93 : memref<1x125xi32, #tpu.memory_space<vmem>> -> memref<125xi32, #tpu.memory_space<vmem>>
    %dma_start3A_95 = arith.constant 0 : i32
    %dma_start3A_96 = arith.constant 0 : i32
    %dma_start3A_97 = tpu.memref_slice %arg2[%dma_start3A_95, %dma_start3A_96] : memref<10240x32xf32, #tpu.memory_space<hbm>> -> memref<10240x32xf32, #tpu.memory_space<hbm>>
    tpu.enqueue_indirect_dma source(%dma_start3A_97 : memref<10240x32xf32, #tpu.memory_space<hbm>>) target(%dma_start3A_91 : memref<125x32xf32, #tpu.memory_space<vmem>>) offsets(%dma_start3A_94 : memref<125xi32, #tpu.memory_space<vmem>>) semaphore(%arg18 : memref<!tpu.dma_semaphore, #tpu.memory_space<semaphore_mem>>)
    %scan3A = arith.constant 0 : i32
    %scan3A_98 = arith.constant 0 : i32
    %scan3A_99 = arith.constant 9 : i32
    %scan3A_100 = arith.addi %scan3A_98, %scan3A_99 : i32
    %scan3A_101 = arith.constant 1 : i32
    scf.for %scan3A_391 = %scan3A_98 to %scan3A_100 step %scan3A_101  : i32 {
      %mul3A_392 = arith.constant 8 : i32
      %mul3A_393 = arith.muli %mul3A_392, %scan3A_391 : i32
      %dma_wait3A_394 = arith.constant 0 : i32
      %dma_wait3A_395 = arith.constant 0 : i32
      %dma_wait3A_396 = arith.constant 0 : i32
      %dma_wait3A_397 = arith.constant 0 : i32
      %dma_wait3A_398 = tpu.memref_slice %arg8[%dma_wait3A_395, %dma_wait3A_396, %dma_wait3A_397] : memref<8x125x32xf32, #tpu.memory_space<vmem>> -> memref<1x125x32xf32, #tpu.memory_space<vmem>>
      %dma_wait3A_399 = tpu.memref_squeeze %dma_wait3A_398 : memref<1x125x32xf32, #tpu.memory_space<vmem>> -> memref<125x32xf32, #tpu.memory_space<vmem>>
      %dma_wait3A_400 = arith.constant 0 : i32
      %dma_wait3A_401 = tpu.memref_slice %arg6[%dma_wait3A_394, %dma_wait3A_400] : memref<80x125xi32, #tpu.memory_space<vmem>> -> memref<1x125xi32, #tpu.memory_space<vmem>>
      %dma_wait3A_402 = tpu.memref_squeeze %dma_wait3A_401 : memref<1x125xi32, #tpu.memory_space<vmem>> -> memref<125xi32, #tpu.memory_space<vmem>>
      %dma_wait3A_403 = arith.constant 0 : i32
      %dma_wait3A_404 = arith.constant 0 : i32
      %dma_wait3A_405 = tpu.memref_slice %arg2[%dma_wait3A_403, %dma_wait3A_404] : memref<10240x32xf32, #tpu.memory_space<hbm>> -> memref<10240x32xf32, #tpu.memory_space<hbm>>
      tpu.wait_indirect_dma semaphore(%arg11 : memref<!tpu.dma_semaphore, #tpu.memory_space<semaphore_mem>>) src(%dma_wait3A_405 : memref<10240x32xf32, #tpu.memory_space<hbm>>) dst(%dma_wait3A_399 : memref<125x32xf32, #tpu.memory_space<vmem>>)
      %add3A_406 = arith.constant 0 : i32
      %add3A_407 = arith.addi %mul3A_393, %add3A_406 : i32
      %dma_start3A_408 = arith.constant 0 : i32
      %dma_start3A_409 = arith.constant 0 : i32
      %dma_start3A_410 = arith.constant 0 : i32
      %dma_start3A_411 = tpu.memref_slice %arg8[%dma_start3A_408, %dma_start3A_409, %dma_start3A_410] : memref<8x125x32xf32, #tpu.memory_space<vmem>> -> memref<1x125x32xf32, #tpu.memory_space<vmem>>
      %dma_start3A_412 = tpu.memref_squeeze %dma_start3A_411 : memref<1x125x32xf32, #tpu.memory_space<vmem>> -> memref<125x32xf32, #tpu.memory_space<vmem>>
      %dma_start3A_413 = arith.constant 0 : i32
      %dma_start3A_414 = tpu.memref_slice %arg7[%add3A_407, %dma_start3A_413] : memref<80x125xi32, #tpu.memory_space<vmem>> -> memref<1x125xi32, #tpu.memory_space<vmem>>
      %dma_start3A_415 = tpu.memref_squeeze %dma_start3A_414 : memref<1x125xi32, #tpu.memory_space<vmem>> -> memref<125xi32, #tpu.memory_space<vmem>>
      %dma_start3A_416 = arith.constant 0 : i32
      %dma_start3A_417 = arith.constant 0 : i32
      %dma_start3A_418 = tpu.memref_slice %arg10[%dma_start3A_416, %dma_start3A_417] : memref<10240x32xf32, #tpu.memory_space<vmem_shared>> -> memref<10240x32xf32, #tpu.memory_space<vmem_shared>>
      tpu.enqueue_indirect_dma source(%dma_start3A_412 : memref<125x32xf32, #tpu.memory_space<vmem>>) target(%dma_start3A_418 : memref<10240x32xf32, #tpu.memory_space<vmem_shared>>) offsets(%dma_start3A_415 : memref<125xi32, #tpu.memory_space<vmem>>) semaphore(%arg19 : memref<!tpu.dma_semaphore, #tpu.memory_space<semaphore_mem>>) {add = true}
      %dma_wait3A_419 = arith.constant 0 : i32
      %dma_wait3A_420 = arith.constant 1 : i32
      %dma_wait3A_421 = arith.constant 0 : i32
      %dma_wait3A_422 = arith.constant 0 : i32
      %dma_wait3A_423 = tpu.memref_slice %arg8[%dma_wait3A_420, %dma_wait3A_421, %dma_wait3A_422] : memref<8x125x32xf32, #tpu.memory_space<vmem>> -> memref<1x125x32xf32, #tpu.memory_space<vmem>>
      %dma_wait3A_424 = tpu.memref_squeeze %dma_wait3A_423 : memref<1x125x32xf32, #tpu.memory_space<vmem>> -> memref<125x32xf32, #tpu.memory_space<vmem>>
      %dma_wait3A_425 = arith.constant 0 : i32
      %dma_wait3A_426 = tpu.memref_slice %arg6[%dma_wait3A_419, %dma_wait3A_425] : memref<80x125xi32, #tpu.memory_space<vmem>> -> memref<1x125xi32, #tpu.memory_space<vmem>>
      %dma_wait3A_427 = tpu.memref_squeeze %dma_wait3A_426 : memref<1x125xi32, #tpu.memory_space<vmem>> -> memref<125xi32, #tpu.memory_space<vmem>>
      %dma_wait3A_428 = arith.constant 0 : i32
      %dma_wait3A_429 = arith.constant 0 : i32
      %dma_wait3A_430 = tpu.memref_slice %arg2[%dma_wait3A_428, %dma_wait3A_429] : memref<10240x32xf32, #tpu.memory_space<hbm>> -> memref<10240x32xf32, #tpu.memory_space<hbm>>
      tpu.wait_indirect_dma semaphore(%arg12 : memref<!tpu.dma_semaphore, #tpu.memory_space<semaphore_mem>>) src(%dma_wait3A_430 : memref<10240x32xf32, #tpu.memory_space<hbm>>) dst(%dma_wait3A_424 : memref<125x32xf32, #tpu.memory_space<vmem>>)
      %add3A_431 = arith.constant 1 : i32
      %add3A_432 = arith.addi %mul3A_393, %add3A_431 : i32
      %dma_start3A_433 = arith.constant 1 : i32
      %dma_start3A_434 = arith.constant 0 : i32
      %dma_start3A_435 = arith.constant 0 : i32
      %dma_start3A_436 = tpu.memref_slice %arg8[%dma_start3A_433, %dma_start3A_434, %dma_start3A_435] : memref<8x125x32xf32, #tpu.memory_space<vmem>> -> memref<1x125x32xf32, #tpu.memory_space<vmem>>
      %dma_start3A_437 = tpu.memref_squeeze %dma_start3A_436 : memref<1x125x32xf32, #tpu.memory_space<vmem>> -> memref<125x32xf32, #tpu.memory_space<vmem>>
      %dma_start3A_438 = arith.constant 0 : i32
      %dma_start3A_439 = tpu.memref_slice %arg7[%add3A_432, %dma_start3A_438] : memref<80x125xi32, #tpu.memory_space<vmem>> -> memref<1x125xi32, #tpu.memory_space<vmem>>
      %dma_start3A_440 = tpu.memref_squeeze %dma_start3A_439 : memref<1x125xi32, #tpu.memory_space<vmem>> -> memref<125xi32, #tpu.memory_space<vmem>>
      %dma_start3A_441 = arith.constant 0 : i32
      %dma_start3A_442 = arith.constant 0 : i32
      %dma_start3A_443 = tpu.memref_slice %arg10[%dma_start3A_441, %dma_start3A_442] : memref<10240x32xf32, #tpu.memory_space<vmem_shared>> -> memref<10240x32xf32, #tpu.memory_space<vmem_shared>>
      tpu.enqueue_indirect_dma source(%dma_start3A_437 : memref<125x32xf32, #tpu.memory_space<vmem>>) target(%dma_start3A_443 : memref<10240x32xf32, #tpu.memory_space<vmem_shared>>) offsets(%dma_start3A_440 : memref<125xi32, #tpu.memory_space<vmem>>) semaphore(%arg20 : memref<!tpu.dma_semaphore, #tpu.memory_space<semaphore_mem>>) {add = true}
      %dma_wait3A_444 = arith.constant 0 : i32
      %dma_wait3A_445 = arith.constant 2 : i32
      %dma_wait3A_446 = arith.constant 0 : i32
      %dma_wait3A_447 = arith.constant 0 : i32
      %dma_wait3A_448 = tpu.memref_slice %arg8[%dma_wait3A_445, %dma_wait3A_446, %dma_wait3A_447] : memref<8x125x32xf32, #tpu.memory_space<vmem>> -> memref<1x125x32xf32, #tpu.memory_space<vmem>>
      %dma_wait3A_449 = tpu.memref_squeeze %dma_wait3A_448 : memref<1x125x32xf32, #tpu.memory_space<vmem>> -> memref<125x32xf32, #tpu.memory_space<vmem>>
      %dma_wait3A_450 = arith.constant 0 : i32
      %dma_wait3A_451 = tpu.memref_slice %arg6[%dma_wait3A_444, %dma_wait3A_450] : memref<80x125xi32, #tpu.memory_space<vmem>> -> memref<1x125xi32, #tpu.memory_space<vmem>>
      %dma_wait3A_452 = tpu.memref_squeeze %dma_wait3A_451 : memref<1x125xi32, #tpu.memory_space<vmem>> -> memref<125xi32, #tpu.memory_space<vmem>>
      %dma_wait3A_453 = arith.constant 0 : i32
      %dma_wait3A_454 = arith.constant 0 : i32
      %dma_wait3A_455 = tpu.memref_slice %arg2[%dma_wait3A_453, %dma_wait3A_454] : memref<10240x32xf32, #tpu.memory_space<hbm>> -> memref<10240x32xf32, #tpu.memory_space<hbm>>
      tpu.wait_indirect_dma semaphore(%arg13 : memref<!tpu.dma_semaphore, #tpu.memory_space<semaphore_mem>>) src(%dma_wait3A_455 : memref<10240x32xf32, #tpu.memory_space<hbm>>) dst(%dma_wait3A_449 : memref<125x32xf32, #tpu.memory_space<vmem>>)
      %add3A_456 = arith.constant 2 : i32
      %add3A_457 = arith.addi %mul3A_393, %add3A_456 : i32
      %dma_start3A_458 = arith.constant 2 : i32
      %dma_start3A_459 = arith.constant 0 : i32
      %dma_start3A_460 = arith.constant 0 : i32
      %dma_start3A_461 = tpu.memref_slice %arg8[%dma_start3A_458, %dma_start3A_459, %dma_start3A_460] : memref<8x125x32xf32, #tpu.memory_space<vmem>> -> memref<1x125x32xf32, #tpu.memory_space<vmem>>
      %dma_start3A_462 = tpu.memref_squeeze %dma_start3A_461 : memref<1x125x32xf32, #tpu.memory_space<vmem>> -> memref<125x32xf32, #tpu.memory_space<vmem>>
      %dma_start3A_463 = arith.constant 0 : i32
      %dma_start3A_464 = tpu.memref_slice %arg7[%add3A_457, %dma_start3A_463] : memref<80x125xi32, #tpu.memory_space<vmem>> -> memref<1x125xi32, #tpu.memory_space<vmem>>
      %dma_start3A_465 = tpu.memref_squeeze %dma_start3A_464 : memref<1x125xi32, #tpu.memory_space<vmem>> -> memref<125xi32, #tpu.memory_space<vmem>>
      %dma_start3A_466 = arith.constant 0 : i32
      %dma_start3A_467 = arith.constant 0 : i32
      %dma_start3A_468 = tpu.memref_slice %arg10[%dma_start3A_466, %dma_start3A_467] : memref<10240x32xf32, #tpu.memory_space<vmem_shared>> -> memref<10240x32xf32, #tpu.memory_space<vmem_shared>>
      tpu.enqueue_indirect_dma source(%dma_start3A_462 : memref<125x32xf32, #tpu.memory_space<vmem>>) target(%dma_start3A_468 : memref<10240x32xf32, #tpu.memory_space<vmem_shared>>) offsets(%dma_start3A_465 : memref<125xi32, #tpu.memory_space<vmem>>) semaphore(%arg21 : memref<!tpu.dma_semaphore, #tpu.memory_space<semaphore_mem>>) {add = true}
      %dma_wait3A_469 = arith.constant 0 : i32
      %dma_wait3A_470 = arith.constant 3 : i32
      %dma_wait3A_471 = arith.constant 0 : i32
      %dma_wait3A_472 = arith.constant 0 : i32
      %dma_wait3A_473 = tpu.memref_slice %arg8[%dma_wait3A_470, %dma_wait3A_471, %dma_wait3A_472] : memref<8x125x32xf32, #tpu.memory_space<vmem>> -> memref<1x125x32xf32, #tpu.memory_space<vmem>>
      %dma_wait3A_474 = tpu.memref_squeeze %dma_wait3A_473 : memref<1x125x32xf32, #tpu.memory_space<vmem>> -> memref<125x32xf32, #tpu.memory_space<vmem>>
      %dma_wait3A_475 = arith.constant 0 : i32
      %dma_wait3A_476 = tpu.memref_slice %arg6[%dma_wait3A_469, %dma_wait3A_475] : memref<80x125xi32, #tpu.memory_space<vmem>> -> memref<1x125xi32, #tpu.memory_space<vmem>>
      %dma_wait3A_477 = tpu.memref_squeeze %dma_wait3A_476 : memref<1x125xi32, #tpu.memory_space<vmem>> -> memref<125xi32, #tpu.memory_space<vmem>>
      %dma_wait3A_478 = arith.constant 0 : i32
      %dma_wait3A_479 = arith.constant 0 : i32
      %dma_wait3A_480 = tpu.memref_slice %arg2[%dma_wait3A_478, %dma_wait3A_479] : memref<10240x32xf32, #tpu.memory_space<hbm>> -> memref<10240x32xf32, #tpu.memory_space<hbm>>
      tpu.wait_indirect_dma semaphore(%arg14 : memref<!tpu.dma_semaphore, #tpu.memory_space<semaphore_mem>>) src(%dma_wait3A_480 : memref<10240x32xf32, #tpu.memory_space<hbm>>) dst(%dma_wait3A_474 : memref<125x32xf32, #tpu.memory_space<vmem>>)
      %add3A_481 = arith.constant 3 : i32
      %add3A_482 = arith.addi %mul3A_393, %add3A_481 : i32
      %dma_start3A_483 = arith.constant 3 : i32
      %dma_start3A_484 = arith.constant 0 : i32
      %dma_start3A_485 = arith.constant 0 : i32
      %dma_start3A_486 = tpu.memref_slice %arg8[%dma_start3A_483, %dma_start3A_484, %dma_start3A_485] : memref<8x125x32xf32, #tpu.memory_space<vmem>> -> memref<1x125x32xf32, #tpu.memory_space<vmem>>
      %dma_start3A_487 = tpu.memref_squeeze %dma_start3A_486 : memref<1x125x32xf32, #tpu.memory_space<vmem>> -> memref<125x32xf32, #tpu.memory_space<vmem>>
      %dma_start3A_488 = arith.constant 0 : i32
      %dma_start3A_489 = tpu.memref_slice %arg7[%add3A_482, %dma_start3A_488] : memref<80x125xi32, #tpu.memory_space<vmem>> -> memref<1x125xi32, #tpu.memory_space<vmem>>
      %dma_start3A_490 = tpu.memref_squeeze %dma_start3A_489 : memref<1x125xi32, #tpu.memory_space<vmem>> -> memref<125xi32, #tpu.memory_space<vmem>>
      %dma_start3A_491 = arith.constant 0 : i32
      %dma_start3A_492 = arith.constant 0 : i32
      %dma_start3A_493 = tpu.memref_slice %arg10[%dma_start3A_491, %dma_start3A_492] : memref<10240x32xf32, #tpu.memory_space<vmem_shared>> -> memref<10240x32xf32, #tpu.memory_space<vmem_shared>>
      tpu.enqueue_indirect_dma source(%dma_start3A_487 : memref<125x32xf32, #tpu.memory_space<vmem>>) target(%dma_start3A_493 : memref<10240x32xf32, #tpu.memory_space<vmem_shared>>) offsets(%dma_start3A_490 : memref<125xi32, #tpu.memory_space<vmem>>) semaphore(%arg22 : memref<!tpu.dma_semaphore, #tpu.memory_space<semaphore_mem>>) {add = true}
      %dma_wait3A_494 = arith.constant 0 : i32
      %dma_wait3A_495 = arith.constant 4 : i32
      %dma_wait3A_496 = arith.constant 0 : i32
      %dma_wait3A_497 = arith.constant 0 : i32
      %dma_wait3A_498 = tpu.memref_slice %arg8[%dma_wait3A_495, %dma_wait3A_496, %dma_wait3A_497] : memref<8x125x32xf32, #tpu.memory_space<vmem>> -> memref<1x125x32xf32, #tpu.memory_space<vmem>>
      %dma_wait3A_499 = tpu.memref_squeeze %dma_wait3A_498 : memref<1x125x32xf32, #tpu.memory_space<vmem>> -> memref<125x32xf32, #tpu.memory_space<vmem>>
      %dma_wait3A_500 = arith.constant 0 : i32
      %dma_wait3A_501 = tpu.memref_slice %arg6[%dma_wait3A_494, %dma_wait3A_500] : memref<80x125xi32, #tpu.memory_space<vmem>> -> memref<1x125xi32, #tpu.memory_space<vmem>>
      %dma_wait3A_502 = tpu.memref_squeeze %dma_wait3A_501 : memref<1x125xi32, #tpu.memory_space<vmem>> -> memref<125xi32, #tpu.memory_space<vmem>>
      %dma_wait3A_503 = arith.constant 0 : i32
      %dma_wait3A_504 = arith.constant 0 : i32
      %dma_wait3A_505 = tpu.memref_slice %arg2[%dma_wait3A_503, %dma_wait3A_504] : memref<10240x32xf32, #tpu.memory_space<hbm>> -> memref<10240x32xf32, #tpu.memory_space<hbm>>
      tpu.wait_indirect_dma semaphore(%arg15 : memref<!tpu.dma_semaphore, #tpu.memory_space<semaphore_mem>>) src(%dma_wait3A_505 : memref<10240x32xf32, #tpu.memory_space<hbm>>) dst(%dma_wait3A_499 : memref<125x32xf32, #tpu.memory_space<vmem>>)
      %add3A_506 = arith.constant 4 : i32
      %add3A_507 = arith.addi %mul3A_393, %add3A_506 : i32
      %dma_start3A_508 = arith.constant 4 : i32
      %dma_start3A_509 = arith.constant 0 : i32
      %dma_start3A_510 = arith.constant 0 : i32
      %dma_start3A_511 = tpu.memref_slice %arg8[%dma_start3A_508, %dma_start3A_509, %dma_start3A_510] : memref<8x125x32xf32, #tpu.memory_space<vmem>> -> memref<1x125x32xf32, #tpu.memory_space<vmem>>
      %dma_start3A_512 = tpu.memref_squeeze %dma_start3A_511 : memref<1x125x32xf32, #tpu.memory_space<vmem>> -> memref<125x32xf32, #tpu.memory_space<vmem>>
      %dma_start3A_513 = arith.constant 0 : i32
      %dma_start3A_514 = tpu.memref_slice %arg7[%add3A_507, %dma_start3A_513] : memref<80x125xi32, #tpu.memory_space<vmem>> -> memref<1x125xi32, #tpu.memory_space<vmem>>
      %dma_start3A_515 = tpu.memref_squeeze %dma_start3A_514 : memref<1x125xi32, #tpu.memory_space<vmem>> -> memref<125xi32, #tpu.memory_space<vmem>>
      %dma_start3A_516 = arith.constant 0 : i32
      %dma_start3A_517 = arith.constant 0 : i32
      %dma_start3A_518 = tpu.memref_slice %arg10[%dma_start3A_516, %dma_start3A_517] : memref<10240x32xf32, #tpu.memory_space<vmem_shared>> -> memref<10240x32xf32, #tpu.memory_space<vmem_shared>>
      tpu.enqueue_indirect_dma source(%dma_start3A_512 : memref<125x32xf32, #tpu.memory_space<vmem>>) target(%dma_start3A_518 : memref<10240x32xf32, #tpu.memory_space<vmem_shared>>) offsets(%dma_start3A_515 : memref<125xi32, #tpu.memory_space<vmem>>) semaphore(%arg23 : memref<!tpu.dma_semaphore, #tpu.memory_space<semaphore_mem>>) {add = true}
      %dma_wait3A_519 = arith.constant 0 : i32
      %dma_wait3A_520 = arith.constant 5 : i32
      %dma_wait3A_521 = arith.constant 0 : i32
      %dma_wait3A_522 = arith.constant 0 : i32
      %dma_wait3A_523 = tpu.memref_slice %arg8[%dma_wait3A_520, %dma_wait3A_521, %dma_wait3A_522] : memref<8x125x32xf32, #tpu.memory_space<vmem>> -> memref<1x125x32xf32, #tpu.memory_space<vmem>>
      %dma_wait3A_524 = tpu.memref_squeeze %dma_wait3A_523 : memref<1x125x32xf32, #tpu.memory_space<vmem>> -> memref<125x32xf32, #tpu.memory_space<vmem>>
      %dma_wait3A_525 = arith.constant 0 : i32
      %dma_wait3A_526 = tpu.memref_slice %arg6[%dma_wait3A_519, %dma_wait3A_525] : memref<80x125xi32, #tpu.memory_space<vmem>> -> memref<1x125xi32, #tpu.memory_space<vmem>>
      %dma_wait3A_527 = tpu.memref_squeeze %dma_wait3A_526 : memref<1x125xi32, #tpu.memory_space<vmem>> -> memref<125xi32, #tpu.memory_space<vmem>>
      %dma_wait3A_528 = arith.constant 0 : i32
      %dma_wait3A_529 = arith.constant 0 : i32
      %dma_wait3A_530 = tpu.memref_slice %arg2[%dma_wait3A_528, %dma_wait3A_529] : memref<10240x32xf32, #tpu.memory_space<hbm>> -> memref<10240x32xf32, #tpu.memory_space<hbm>>
      tpu.wait_indirect_dma semaphore(%arg16 : memref<!tpu.dma_semaphore, #tpu.memory_space<semaphore_mem>>) src(%dma_wait3A_530 : memref<10240x32xf32, #tpu.memory_space<hbm>>) dst(%dma_wait3A_524 : memref<125x32xf32, #tpu.memory_space<vmem>>)
      %add3A_531 = arith.constant 5 : i32
      %add3A_532 = arith.addi %mul3A_393, %add3A_531 : i32
      %dma_start3A_533 = arith.constant 5 : i32
      %dma_start3A_534 = arith.constant 0 : i32
      %dma_start3A_535 = arith.constant 0 : i32
      %dma_start3A_536 = tpu.memref_slice %arg8[%dma_start3A_533, %dma_start3A_534, %dma_start3A_535] : memref<8x125x32xf32, #tpu.memory_space<vmem>> -> memref<1x125x32xf32, #tpu.memory_space<vmem>>
      %dma_start3A_537 = tpu.memref_squeeze %dma_start3A_536 : memref<1x125x32xf32, #tpu.memory_space<vmem>> -> memref<125x32xf32, #tpu.memory_space<vmem>>
      %dma_start3A_538 = arith.constant 0 : i32
      %dma_start3A_539 = tpu.memref_slice %arg7[%add3A_532, %dma_start3A_538] : memref<80x125xi32, #tpu.memory_space<vmem>> -> memref<1x125xi32, #tpu.memory_space<vmem>>
      %dma_start3A_540 = tpu.memref_squeeze %dma_start3A_539 : memref<1x125xi32, #tpu.memory_space<vmem>> -> memref<125xi32, #tpu.memory_space<vmem>>
      %dma_start3A_541 = arith.constant 0 : i32
      %dma_start3A_542 = arith.constant 0 : i32
      %dma_start3A_543 = tpu.memref_slice %arg10[%dma_start3A_541, %dma_start3A_542] : memref<10240x32xf32, #tpu.memory_space<vmem_shared>> -> memref<10240x32xf32, #tpu.memory_space<vmem_shared>>
      tpu.enqueue_indirect_dma source(%dma_start3A_537 : memref<125x32xf32, #tpu.memory_space<vmem>>) target(%dma_start3A_543 : memref<10240x32xf32, #tpu.memory_space<vmem_shared>>) offsets(%dma_start3A_540 : memref<125xi32, #tpu.memory_space<vmem>>) semaphore(%arg24 : memref<!tpu.dma_semaphore, #tpu.memory_space<semaphore_mem>>) {add = true}
      %dma_wait3A_544 = arith.constant 0 : i32
      %dma_wait3A_545 = arith.constant 6 : i32
      %dma_wait3A_546 = arith.constant 0 : i32
      %dma_wait3A_547 = arith.constant 0 : i32
      %dma_wait3A_548 = tpu.memref_slice %arg8[%dma_wait3A_545, %dma_wait3A_546, %dma_wait3A_547] : memref<8x125x32xf32, #tpu.memory_space<vmem>> -> memref<1x125x32xf32, #tpu.memory_space<vmem>>
      %dma_wait3A_549 = tpu.memref_squeeze %dma_wait3A_548 : memref<1x125x32xf32, #tpu.memory_space<vmem>> -> memref<125x32xf32, #tpu.memory_space<vmem>>
      %dma_wait3A_550 = arith.constant 0 : i32
      %dma_wait3A_551 = tpu.memref_slice %arg6[%dma_wait3A_544, %dma_wait3A_550] : memref<80x125xi32, #tpu.memory_space<vmem>> -> memref<1x125xi32, #tpu.memory_space<vmem>>
      %dma_wait3A_552 = tpu.memref_squeeze %dma_wait3A_551 : memref<1x125xi32, #tpu.memory_space<vmem>> -> memref<125xi32, #tpu.memory_space<vmem>>
      %dma_wait3A_553 = arith.constant 0 : i32
      %dma_wait3A_554 = arith.constant 0 : i32
      %dma_wait3A_555 = tpu.memref_slice %arg2[%dma_wait3A_553, %dma_wait3A_554] : memref<10240x32xf32, #tpu.memory_space<hbm>> -> memref<10240x32xf32, #tpu.memory_space<hbm>>
      tpu.wait_indirect_dma semaphore(%arg17 : memref<!tpu.dma_semaphore, #tpu.memory_space<semaphore_mem>>) src(%dma_wait3A_555 : memref<10240x32xf32, #tpu.memory_space<hbm>>) dst(%dma_wait3A_549 : memref<125x32xf32, #tpu.memory_space<vmem>>)
      %add3A_556 = arith.constant 6 : i32
      %add3A_557 = arith.addi %mul3A_393, %add3A_556 : i32
      %dma_start3A_558 = arith.constant 6 : i32
      %dma_start3A_559 = arith.constant 0 : i32
      %dma_start3A_560 = arith.constant 0 : i32
      %dma_start3A_561 = tpu.memref_slice %arg8[%dma_start3A_558, %dma_start3A_559, %dma_start3A_560] : memref<8x125x32xf32, #tpu.memory_space<vmem>> -> memref<1x125x32xf32, #tpu.memory_space<vmem>>
      %dma_start3A_562 = tpu.memref_squeeze %dma_start3A_561 : memref<1x125x32xf32, #tpu.memory_space<vmem>> -> memref<125x32xf32, #tpu.memory_space<vmem>>
      %dma_start3A_563 = arith.constant 0 : i32
      %dma_start3A_564 = tpu.memref_slice %arg7[%add3A_557, %dma_start3A_563] : memref<80x125xi32, #tpu.memory_space<vmem>> -> memref<1x125xi32, #tpu.memory_space<vmem>>
      %dma_start3A_565 = tpu.memref_squeeze %dma_start3A_564 : memref<1x125xi32, #tpu.memory_space<vmem>> -> memref<125xi32, #tpu.memory_space<vmem>>
      %dma_start3A_566 = arith.constant 0 : i32
      %dma_start3A_567 = arith.constant 0 : i32
      %dma_start3A_568 = tpu.memref_slice %arg10[%dma_start3A_566, %dma_start3A_567] : memref<10240x32xf32, #tpu.memory_space<vmem_shared>> -> memref<10240x32xf32, #tpu.memory_space<vmem_shared>>
      tpu.enqueue_indirect_dma source(%dma_start3A_562 : memref<125x32xf32, #tpu.memory_space<vmem>>) target(%dma_start3A_568 : memref<10240x32xf32, #tpu.memory_space<vmem_shared>>) offsets(%dma_start3A_565 : memref<125xi32, #tpu.memory_space<vmem>>) semaphore(%arg25 : memref<!tpu.dma_semaphore, #tpu.memory_space<semaphore_mem>>) {add = true}
      %dma_wait3A_569 = arith.constant 0 : i32
      %dma_wait3A_570 = arith.constant 7 : i32
      %dma_wait3A_571 = arith.constant 0 : i32
      %dma_wait3A_572 = arith.constant 0 : i32
      %dma_wait3A_573 = tpu.memref_slice %arg8[%dma_wait3A_570, %dma_wait3A_571, %dma_wait3A_572] : memref<8x125x32xf32, #tpu.memory_space<vmem>> -> memref<1x125x32xf32, #tpu.memory_space<vmem>>
      %dma_wait3A_574 = tpu.memref_squeeze %dma_wait3A_573 : memref<1x125x32xf32, #tpu.memory_space<vmem>> -> memref<125x32xf32, #tpu.memory_space<vmem>>
      %dma_wait3A_575 = arith.constant 0 : i32
      %dma_wait3A_576 = tpu.memref_slice %arg6[%dma_wait3A_569, %dma_wait3A_575] : memref<80x125xi32, #tpu.memory_space<vmem>> -> memref<1x125xi32, #tpu.memory_space<vmem>>
      %dma_wait3A_577 = tpu.memref_squeeze %dma_wait3A_576 : memref<1x125xi32, #tpu.memory_space<vmem>> -> memref<125xi32, #tpu.memory_space<vmem>>
      %dma_wait3A_578 = arith.constant 0 : i32
      %dma_wait3A_579 = arith.constant 0 : i32
      %dma_wait3A_580 = tpu.memref_slice %arg2[%dma_wait3A_578, %dma_wait3A_579] : memref<10240x32xf32, #tpu.memory_space<hbm>> -> memref<10240x32xf32, #tpu.memory_space<hbm>>
      tpu.wait_indirect_dma semaphore(%arg18 : memref<!tpu.dma_semaphore, #tpu.memory_space<semaphore_mem>>) src(%dma_wait3A_580 : memref<10240x32xf32, #tpu.memory_space<hbm>>) dst(%dma_wait3A_574 : memref<125x32xf32, #tpu.memory_space<vmem>>)
      %add3A_581 = arith.constant 7 : i32
      %add3A_582 = arith.addi %mul3A_393, %add3A_581 : i32
      %dma_start3A_583 = arith.constant 7 : i32
      %dma_start3A_584 = arith.constant 0 : i32
      %dma_start3A_585 = arith.constant 0 : i32
      %dma_start3A_586 = tpu.memref_slice %arg8[%dma_start3A_583, %dma_start3A_584, %dma_start3A_585] : memref<8x125x32xf32, #tpu.memory_space<vmem>> -> memref<1x125x32xf32, #tpu.memory_space<vmem>>
      %dma_start3A_587 = tpu.memref_squeeze %dma_start3A_586 : memref<1x125x32xf32, #tpu.memory_space<vmem>> -> memref<125x32xf32, #tpu.memory_space<vmem>>
      %dma_start3A_588 = arith.constant 0 : i32
      %dma_start3A_589 = tpu.memref_slice %arg7[%add3A_582, %dma_start3A_588] : memref<80x125xi32, #tpu.memory_space<vmem>> -> memref<1x125xi32, #tpu.memory_space<vmem>>
      %dma_start3A_590 = tpu.memref_squeeze %dma_start3A_589 : memref<1x125xi32, #tpu.memory_space<vmem>> -> memref<125xi32, #tpu.memory_space<vmem>>
      %dma_start3A_591 = arith.constant 0 : i32
      %dma_start3A_592 = arith.constant 0 : i32
      %dma_start3A_593 = tpu.memref_slice %arg10[%dma_start3A_591, %dma_start3A_592] : memref<10240x32xf32, #tpu.memory_space<vmem_shared>> -> memref<10240x32xf32, #tpu.memory_space<vmem_shared>>
      tpu.enqueue_indirect_dma source(%dma_start3A_587 : memref<125x32xf32, #tpu.memory_space<vmem>>) target(%dma_start3A_593 : memref<10240x32xf32, #tpu.memory_space<vmem_shared>>) offsets(%dma_start3A_590 : memref<125xi32, #tpu.memory_space<vmem>>) semaphore(%arg26 : memref<!tpu.dma_semaphore, #tpu.memory_space<semaphore_mem>>) {add = true}
      %add3A_594 = arith.constant 0 : i32
      %add3A_595 = arith.addi %mul3A_393, %add3A_594 : i32
      %dma_wait3A_596 = arith.constant 0 : i32
      %dma_wait3A_597 = arith.constant 0 : i32
      %dma_wait3A_598 = arith.constant 0 : i32
      %dma_wait3A_599 = tpu.memref_slice %arg8[%dma_wait3A_596, %dma_wait3A_597, %dma_wait3A_598] : memref<8x125x32xf32, #tpu.memory_space<vmem>> -> memref<1x125x32xf32, #tpu.memory_space<vmem>>
      %dma_wait3A_600 = tpu.memref_squeeze %dma_wait3A_599 : memref<1x125x32xf32, #tpu.memory_space<vmem>> -> memref<125x32xf32, #tpu.memory_space<vmem>>
      %dma_wait3A_601 = arith.constant 0 : i32
      %dma_wait3A_602 = tpu.memref_slice %arg7[%add3A_595, %dma_wait3A_601] : memref<80x125xi32, #tpu.memory_space<vmem>> -> memref<1x125xi32, #tpu.memory_space<vmem>>
      %dma_wait3A_603 = tpu.memref_squeeze %dma_wait3A_602 : memref<1x125xi32, #tpu.memory_space<vmem>> -> memref<125xi32, #tpu.memory_space<vmem>>
      %dma_wait3A_604 = arith.constant 0 : i32
      %dma_wait3A_605 = arith.constant 0 : i32
      %dma_wait3A_606 = tpu.memref_slice %arg10[%dma_wait3A_604, %dma_wait3A_605] : memref<10240x32xf32, #tpu.memory_space<vmem_shared>> -> memref<10240x32xf32, #tpu.memory_space<vmem_shared>>
      tpu.wait_indirect_dma semaphore(%arg19 : memref<!tpu.dma_semaphore, #tpu.memory_space<semaphore_mem>>) src(%dma_wait3A_600 : memref<125x32xf32, #tpu.memory_space<vmem>>) dst(%dma_wait3A_606 : memref<10240x32xf32, #tpu.memory_space<vmem_shared>>)
      %add3A_607 = arith.constant 8 : i32
      %add3A_608 = arith.addi %mul3A_393, %add3A_607 : i32
      %add3A_609 = arith.constant 0 : i32
      %add3A_610 = arith.addi %add3A_608, %add3A_609 : i32
      %dma_start3A_611 = arith.constant 0 : i32
      %dma_start3A_612 = arith.constant 0 : i32
      %dma_start3A_613 = arith.constant 0 : i32
      %dma_start3A_614 = tpu.memref_slice %arg8[%dma_start3A_611, %dma_start3A_612, %dma_start3A_613] : memref<8x125x32xf32, #tpu.memory_space<vmem>> -> memref<1x125x32xf32, #tpu.memory_space<vmem>>
      %dma_start3A_615 = tpu.memref_squeeze %dma_start3A_614 : memref<1x125x32xf32, #tpu.memory_space<vmem>> -> memref<125x32xf32, #tpu.memory_space<vmem>>
      %dma_start3A_616 = arith.constant 0 : i32
      %dma_start3A_617 = tpu.memref_slice %arg6[%add3A_610, %dma_start3A_616] : memref<80x125xi32, #tpu.memory_space<vmem>> -> memref<1x125xi32, #tpu.memory_space<vmem>>
      %dma_start3A_618 = tpu.memref_squeeze %dma_start3A_617 : memref<1x125xi32, #tpu.memory_space<vmem>> -> memref<125xi32, #tpu.memory_space<vmem>>
      %dma_start3A_619 = arith.constant 0 : i32
      %dma_start3A_620 = arith.constant 0 : i32
      %dma_start3A_621 = tpu.memref_slice %arg2[%dma_start3A_619, %dma_start3A_620] : memref<10240x32xf32, #tpu.memory_space<hbm>> -> memref<10240x32xf32, #tpu.memory_space<hbm>>
      tpu.enqueue_indirect_dma source(%dma_start3A_621 : memref<10240x32xf32, #tpu.memory_space<hbm>>) target(%dma_start3A_615 : memref<125x32xf32, #tpu.memory_space<vmem>>) offsets(%dma_start3A_618 : memref<125xi32, #tpu.memory_space<vmem>>) semaphore(%arg11 : memref<!tpu.dma_semaphore, #tpu.memory_space<semaphore_mem>>)
      %add3A_622 = arith.constant 1 : i32
      %add3A_623 = arith.addi %mul3A_393, %add3A_622 : i32
      %dma_wait3A_624 = arith.constant 1 : i32
      %dma_wait3A_625 = arith.constant 0 : i32
      %dma_wait3A_626 = arith.constant 0 : i32
      %dma_wait3A_627 = tpu.memref_slice %arg8[%dma_wait3A_624, %dma_wait3A_625, %dma_wait3A_626] : memref<8x125x32xf32, #tpu.memory_space<vmem>> -> memref<1x125x32xf32, #tpu.memory_space<vmem>>
      %dma_wait3A_628 = tpu.memref_squeeze %dma_wait3A_627 : memref<1x125x32xf32, #tpu.memory_space<vmem>> -> memref<125x32xf32, #tpu.memory_space<vmem>>
      %dma_wait3A_629 = arith.constant 0 : i32
      %dma_wait3A_630 = tpu.memref_slice %arg7[%add3A_623, %dma_wait3A_629] : memref<80x125xi32, #tpu.memory_space<vmem>> -> memref<1x125xi32, #tpu.memory_space<vmem>>
      %dma_wait3A_631 = tpu.memref_squeeze %dma_wait3A_630 : memref<1x125xi32, #tpu.memory_space<vmem>> -> memref<125xi32, #tpu.memory_space<vmem>>
      %dma_wait3A_632 = arith.constant 0 : i32
      %dma_wait3A_633 = arith.constant 0 : i32
      %dma_wait3A_634 = tpu.memref_slice %arg10[%dma_wait3A_632, %dma_wait3A_633] : memref<10240x32xf32, #tpu.memory_space<vmem_shared>> -> memref<10240x32xf32, #tpu.memory_space<vmem_shared>>
      tpu.wait_indirect_dma semaphore(%arg20 : memref<!tpu.dma_semaphore, #tpu.memory_space<semaphore_mem>>) src(%dma_wait3A_628 : memref<125x32xf32, #tpu.memory_space<vmem>>) dst(%dma_wait3A_634 : memref<10240x32xf32, #tpu.memory_space<vmem_shared>>)
      %add3A_635 = arith.constant 8 : i32
      %add3A_636 = arith.addi %mul3A_393, %add3A_635 : i32
      %add3A_637 = arith.constant 1 : i32
      %add3A_638 = arith.addi %add3A_636, %add3A_637 : i32
      %dma_start3A_639 = arith.constant 1 : i32
      %dma_start3A_640 = arith.constant 0 : i32
      %dma_start3A_641 = arith.constant 0 : i32
      %dma_start3A_642 = tpu.memref_slice %arg8[%dma_start3A_639, %dma_start3A_640, %dma_start3A_641] : memref<8x125x32xf32, #tpu.memory_space<vmem>> -> memref<1x125x32xf32, #tpu.memory_space<vmem>>
      %dma_start3A_643 = tpu.memref_squeeze %dma_start3A_642 : memref<1x125x32xf32, #tpu.memory_space<vmem>> -> memref<125x32xf32, #tpu.memory_space<vmem>>
      %dma_start3A_644 = arith.constant 0 : i32
      %dma_start3A_645 = tpu.memref_slice %arg6[%add3A_638, %dma_start3A_644] : memref<80x125xi32, #tpu.memory_space<vmem>> -> memref<1x125xi32, #tpu.memory_space<vmem>>
      %dma_start3A_646 = tpu.memref_squeeze %dma_start3A_645 : memref<1x125xi32, #tpu.memory_space<vmem>> -> memref<125xi32, #tpu.memory_space<vmem>>
      %dma_start3A_647 = arith.constant 0 : i32
      %dma_start3A_648 = arith.constant 0 : i32
      %dma_start3A_649 = tpu.memref_slice %arg2[%dma_start3A_647, %dma_start3A_648] : memref<10240x32xf32, #tpu.memory_space<hbm>> -> memref<10240x32xf32, #tpu.memory_space<hbm>>
      tpu.enqueue_indirect_dma source(%dma_start3A_649 : memref<10240x32xf32, #tpu.memory_space<hbm>>) target(%dma_start3A_643 : memref<125x32xf32, #tpu.memory_space<vmem>>) offsets(%dma_start3A_646 : memref<125xi32, #tpu.memory_space<vmem>>) semaphore(%arg12 : memref<!tpu.dma_semaphore, #tpu.memory_space<semaphore_mem>>)
      %add3A_650 = arith.constant 2 : i32
      %add3A_651 = arith.addi %mul3A_393, %add3A_650 : i32
      %dma_wait3A_652 = arith.constant 2 : i32
      %dma_wait3A_653 = arith.constant 0 : i32
      %dma_wait3A_654 = arith.constant 0 : i32
      %dma_wait3A_655 = tpu.memref_slice %arg8[%dma_wait3A_652, %dma_wait3A_653, %dma_wait3A_654] : memref<8x125x32xf32, #tpu.memory_space<vmem>> -> memref<1x125x32xf32, #tpu.memory_space<vmem>>
      %dma_wait3A_656 = tpu.memref_squeeze %dma_wait3A_655 : memref<1x125x32xf32, #tpu.memory_space<vmem>> -> memref<125x32xf32, #tpu.memory_space<vmem>>
      %dma_wait3A_657 = arith.constant 0 : i32
      %dma_wait3A_658 = tpu.memref_slice %arg7[%add3A_651, %dma_wait3A_657] : memref<80x125xi32, #tpu.memory_space<vmem>> -> memref<1x125xi32, #tpu.memory_space<vmem>>
      %dma_wait3A_659 = tpu.memref_squeeze %dma_wait3A_658 : memref<1x125xi32, #tpu.memory_space<vmem>> -> memref<125xi32, #tpu.memory_space<vmem>>
      %dma_wait3A_660 = arith.constant 0 : i32
      %dma_wait3A_661 = arith.constant 0 : i32
      %dma_wait3A_662 = tpu.memref_slice %arg10[%dma_wait3A_660, %dma_wait3A_661] : memref<10240x32xf32, #tpu.memory_space<vmem_shared>> -> memref<10240x32xf32, #tpu.memory_space<vmem_shared>>
      tpu.wait_indirect_dma semaphore(%arg21 : memref<!tpu.dma_semaphore, #tpu.memory_space<semaphore_mem>>) src(%dma_wait3A_656 : memref<125x32xf32, #tpu.memory_space<vmem>>) dst(%dma_wait3A_662 : memref<10240x32xf32, #tpu.memory_space<vmem_shared>>)
      %add3A_663 = arith.constant 8 : i32
      %add3A_664 = arith.addi %mul3A_393, %add3A_663 : i32
      %add3A_665 = arith.constant 2 : i32
      %add3A_666 = arith.addi %add3A_664, %add3A_665 : i32
      %dma_start3A_667 = arith.constant 2 : i32
      %dma_start3A_668 = arith.constant 0 : i32
      %dma_start3A_669 = arith.constant 0 : i32
      %dma_start3A_670 = tpu.memref_slice %arg8[%dma_start3A_667, %dma_start3A_668, %dma_start3A_669] : memref<8x125x32xf32, #tpu.memory_space<vmem>> -> memref<1x125x32xf32, #tpu.memory_space<vmem>>
      %dma_start3A_671 = tpu.memref_squeeze %dma_start3A_670 : memref<1x125x32xf32, #tpu.memory_space<vmem>> -> memref<125x32xf32, #tpu.memory_space<vmem>>
      %dma_start3A_672 = arith.constant 0 : i32
      %dma_start3A_673 = tpu.memref_slice %arg6[%add3A_666, %dma_start3A_672] : memref<80x125xi32, #tpu.memory_space<vmem>> -> memref<1x125xi32, #tpu.memory_space<vmem>>
      %dma_start3A_674 = tpu.memref_squeeze %dma_start3A_673 : memref<1x125xi32, #tpu.memory_space<vmem>> -> memref<125xi32, #tpu.memory_space<vmem>>
      %dma_start3A_675 = arith.constant 0 : i32
      %dma_start3A_676 = arith.constant 0 : i32
      %dma_start3A_677 = tpu.memref_slice %arg2[%dma_start3A_675, %dma_start3A_676] : memref<10240x32xf32, #tpu.memory_space<hbm>> -> memref<10240x32xf32, #tpu.memory_space<hbm>>
      tpu.enqueue_indirect_dma source(%dma_start3A_677 : memref<10240x32xf32, #tpu.memory_space<hbm>>) target(%dma_start3A_671 : memref<125x32xf32, #tpu.memory_space<vmem>>) offsets(%dma_start3A_674 : memref<125xi32, #tpu.memory_space<vmem>>) semaphore(%arg13 : memref<!tpu.dma_semaphore, #tpu.memory_space<semaphore_mem>>)
      %add3A_678 = arith.constant 3 : i32
      %add3A_679 = arith.addi %mul3A_393, %add3A_678 : i32
      %dma_wait3A_680 = arith.constant 3 : i32
      %dma_wait3A_681 = arith.constant 0 : i32
      %dma_wait3A_682 = arith.constant 0 : i32
      %dma_wait3A_683 = tpu.memref_slice %arg8[%dma_wait3A_680, %dma_wait3A_681, %dma_wait3A_682] : memref<8x125x32xf32, #tpu.memory_space<vmem>> -> memref<1x125x32xf32, #tpu.memory_space<vmem>>
      %dma_wait3A_684 = tpu.memref_squeeze %dma_wait3A_683 : memref<1x125x32xf32, #tpu.memory_space<vmem>> -> memref<125x32xf32, #tpu.memory_space<vmem>>
      %dma_wait3A_685 = arith.constant 0 : i32
      %dma_wait3A_686 = tpu.memref_slice %arg7[%add3A_679, %dma_wait3A_685] : memref<80x125xi32, #tpu.memory_space<vmem>> -> memref<1x125xi32, #tpu.memory_space<vmem>>
      %dma_wait3A_687 = tpu.memref_squeeze %dma_wait3A_686 : memref<1x125xi32, #tpu.memory_space<vmem>> -> memref<125xi32, #tpu.memory_space<vmem>>
      %dma_wait3A_688 = arith.constant 0 : i32
      %dma_wait3A_689 = arith.constant 0 : i32
      %dma_wait3A_690 = tpu.memref_slice %arg10[%dma_wait3A_688, %dma_wait3A_689] : memref<10240x32xf32, #tpu.memory_space<vmem_shared>> -> memref<10240x32xf32, #tpu.memory_space<vmem_shared>>
      tpu.wait_indirect_dma semaphore(%arg22 : memref<!tpu.dma_semaphore, #tpu.memory_space<semaphore_mem>>) src(%dma_wait3A_684 : memref<125x32xf32, #tpu.memory_space<vmem>>) dst(%dma_wait3A_690 : memref<10240x32xf32, #tpu.memory_space<vmem_shared>>)
      %add3A_691 = arith.constant 8 : i32
      %add3A_692 = arith.addi %mul3A_393, %add3A_691 : i32
      %add3A_693 = arith.constant 3 : i32
      %add3A_694 = arith.addi %add3A_692, %add3A_693 : i32
      %dma_start3A_695 = arith.constant 3 : i32
      %dma_start3A_696 = arith.constant 0 : i32
      %dma_start3A_697 = arith.constant 0 : i32
      %dma_start3A_698 = tpu.memref_slice %arg8[%dma_start3A_695, %dma_start3A_696, %dma_start3A_697] : memref<8x125x32xf32, #tpu.memory_space<vmem>> -> memref<1x125x32xf32, #tpu.memory_space<vmem>>
      %dma_start3A_699 = tpu.memref_squeeze %dma_start3A_698 : memref<1x125x32xf32, #tpu.memory_space<vmem>> -> memref<125x32xf32, #tpu.memory_space<vmem>>
      %dma_start3A_700 = arith.constant 0 : i32
      %dma_start3A_701 = tpu.memref_slice %arg6[%add3A_694, %dma_start3A_700] : memref<80x125xi32, #tpu.memory_space<vmem>> -> memref<1x125xi32, #tpu.memory_space<vmem>>
      %dma_start3A_702 = tpu.memref_squeeze %dma_start3A_701 : memref<1x125xi32, #tpu.memory_space<vmem>> -> memref<125xi32, #tpu.memory_space<vmem>>
      %dma_start3A_703 = arith.constant 0 : i32
      %dma_start3A_704 = arith.constant 0 : i32
      %dma_start3A_705 = tpu.memref_slice %arg2[%dma_start3A_703, %dma_start3A_704] : memref<10240x32xf32, #tpu.memory_space<hbm>> -> memref<10240x32xf32, #tpu.memory_space<hbm>>
      tpu.enqueue_indirect_dma source(%dma_start3A_705 : memref<10240x32xf32, #tpu.memory_space<hbm>>) target(%dma_start3A_699 : memref<125x32xf32, #tpu.memory_space<vmem>>) offsets(%dma_start3A_702 : memref<125xi32, #tpu.memory_space<vmem>>) semaphore(%arg14 : memref<!tpu.dma_semaphore, #tpu.memory_space<semaphore_mem>>)
      %add3A_706 = arith.constant 4 : i32
      %add3A_707 = arith.addi %mul3A_393, %add3A_706 : i32
      %dma_wait3A_708 = arith.constant 4 : i32
      %dma_wait3A_709 = arith.constant 0 : i32
      %dma_wait3A_710 = arith.constant 0 : i32
      %dma_wait3A_711 = tpu.memref_slice %arg8[%dma_wait3A_708, %dma_wait3A_709, %dma_wait3A_710] : memref<8x125x32xf32, #tpu.memory_space<vmem>> -> memref<1x125x32xf32, #tpu.memory_space<vmem>>
      %dma_wait3A_712 = tpu.memref_squeeze %dma_wait3A_711 : memref<1x125x32xf32, #tpu.memory_space<vmem>> -> memref<125x32xf32, #tpu.memory_space<vmem>>
      %dma_wait3A_713 = arith.constant 0 : i32
      %dma_wait3A_714 = tpu.memref_slice %arg7[%add3A_707, %dma_wait3A_713] : memref<80x125xi32, #tpu.memory_space<vmem>> -> memref<1x125xi32, #tpu.memory_space<vmem>>
      %dma_wait3A_715 = tpu.memref_squeeze %dma_wait3A_714 : memref<1x125xi32, #tpu.memory_space<vmem>> -> memref<125xi32, #tpu.memory_space<vmem>>
      %dma_wait3A_716 = arith.constant 0 : i32
      %dma_wait3A_717 = arith.constant 0 : i32
      %dma_wait3A_718 = tpu.memref_slice %arg10[%dma_wait3A_716, %dma_wait3A_717] : memref<10240x32xf32, #tpu.memory_space<vmem_shared>> -> memref<10240x32xf32, #tpu.memory_space<vmem_shared>>
      tpu.wait_indirect_dma semaphore(%arg23 : memref<!tpu.dma_semaphore, #tpu.memory_space<semaphore_mem>>) src(%dma_wait3A_712 : memref<125x32xf32, #tpu.memory_space<vmem>>) dst(%dma_wait3A_718 : memref<10240x32xf32, #tpu.memory_space<vmem_shared>>)
      %add3A_719 = arith.constant 8 : i32
      %add3A_720 = arith.addi %mul3A_393, %add3A_719 : i32
      %add3A_721 = arith.constant 4 : i32
      %add3A_722 = arith.addi %add3A_720, %add3A_721 : i32
      %dma_start3A_723 = arith.constant 4 : i32
      %dma_start3A_724 = arith.constant 0 : i32
      %dma_start3A_725 = arith.constant 0 : i32
      %dma_start3A_726 = tpu.memref_slice %arg8[%dma_start3A_723, %dma_start3A_724, %dma_start3A_725] : memref<8x125x32xf32, #tpu.memory_space<vmem>> -> memref<1x125x32xf32, #tpu.memory_space<vmem>>
      %dma_start3A_727 = tpu.memref_squeeze %dma_start3A_726 : memref<1x125x32xf32, #tpu.memory_space<vmem>> -> memref<125x32xf32, #tpu.memory_space<vmem>>
      %dma_start3A_728 = arith.constant 0 : i32
      %dma_start3A_729 = tpu.memref_slice %arg6[%add3A_722, %dma_start3A_728] : memref<80x125xi32, #tpu.memory_space<vmem>> -> memref<1x125xi32, #tpu.memory_space<vmem>>
      %dma_start3A_730 = tpu.memref_squeeze %dma_start3A_729 : memref<1x125xi32, #tpu.memory_space<vmem>> -> memref<125xi32, #tpu.memory_space<vmem>>
      %dma_start3A_731 = arith.constant 0 : i32
      %dma_start3A_732 = arith.constant 0 : i32
      %dma_start3A_733 = tpu.memref_slice %arg2[%dma_start3A_731, %dma_start3A_732] : memref<10240x32xf32, #tpu.memory_space<hbm>> -> memref<10240x32xf32, #tpu.memory_space<hbm>>
      tpu.enqueue_indirect_dma source(%dma_start3A_733 : memref<10240x32xf32, #tpu.memory_space<hbm>>) target(%dma_start3A_727 : memref<125x32xf32, #tpu.memory_space<vmem>>) offsets(%dma_start3A_730 : memref<125xi32, #tpu.memory_space<vmem>>) semaphore(%arg15 : memref<!tpu.dma_semaphore, #tpu.memory_space<semaphore_mem>>)
      %add3A_734 = arith.constant 5 : i32
      %add3A_735 = arith.addi %mul3A_393, %add3A_734 : i32
      %dma_wait3A_736 = arith.constant 5 : i32
      %dma_wait3A_737 = arith.constant 0 : i32
      %dma_wait3A_738 = arith.constant 0 : i32
      %dma_wait3A_739 = tpu.memref_slice %arg8[%dma_wait3A_736, %dma_wait3A_737, %dma_wait3A_738] : memref<8x125x32xf32, #tpu.memory_space<vmem>> -> memref<1x125x32xf32, #tpu.memory_space<vmem>>
      %dma_wait3A_740 = tpu.memref_squeeze %dma_wait3A_739 : memref<1x125x32xf32, #tpu.memory_space<vmem>> -> memref<125x32xf32, #tpu.memory_space<vmem>>
      %dma_wait3A_741 = arith.constant 0 : i32
      %dma_wait3A_742 = tpu.memref_slice %arg7[%add3A_735, %dma_wait3A_741] : memref<80x125xi32, #tpu.memory_space<vmem>> -> memref<1x125xi32, #tpu.memory_space<vmem>>
      %dma_wait3A_743 = tpu.memref_squeeze %dma_wait3A_742 : memref<1x125xi32, #tpu.memory_space<vmem>> -> memref<125xi32, #tpu.memory_space<vmem>>
      %dma_wait3A_744 = arith.constant 0 : i32
      %dma_wait3A_745 = arith.constant 0 : i32
      %dma_wait3A_746 = tpu.memref_slice %arg10[%dma_wait3A_744, %dma_wait3A_745] : memref<10240x32xf32, #tpu.memory_space<vmem_shared>> -> memref<10240x32xf32, #tpu.memory_space<vmem_shared>>
      tpu.wait_indirect_dma semaphore(%arg24 : memref<!tpu.dma_semaphore, #tpu.memory_space<semaphore_mem>>) src(%dma_wait3A_740 : memref<125x32xf32, #tpu.memory_space<vmem>>) dst(%dma_wait3A_746 : memref<10240x32xf32, #tpu.memory_space<vmem_shared>>)
      %add3A_747 = arith.constant 8 : i32
      %add3A_748 = arith.addi %mul3A_393, %add3A_747 : i32
      %add3A_749 = arith.constant 5 : i32
      %add3A_750 = arith.addi %add3A_748, %add3A_749 : i32
      %dma_start3A_751 = arith.constant 5 : i32
      %dma_start3A_752 = arith.constant 0 : i32
      %dma_start3A_753 = arith.constant 0 : i32
      %dma_start3A_754 = tpu.memref_slice %arg8[%dma_start3A_751, %dma_start3A_752, %dma_start3A_753] : memref<8x125x32xf32, #tpu.memory_space<vmem>> -> memref<1x125x32xf32, #tpu.memory_space<vmem>>
      %dma_start3A_755 = tpu.memref_squeeze %dma_start3A_754 : memref<1x125x32xf32, #tpu.memory_space<vmem>> -> memref<125x32xf32, #tpu.memory_space<vmem>>
      %dma_start3A_756 = arith.constant 0 : i32
      %dma_start3A_757 = tpu.memref_slice %arg6[%add3A_750, %dma_start3A_756] : memref<80x125xi32, #tpu.memory_space<vmem>> -> memref<1x125xi32, #tpu.memory_space<vmem>>
      %dma_start3A_758 = tpu.memref_squeeze %dma_start3A_757 : memref<1x125xi32, #tpu.memory_space<vmem>> -> memref<125xi32, #tpu.memory_space<vmem>>
      %dma_start3A_759 = arith.constant 0 : i32
      %dma_start3A_760 = arith.constant 0 : i32
      %dma_start3A_761 = tpu.memref_slice %arg2[%dma_start3A_759, %dma_start3A_760] : memref<10240x32xf32, #tpu.memory_space<hbm>> -> memref<10240x32xf32, #tpu.memory_space<hbm>>
      tpu.enqueue_indirect_dma source(%dma_start3A_761 : memref<10240x32xf32, #tpu.memory_space<hbm>>) target(%dma_start3A_755 : memref<125x32xf32, #tpu.memory_space<vmem>>) offsets(%dma_start3A_758 : memref<125xi32, #tpu.memory_space<vmem>>) semaphore(%arg16 : memref<!tpu.dma_semaphore, #tpu.memory_space<semaphore_mem>>)
      %add3A_762 = arith.constant 6 : i32
      %add3A_763 = arith.addi %mul3A_393, %add3A_762 : i32
      %dma_wait3A_764 = arith.constant 6 : i32
      %dma_wait3A_765 = arith.constant 0 : i32
      %dma_wait3A_766 = arith.constant 0 : i32
      %dma_wait3A_767 = tpu.memref_slice %arg8[%dma_wait3A_764, %dma_wait3A_765, %dma_wait3A_766] : memref<8x125x32xf32, #tpu.memory_space<vmem>> -> memref<1x125x32xf32, #tpu.memory_space<vmem>>
      %dma_wait3A_768 = tpu.memref_squeeze %dma_wait3A_767 : memref<1x125x32xf32, #tpu.memory_space<vmem>> -> memref<125x32xf32, #tpu.memory_space<vmem>>
      %dma_wait3A_769 = arith.constant 0 : i32
      %dma_wait3A_770 = tpu.memref_slice %arg7[%add3A_763, %dma_wait3A_769] : memref<80x125xi32, #tpu.memory_space<vmem>> -> memref<1x125xi32, #tpu.memory_space<vmem>>
      %dma_wait3A_771 = tpu.memref_squeeze %dma_wait3A_770 : memref<1x125xi32, #tpu.memory_space<vmem>> -> memref<125xi32, #tpu.memory_space<vmem>>
      %dma_wait3A_772 = arith.constant 0 : i32
      %dma_wait3A_773 = arith.constant 0 : i32
      %dma_wait3A_774 = tpu.memref_slice %arg10[%dma_wait3A_772, %dma_wait3A_773] : memref<10240x32xf32, #tpu.memory_space<vmem_shared>> -> memref<10240x32xf32, #tpu.memory_space<vmem_shared>>
      tpu.wait_indirect_dma semaphore(%arg25 : memref<!tpu.dma_semaphore, #tpu.memory_space<semaphore_mem>>) src(%dma_wait3A_768 : memref<125x32xf32, #tpu.memory_space<vmem>>) dst(%dma_wait3A_774 : memref<10240x32xf32, #tpu.memory_space<vmem_shared>>)
      %add3A_775 = arith.constant 8 : i32
      %add3A_776 = arith.addi %mul3A_393, %add3A_775 : i32
      %add3A_777 = arith.constant 6 : i32
      %add3A_778 = arith.addi %add3A_776, %add3A_777 : i32
      %dma_start3A_779 = arith.constant 6 : i32
      %dma_start3A_780 = arith.constant 0 : i32
      %dma_start3A_781 = arith.constant 0 : i32
      %dma_start3A_782 = tpu.memref_slice %arg8[%dma_start3A_779, %dma_start3A_780, %dma_start3A_781] : memref<8x125x32xf32, #tpu.memory_space<vmem>> -> memref<1x125x32xf32, #tpu.memory_space<vmem>>
      %dma_start3A_783 = tpu.memref_squeeze %dma_start3A_782 : memref<1x125x32xf32, #tpu.memory_space<vmem>> -> memref<125x32xf32, #tpu.memory_space<vmem>>
      %dma_start3A_784 = arith.constant 0 : i32
      %dma_start3A_785 = tpu.memref_slice %arg6[%add3A_778, %dma_start3A_784] : memref<80x125xi32, #tpu.memory_space<vmem>> -> memref<1x125xi32, #tpu.memory_space<vmem>>
      %dma_start3A_786 = tpu.memref_squeeze %dma_start3A_785 : memref<1x125xi32, #tpu.memory_space<vmem>> -> memref<125xi32, #tpu.memory_space<vmem>>
      %dma_start3A_787 = arith.constant 0 : i32
      %dma_start3A_788 = arith.constant 0 : i32
      %dma_start3A_789 = tpu.memref_slice %arg2[%dma_start3A_787, %dma_start3A_788] : memref<10240x32xf32, #tpu.memory_space<hbm>> -> memref<10240x32xf32, #tpu.memory_space<hbm>>
      tpu.enqueue_indirect_dma source(%dma_start3A_789 : memref<10240x32xf32, #tpu.memory_space<hbm>>) target(%dma_start3A_783 : memref<125x32xf32, #tpu.memory_space<vmem>>) offsets(%dma_start3A_786 : memref<125xi32, #tpu.memory_space<vmem>>) semaphore(%arg17 : memref<!tpu.dma_semaphore, #tpu.memory_space<semaphore_mem>>)
      %add3A_790 = arith.constant 7 : i32
      %add3A_791 = arith.addi %mul3A_393, %add3A_790 : i32
      %dma_wait3A_792 = arith.constant 7 : i32
      %dma_wait3A_793 = arith.constant 0 : i32
      %dma_wait3A_794 = arith.constant 0 : i32
      %dma_wait3A_795 = tpu.memref_slice %arg8[%dma_wait3A_792, %dma_wait3A_793, %dma_wait3A_794] : memref<8x125x32xf32, #tpu.memory_space<vmem>> -> memref<1x125x32xf32, #tpu.memory_space<vmem>>
      %dma_wait3A_796 = tpu.memref_squeeze %dma_wait3A_795 : memref<1x125x32xf32, #tpu.memory_space<vmem>> -> memref<125x32xf32, #tpu.memory_space<vmem>>
      %dma_wait3A_797 = arith.constant 0 : i32
      %dma_wait3A_798 = tpu.memref_slice %arg7[%add3A_791, %dma_wait3A_797] : memref<80x125xi32, #tpu.memory_space<vmem>> -> memref<1x125xi32, #tpu.memory_space<vmem>>
      %dma_wait3A_799 = tpu.memref_squeeze %dma_wait3A_798 : memref<1x125xi32, #tpu.memory_space<vmem>> -> memref<125xi32, #tpu.memory_space<vmem>>
      %dma_wait3A_800 = arith.constant 0 : i32
      %dma_wait3A_801 = arith.constant 0 : i32
      %dma_wait3A_802 = tpu.memref_slice %arg10[%dma_wait3A_800, %dma_wait3A_801] : memref<10240x32xf32, #tpu.memory_space<vmem_shared>> -> memref<10240x32xf32, #tpu.memory_space<vmem_shared>>
      tpu.wait_indirect_dma semaphore(%arg26 : memref<!tpu.dma_semaphore, #tpu.memory_space<semaphore_mem>>) src(%dma_wait3A_796 : memref<125x32xf32, #tpu.memory_space<vmem>>) dst(%dma_wait3A_802 : memref<10240x32xf32, #tpu.memory_space<vmem_shared>>)
      %add3A_803 = arith.constant 8 : i32
      %add3A_804 = arith.addi %mul3A_393, %add3A_803 : i32
      %add3A_805 = arith.constant 7 : i32
      %add3A_806 = arith.addi %add3A_804, %add3A_805 : i32
      %dma_start3A_807 = arith.constant 7 : i32
      %dma_start3A_808 = arith.constant 0 : i32
      %dma_start3A_809 = arith.constant 0 : i32
      %dma_start3A_810 = tpu.memref_slice %arg8[%dma_start3A_807, %dma_start3A_808, %dma_start3A_809] : memref<8x125x32xf32, #tpu.memory_space<vmem>> -> memref<1x125x32xf32, #tpu.memory_space<vmem>>
      %dma_start3A_811 = tpu.memref_squeeze %dma_start3A_810 : memref<1x125x32xf32, #tpu.memory_space<vmem>> -> memref<125x32xf32, #tpu.memory_space<vmem>>
      %dma_start3A_812 = arith.constant 0 : i32
      %dma_start3A_813 = tpu.memref_slice %arg6[%add3A_806, %dma_start3A_812] : memref<80x125xi32, #tpu.memory_space<vmem>> -> memref<1x125xi32, #tpu.memory_space<vmem>>
      %dma_start3A_814 = tpu.memref_squeeze %dma_start3A_813 : memref<1x125xi32, #tpu.memory_space<vmem>> -> memref<125xi32, #tpu.memory_space<vmem>>
      %dma_start3A_815 = arith.constant 0 : i32
      %dma_start3A_816 = arith.constant 0 : i32
      %dma_start3A_817 = tpu.memref_slice %arg2[%dma_start3A_815, %dma_start3A_816] : memref<10240x32xf32, #tpu.memory_space<hbm>> -> memref<10240x32xf32, #tpu.memory_space<hbm>>
      tpu.enqueue_indirect_dma source(%dma_start3A_817 : memref<10240x32xf32, #tpu.memory_space<hbm>>) target(%dma_start3A_811 : memref<125x32xf32, #tpu.memory_space<vmem>>) offsets(%dma_start3A_814 : memref<125xi32, #tpu.memory_space<vmem>>) semaphore(%arg18 : memref<!tpu.dma_semaphore, #tpu.memory_space<semaphore_mem>>)
    }
    %scan3A_102 = arith.constant 9 : i32
    %dma_wait3A = arith.constant 0 : i32
    %dma_wait3A_103 = arith.constant 0 : i32
    %dma_wait3A_104 = arith.constant 0 : i32
    %dma_wait3A_105 = arith.constant 0 : i32
    %dma_wait3A_106 = tpu.memref_slice %arg8[%dma_wait3A_103, %dma_wait3A_104, %dma_wait3A_105] : memref<8x125x32xf32, #tpu.memory_space<vmem>> -> memref<1x125x32xf32, #tpu.memory_space<vmem>>
    %dma_wait3A_107 = tpu.memref_squeeze %dma_wait3A_106 : memref<1x125x32xf32, #tpu.memory_space<vmem>> -> memref<125x32xf32, #tpu.memory_space<vmem>>
    %dma_wait3A_108 = arith.constant 0 : i32
    %dma_wait3A_109 = tpu.memref_slice %arg6[%dma_wait3A, %dma_wait3A_108] : memref<80x125xi32, #tpu.memory_space<vmem>> -> memref<1x125xi32, #tpu.memory_space<vmem>>
    %dma_wait3A_110 = tpu.memref_squeeze %dma_wait3A_109 : memref<1x125xi32, #tpu.memory_space<vmem>> -> memref<125xi32, #tpu.memory_space<vmem>>
    %dma_wait3A_111 = arith.constant 0 : i32
    %dma_wait3A_112 = arith.constant 0 : i32
    %dma_wait3A_113 = tpu.memref_slice %arg2[%dma_wait3A_111, %dma_wait3A_112] : memref<10240x32xf32, #tpu.memory_space<hbm>> -> memref<10240x32xf32, #tpu.memory_space<hbm>>
    tpu.wait_indirect_dma semaphore(%arg11 : memref<!tpu.dma_semaphore, #tpu.memory_space<semaphore_mem>>) src(%dma_wait3A_113 : memref<10240x32xf32, #tpu.memory_space<hbm>>) dst(%dma_wait3A_107 : memref<125x32xf32, #tpu.memory_space<vmem>>)
    %dma_start3A_114 = arith.constant 0 : i32
    %dma_start3A_115 = arith.constant 72 : i32
    %dma_start3A_116 = arith.constant 0 : i32
    %dma_start3A_117 = arith.constant 0 : i32
    %dma_start3A_118 = tpu.memref_slice %arg8[%dma_start3A_114, %dma_start3A_116, %dma_start3A_117] : memref<8x125x32xf32, #tpu.memory_space<vmem>> -> memref<1x125x32xf32, #tpu.memory_space<vmem>>
    %dma_start3A_119 = tpu.memref_squeeze %dma_start3A_118 : memref<1x125x32xf32, #tpu.memory_space<vmem>> -> memref<125x32xf32, #tpu.memory_space<vmem>>
    %dma_start3A_120 = arith.constant 0 : i32
    %dma_start3A_121 = tpu.memref_slice %arg7[%dma_start3A_115, %dma_start3A_120] : memref<80x125xi32, #tpu.memory_space<vmem>> -> memref<1x125xi32, #tpu.memory_space<vmem>>
    %dma_start3A_122 = tpu.memref_squeeze %dma_start3A_121 : memref<1x125xi32, #tpu.memory_space<vmem>> -> memref<125xi32, #tpu.memory_space<vmem>>
    %dma_start3A_123 = arith.constant 0 : i32
    %dma_start3A_124 = arith.constant 0 : i32
    %dma_start3A_125 = tpu.memref_slice %arg10[%dma_start3A_123, %dma_start3A_124] : memref<10240x32xf32, #tpu.memory_space<vmem_shared>> -> memref<10240x32xf32, #tpu.memory_space<vmem_shared>>
    tpu.enqueue_indirect_dma source(%dma_start3A_119 : memref<125x32xf32, #tpu.memory_space<vmem>>) target(%dma_start3A_125 : memref<10240x32xf32, #tpu.memory_space<vmem_shared>>) offsets(%dma_start3A_122 : memref<125xi32, #tpu.memory_space<vmem>>) semaphore(%arg19 : memref<!tpu.dma_semaphore, #tpu.memory_space<semaphore_mem>>) {add = true}
    %dma_wait3A_126 = arith.constant 0 : i32
    %dma_wait3A_127 = arith.constant 1 : i32
    %dma_wait3A_128 = arith.constant 0 : i32
    %dma_wait3A_129 = arith.constant 0 : i32
    %dma_wait3A_130 = tpu.memref_slice %arg8[%dma_wait3A_127, %dma_wait3A_128, %dma_wait3A_129] : memref<8x125x32xf32, #tpu.memory_space<vmem>> -> memref<1x125x32xf32, #tpu.memory_space<vmem>>
    %dma_wait3A_131 = tpu.memref_squeeze %dma_wait3A_130 : memref<1x125x32xf32, #tpu.memory_space<vmem>> -> memref<125x32xf32, #tpu.memory_space<vmem>>
    %dma_wait3A_132 = arith.constant 0 : i32
    %dma_wait3A_133 = tpu.memref_slice %arg6[%dma_wait3A_126, %dma_wait3A_132] : memref<80x125xi32, #tpu.memory_space<vmem>> -> memref<1x125xi32, #tpu.memory_space<vmem>>
    %dma_wait3A_134 = tpu.memref_squeeze %dma_wait3A_133 : memref<1x125xi32, #tpu.memory_space<vmem>> -> memref<125xi32, #tpu.memory_space<vmem>>
    %dma_wait3A_135 = arith.constant 0 : i32
    %dma_wait3A_136 = arith.constant 0 : i32
    %dma_wait3A_137 = tpu.memref_slice %arg2[%dma_wait3A_135, %dma_wait3A_136] : memref<10240x32xf32, #tpu.memory_space<hbm>> -> memref<10240x32xf32, #tpu.memory_space<hbm>>
    tpu.wait_indirect_dma semaphore(%arg12 : memref<!tpu.dma_semaphore, #tpu.memory_space<semaphore_mem>>) src(%dma_wait3A_137 : memref<10240x32xf32, #tpu.memory_space<hbm>>) dst(%dma_wait3A_131 : memref<125x32xf32, #tpu.memory_space<vmem>>)
    %dma_start3A_138 = arith.constant 1 : i32
    %dma_start3A_139 = arith.constant 73 : i32
    %dma_start3A_140 = arith.constant 0 : i32
    %dma_start3A_141 = arith.constant 0 : i32
    %dma_start3A_142 = tpu.memref_slice %arg8[%dma_start3A_138, %dma_start3A_140, %dma_start3A_141] : memref<8x125x32xf32, #tpu.memory_space<vmem>> -> memref<1x125x32xf32, #tpu.memory_space<vmem>>
    %dma_start3A_143 = tpu.memref_squeeze %dma_start3A_142 : memref<1x125x32xf32, #tpu.memory_space<vmem>> -> memref<125x32xf32, #tpu.memory_space<vmem>>
    %dma_start3A_144 = arith.constant 0 : i32
    %dma_start3A_145 = tpu.memref_slice %arg7[%dma_start3A_139, %dma_start3A_144] : memref<80x125xi32, #tpu.memory_space<vmem>> -> memref<1x125xi32, #tpu.memory_space<vmem>>
    %dma_start3A_146 = tpu.memref_squeeze %dma_start3A_145 : memref<1x125xi32, #tpu.memory_space<vmem>> -> memref<125xi32, #tpu.memory_space<vmem>>
    %dma_start3A_147 = arith.constant 0 : i32
    %dma_start3A_148 = arith.constant 0 : i32
    %dma_start3A_149 = tpu.memref_slice %arg10[%dma_start3A_147, %dma_start3A_148] : memref<10240x32xf32, #tpu.memory_space<vmem_shared>> -> memref<10240x32xf32, #tpu.memory_space<vmem_shared>>
    tpu.enqueue_indirect_dma source(%dma_start3A_143 : memref<125x32xf32, #tpu.memory_space<vmem>>) target(%dma_start3A_149 : memref<10240x32xf32, #tpu.memory_space<vmem_shared>>) offsets(%dma_start3A_146 : memref<125xi32, #tpu.memory_space<vmem>>) semaphore(%arg20 : memref<!tpu.dma_semaphore, #tpu.memory_space<semaphore_mem>>) {add = true}
    %dma_wait3A_150 = arith.constant 0 : i32
    %dma_wait3A_151 = arith.constant 2 : i32
    %dma_wait3A_152 = arith.constant 0 : i32
    %dma_wait3A_153 = arith.constant 0 : i32
    %dma_wait3A_154 = tpu.memref_slice %arg8[%dma_wait3A_151, %dma_wait3A_152, %dma_wait3A_153] : memref<8x125x32xf32, #tpu.memory_space<vmem>> -> memref<1x125x32xf32, #tpu.memory_space<vmem>>
    %dma_wait3A_155 = tpu.memref_squeeze %dma_wait3A_154 : memref<1x125x32xf32, #tpu.memory_space<vmem>> -> memref<125x32xf32, #tpu.memory_space<vmem>>
    %dma_wait3A_156 = arith.constant 0 : i32
    %dma_wait3A_157 = tpu.memref_slice %arg6[%dma_wait3A_150, %dma_wait3A_156] : memref<80x125xi32, #tpu.memory_space<vmem>> -> memref<1x125xi32, #tpu.memory_space<vmem>>
    %dma_wait3A_158 = tpu.memref_squeeze %dma_wait3A_157 : memref<1x125xi32, #tpu.memory_space<vmem>> -> memref<125xi32, #tpu.memory_space<vmem>>
    %dma_wait3A_159 = arith.constant 0 : i32
    %dma_wait3A_160 = arith.constant 0 : i32
    %dma_wait3A_161 = tpu.memref_slice %arg2[%dma_wait3A_159, %dma_wait3A_160] : memref<10240x32xf32, #tpu.memory_space<hbm>> -> memref<10240x32xf32, #tpu.memory_space<hbm>>
    tpu.wait_indirect_dma semaphore(%arg13 : memref<!tpu.dma_semaphore, #tpu.memory_space<semaphore_mem>>) src(%dma_wait3A_161 : memref<10240x32xf32, #tpu.memory_space<hbm>>) dst(%dma_wait3A_155 : memref<125x32xf32, #tpu.memory_space<vmem>>)
    %dma_start3A_162 = arith.constant 2 : i32
    %dma_start3A_163 = arith.constant 74 : i32
    %dma_start3A_164 = arith.constant 0 : i32
    %dma_start3A_165 = arith.constant 0 : i32
    %dma_start3A_166 = tpu.memref_slice %arg8[%dma_start3A_162, %dma_start3A_164, %dma_start3A_165] : memref<8x125x32xf32, #tpu.memory_space<vmem>> -> memref<1x125x32xf32, #tpu.memory_space<vmem>>
    %dma_start3A_167 = tpu.memref_squeeze %dma_start3A_166 : memref<1x125x32xf32, #tpu.memory_space<vmem>> -> memref<125x32xf32, #tpu.memory_space<vmem>>
    %dma_start3A_168 = arith.constant 0 : i32
    %dma_start3A_169 = tpu.memref_slice %arg7[%dma_start3A_163, %dma_start3A_168] : memref<80x125xi32, #tpu.memory_space<vmem>> -> memref<1x125xi32, #tpu.memory_space<vmem>>
    %dma_start3A_170 = tpu.memref_squeeze %dma_start3A_169 : memref<1x125xi32, #tpu.memory_space<vmem>> -> memref<125xi32, #tpu.memory_space<vmem>>
    %dma_start3A_171 = arith.constant 0 : i32
    %dma_start3A_172 = arith.constant 0 : i32
    %dma_start3A_173 = tpu.memref_slice %arg10[%dma_start3A_171, %dma_start3A_172] : memref<10240x32xf32, #tpu.memory_space<vmem_shared>> -> memref<10240x32xf32, #tpu.memory_space<vmem_shared>>
    tpu.enqueue_indirect_dma source(%dma_start3A_167 : memref<125x32xf32, #tpu.memory_space<vmem>>) target(%dma_start3A_173 : memref<10240x32xf32, #tpu.memory_space<vmem_shared>>) offsets(%dma_start3A_170 : memref<125xi32, #tpu.memory_space<vmem>>) semaphore(%arg21 : memref<!tpu.dma_semaphore, #tpu.memory_space<semaphore_mem>>) {add = true}
    %dma_wait3A_174 = arith.constant 0 : i32
    %dma_wait3A_175 = arith.constant 3 : i32
    %dma_wait3A_176 = arith.constant 0 : i32
    %dma_wait3A_177 = arith.constant 0 : i32
    %dma_wait3A_178 = tpu.memref_slice %arg8[%dma_wait3A_175, %dma_wait3A_176, %dma_wait3A_177] : memref<8x125x32xf32, #tpu.memory_space<vmem>> -> memref<1x125x32xf32, #tpu.memory_space<vmem>>
    %dma_wait3A_179 = tpu.memref_squeeze %dma_wait3A_178 : memref<1x125x32xf32, #tpu.memory_space<vmem>> -> memref<125x32xf32, #tpu.memory_space<vmem>>
    %dma_wait3A_180 = arith.constant 0 : i32
    %dma_wait3A_181 = tpu.memref_slice %arg6[%dma_wait3A_174, %dma_wait3A_180] : memref<80x125xi32, #tpu.memory_space<vmem>> -> memref<1x125xi32, #tpu.memory_space<vmem>>
    %dma_wait3A_182 = tpu.memref_squeeze %dma_wait3A_181 : memref<1x125xi32, #tpu.memory_space<vmem>> -> memref<125xi32, #tpu.memory_space<vmem>>
    %dma_wait3A_183 = arith.constant 0 : i32
    %dma_wait3A_184 = arith.constant 0 : i32
    %dma_wait3A_185 = tpu.memref_slice %arg2[%dma_wait3A_183, %dma_wait3A_184] : memref<10240x32xf32, #tpu.memory_space<hbm>> -> memref<10240x32xf32, #tpu.memory_space<hbm>>
    tpu.wait_indirect_dma semaphore(%arg14 : memref<!tpu.dma_semaphore, #tpu.memory_space<semaphore_mem>>) src(%dma_wait3A_185 : memref<10240x32xf32, #tpu.memory_space<hbm>>) dst(%dma_wait3A_179 : memref<125x32xf32, #tpu.memory_space<vmem>>)
    %dma_start3A_186 = arith.constant 3 : i32
    %dma_start3A_187 = arith.constant 75 : i32
    %dma_start3A_188 = arith.constant 0 : i32
    %dma_start3A_189 = arith.constant 0 : i32
    %dma_start3A_190 = tpu.memref_slice %arg8[%dma_start3A_186, %dma_start3A_188, %dma_start3A_189] : memref<8x125x32xf32, #tpu.memory_space<vmem>> -> memref<1x125x32xf32, #tpu.memory_space<vmem>>
    %dma_start3A_191 = tpu.memref_squeeze %dma_start3A_190 : memref<1x125x32xf32, #tpu.memory_space<vmem>> -> memref<125x32xf32, #tpu.memory_space<vmem>>
    %dma_start3A_192 = arith.constant 0 : i32
    %dma_start3A_193 = tpu.memref_slice %arg7[%dma_start3A_187, %dma_start3A_192] : memref<80x125xi32, #tpu.memory_space<vmem>> -> memref<1x125xi32, #tpu.memory_space<vmem>>
    %dma_start3A_194 = tpu.memref_squeeze %dma_start3A_193 : memref<1x125xi32, #tpu.memory_space<vmem>> -> memref<125xi32, #tpu.memory_space<vmem>>
    %dma_start3A_195 = arith.constant 0 : i32
    %dma_start3A_196 = arith.constant 0 : i32
    %dma_start3A_197 = tpu.memref_slice %arg10[%dma_start3A_195, %dma_start3A_196] : memref<10240x32xf32, #tpu.memory_space<vmem_shared>> -> memref<10240x32xf32, #tpu.memory_space<vmem_shared>>
    tpu.enqueue_indirect_dma source(%dma_start3A_191 : memref<125x32xf32, #tpu.memory_space<vmem>>) target(%dma_start3A_197 : memref<10240x32xf32, #tpu.memory_space<vmem_shared>>) offsets(%dma_start3A_194 : memref<125xi32, #tpu.memory_space<vmem>>) semaphore(%arg22 : memref<!tpu.dma_semaphore, #tpu.memory_space<semaphore_mem>>) {add = true}
    %dma_wait3A_198 = arith.constant 0 : i32
    %dma_wait3A_199 = arith.constant 4 : i32
    %dma_wait3A_200 = arith.constant 0 : i32
    %dma_wait3A_201 = arith.constant 0 : i32
    %dma_wait3A_202 = tpu.memref_slice %arg8[%dma_wait3A_199, %dma_wait3A_200, %dma_wait3A_201] : memref<8x125x32xf32, #tpu.memory_space<vmem>> -> memref<1x125x32xf32, #tpu.memory_space<vmem>>
    %dma_wait3A_203 = tpu.memref_squeeze %dma_wait3A_202 : memref<1x125x32xf32, #tpu.memory_space<vmem>> -> memref<125x32xf32, #tpu.memory_space<vmem>>
    %dma_wait3A_204 = arith.constant 0 : i32
    %dma_wait3A_205 = tpu.memref_slice %arg6[%dma_wait3A_198, %dma_wait3A_204] : memref<80x125xi32, #tpu.memory_space<vmem>> -> memref<1x125xi32, #tpu.memory_space<vmem>>
    %dma_wait3A_206 = tpu.memref_squeeze %dma_wait3A_205 : memref<1x125xi32, #tpu.memory_space<vmem>> -> memref<125xi32, #tpu.memory_space<vmem>>
    %dma_wait3A_207 = arith.constant 0 : i32
    %dma_wait3A_208 = arith.constant 0 : i32
    %dma_wait3A_209 = tpu.memref_slice %arg2[%dma_wait3A_207, %dma_wait3A_208] : memref<10240x32xf32, #tpu.memory_space<hbm>> -> memref<10240x32xf32, #tpu.memory_space<hbm>>
    tpu.wait_indirect_dma semaphore(%arg15 : memref<!tpu.dma_semaphore, #tpu.memory_space<semaphore_mem>>) src(%dma_wait3A_209 : memref<10240x32xf32, #tpu.memory_space<hbm>>) dst(%dma_wait3A_203 : memref<125x32xf32, #tpu.memory_space<vmem>>)
    %dma_start3A_210 = arith.constant 4 : i32
    %dma_start3A_211 = arith.constant 76 : i32
    %dma_start3A_212 = arith.constant 0 : i32
    %dma_start3A_213 = arith.constant 0 : i32
    %dma_start3A_214 = tpu.memref_slice %arg8[%dma_start3A_210, %dma_start3A_212, %dma_start3A_213] : memref<8x125x32xf32, #tpu.memory_space<vmem>> -> memref<1x125x32xf32, #tpu.memory_space<vmem>>
    %dma_start3A_215 = tpu.memref_squeeze %dma_start3A_214 : memref<1x125x32xf32, #tpu.memory_space<vmem>> -> memref<125x32xf32, #tpu.memory_space<vmem>>
    %dma_start3A_216 = arith.constant 0 : i32
    %dma_start3A_217 = tpu.memref_slice %arg7[%dma_start3A_211, %dma_start3A_216] : memref<80x125xi32, #tpu.memory_space<vmem>> -> memref<1x125xi32, #tpu.memory_space<vmem>>
    %dma_start3A_218 = tpu.memref_squeeze %dma_start3A_217 : memref<1x125xi32, #tpu.memory_space<vmem>> -> memref<125xi32, #tpu.memory_space<vmem>>
    %dma_start3A_219 = arith.constant 0 : i32
    %dma_start3A_220 = arith.constant 0 : i32
    %dma_start3A_221 = tpu.memref_slice %arg10[%dma_start3A_219, %dma_start3A_220] : memref<10240x32xf32, #tpu.memory_space<vmem_shared>> -> memref<10240x32xf32, #tpu.memory_space<vmem_shared>>
    tpu.enqueue_indirect_dma source(%dma_start3A_215 : memref<125x32xf32, #tpu.memory_space<vmem>>) target(%dma_start3A_221 : memref<10240x32xf32, #tpu.memory_space<vmem_shared>>) offsets(%dma_start3A_218 : memref<125xi32, #tpu.memory_space<vmem>>) semaphore(%arg23 : memref<!tpu.dma_semaphore, #tpu.memory_space<semaphore_mem>>) {add = true}
    %dma_wait3A_222 = arith.constant 0 : i32
    %dma_wait3A_223 = arith.constant 5 : i32
    %dma_wait3A_224 = arith.constant 0 : i32
    %dma_wait3A_225 = arith.constant 0 : i32
    %dma_wait3A_226 = tpu.memref_slice %arg8[%dma_wait3A_223, %dma_wait3A_224, %dma_wait3A_225] : memref<8x125x32xf32, #tpu.memory_space<vmem>> -> memref<1x125x32xf32, #tpu.memory_space<vmem>>
    %dma_wait3A_227 = tpu.memref_squeeze %dma_wait3A_226 : memref<1x125x32xf32, #tpu.memory_space<vmem>> -> memref<125x32xf32, #tpu.memory_space<vmem>>
    %dma_wait3A_228 = arith.constant 0 : i32
    %dma_wait3A_229 = tpu.memref_slice %arg6[%dma_wait3A_222, %dma_wait3A_228] : memref<80x125xi32, #tpu.memory_space<vmem>> -> memref<1x125xi32, #tpu.memory_space<vmem>>
    %dma_wait3A_230 = tpu.memref_squeeze %dma_wait3A_229 : memref<1x125xi32, #tpu.memory_space<vmem>> -> memref<125xi32, #tpu.memory_space<vmem>>
    %dma_wait3A_231 = arith.constant 0 : i32
    %dma_wait3A_232 = arith.constant 0 : i32
    %dma_wait3A_233 = tpu.memref_slice %arg2[%dma_wait3A_231, %dma_wait3A_232] : memref<10240x32xf32, #tpu.memory_space<hbm>> -> memref<10240x32xf32, #tpu.memory_space<hbm>>
    tpu.wait_indirect_dma semaphore(%arg16 : memref<!tpu.dma_semaphore, #tpu.memory_space<semaphore_mem>>) src(%dma_wait3A_233 : memref<10240x32xf32, #tpu.memory_space<hbm>>) dst(%dma_wait3A_227 : memref<125x32xf32, #tpu.memory_space<vmem>>)
    %dma_start3A_234 = arith.constant 5 : i32
    %dma_start3A_235 = arith.constant 77 : i32
    %dma_start3A_236 = arith.constant 0 : i32
    %dma_start3A_237 = arith.constant 0 : i32
    %dma_start3A_238 = tpu.memref_slice %arg8[%dma_start3A_234, %dma_start3A_236, %dma_start3A_237] : memref<8x125x32xf32, #tpu.memory_space<vmem>> -> memref<1x125x32xf32, #tpu.memory_space<vmem>>
    %dma_start3A_239 = tpu.memref_squeeze %dma_start3A_238 : memref<1x125x32xf32, #tpu.memory_space<vmem>> -> memref<125x32xf32, #tpu.memory_space<vmem>>
    %dma_start3A_240 = arith.constant 0 : i32
    %dma_start3A_241 = tpu.memref_slice %arg7[%dma_start3A_235, %dma_start3A_240] : memref<80x125xi32, #tpu.memory_space<vmem>> -> memref<1x125xi32, #tpu.memory_space<vmem>>
    %dma_start3A_242 = tpu.memref_squeeze %dma_start3A_241 : memref<1x125xi32, #tpu.memory_space<vmem>> -> memref<125xi32, #tpu.memory_space<vmem>>
    %dma_start3A_243 = arith.constant 0 : i32
    %dma_start3A_244 = arith.constant 0 : i32
    %dma_start3A_245 = tpu.memref_slice %arg10[%dma_start3A_243, %dma_start3A_244] : memref<10240x32xf32, #tpu.memory_space<vmem_shared>> -> memref<10240x32xf32, #tpu.memory_space<vmem_shared>>
    tpu.enqueue_indirect_dma source(%dma_start3A_239 : memref<125x32xf32, #tpu.memory_space<vmem>>) target(%dma_start3A_245 : memref<10240x32xf32, #tpu.memory_space<vmem_shared>>) offsets(%dma_start3A_242 : memref<125xi32, #tpu.memory_space<vmem>>) semaphore(%arg24 : memref<!tpu.dma_semaphore, #tpu.memory_space<semaphore_mem>>) {add = true}
    %dma_wait3A_246 = arith.constant 0 : i32
    %dma_wait3A_247 = arith.constant 6 : i32
    %dma_wait3A_248 = arith.constant 0 : i32
    %dma_wait3A_249 = arith.constant 0 : i32
    %dma_wait3A_250 = tpu.memref_slice %arg8[%dma_wait3A_247, %dma_wait3A_248, %dma_wait3A_249] : memref<8x125x32xf32, #tpu.memory_space<vmem>> -> memref<1x125x32xf32, #tpu.memory_space<vmem>>
    %dma_wait3A_251 = tpu.memref_squeeze %dma_wait3A_250 : memref<1x125x32xf32, #tpu.memory_space<vmem>> -> memref<125x32xf32, #tpu.memory_space<vmem>>
    %dma_wait3A_252 = arith.constant 0 : i32
    %dma_wait3A_253 = tpu.memref_slice %arg6[%dma_wait3A_246, %dma_wait3A_252] : memref<80x125xi32, #tpu.memory_space<vmem>> -> memref<1x125xi32, #tpu.memory_space<vmem>>
    %dma_wait3A_254 = tpu.memref_squeeze %dma_wait3A_253 : memref<1x125xi32, #tpu.memory_space<vmem>> -> memref<125xi32, #tpu.memory_space<vmem>>
    %dma_wait3A_255 = arith.constant 0 : i32
    %dma_wait3A_256 = arith.constant 0 : i32
    %dma_wait3A_257 = tpu.memref_slice %arg2[%dma_wait3A_255, %dma_wait3A_256] : memref<10240x32xf32, #tpu.memory_space<hbm>> -> memref<10240x32xf32, #tpu.memory_space<hbm>>
    tpu.wait_indirect_dma semaphore(%arg17 : memref<!tpu.dma_semaphore, #tpu.memory_space<semaphore_mem>>) src(%dma_wait3A_257 : memref<10240x32xf32, #tpu.memory_space<hbm>>) dst(%dma_wait3A_251 : memref<125x32xf32, #tpu.memory_space<vmem>>)
    %dma_start3A_258 = arith.constant 6 : i32
    %dma_start3A_259 = arith.constant 78 : i32
    %dma_start3A_260 = arith.constant 0 : i32
    %dma_start3A_261 = arith.constant 0 : i32
    %dma_start3A_262 = tpu.memref_slice %arg8[%dma_start3A_258, %dma_start3A_260, %dma_start3A_261] : memref<8x125x32xf32, #tpu.memory_space<vmem>> -> memref<1x125x32xf32, #tpu.memory_space<vmem>>
    %dma_start3A_263 = tpu.memref_squeeze %dma_start3A_262 : memref<1x125x32xf32, #tpu.memory_space<vmem>> -> memref<125x32xf32, #tpu.memory_space<vmem>>
    %dma_start3A_264 = arith.constant 0 : i32
    %dma_start3A_265 = tpu.memref_slice %arg7[%dma_start3A_259, %dma_start3A_264] : memref<80x125xi32, #tpu.memory_space<vmem>> -> memref<1x125xi32, #tpu.memory_space<vmem>>
    %dma_start3A_266 = tpu.memref_squeeze %dma_start3A_265 : memref<1x125xi32, #tpu.memory_space<vmem>> -> memref<125xi32, #tpu.memory_space<vmem>>
    %dma_start3A_267 = arith.constant 0 : i32
    %dma_start3A_268 = arith.constant 0 : i32
    %dma_start3A_269 = tpu.memref_slice %arg10[%dma_start3A_267, %dma_start3A_268] : memref<10240x32xf32, #tpu.memory_space<vmem_shared>> -> memref<10240x32xf32, #tpu.memory_space<vmem_shared>>
    tpu.enqueue_indirect_dma source(%dma_start3A_263 : memref<125x32xf32, #tpu.memory_space<vmem>>) target(%dma_start3A_269 : memref<10240x32xf32, #tpu.memory_space<vmem_shared>>) offsets(%dma_start3A_266 : memref<125xi32, #tpu.memory_space<vmem>>) semaphore(%arg25 : memref<!tpu.dma_semaphore, #tpu.memory_space<semaphore_mem>>) {add = true}
    %dma_wait3A_270 = arith.constant 0 : i32
    %dma_wait3A_271 = arith.constant 7 : i32
    %dma_wait3A_272 = arith.constant 0 : i32
    %dma_wait3A_273 = arith.constant 0 : i32
    %dma_wait3A_274 = tpu.memref_slice %arg8[%dma_wait3A_271, %dma_wait3A_272, %dma_wait3A_273] : memref<8x125x32xf32, #tpu.memory_space<vmem>> -> memref<1x125x32xf32, #tpu.memory_space<vmem>>
    %dma_wait3A_275 = tpu.memref_squeeze %dma_wait3A_274 : memref<1x125x32xf32, #tpu.memory_space<vmem>> -> memref<125x32xf32, #tpu.memory_space<vmem>>
    %dma_wait3A_276 = arith.constant 0 : i32
    %dma_wait3A_277 = tpu.memref_slice %arg6[%dma_wait3A_270, %dma_wait3A_276] : memref<80x125xi32, #tpu.memory_space<vmem>> -> memref<1x125xi32, #tpu.memory_space<vmem>>
    %dma_wait3A_278 = tpu.memref_squeeze %dma_wait3A_277 : memref<1x125xi32, #tpu.memory_space<vmem>> -> memref<125xi32, #tpu.memory_space<vmem>>
    %dma_wait3A_279 = arith.constant 0 : i32
    %dma_wait3A_280 = arith.constant 0 : i32
    %dma_wait3A_281 = tpu.memref_slice %arg2[%dma_wait3A_279, %dma_wait3A_280] : memref<10240x32xf32, #tpu.memory_space<hbm>> -> memref<10240x32xf32, #tpu.memory_space<hbm>>
    tpu.wait_indirect_dma semaphore(%arg18 : memref<!tpu.dma_semaphore, #tpu.memory_space<semaphore_mem>>) src(%dma_wait3A_281 : memref<10240x32xf32, #tpu.memory_space<hbm>>) dst(%dma_wait3A_275 : memref<125x32xf32, #tpu.memory_space<vmem>>)
    %dma_start3A_282 = arith.constant 7 : i32
    %dma_start3A_283 = arith.constant 79 : i32
    %dma_start3A_284 = arith.constant 0 : i32
    %dma_start3A_285 = arith.constant 0 : i32
    %dma_start3A_286 = tpu.memref_slice %arg8[%dma_start3A_282, %dma_start3A_284, %dma_start3A_285] : memref<8x125x32xf32, #tpu.memory_space<vmem>> -> memref<1x125x32xf32, #tpu.memory_space<vmem>>
    %dma_start3A_287 = tpu.memref_squeeze %dma_start3A_286 : memref<1x125x32xf32, #tpu.memory_space<vmem>> -> memref<125x32xf32, #tpu.memory_space<vmem>>
    %dma_start3A_288 = arith.constant 0 : i32
    %dma_start3A_289 = tpu.memref_slice %arg7[%dma_start3A_283, %dma_start3A_288] : memref<80x125xi32, #tpu.memory_space<vmem>> -> memref<1x125xi32, #tpu.memory_space<vmem>>
    %dma_start3A_290 = tpu.memref_squeeze %dma_start3A_289 : memref<1x125xi32, #tpu.memory_space<vmem>> -> memref<125xi32, #tpu.memory_space<vmem>>
    %dma_start3A_291 = arith.constant 0 : i32
    %dma_start3A_292 = arith.constant 0 : i32
    %dma_start3A_293 = tpu.memref_slice %arg10[%dma_start3A_291, %dma_start3A_292] : memref<10240x32xf32, #tpu.memory_space<vmem_shared>> -> memref<10240x32xf32, #tpu.memory_space<vmem_shared>>
    tpu.enqueue_indirect_dma source(%dma_start3A_287 : memref<125x32xf32, #tpu.memory_space<vmem>>) target(%dma_start3A_293 : memref<10240x32xf32, #tpu.memory_space<vmem_shared>>) offsets(%dma_start3A_290 : memref<125xi32, #tpu.memory_space<vmem>>) semaphore(%arg26 : memref<!tpu.dma_semaphore, #tpu.memory_space<semaphore_mem>>) {add = true}
    %dma_wait3A_294 = arith.constant 0 : i32
    %dma_wait3A_295 = arith.constant 72 : i32
    %dma_wait3A_296 = arith.constant 0 : i32
    %dma_wait3A_297 = arith.constant 0 : i32
    %dma_wait3A_298 = tpu.memref_slice %arg8[%dma_wait3A_294, %dma_wait3A_296, %dma_wait3A_297] : memref<8x125x32xf32, #tpu.memory_space<vmem>> -> memref<1x125x32xf32, #tpu.memory_space<vmem>>
    %dma_wait3A_299 = tpu.memref_squeeze %dma_wait3A_298 : memref<1x125x32xf32, #tpu.memory_space<vmem>> -> memref<125x32xf32, #tpu.memory_space<vmem>>
    %dma_wait3A_300 = arith.constant 0 : i32
    %dma_wait3A_301 = tpu.memref_slice %arg7[%dma_wait3A_295, %dma_wait3A_300] : memref<80x125xi32, #tpu.memory_space<vmem>> -> memref<1x125xi32, #tpu.memory_space<vmem>>
    %dma_wait3A_302 = tpu.memref_squeeze %dma_wait3A_301 : memref<1x125xi32, #tpu.memory_space<vmem>> -> memref<125xi32, #tpu.memory_space<vmem>>
    %dma_wait3A_303 = arith.constant 0 : i32
    %dma_wait3A_304 = arith.constant 0 : i32
    %dma_wait3A_305 = tpu.memref_slice %arg10[%dma_wait3A_303, %dma_wait3A_304] : memref<10240x32xf32, #tpu.memory_space<vmem_shared>> -> memref<10240x32xf32, #tpu.memory_space<vmem_shared>>
    tpu.wait_indirect_dma semaphore(%arg19 : memref<!tpu.dma_semaphore, #tpu.memory_space<semaphore_mem>>) src(%dma_wait3A_299 : memref<125x32xf32, #tpu.memory_space<vmem>>) dst(%dma_wait3A_305 : memref<10240x32xf32, #tpu.memory_space<vmem_shared>>)
    %dma_wait3A_306 = arith.constant 1 : i32
    %dma_wait3A_307 = arith.constant 73 : i32
    %dma_wait3A_308 = arith.constant 0 : i32
    %dma_wait3A_309 = arith.constant 0 : i32
    %dma_wait3A_310 = tpu.memref_slice %arg8[%dma_wait3A_306, %dma_wait3A_308, %dma_wait3A_309] : memref<8x125x32xf32, #tpu.memory_space<vmem>> -> memref<1x125x32xf32, #tpu.memory_space<vmem>>
    %dma_wait3A_311 = tpu.memref_squeeze %dma_wait3A_310 : memref<1x125x32xf32, #tpu.memory_space<vmem>> -> memref<125x32xf32, #tpu.memory_space<vmem>>
    %dma_wait3A_312 = arith.constant 0 : i32
    %dma_wait3A_313 = tpu.memref_slice %arg7[%dma_wait3A_307, %dma_wait3A_312] : memref<80x125xi32, #tpu.memory_space<vmem>> -> memref<1x125xi32, #tpu.memory_space<vmem>>
    %dma_wait3A_314 = tpu.memref_squeeze %dma_wait3A_313 : memref<1x125xi32, #tpu.memory_space<vmem>> -> memref<125xi32, #tpu.memory_space<vmem>>
    %dma_wait3A_315 = arith.constant 0 : i32
    %dma_wait3A_316 = arith.constant 0 : i32
    %dma_wait3A_317 = tpu.memref_slice %arg10[%dma_wait3A_315, %dma_wait3A_316] : memref<10240x32xf32, #tpu.memory_space<vmem_shared>> -> memref<10240x32xf32, #tpu.memory_space<vmem_shared>>
    tpu.wait_indirect_dma semaphore(%arg20 : memref<!tpu.dma_semaphore, #tpu.memory_space<semaphore_mem>>) src(%dma_wait3A_311 : memref<125x32xf32, #tpu.memory_space<vmem>>) dst(%dma_wait3A_317 : memref<10240x32xf32, #tpu.memory_space<vmem_shared>>)
    %dma_wait3A_318 = arith.constant 2 : i32
    %dma_wait3A_319 = arith.constant 74 : i32
    %dma_wait3A_320 = arith.constant 0 : i32
    %dma_wait3A_321 = arith.constant 0 : i32
    %dma_wait3A_322 = tpu.memref_slice %arg8[%dma_wait3A_318, %dma_wait3A_320, %dma_wait3A_321] : memref<8x125x32xf32, #tpu.memory_space<vmem>> -> memref<1x125x32xf32, #tpu.memory_space<vmem>>
    %dma_wait3A_323 = tpu.memref_squeeze %dma_wait3A_322 : memref<1x125x32xf32, #tpu.memory_space<vmem>> -> memref<125x32xf32, #tpu.memory_space<vmem>>
    %dma_wait3A_324 = arith.constant 0 : i32
    %dma_wait3A_325 = tpu.memref_slice %arg7[%dma_wait3A_319, %dma_wait3A_324] : memref<80x125xi32, #tpu.memory_space<vmem>> -> memref<1x125xi32, #tpu.memory_space<vmem>>
    %dma_wait3A_326 = tpu.memref_squeeze %dma_wait3A_325 : memref<1x125xi32, #tpu.memory_space<vmem>> -> memref<125xi32, #tpu.memory_space<vmem>>
    %dma_wait3A_327 = arith.constant 0 : i32
    %dma_wait3A_328 = arith.constant 0 : i32
    %dma_wait3A_329 = tpu.memref_slice %arg10[%dma_wait3A_327, %dma_wait3A_328] : memref<10240x32xf32, #tpu.memory_space<vmem_shared>> -> memref<10240x32xf32, #tpu.memory_space<vmem_shared>>
    tpu.wait_indirect_dma semaphore(%arg21 : memref<!tpu.dma_semaphore, #tpu.memory_space<semaphore_mem>>) src(%dma_wait3A_323 : memref<125x32xf32, #tpu.memory_space<vmem>>) dst(%dma_wait3A_329 : memref<10240x32xf32, #tpu.memory_space<vmem_shared>>)
    %dma_wait3A_330 = arith.constant 3 : i32
    %dma_wait3A_331 = arith.constant 75 : i32
    %dma_wait3A_332 = arith.constant 0 : i32
    %dma_wait3A_333 = arith.constant 0 : i32
    %dma_wait3A_334 = tpu.memref_slice %arg8[%dma_wait3A_330, %dma_wait3A_332, %dma_wait3A_333] : memref<8x125x32xf32, #tpu.memory_space<vmem>> -> memref<1x125x32xf32, #tpu.memory_space<vmem>>
    %dma_wait3A_335 = tpu.memref_squeeze %dma_wait3A_334 : memref<1x125x32xf32, #tpu.memory_space<vmem>> -> memref<125x32xf32, #tpu.memory_space<vmem>>
    %dma_wait3A_336 = arith.constant 0 : i32
    %dma_wait3A_337 = tpu.memref_slice %arg7[%dma_wait3A_331, %dma_wait3A_336] : memref<80x125xi32, #tpu.memory_space<vmem>> -> memref<1x125xi32, #tpu.memory_space<vmem>>
    %dma_wait3A_338 = tpu.memref_squeeze %dma_wait3A_337 : memref<1x125xi32, #tpu.memory_space<vmem>> -> memref<125xi32, #tpu.memory_space<vmem>>
    %dma_wait3A_339 = arith.constant 0 : i32
    %dma_wait3A_340 = arith.constant 0 : i32
    %dma_wait3A_341 = tpu.memref_slice %arg10[%dma_wait3A_339, %dma_wait3A_340] : memref<10240x32xf32, #tpu.memory_space<vmem_shared>> -> memref<10240x32xf32, #tpu.memory_space<vmem_shared>>
    tpu.wait_indirect_dma semaphore(%arg22 : memref<!tpu.dma_semaphore, #tpu.memory_space<semaphore_mem>>) src(%dma_wait3A_335 : memref<125x32xf32, #tpu.memory_space<vmem>>) dst(%dma_wait3A_341 : memref<10240x32xf32, #tpu.memory_space<vmem_shared>>)
    %dma_wait3A_342 = arith.constant 4 : i32
    %dma_wait3A_343 = arith.constant 76 : i32
    %dma_wait3A_344 = arith.constant 0 : i32
    %dma_wait3A_345 = arith.constant 0 : i32
    %dma_wait3A_346 = tpu.memref_slice %arg8[%dma_wait3A_342, %dma_wait3A_344, %dma_wait3A_345] : memref<8x125x32xf32, #tpu.memory_space<vmem>> -> memref<1x125x32xf32, #tpu.memory_space<vmem>>
    %dma_wait3A_347 = tpu.memref_squeeze %dma_wait3A_346 : memref<1x125x32xf32, #tpu.memory_space<vmem>> -> memref<125x32xf32, #tpu.memory_space<vmem>>
    %dma_wait3A_348 = arith.constant 0 : i32
    %dma_wait3A_349 = tpu.memref_slice %arg7[%dma_wait3A_343, %dma_wait3A_348] : memref<80x125xi32, #tpu.memory_space<vmem>> -> memref<1x125xi32, #tpu.memory_space<vmem>>
    %dma_wait3A_350 = tpu.memref_squeeze %dma_wait3A_349 : memref<1x125xi32, #tpu.memory_space<vmem>> -> memref<125xi32, #tpu.memory_space<vmem>>
    %dma_wait3A_351 = arith.constant 0 : i32
    %dma_wait3A_352 = arith.constant 0 : i32
    %dma_wait3A_353 = tpu.memref_slice %arg10[%dma_wait3A_351, %dma_wait3A_352] : memref<10240x32xf32, #tpu.memory_space<vmem_shared>> -> memref<10240x32xf32, #tpu.memory_space<vmem_shared>>
    tpu.wait_indirect_dma semaphore(%arg23 : memref<!tpu.dma_semaphore, #tpu.memory_space<semaphore_mem>>) src(%dma_wait3A_347 : memref<125x32xf32, #tpu.memory_space<vmem>>) dst(%dma_wait3A_353 : memref<10240x32xf32, #tpu.memory_space<vmem_shared>>)
    %dma_wait3A_354 = arith.constant 5 : i32
    %dma_wait3A_355 = arith.constant 77 : i32
    %dma_wait3A_356 = arith.constant 0 : i32
    %dma_wait3A_357 = arith.constant 0 : i32
    %dma_wait3A_358 = tpu.memref_slice %arg8[%dma_wait3A_354, %dma_wait3A_356, %dma_wait3A_357] : memref<8x125x32xf32, #tpu.memory_space<vmem>> -> memref<1x125x32xf32, #tpu.memory_space<vmem>>
    %dma_wait3A_359 = tpu.memref_squeeze %dma_wait3A_358 : memref<1x125x32xf32, #tpu.memory_space<vmem>> -> memref<125x32xf32, #tpu.memory_space<vmem>>
    %dma_wait3A_360 = arith.constant 0 : i32
    %dma_wait3A_361 = tpu.memref_slice %arg7[%dma_wait3A_355, %dma_wait3A_360] : memref<80x125xi32, #tpu.memory_space<vmem>> -> memref<1x125xi32, #tpu.memory_space<vmem>>
    %dma_wait3A_362 = tpu.memref_squeeze %dma_wait3A_361 : memref<1x125xi32, #tpu.memory_space<vmem>> -> memref<125xi32, #tpu.memory_space<vmem>>
    %dma_wait3A_363 = arith.constant 0 : i32
    %dma_wait3A_364 = arith.constant 0 : i32
    %dma_wait3A_365 = tpu.memref_slice %arg10[%dma_wait3A_363, %dma_wait3A_364] : memref<10240x32xf32, #tpu.memory_space<vmem_shared>> -> memref<10240x32xf32, #tpu.memory_space<vmem_shared>>
    tpu.wait_indirect_dma semaphore(%arg24 : memref<!tpu.dma_semaphore, #tpu.memory_space<semaphore_mem>>) src(%dma_wait3A_359 : memref<125x32xf32, #tpu.memory_space<vmem>>) dst(%dma_wait3A_365 : memref<10240x32xf32, #tpu.memory_space<vmem_shared>>)
    %dma_wait3A_366 = arith.constant 6 : i32
    %dma_wait3A_367 = arith.constant 78 : i32
    %dma_wait3A_368 = arith.constant 0 : i32
    %dma_wait3A_369 = arith.constant 0 : i32
    %dma_wait3A_370 = tpu.memref_slice %arg8[%dma_wait3A_366, %dma_wait3A_368, %dma_wait3A_369] : memref<8x125x32xf32, #tpu.memory_space<vmem>> -> memref<1x125x32xf32, #tpu.memory_space<vmem>>
    %dma_wait3A_371 = tpu.memref_squeeze %dma_wait3A_370 : memref<1x125x32xf32, #tpu.memory_space<vmem>> -> memref<125x32xf32, #tpu.memory_space<vmem>>
    %dma_wait3A_372 = arith.constant 0 : i32
    %dma_wait3A_373 = tpu.memref_slice %arg7[%dma_wait3A_367, %dma_wait3A_372] : memref<80x125xi32, #tpu.memory_space<vmem>> -> memref<1x125xi32, #tpu.memory_space<vmem>>
    %dma_wait3A_374 = tpu.memref_squeeze %dma_wait3A_373 : memref<1x125xi32, #tpu.memory_space<vmem>> -> memref<125xi32, #tpu.memory_space<vmem>>
    %dma_wait3A_375 = arith.constant 0 : i32
    %dma_wait3A_376 = arith.constant 0 : i32
    %dma_wait3A_377 = tpu.memref_slice %arg10[%dma_wait3A_375, %dma_wait3A_376] : memref<10240x32xf32, #tpu.memory_space<vmem_shared>> -> memref<10240x32xf32, #tpu.memory_space<vmem_shared>>
    tpu.wait_indirect_dma semaphore(%arg25 : memref<!tpu.dma_semaphore, #tpu.memory_space<semaphore_mem>>) src(%dma_wait3A_371 : memref<125x32xf32, #tpu.memory_space<vmem>>) dst(%dma_wait3A_377 : memref<10240x32xf32, #tpu.memory_space<vmem_shared>>)
    %dma_wait3A_378 = arith.constant 7 : i32
    %dma_wait3A_379 = arith.constant 79 : i32
    %dma_wait3A_380 = arith.constant 0 : i32
    %dma_wait3A_381 = arith.constant 0 : i32
    %dma_wait3A_382 = tpu.memref_slice %arg8[%dma_wait3A_378, %dma_wait3A_380, %dma_wait3A_381] : memref<8x125x32xf32, #tpu.memory_space<vmem>> -> memref<1x125x32xf32, #tpu.memory_space<vmem>>
    %dma_wait3A_383 = tpu.memref_squeeze %dma_wait3A_382 : memref<1x125x32xf32, #tpu.memory_space<vmem>> -> memref<125x32xf32, #tpu.memory_space<vmem>>
    %dma_wait3A_384 = arith.constant 0 : i32
    %dma_wait3A_385 = tpu.memref_slice %arg7[%dma_wait3A_379, %dma_wait3A_384] : memref<80x125xi32, #tpu.memory_space<vmem>> -> memref<1x125xi32, #tpu.memory_space<vmem>>
    %dma_wait3A_386 = tpu.memref_squeeze %dma_wait3A_385 : memref<1x125xi32, #tpu.memory_space<vmem>> -> memref<125xi32, #tpu.memory_space<vmem>>
    %dma_wait3A_387 = arith.constant 0 : i32
    %dma_wait3A_388 = arith.constant 0 : i32
    %dma_wait3A_389 = tpu.memref_slice %arg10[%dma_wait3A_387, %dma_wait3A_388] : memref<10240x32xf32, #tpu.memory_space<vmem_shared>> -> memref<10240x32xf32, #tpu.memory_space<vmem_shared>>
    tpu.wait_indirect_dma semaphore(%arg26 : memref<!tpu.dma_semaphore, #tpu.memory_space<semaphore_mem>>) src(%dma_wait3A_383 : memref<125x32xf32, #tpu.memory_space<vmem>>) dst(%dma_wait3A_389 : memref<10240x32xf32, #tpu.memory_space<vmem_shared>>)
    %barrier3A_390 = arith.constant 0 : index
    tpu.barrier barrier_id(%barrier3A_390)
    "tpu.region"() ({
      %run_scoped3A = tpu.sem_alloc : memref<!tpu.dma_semaphore, #tpu.memory_space<semaphore_mem>>
      %dma_start3A_391 = arith.constant 0 : i32
      %dma_start3A_392 = tpu.memref_slice %arg10[%mul3A_2, %dma_start3A_391] : memref<10240x32xf32, #tpu.memory_space<vmem_shared>> -> memref<640x32xf32, #tpu.memory_space<vmem_shared>>
      %dma_start3A_393 = arith.constant 0 : i32
      %dma_start3A_394 = tpu.memref_slice %arg10[%mul3A_2, %dma_start3A_393] : memref<10240x32xf32, #tpu.memory_space<vmem_shared>> -> memref<640x32xf32, #tpu.memory_space<vmem_shared>>
      tpu.enqueue_dma source(%dma_start3A_394 : memref<640x32xf32, #tpu.memory_space<vmem_shared>>) target(%arg9 : memref<640x32xf32, #tpu.memory_space<vmem>>) target_semaphore(%run_scoped3A : memref<!tpu.dma_semaphore, #tpu.memory_space<semaphore_mem>>)
      %dma_wait3A_395 = arith.constant 0 : i32
      %dma_wait3A_396 = tpu.memref_slice %arg10[%mul3A_2, %dma_wait3A_395] : memref<10240x32xf32, #tpu.memory_space<vmem_shared>> -> memref<640x32xf32, #tpu.memory_space<vmem_shared>>
      %dma_wait3A_397 = arith.constant 0 : i32
      %dma_wait3A_398 = tpu.memref_slice %arg10[%mul3A_2, %dma_wait3A_397] : memref<10240x32xf32, #tpu.memory_space<vmem_shared>> -> memref<640x32xf32, #tpu.memory_space<vmem_shared>>
      tpu.wait_dma2 semaphore(%run_scoped3A : memref<!tpu.dma_semaphore, #tpu.memory_space<semaphore_mem>>) src(%dma_wait3A_398 : memref<640x32xf32, #tpu.memory_space<vmem_shared>>) dst(%arg9 : memref<640x32xf32, #tpu.memory_space<vmem>>)
      tpu.yield
    }) : () -> ()
    "tpu.region"() ({
      %run_scoped3A = tpu.sem_alloc : memref<!tpu.dma_semaphore, #tpu.memory_space<semaphore_mem>>
      %dma_start3A_391 = arith.constant 0 : i32
      %dma_start3A_392 = arith.constant 0 : i32
      %dma_start3A_393 = tpu.memref_slice %arg5[%arg0, %dma_start3A_391, %dma_start3A_392] : memref<2x10240x32xf32, #tpu.memory_space<hbm>> -> memref<1x10240x32xf32, #tpu.memory_space<hbm>>
      %dma_start3A_394 = tpu.memref_squeeze %dma_start3A_393 : memref<1x10240x32xf32, #tpu.memory_space<hbm>> -> memref<10240x32xf32, #tpu.memory_space<hbm>>
      %dma_start3A_395 = arith.constant 0 : i32
      %dma_start3A_396 = tpu.memref_slice %dma_start3A_394[%mul3A_2, %dma_start3A_395] : memref<10240x32xf32, #tpu.memory_space<hbm>> -> memref<640x32xf32, #tpu.memory_space<hbm>>
      %dma_start3A_397 = arith.constant 0 : i32
      %dma_start3A_398 = arith.constant 0 : i32
      %dma_start3A_399 = tpu.memref_slice %arg5[%arg0, %dma_start3A_397, %dma_start3A_398] : memref<2x10240x32xf32, #tpu.memory_space<hbm>> -> memref<1x10240x32xf32, #tpu.memory_space<hbm>>
      %dma_start3A_400 = tpu.memref_squeeze %dma_start3A_399 : memref<1x10240x32xf32, #tpu.memory_space<hbm>> -> memref<10240x32xf32, #tpu.memory_space<hbm>>
      %dma_start3A_401 = arith.constant 0 : i32
      %dma_start3A_402 = tpu.memref_slice %dma_start3A_400[%mul3A_2, %dma_start3A_401] : memref<10240x32xf32, #tpu.memory_space<hbm>> -> memref<640x32xf32, #tpu.memory_space<hbm>>
      tpu.enqueue_dma source(%arg9 : memref<640x32xf32, #tpu.memory_space<vmem>>) target(%dma_start3A_402 : memref<640x32xf32, #tpu.memory_space<hbm>>) target_semaphore(%run_scoped3A : memref<!tpu.dma_semaphore, #tpu.memory_space<semaphore_mem>>)
      %dma_wait3A_403 = arith.constant 0 : i32
      %dma_wait3A_404 = arith.constant 0 : i32
      %dma_wait3A_405 = tpu.memref_slice %arg5[%arg0, %dma_wait3A_403, %dma_wait3A_404] : memref<2x10240x32xf32, #tpu.memory_space<hbm>> -> memref<1x10240x32xf32, #tpu.memory_space<hbm>>
      %dma_wait3A_406 = tpu.memref_squeeze %dma_wait3A_405 : memref<1x10240x32xf32, #tpu.memory_space<hbm>> -> memref<10240x32xf32, #tpu.memory_space<hbm>>
      %dma_wait3A_407 = arith.constant 0 : i32
      %dma_wait3A_408 = tpu.memref_slice %dma_wait3A_406[%mul3A_2, %dma_wait3A_407] : memref<10240x32xf32, #tpu.memory_space<hbm>> -> memref<640x32xf32, #tpu.memory_space<hbm>>
      %dma_wait3A_409 = arith.constant 0 : i32
      %dma_wait3A_410 = arith.constant 0 : i32
      %dma_wait3A_411 = tpu.memref_slice %arg5[%arg0, %dma_wait3A_409, %dma_wait3A_410] : memref<2x10240x32xf32, #tpu.memory_space<hbm>> -> memref<1x10240x32xf32, #tpu.memory_space<hbm>>
      %dma_wait3A_412 = tpu.memref_squeeze %dma_wait3A_411 : memref<1x10240x32xf32, #tpu.memory_space<hbm>> -> memref<10240x32xf32, #tpu.memory_space<hbm>>
      %dma_wait3A_413 = arith.constant 0 : i32
      %dma_wait3A_414 = tpu.memref_slice %dma_wait3A_412[%mul3A_2, %dma_wait3A_413] : memref<10240x32xf32, #tpu.memory_space<hbm>> -> memref<640x32xf32, #tpu.memory_space<hbm>>
      tpu.wait_dma2 semaphore(%run_scoped3A : memref<!tpu.dma_semaphore, #tpu.memory_space<semaphore_mem>>) src(%arg9 : memref<640x32xf32, #tpu.memory_space<vmem>>) dst(%dma_wait3A_414 : memref<640x32xf32, #tpu.memory_space<hbm>>)
      tpu.yield
    }) : () -> ()
    return
  }
}

#map = affine_map<(d0, d1) -> (0, 0)>
#map1 = affine_map<(d0, d1) -> (0, 0, 0)>
module attributes {stable_mosaic.version = 14 : i64} {
  func.func @agg(%arg0: i32, %arg1: i32, %arg2: memref<10240x32xf32, #tpu.memory_space<hbm>>, %arg3: memref<32x80x125xi32, #tpu.memory_space<hbm>>, %arg4: memref<32x80x125xi32, #tpu.memory_space<hbm>>, %arg5: memref<2x10240x32xf32, #tpu.memory_space<hbm>>, %arg6: memref<80x125xi32, #tpu.memory_space<vmem>>, %arg7: memref<80x125xi32, #tpu.memory_space<vmem>>, %arg8: memref<8x125x32xf32, #tpu.memory_space<vmem>>, %arg9: memref<640x32xf32, #tpu.memory_space<vmem>>, %arg10: memref<10240x32xf32, #tpu.memory_space<vmem_shared>>, %arg11: memref<!tpu.dma_semaphore, #tpu.memory_space<semaphore_mem>>, %arg12: memref<!tpu.dma_semaphore, #tpu.memory_space<semaphore_mem>>, %arg13: memref<!tpu.dma_semaphore, #tpu.memory_space<semaphore_mem>>, %arg14: memref<!tpu.dma_semaphore, #tpu.memory_space<semaphore_mem>>, %arg15: memref<!tpu.dma_semaphore, #tpu.memory_space<semaphore_mem>>, %arg16: memref<!tpu.dma_semaphore, #tpu.memory_space<semaphore_mem>>, %arg17: memref<!tpu.dma_semaphore, #tpu.memory_space<semaphore_mem>>, %arg18: memref<!tpu.dma_semaphore, #tpu.memory_space<semaphore_mem>>, %arg19: memref<!tpu.dma_semaphore, #tpu.memory_space<semaphore_mem>>, %arg20: memref<!tpu.dma_semaphore, #tpu.memory_space<semaphore_mem>>, %arg21: memref<!tpu.dma_semaphore, #tpu.memory_space<semaphore_mem>>, %arg22: memref<!tpu.dma_semaphore, #tpu.memory_space<semaphore_mem>>, %arg23: memref<!tpu.dma_semaphore, #tpu.memory_space<semaphore_mem>>, %arg24: memref<!tpu.dma_semaphore, #tpu.memory_space<semaphore_mem>>, %arg25: memref<!tpu.dma_semaphore, #tpu.memory_space<semaphore_mem>>, %arg26: memref<!tpu.dma_semaphore, #tpu.memory_space<semaphore_mem>>) attributes {dimension_semantics = [#tpu.dimension_semantics<core_parallel>, #tpu.dimension_semantics<subcore_parallel>], iteration_bounds = array<i64: 2, 16>, scalar_prefetch = 0 : i64, scratch_operands = 21 : i64, tpu.core_type = #tpu.core_type<sc_vector_subcore>, window_params = [{transform_indices = #map}, {transform_indices = #map1}, {transform_indices = #map1}, {transform_indices = #map1}]} {
    %mul3A = arith.constant 16 : i32
    %mul3A_0 = arith.muli %arg0, %mul3A : i32
    %add3A = arith.addi %mul3A_0, %arg1 : i32
    "tpu.region"() ({
      %run_scoped3A = tpu.sem_alloc : memref<!tpu.dma_semaphore, #tpu.memory_space<semaphore_mem>>
      %dma_start3A_391 = arith.constant 0 : i32
      %dma_start3A_392 = arith.constant 0 : i32
      %dma_start3A_393 = tpu.memref_slice %arg3[%add3A, %dma_start3A_391, %dma_start3A_392] : memref<32x80x125xi32, #tpu.memory_space<hbm>> -> memref<1x80x125xi32, #tpu.memory_space<hbm>>
      %dma_start3A_394 = tpu.memref_squeeze %dma_start3A_393 : memref<1x80x125xi32, #tpu.memory_space<hbm>> -> memref<80x125xi32, #tpu.memory_space<hbm>>
      %dma_start3A_395 = arith.constant 0 : i32
      %dma_start3A_396 = arith.constant 0 : i32
      %dma_start3A_397 = tpu.memref_slice %arg3[%add3A, %dma_start3A_395, %dma_start3A_396] : memref<32x80x125xi32, #tpu.memory_space<hbm>> -> memref<1x80x125xi32, #tpu.memory_space<hbm>>
      %dma_start3A_398 = tpu.memref_squeeze %dma_start3A_397 : memref<1x80x125xi32, #tpu.memory_space<hbm>> -> memref<80x125xi32, #tpu.memory_space<hbm>>
      tpu.enqueue_dma source(%dma_start3A_398 : memref<80x125xi32, #tpu.memory_space<hbm>>) target(%arg6 : memref<80x125xi32, #tpu.memory_space<vmem>>) target_semaphore(%run_scoped3A : memref<!tpu.dma_semaphore, #tpu.memory_space<semaphore_mem>>)
      %dma_wait3A_399 = arith.constant 0 : i32
      %dma_wait3A_400 = arith.constant 0 : i32
      %dma_wait3A_401 = tpu.memref_slice %arg3[%add3A, %dma_wait3A_399, %dma_wait3A_400] : memref<32x80x125xi32, #tpu.memory_space<hbm>> -> memref<1x80x125xi32, #tpu.memory_space<hbm>>
      %dma_wait3A_402 = tpu.memref_squeeze %dma_wait3A_401 : memref<1x80x125xi32, #tpu.memory_space<hbm>> -> memref<80x125xi32, #tpu.memory_space<hbm>>
      %dma_wait3A_403 = arith.constant 0 : i32
      %dma_wait3A_404 = arith.constant 0 : i32
      %dma_wait3A_405 = tpu.memref_slice %arg3[%add3A, %dma_wait3A_403, %dma_wait3A_404] : memref<32x80x125xi32, #tpu.memory_space<hbm>> -> memref<1x80x125xi32, #tpu.memory_space<hbm>>
      %dma_wait3A_406 = tpu.memref_squeeze %dma_wait3A_405 : memref<1x80x125xi32, #tpu.memory_space<hbm>> -> memref<80x125xi32, #tpu.memory_space<hbm>>
      tpu.wait_dma2 semaphore(%run_scoped3A : memref<!tpu.dma_semaphore, #tpu.memory_space<semaphore_mem>>) src(%dma_wait3A_406 : memref<80x125xi32, #tpu.memory_space<hbm>>) dst(%arg6 : memref<80x125xi32, #tpu.memory_space<vmem>>)
      tpu.yield
    }) : () -> ()
    "tpu.region"() ({
      %run_scoped3A = tpu.sem_alloc : memref<!tpu.dma_semaphore, #tpu.memory_space<semaphore_mem>>
      %dma_start3A_391 = arith.constant 0 : i32
      %dma_start3A_392 = arith.constant 0 : i32
      %dma_start3A_393 = tpu.memref_slice %arg4[%add3A, %dma_start3A_391, %dma_start3A_392] : memref<32x80x125xi32, #tpu.memory_space<hbm>> -> memref<1x80x125xi32, #tpu.memory_space<hbm>>
      %dma_start3A_394 = tpu.memref_squeeze %dma_start3A_393 : memref<1x80x125xi32, #tpu.memory_space<hbm>> -> memref<80x125xi32, #tpu.memory_space<hbm>>
      %dma_start3A_395 = arith.constant 0 : i32
      %dma_start3A_396 = arith.constant 0 : i32
      %dma_start3A_397 = tpu.memref_slice %arg4[%add3A, %dma_start3A_395, %dma_start3A_396] : memref<32x80x125xi32, #tpu.memory_space<hbm>> -> memref<1x80x125xi32, #tpu.memory_space<hbm>>
      %dma_start3A_398 = tpu.memref_squeeze %dma_start3A_397 : memref<1x80x125xi32, #tpu.memory_space<hbm>> -> memref<80x125xi32, #tpu.memory_space<hbm>>
      tpu.enqueue_dma source(%dma_start3A_398 : memref<80x125xi32, #tpu.memory_space<hbm>>) target(%arg7 : memref<80x125xi32, #tpu.memory_space<vmem>>) target_semaphore(%run_scoped3A : memref<!tpu.dma_semaphore, #tpu.memory_space<semaphore_mem>>)
      %dma_wait3A_399 = arith.constant 0 : i32
      %dma_wait3A_400 = arith.constant 0 : i32
      %dma_wait3A_401 = tpu.memref_slice %arg4[%add3A, %dma_wait3A_399, %dma_wait3A_400] : memref<32x80x125xi32, #tpu.memory_space<hbm>> -> memref<1x80x125xi32, #tpu.memory_space<hbm>>
      %dma_wait3A_402 = tpu.memref_squeeze %dma_wait3A_401 : memref<1x80x125xi32, #tpu.memory_space<hbm>> -> memref<80x125xi32, #tpu.memory_space<hbm>>
      %dma_wait3A_403 = arith.constant 0 : i32
      %dma_wait3A_404 = arith.constant 0 : i32
      %dma_wait3A_405 = tpu.memref_slice %arg4[%add3A, %dma_wait3A_403, %dma_wait3A_404] : memref<32x80x125xi32, #tpu.memory_space<hbm>> -> memref<1x80x125xi32, #tpu.memory_space<hbm>>
      %dma_wait3A_406 = tpu.memref_squeeze %dma_wait3A_405 : memref<1x80x125xi32, #tpu.memory_space<hbm>> -> memref<80x125xi32, #tpu.memory_space<hbm>>
      tpu.wait_dma2 semaphore(%run_scoped3A : memref<!tpu.dma_semaphore, #tpu.memory_space<semaphore_mem>>) src(%dma_wait3A_406 : memref<80x125xi32, #tpu.memory_space<hbm>>) dst(%arg7 : memref<80x125xi32, #tpu.memory_space<vmem>>)
      tpu.yield
    }) : () -> ()
    %mul3A_1 = arith.constant 640 : i32
    %mul3A_2 = arith.muli %arg1, %mul3A_1 : i32
    "tpu.region"() ({
      %run_scoped3A = tpu.sem_alloc : memref<!tpu.dma_semaphore, #tpu.memory_space<semaphore_mem>>
      %dma_start3A_391 = arith.constant 0 : i32
      %dma_start3A_392 = tpu.memref_slice %arg2[%mul3A_2, %dma_start3A_391] : memref<10240x32xf32, #tpu.memory_space<hbm>> -> memref<640x32xf32, #tpu.memory_space<hbm>>
      %dma_start3A_393 = arith.constant 0 : i32
      %dma_start3A_394 = tpu.memref_slice %arg2[%mul3A_2, %dma_start3A_393] : memref<10240x32xf32, #tpu.memory_space<hbm>> -> memref<640x32xf32, #tpu.memory_space<hbm>>
      tpu.enqueue_dma source(%dma_start3A_394 : memref<640x32xf32, #tpu.memory_space<hbm>>) target(%arg9 : memref<640x32xf32, #tpu.memory_space<vmem>>) target_semaphore(%run_scoped3A : memref<!tpu.dma_semaphore, #tpu.memory_space<semaphore_mem>>)
      %dma_wait3A_395 = arith.constant 0 : i32
      %dma_wait3A_396 = tpu.memref_slice %arg2[%mul3A_2, %dma_wait3A_395] : memref<10240x32xf32, #tpu.memory_space<hbm>> -> memref<640x32xf32, #tpu.memory_space<hbm>>
      %dma_wait3A_397 = arith.constant 0 : i32
      %dma_wait3A_398 = tpu.memref_slice %arg2[%mul3A_2, %dma_wait3A_397] : memref<10240x32xf32, #tpu.memory_space<hbm>> -> memref<640x32xf32, #tpu.memory_space<hbm>>
      tpu.wait_dma2 semaphore(%run_scoped3A : memref<!tpu.dma_semaphore, #tpu.memory_space<semaphore_mem>>) src(%dma_wait3A_398 : memref<640x32xf32, #tpu.memory_space<hbm>>) dst(%arg9 : memref<640x32xf32, #tpu.memory_space<vmem>>)
      tpu.yield
    }) : () -> ()
    "tpu.region"() ({
      %run_scoped3A = tpu.sem_alloc : memref<!tpu.dma_semaphore, #tpu.memory_space<semaphore_mem>>
      %dma_start3A_391 = arith.constant 0 : i32
      %dma_start3A_392 = tpu.memref_slice %arg10[%mul3A_2, %dma_start3A_391] : memref<10240x32xf32, #tpu.memory_space<vmem_shared>> -> memref<640x32xf32, #tpu.memory_space<vmem_shared>>
      %dma_start3A_393 = arith.constant 0 : i32
      %dma_start3A_394 = tpu.memref_slice %arg10[%mul3A_2, %dma_start3A_393] : memref<10240x32xf32, #tpu.memory_space<vmem_shared>> -> memref<640x32xf32, #tpu.memory_space<vmem_shared>>
      tpu.enqueue_dma source(%arg9 : memref<640x32xf32, #tpu.memory_space<vmem>>) target(%dma_start3A_394 : memref<640x32xf32, #tpu.memory_space<vmem_shared>>) target_semaphore(%run_scoped3A : memref<!tpu.dma_semaphore, #tpu.memory_space<semaphore_mem>>)
      %dma_wait3A_395 = arith.constant 0 : i32
      %dma_wait3A_396 = tpu.memref_slice %arg10[%mul3A_2, %dma_wait3A_395] : memref<10240x32xf32, #tpu.memory_space<vmem_shared>> -> memref<640x32xf32, #tpu.memory_space<vmem_shared>>
      %dma_wait3A_397 = arith.constant 0 : i32
      %dma_wait3A_398 = tpu.memref_slice %arg10[%mul3A_2, %dma_wait3A_397] : memref<10240x32xf32, #tpu.memory_space<vmem_shared>> -> memref<640x32xf32, #tpu.memory_space<vmem_shared>>
      tpu.wait_dma2 semaphore(%run_scoped3A : memref<!tpu.dma_semaphore, #tpu.memory_space<semaphore_mem>>) src(%arg9 : memref<640x32xf32, #tpu.memory_space<vmem>>) dst(%dma_wait3A_398 : memref<640x32xf32, #tpu.memory_space<vmem_shared>>)
      tpu.yield
    }) : () -> ()
    %barrier3A = arith.constant 0 : index
    tpu.barrier barrier_id(%barrier3A)
    %dma_start3A = arith.constant 0 : i32
    %dma_start3A_3 = arith.constant 0 : i32
    %dma_start3A_4 = arith.constant 0 : i32
    %dma_start3A_5 = arith.constant 0 : i32
    %dma_start3A_6 = tpu.memref_slice %arg8[%dma_start3A_3, %dma_start3A_4, %dma_start3A_5] : memref<8x125x32xf32, #tpu.memory_space<vmem>> -> memref<1x125x32xf32, #tpu.memory_space<vmem>>
    %dma_start3A_7 = tpu.memref_squeeze %dma_start3A_6 : memref<1x125x32xf32, #tpu.memory_space<vmem>> -> memref<125x32xf32, #tpu.memory_space<vmem>>
    %dma_start3A_8 = arith.constant 0 : i32
    %dma_start3A_9 = tpu.memref_slice %arg6[%dma_start3A, %dma_start3A_8] : memref<80x125xi32, #tpu.memory_space<vmem>> -> memref<1x125xi32, #tpu.memory_space<vmem>>
    %dma_start3A_10 = tpu.memref_squeeze %dma_start3A_9 : memref<1x125xi32, #tpu.memory_space<vmem>> -> memref<125xi32, #tpu.memory_space<vmem>>
    %dma_start3A_11 = arith.constant 0 : i32
    %dma_start3A_12 = arith.constant 0 : i32
    %dma_start3A_13 = tpu.memref_slice %arg2[%dma_start3A_11, %dma_start3A_12] : memref<10240x32xf32, #tpu.memory_space<hbm>> -> memref<10240x32xf32, #tpu.memory_space<hbm>>
    tpu.enqueue_indirect_dma source(%dma_start3A_13 : memref<10240x32xf32, #tpu.memory_space<hbm>>) target(%dma_start3A_7 : memref<125x32xf32, #tpu.memory_space<vmem>>) offsets(%dma_start3A_10 : memref<125xi32, #tpu.memory_space<vmem>>) semaphore(%arg11 : memref<!tpu.dma_semaphore, #tpu.memory_space<semaphore_mem>>)
    %dma_start3A_14 = arith.constant 1 : i32
    %dma_start3A_15 = arith.constant 1 : i32
    %dma_start3A_16 = arith.constant 0 : i32
    %dma_start3A_17 = arith.constant 0 : i32
    %dma_start3A_18 = tpu.memref_slice %arg8[%dma_start3A_15, %dma_start3A_16, %dma_start3A_17] : memref<8x125x32xf32, #tpu.memory_space<vmem>> -> memref<1x125x32xf32, #tpu.memory_space<vmem>>
    %dma_start3A_19 = tpu.memref_squeeze %dma_start3A_18 : memref<1x125x32xf32, #tpu.memory_space<vmem>> -> memref<125x32xf32, #tpu.memory_space<vmem>>
    %dma_start3A_20 = arith.constant 0 : i32
    %dma_start3A_21 = tpu.memref_slice %arg6[%dma_start3A_14, %dma_start3A_20] : memref<80x125xi32, #tpu.memory_space<vmem>> -> memref<1x125xi32, #tpu.memory_space<vmem>>
    %dma_start3A_22 = tpu.memref_squeeze %dma_start3A_21 : memref<1x125xi32, #tpu.memory_space<vmem>> -> memref<125xi32, #tpu.memory_space<vmem>>
    %dma_start3A_23 = arith.constant 0 : i32
    %dma_start3A_24 = arith.constant 0 : i32
    %dma_start3A_25 = tpu.memref_slice %arg2[%dma_start3A_23, %dma_start3A_24] : memref<10240x32xf32, #tpu.memory_space<hbm>> -> memref<10240x32xf32, #tpu.memory_space<hbm>>
    tpu.enqueue_indirect_dma source(%dma_start3A_25 : memref<10240x32xf32, #tpu.memory_space<hbm>>) target(%dma_start3A_19 : memref<125x32xf32, #tpu.memory_space<vmem>>) offsets(%dma_start3A_22 : memref<125xi32, #tpu.memory_space<vmem>>) semaphore(%arg12 : memref<!tpu.dma_semaphore, #tpu.memory_space<semaphore_mem>>)
    %dma_start3A_26 = arith.constant 2 : i32
    %dma_start3A_27 = arith.constant 2 : i32
    %dma_start3A_28 = arith.constant 0 : i32
    %dma_start3A_29 = arith.constant 0 : i32
    %dma_start3A_30 = tpu.memref_slice %arg8[%dma_start3A_27, %dma_start3A_28, %dma_start3A_29] : memref<8x125x32xf32, #tpu.memory_space<vmem>> -> memref<1x125x32xf32, #tpu.memory_space<vmem>>
    %dma_start3A_31 = tpu.memref_squeeze %dma_start3A_30 : memref<1x125x32xf32, #tpu.memory_space<vmem>> -> memref<125x32xf32, #tpu.memory_space<vmem>>
    %dma_start3A_32 = arith.constant 0 : i32
    %dma_start3A_33 = tpu.memref_slice %arg6[%dma_start3A_26, %dma_start3A_32] : memref<80x125xi32, #tpu.memory_space<vmem>> -> memref<1x125xi32, #tpu.memory_space<vmem>>
    %dma_start3A_34 = tpu.memref_squeeze %dma_start3A_33 : memref<1x125xi32, #tpu.memory_space<vmem>> -> memref<125xi32, #tpu.memory_space<vmem>>
    %dma_start3A_35 = arith.constant 0 : i32
    %dma_start3A_36 = arith.constant 0 : i32
    %dma_start3A_37 = tpu.memref_slice %arg2[%dma_start3A_35, %dma_start3A_36] : memref<10240x32xf32, #tpu.memory_space<hbm>> -> memref<10240x32xf32, #tpu.memory_space<hbm>>
    tpu.enqueue_indirect_dma source(%dma_start3A_37 : memref<10240x32xf32, #tpu.memory_space<hbm>>) target(%dma_start3A_31 : memref<125x32xf32, #tpu.memory_space<vmem>>) offsets(%dma_start3A_34 : memref<125xi32, #tpu.memory_space<vmem>>) semaphore(%arg13 : memref<!tpu.dma_semaphore, #tpu.memory_space<semaphore_mem>>)
    %dma_start3A_38 = arith.constant 3 : i32
    %dma_start3A_39 = arith.constant 3 : i32
    %dma_start3A_40 = arith.constant 0 : i32
    %dma_start3A_41 = arith.constant 0 : i32
    %dma_start3A_42 = tpu.memref_slice %arg8[%dma_start3A_39, %dma_start3A_40, %dma_start3A_41] : memref<8x125x32xf32, #tpu.memory_space<vmem>> -> memref<1x125x32xf32, #tpu.memory_space<vmem>>
    %dma_start3A_43 = tpu.memref_squeeze %dma_start3A_42 : memref<1x125x32xf32, #tpu.memory_space<vmem>> -> memref<125x32xf32, #tpu.memory_space<vmem>>
    %dma_start3A_44 = arith.constant 0 : i32
    %dma_start3A_45 = tpu.memref_slice %arg6[%dma_start3A_38, %dma_start3A_44] : memref<80x125xi32, #tpu.memory_space<vmem>> -> memref<1x125xi32, #tpu.memory_space<vmem>>
    %dma_start3A_46 = tpu.memref_squeeze %dma_start3A_45 : memref<1x125xi32, #tpu.memory_space<vmem>> -> memref<125xi32, #tpu.memory_space<vmem>>
    %dma_start3A_47 = arith.constant 0 : i32
    %dma_start3A_48 = arith.constant 0 : i32
    %dma_start3A_49 = tpu.memref_slice %arg2[%dma_start3A_47, %dma_start3A_48] : memref<10240x32xf32, #tpu.memory_space<hbm>> -> memref<10240x32xf32, #tpu.memory_space<hbm>>
    tpu.enqueue_indirect_dma source(%dma_start3A_49 : memref<10240x32xf32, #tpu.memory_space<hbm>>) target(%dma_start3A_43 : memref<125x32xf32, #tpu.memory_space<vmem>>) offsets(%dma_start3A_46 : memref<125xi32, #tpu.memory_space<vmem>>) semaphore(%arg14 : memref<!tpu.dma_semaphore, #tpu.memory_space<semaphore_mem>>)
    %dma_start3A_50 = arith.constant 4 : i32
    %dma_start3A_51 = arith.constant 4 : i32
    %dma_start3A_52 = arith.constant 0 : i32
    %dma_start3A_53 = arith.constant 0 : i32
    %dma_start3A_54 = tpu.memref_slice %arg8[%dma_start3A_51, %dma_start3A_52, %dma_start3A_53] : memref<8x125x32xf32, #tpu.memory_space<vmem>> -> memref<1x125x32xf32, #tpu.memory_space<vmem>>
    %dma_start3A_55 = tpu.memref_squeeze %dma_start3A_54 : memref<1x125x32xf32, #tpu.memory_space<vmem>> -> memref<125x32xf32, #tpu.memory_space<vmem>>
    %dma_start3A_56 = arith.constant 0 : i32
    %dma_start3A_57 = tpu.memref_slice %arg6[%dma_start3A_50, %dma_start3A_56] : memref<80x125xi32, #tpu.memory_space<vmem>> -> memref<1x125xi32, #tpu.memory_space<vmem>>
    %dma_start3A_58 = tpu.memref_squeeze %dma_start3A_57 : memref<1x125xi32, #tpu.memory_space<vmem>> -> memref<125xi32, #tpu.memory_space<vmem>>
    %dma_start3A_59 = arith.constant 0 : i32
    %dma_start3A_60 = arith.constant 0 : i32
    %dma_start3A_61 = tpu.memref_slice %arg2[%dma_start3A_59, %dma_start3A_60] : memref<10240x32xf32, #tpu.memory_space<hbm>> -> memref<10240x32xf32, #tpu.memory_space<hbm>>
    tpu.enqueue_indirect_dma source(%dma_start3A_61 : memref<10240x32xf32, #tpu.memory_space<hbm>>) target(%dma_start3A_55 : memref<125x32xf32, #tpu.memory_space<vmem>>) offsets(%dma_start3A_58 : memref<125xi32, #tpu.memory_space<vmem>>) semaphore(%arg15 : memref<!tpu.dma_semaphore, #tpu.memory_space<semaphore_mem>>)
    %dma_start3A_62 = arith.constant 5 : i32
    %dma_start3A_63 = arith.constant 5 : i32
    %dma_start3A_64 = arith.constant 0 : i32
    %dma_start3A_65 = arith.constant 0 : i32
    %dma_start3A_66 = tpu.memref_slice %arg8[%dma_start3A_63, %dma_start3A_64, %dma_start3A_65] : memref<8x125x32xf32, #tpu.memory_space<vmem>> -> memref<1x125x32xf32, #tpu.memory_space<vmem>>
    %dma_start3A_67 = tpu.memref_squeeze %dma_start3A_66 : memref<1x125x32xf32, #tpu.memory_space<vmem>> -> memref<125x32xf32, #tpu.memory_space<vmem>>
    %dma_start3A_68 = arith.constant 0 : i32
    %dma_start3A_69 = tpu.memref_slice %arg6[%dma_start3A_62, %dma_start3A_68] : memref<80x125xi32, #tpu.memory_space<vmem>> -> memref<1x125xi32, #tpu.memory_space<vmem>>
    %dma_start3A_70 = tpu.memref_squeeze %dma_start3A_69 : memref<1x125xi32, #tpu.memory_space<vmem>> -> memref<125xi32, #tpu.memory_space<vmem>>
    %dma_start3A_71 = arith.constant 0 : i32
    %dma_start3A_72 = arith.constant 0 : i32
    %dma_start3A_73 = tpu.memref_slice %arg2[%dma_start3A_71, %dma_start3A_72] : memref<10240x32xf32, #tpu.memory_space<hbm>> -> memref<10240x32xf32, #tpu.memory_space<hbm>>
    tpu.enqueue_indirect_dma source(%dma_start3A_73 : memref<10240x32xf32, #tpu.memory_space<hbm>>) target(%dma_start3A_67 : memref<125x32xf32, #tpu.memory_space<vmem>>) offsets(%dma_start3A_70 : memref<125xi32, #tpu.memory_space<vmem>>) semaphore(%arg16 : memref<!tpu.dma_semaphore, #tpu.memory_space<semaphore_mem>>)
    %dma_start3A_74 = arith.constant 6 : i32
    %dma_start3A_75 = arith.constant 6 : i32
    %dma_start3A_76 = arith.constant 0 : i32
    %dma_start3A_77 = arith.constant 0 : i32
    %dma_start3A_78 = tpu.memref_slice %arg8[%dma_start3A_75, %dma_start3A_76, %dma_start3A_77] : memref<8x125x32xf32, #tpu.memory_space<vmem>> -> memref<1x125x32xf32, #tpu.memory_space<vmem>>
    %dma_start3A_79 = tpu.memref_squeeze %dma_start3A_78 : memref<1x125x32xf32, #tpu.memory_space<vmem>> -> memref<125x32xf32, #tpu.memory_space<vmem>>
    %dma_start3A_80 = arith.constant 0 : i32
    %dma_start3A_81 = tpu.memref_slice %arg6[%dma_start3A_74, %dma_start3A_80] : memref<80x125xi32, #tpu.memory_space<vmem>> -> memref<1x125xi32, #tpu.memory_space<vmem>>
    %dma_start3A_82 = tpu.memref_squeeze %dma_start3A_81 : memref<1x125xi32, #tpu.memory_space<vmem>> -> memref<125xi32, #tpu.memory_space<vmem>>
    %dma_start3A_83 = arith.constant 0 : i32
    %dma_start3A_84 = arith.constant 0 : i32
    %dma_start3A_85 = tpu.memref_slice %arg2[%dma_start3A_83, %dma_start3A_84] : memref<10240x32xf32, #tpu.memory_space<hbm>> -> memref<10240x32xf32, #tpu.memory_space<hbm>>
    tpu.enqueue_indirect_dma source(%dma_start3A_85 : memref<10240x32xf32, #tpu.memory_space<hbm>>) target(%dma_start3A_79 : memref<125x32xf32, #tpu.memory_space<vmem>>) offsets(%dma_start3A_82 : memref<125xi32, #tpu.memory_space<vmem>>) semaphore(%arg17 : memref<!tpu.dma_semaphore, #tpu.memory_space<semaphore_mem>>)
    %dma_start3A_86 = arith.constant 7 : i32
    %dma_start3A_87 = arith.constant 7 : i32
    %dma_start3A_88 = arith.constant 0 : i32
    %dma_start3A_89 = arith.constant 0 : i32
    %dma_start3A_90 = tpu.memref_slice %arg8[%dma_start3A_87, %dma_start3A_88, %dma_start3A_89] : memref<8x125x32xf32, #tpu.memory_space<vmem>> -> memref<1x125x32xf32, #tpu.memory_space<vmem>>
    %dma_start3A_91 = tpu.memref_squeeze %dma_start3A_90 : memref<1x125x32xf32, #tpu.memory_space<vmem>> -> memref<125x32xf32, #tpu.memory_space<vmem>>
    %dma_start3A_92 = arith.constant 0 : i32
    %dma_start3A_93 = tpu.memref_slice %arg6[%dma_start3A_86, %dma_start3A_92] : memref<80x125xi32, #tpu.memory_space<vmem>> -> memref<1x125xi32, #tpu.memory_space<vmem>>
    %dma_start3A_94 = tpu.memref_squeeze %dma_start3A_93 : memref<1x125xi32, #tpu.memory_space<vmem>> -> memref<125xi32, #tpu.memory_space<vmem>>
    %dma_start3A_95 = arith.constant 0 : i32
    %dma_start3A_96 = arith.constant 0 : i32
    %dma_start3A_97 = tpu.memref_slice %arg2[%dma_start3A_95, %dma_start3A_96] : memref<10240x32xf32, #tpu.memory_space<hbm>> -> memref<10240x32xf32, #tpu.memory_space<hbm>>
    tpu.enqueue_indirect_dma source(%dma_start3A_97 : memref<10240x32xf32, #tpu.memory_space<hbm>>) target(%dma_start3A_91 : memref<125x32xf32, #tpu.memory_space<vmem>>) offsets(%dma_start3A_94 : memref<125xi32, #tpu.memory_space<vmem>>) semaphore(%arg18 : memref<!tpu.dma_semaphore, #tpu.memory_space<semaphore_mem>>)
    %scan3A = arith.constant 0 : i32
    %scan3A_98 = arith.constant 0 : i32
    %scan3A_99 = arith.constant 9 : i32
    %scan3A_100 = arith.addi %scan3A_98, %scan3A_99 : i32
    %scan3A_101 = arith.constant 1 : i32
    scf.for %scan3A_391 = %scan3A_98 to %scan3A_100 step %scan3A_101  : i32 {
      %mul3A_392 = arith.constant 8 : i32
      %mul3A_393 = arith.muli %mul3A_392, %scan3A_391 : i32
      %dma_wait3A_394 = arith.constant 0 : i32
      %dma_wait3A_395 = arith.constant 0 : i32
      %dma_wait3A_396 = arith.constant 0 : i32
      %dma_wait3A_397 = arith.constant 0 : i32
      %dma_wait3A_398 = tpu.memref_slice %arg8[%dma_wait3A_395, %dma_wait3A_396, %dma_wait3A_397] : memref<8x125x32xf32, #tpu.memory_space<vmem>> -> memref<1x125x32xf32, #tpu.memory_space<vmem>>
      %dma_wait3A_399 = tpu.memref_squeeze %dma_wait3A_398 : memref<1x125x32xf32, #tpu.memory_space<vmem>> -> memref<125x32xf32, #tpu.memory_space<vmem>>
      %dma_wait3A_400 = arith.constant 0 : i32
      %dma_wait3A_401 = tpu.memref_slice %arg6[%dma_wait3A_394, %dma_wait3A_400] : memref<80x125xi32, #tpu.memory_space<vmem>> -> memref<1x125xi32, #tpu.memory_space<vmem>>
      %dma_wait3A_402 = tpu.memref_squeeze %dma_wait3A_401 : memref<1x125xi32, #tpu.memory_space<vmem>> -> memref<125xi32, #tpu.memory_space<vmem>>
      %dma_wait3A_403 = arith.constant 0 : i32
      %dma_wait3A_404 = arith.constant 0 : i32
      %dma_wait3A_405 = tpu.memref_slice %arg2[%dma_wait3A_403, %dma_wait3A_404] : memref<10240x32xf32, #tpu.memory_space<hbm>> -> memref<10240x32xf32, #tpu.memory_space<hbm>>
      tpu.wait_indirect_dma semaphore(%arg11 : memref<!tpu.dma_semaphore, #tpu.memory_space<semaphore_mem>>) src(%dma_wait3A_405 : memref<10240x32xf32, #tpu.memory_space<hbm>>) dst(%dma_wait3A_399 : memref<125x32xf32, #tpu.memory_space<vmem>>)
      %add3A_406 = arith.constant 0 : i32
      %add3A_407 = arith.addi %mul3A_393, %add3A_406 : i32
      %dma_start3A_408 = arith.constant 0 : i32
      %dma_start3A_409 = arith.constant 0 : i32
      %dma_start3A_410 = arith.constant 0 : i32
      %dma_start3A_411 = tpu.memref_slice %arg8[%dma_start3A_408, %dma_start3A_409, %dma_start3A_410] : memref<8x125x32xf32, #tpu.memory_space<vmem>> -> memref<1x125x32xf32, #tpu.memory_space<vmem>>
      %dma_start3A_412 = tpu.memref_squeeze %dma_start3A_411 : memref<1x125x32xf32, #tpu.memory_space<vmem>> -> memref<125x32xf32, #tpu.memory_space<vmem>>
      %dma_start3A_413 = arith.constant 0 : i32
      %dma_start3A_414 = tpu.memref_slice %arg7[%add3A_407, %dma_start3A_413] : memref<80x125xi32, #tpu.memory_space<vmem>> -> memref<1x125xi32, #tpu.memory_space<vmem>>
      %dma_start3A_415 = tpu.memref_squeeze %dma_start3A_414 : memref<1x125xi32, #tpu.memory_space<vmem>> -> memref<125xi32, #tpu.memory_space<vmem>>
      %dma_start3A_416 = arith.constant 0 : i32
      %dma_start3A_417 = arith.constant 0 : i32
      %dma_start3A_418 = tpu.memref_slice %arg10[%dma_start3A_416, %dma_start3A_417] : memref<10240x32xf32, #tpu.memory_space<vmem_shared>> -> memref<10240x32xf32, #tpu.memory_space<vmem_shared>>
      tpu.enqueue_indirect_dma source(%dma_start3A_412 : memref<125x32xf32, #tpu.memory_space<vmem>>) target(%dma_start3A_418 : memref<10240x32xf32, #tpu.memory_space<vmem_shared>>) offsets(%dma_start3A_415 : memref<125xi32, #tpu.memory_space<vmem>>) semaphore(%arg19 : memref<!tpu.dma_semaphore, #tpu.memory_space<semaphore_mem>>) {add = true}
      %dma_wait3A_419 = arith.constant 0 : i32
      %dma_wait3A_420 = arith.constant 1 : i32
      %dma_wait3A_421 = arith.constant 0 : i32
      %dma_wait3A_422 = arith.constant 0 : i32
      %dma_wait3A_423 = tpu.memref_slice %arg8[%dma_wait3A_420, %dma_wait3A_421, %dma_wait3A_422] : memref<8x125x32xf32, #tpu.memory_space<vmem>> -> memref<1x125x32xf32, #tpu.memory_space<vmem>>
      %dma_wait3A_424 = tpu.memref_squeeze %dma_wait3A_423 : memref<1x125x32xf32, #tpu.memory_space<vmem>> -> memref<125x32xf32, #tpu.memory_space<vmem>>
      %dma_wait3A_425 = arith.constant 0 : i32
      %dma_wait3A_426 = tpu.memref_slice %arg6[%dma_wait3A_419, %dma_wait3A_425] : memref<80x125xi32, #tpu.memory_space<vmem>> -> memref<1x125xi32, #tpu.memory_space<vmem>>
      %dma_wait3A_427 = tpu.memref_squeeze %dma_wait3A_426 : memref<1x125xi32, #tpu.memory_space<vmem>> -> memref<125xi32, #tpu.memory_space<vmem>>
      %dma_wait3A_428 = arith.constant 0 : i32
      %dma_wait3A_429 = arith.constant 0 : i32
      %dma_wait3A_430 = tpu.memref_slice %arg2[%dma_wait3A_428, %dma_wait3A_429] : memref<10240x32xf32, #tpu.memory_space<hbm>> -> memref<10240x32xf32, #tpu.memory_space<hbm>>
      tpu.wait_indirect_dma semaphore(%arg12 : memref<!tpu.dma_semaphore, #tpu.memory_space<semaphore_mem>>) src(%dma_wait3A_430 : memref<10240x32xf32, #tpu.memory_space<hbm>>) dst(%dma_wait3A_424 : memref<125x32xf32, #tpu.memory_space<vmem>>)
      %add3A_431 = arith.constant 1 : i32
      %add3A_432 = arith.addi %mul3A_393, %add3A_431 : i32
      %dma_start3A_433 = arith.constant 1 : i32
      %dma_start3A_434 = arith.constant 0 : i32
      %dma_start3A_435 = arith.constant 0 : i32
      %dma_start3A_436 = tpu.memref_slice %arg8[%dma_start3A_433, %dma_start3A_434, %dma_start3A_435] : memref<8x125x32xf32, #tpu.memory_space<vmem>> -> memref<1x125x32xf32, #tpu.memory_space<vmem>>
      %dma_start3A_437 = tpu.memref_squeeze %dma_start3A_436 : memref<1x125x32xf32, #tpu.memory_space<vmem>> -> memref<125x32xf32, #tpu.memory_space<vmem>>
      %dma_start3A_438 = arith.constant 0 : i32
      %dma_start3A_439 = tpu.memref_slice %arg7[%add3A_432, %dma_start3A_438] : memref<80x125xi32, #tpu.memory_space<vmem>> -> memref<1x125xi32, #tpu.memory_space<vmem>>
      %dma_start3A_440 = tpu.memref_squeeze %dma_start3A_439 : memref<1x125xi32, #tpu.memory_space<vmem>> -> memref<125xi32, #tpu.memory_space<vmem>>
      %dma_start3A_441 = arith.constant 0 : i32
      %dma_start3A_442 = arith.constant 0 : i32
      %dma_start3A_443 = tpu.memref_slice %arg10[%dma_start3A_441, %dma_start3A_442] : memref<10240x32xf32, #tpu.memory_space<vmem_shared>> -> memref<10240x32xf32, #tpu.memory_space<vmem_shared>>
      tpu.enqueue_indirect_dma source(%dma_start3A_437 : memref<125x32xf32, #tpu.memory_space<vmem>>) target(%dma_start3A_443 : memref<10240x32xf32, #tpu.memory_space<vmem_shared>>) offsets(%dma_start3A_440 : memref<125xi32, #tpu.memory_space<vmem>>) semaphore(%arg20 : memref<!tpu.dma_semaphore, #tpu.memory_space<semaphore_mem>>) {add = true}
      %dma_wait3A_444 = arith.constant 0 : i32
      %dma_wait3A_445 = arith.constant 2 : i32
      %dma_wait3A_446 = arith.constant 0 : i32
      %dma_wait3A_447 = arith.constant 0 : i32
      %dma_wait3A_448 = tpu.memref_slice %arg8[%dma_wait3A_445, %dma_wait3A_446, %dma_wait3A_447] : memref<8x125x32xf32, #tpu.memory_space<vmem>> -> memref<1x125x32xf32, #tpu.memory_space<vmem>>
      %dma_wait3A_449 = tpu.memref_squeeze %dma_wait3A_448 : memref<1x125x32xf32, #tpu.memory_space<vmem>> -> memref<125x32xf32, #tpu.memory_space<vmem>>
      %dma_wait3A_450 = arith.constant 0 : i32
      %dma_wait3A_451 = tpu.memref_slice %arg6[%dma_wait3A_444, %dma_wait3A_450] : memref<80x125xi32, #tpu.memory_space<vmem>> -> memref<1x125xi32, #tpu.memory_space<vmem>>
      %dma_wait3A_452 = tpu.memref_squeeze %dma_wait3A_451 : memref<1x125xi32, #tpu.memory_space<vmem>> -> memref<125xi32, #tpu.memory_space<vmem>>
      %dma_wait3A_453 = arith.constant 0 : i32
      %dma_wait3A_454 = arith.constant 0 : i32
      %dma_wait3A_455 = tpu.memref_slice %arg2[%dma_wait3A_453, %dma_wait3A_454] : memref<10240x32xf32, #tpu.memory_space<hbm>> -> memref<10240x32xf32, #tpu.memory_space<hbm>>
      tpu.wait_indirect_dma semaphore(%arg13 : memref<!tpu.dma_semaphore, #tpu.memory_space<semaphore_mem>>) src(%dma_wait3A_455 : memref<10240x32xf32, #tpu.memory_space<hbm>>) dst(%dma_wait3A_449 : memref<125x32xf32, #tpu.memory_space<vmem>>)
      %add3A_456 = arith.constant 2 : i32
      %add3A_457 = arith.addi %mul3A_393, %add3A_456 : i32
      %dma_start3A_458 = arith.constant 2 : i32
      %dma_start3A_459 = arith.constant 0 : i32
      %dma_start3A_460 = arith.constant 0 : i32
      %dma_start3A_461 = tpu.memref_slice %arg8[%dma_start3A_458, %dma_start3A_459, %dma_start3A_460] : memref<8x125x32xf32, #tpu.memory_space<vmem>> -> memref<1x125x32xf32, #tpu.memory_space<vmem>>
      %dma_start3A_462 = tpu.memref_squeeze %dma_start3A_461 : memref<1x125x32xf32, #tpu.memory_space<vmem>> -> memref<125x32xf32, #tpu.memory_space<vmem>>
      %dma_start3A_463 = arith.constant 0 : i32
      %dma_start3A_464 = tpu.memref_slice %arg7[%add3A_457, %dma_start3A_463] : memref<80x125xi32, #tpu.memory_space<vmem>> -> memref<1x125xi32, #tpu.memory_space<vmem>>
      %dma_start3A_465 = tpu.memref_squeeze %dma_start3A_464 : memref<1x125xi32, #tpu.memory_space<vmem>> -> memref<125xi32, #tpu.memory_space<vmem>>
      %dma_start3A_466 = arith.constant 0 : i32
      %dma_start3A_467 = arith.constant 0 : i32
      %dma_start3A_468 = tpu.memref_slice %arg10[%dma_start3A_466, %dma_start3A_467] : memref<10240x32xf32, #tpu.memory_space<vmem_shared>> -> memref<10240x32xf32, #tpu.memory_space<vmem_shared>>
      tpu.enqueue_indirect_dma source(%dma_start3A_462 : memref<125x32xf32, #tpu.memory_space<vmem>>) target(%dma_start3A_468 : memref<10240x32xf32, #tpu.memory_space<vmem_shared>>) offsets(%dma_start3A_465 : memref<125xi32, #tpu.memory_space<vmem>>) semaphore(%arg21 : memref<!tpu.dma_semaphore, #tpu.memory_space<semaphore_mem>>) {add = true}
      %dma_wait3A_469 = arith.constant 0 : i32
      %dma_wait3A_470 = arith.constant 3 : i32
      %dma_wait3A_471 = arith.constant 0 : i32
      %dma_wait3A_472 = arith.constant 0 : i32
      %dma_wait3A_473 = tpu.memref_slice %arg8[%dma_wait3A_470, %dma_wait3A_471, %dma_wait3A_472] : memref<8x125x32xf32, #tpu.memory_space<vmem>> -> memref<1x125x32xf32, #tpu.memory_space<vmem>>
      %dma_wait3A_474 = tpu.memref_squeeze %dma_wait3A_473 : memref<1x125x32xf32, #tpu.memory_space<vmem>> -> memref<125x32xf32, #tpu.memory_space<vmem>>
      %dma_wait3A_475 = arith.constant 0 : i32
      %dma_wait3A_476 = tpu.memref_slice %arg6[%dma_wait3A_469, %dma_wait3A_475] : memref<80x125xi32, #tpu.memory_space<vmem>> -> memref<1x125xi32, #tpu.memory_space<vmem>>
      %dma_wait3A_477 = tpu.memref_squeeze %dma_wait3A_476 : memref<1x125xi32, #tpu.memory_space<vmem>> -> memref<125xi32, #tpu.memory_space<vmem>>
      %dma_wait3A_478 = arith.constant 0 : i32
      %dma_wait3A_479 = arith.constant 0 : i32
      %dma_wait3A_480 = tpu.memref_slice %arg2[%dma_wait3A_478, %dma_wait3A_479] : memref<10240x32xf32, #tpu.memory_space<hbm>> -> memref<10240x32xf32, #tpu.memory_space<hbm>>
      tpu.wait_indirect_dma semaphore(%arg14 : memref<!tpu.dma_semaphore, #tpu.memory_space<semaphore_mem>>) src(%dma_wait3A_480 : memref<10240x32xf32, #tpu.memory_space<hbm>>) dst(%dma_wait3A_474 : memref<125x32xf32, #tpu.memory_space<vmem>>)
      %add3A_481 = arith.constant 3 : i32
      %add3A_482 = arith.addi %mul3A_393, %add3A_481 : i32
      %dma_start3A_483 = arith.constant 3 : i32
      %dma_start3A_484 = arith.constant 0 : i32
      %dma_start3A_485 = arith.constant 0 : i32
      %dma_start3A_486 = tpu.memref_slice %arg8[%dma_start3A_483, %dma_start3A_484, %dma_start3A_485] : memref<8x125x32xf32, #tpu.memory_space<vmem>> -> memref<1x125x32xf32, #tpu.memory_space<vmem>>
      %dma_start3A_487 = tpu.memref_squeeze %dma_start3A_486 : memref<1x125x32xf32, #tpu.memory_space<vmem>> -> memref<125x32xf32, #tpu.memory_space<vmem>>
      %dma_start3A_488 = arith.constant 0 : i32
      %dma_start3A_489 = tpu.memref_slice %arg7[%add3A_482, %dma_start3A_488] : memref<80x125xi32, #tpu.memory_space<vmem>> -> memref<1x125xi32, #tpu.memory_space<vmem>>
      %dma_start3A_490 = tpu.memref_squeeze %dma_start3A_489 : memref<1x125xi32, #tpu.memory_space<vmem>> -> memref<125xi32, #tpu.memory_space<vmem>>
      %dma_start3A_491 = arith.constant 0 : i32
      %dma_start3A_492 = arith.constant 0 : i32
      %dma_start3A_493 = tpu.memref_slice %arg10[%dma_start3A_491, %dma_start3A_492] : memref<10240x32xf32, #tpu.memory_space<vmem_shared>> -> memref<10240x32xf32, #tpu.memory_space<vmem_shared>>
      tpu.enqueue_indirect_dma source(%dma_start3A_487 : memref<125x32xf32, #tpu.memory_space<vmem>>) target(%dma_start3A_493 : memref<10240x32xf32, #tpu.memory_space<vmem_shared>>) offsets(%dma_start3A_490 : memref<125xi32, #tpu.memory_space<vmem>>) semaphore(%arg22 : memref<!tpu.dma_semaphore, #tpu.memory_space<semaphore_mem>>) {add = true}
      %dma_wait3A_494 = arith.constant 0 : i32
      %dma_wait3A_495 = arith.constant 4 : i32
      %dma_wait3A_496 = arith.constant 0 : i32
      %dma_wait3A_497 = arith.constant 0 : i32
      %dma_wait3A_498 = tpu.memref_slice %arg8[%dma_wait3A_495, %dma_wait3A_496, %dma_wait3A_497] : memref<8x125x32xf32, #tpu.memory_space<vmem>> -> memref<1x125x32xf32, #tpu.memory_space<vmem>>
      %dma_wait3A_499 = tpu.memref_squeeze %dma_wait3A_498 : memref<1x125x32xf32, #tpu.memory_space<vmem>> -> memref<125x32xf32, #tpu.memory_space<vmem>>
      %dma_wait3A_500 = arith.constant 0 : i32
      %dma_wait3A_501 = tpu.memref_slice %arg6[%dma_wait3A_494, %dma_wait3A_500] : memref<80x125xi32, #tpu.memory_space<vmem>> -> memref<1x125xi32, #tpu.memory_space<vmem>>
      %dma_wait3A_502 = tpu.memref_squeeze %dma_wait3A_501 : memref<1x125xi32, #tpu.memory_space<vmem>> -> memref<125xi32, #tpu.memory_space<vmem>>
      %dma_wait3A_503 = arith.constant 0 : i32
      %dma_wait3A_504 = arith.constant 0 : i32
      %dma_wait3A_505 = tpu.memref_slice %arg2[%dma_wait3A_503, %dma_wait3A_504] : memref<10240x32xf32, #tpu.memory_space<hbm>> -> memref<10240x32xf32, #tpu.memory_space<hbm>>
      tpu.wait_indirect_dma semaphore(%arg15 : memref<!tpu.dma_semaphore, #tpu.memory_space<semaphore_mem>>) src(%dma_wait3A_505 : memref<10240x32xf32, #tpu.memory_space<hbm>>) dst(%dma_wait3A_499 : memref<125x32xf32, #tpu.memory_space<vmem>>)
      %add3A_506 = arith.constant 4 : i32
      %add3A_507 = arith.addi %mul3A_393, %add3A_506 : i32
      %dma_start3A_508 = arith.constant 4 : i32
      %dma_start3A_509 = arith.constant 0 : i32
      %dma_start3A_510 = arith.constant 0 : i32
      %dma_start3A_511 = tpu.memref_slice %arg8[%dma_start3A_508, %dma_start3A_509, %dma_start3A_510] : memref<8x125x32xf32, #tpu.memory_space<vmem>> -> memref<1x125x32xf32, #tpu.memory_space<vmem>>
      %dma_start3A_512 = tpu.memref_squeeze %dma_start3A_511 : memref<1x125x32xf32, #tpu.memory_space<vmem>> -> memref<125x32xf32, #tpu.memory_space<vmem>>
      %dma_start3A_513 = arith.constant 0 : i32
      %dma_start3A_514 = tpu.memref_slice %arg7[%add3A_507, %dma_start3A_513] : memref<80x125xi32, #tpu.memory_space<vmem>> -> memref<1x125xi32, #tpu.memory_space<vmem>>
      %dma_start3A_515 = tpu.memref_squeeze %dma_start3A_514 : memref<1x125xi32, #tpu.memory_space<vmem>> -> memref<125xi32, #tpu.memory_space<vmem>>
      %dma_start3A_516 = arith.constant 0 : i32
      %dma_start3A_517 = arith.constant 0 : i32
      %dma_start3A_518 = tpu.memref_slice %arg10[%dma_start3A_516, %dma_start3A_517] : memref<10240x32xf32, #tpu.memory_space<vmem_shared>> -> memref<10240x32xf32, #tpu.memory_space<vmem_shared>>
      tpu.enqueue_indirect_dma source(%dma_start3A_512 : memref<125x32xf32, #tpu.memory_space<vmem>>) target(%dma_start3A_518 : memref<10240x32xf32, #tpu.memory_space<vmem_shared>>) offsets(%dma_start3A_515 : memref<125xi32, #tpu.memory_space<vmem>>) semaphore(%arg23 : memref<!tpu.dma_semaphore, #tpu.memory_space<semaphore_mem>>) {add = true}
      %dma_wait3A_519 = arith.constant 0 : i32
      %dma_wait3A_520 = arith.constant 5 : i32
      %dma_wait3A_521 = arith.constant 0 : i32
      %dma_wait3A_522 = arith.constant 0 : i32
      %dma_wait3A_523 = tpu.memref_slice %arg8[%dma_wait3A_520, %dma_wait3A_521, %dma_wait3A_522] : memref<8x125x32xf32, #tpu.memory_space<vmem>> -> memref<1x125x32xf32, #tpu.memory_space<vmem>>
      %dma_wait3A_524 = tpu.memref_squeeze %dma_wait3A_523 : memref<1x125x32xf32, #tpu.memory_space<vmem>> -> memref<125x32xf32, #tpu.memory_space<vmem>>
      %dma_wait3A_525 = arith.constant 0 : i32
      %dma_wait3A_526 = tpu.memref_slice %arg6[%dma_wait3A_519, %dma_wait3A_525] : memref<80x125xi32, #tpu.memory_space<vmem>> -> memref<1x125xi32, #tpu.memory_space<vmem>>
      %dma_wait3A_527 = tpu.memref_squeeze %dma_wait3A_526 : memref<1x125xi32, #tpu.memory_space<vmem>> -> memref<125xi32, #tpu.memory_space<vmem>>
      %dma_wait3A_528 = arith.constant 0 : i32
      %dma_wait3A_529 = arith.constant 0 : i32
      %dma_wait3A_530 = tpu.memref_slice %arg2[%dma_wait3A_528, %dma_wait3A_529] : memref<10240x32xf32, #tpu.memory_space<hbm>> -> memref<10240x32xf32, #tpu.memory_space<hbm>>
      tpu.wait_indirect_dma semaphore(%arg16 : memref<!tpu.dma_semaphore, #tpu.memory_space<semaphore_mem>>) src(%dma_wait3A_530 : memref<10240x32xf32, #tpu.memory_space<hbm>>) dst(%dma_wait3A_524 : memref<125x32xf32, #tpu.memory_space<vmem>>)
      %add3A_531 = arith.constant 5 : i32
      %add3A_532 = arith.addi %mul3A_393, %add3A_531 : i32
      %dma_start3A_533 = arith.constant 5 : i32
      %dma_start3A_534 = arith.constant 0 : i32
      %dma_start3A_535 = arith.constant 0 : i32
      %dma_start3A_536 = tpu.memref_slice %arg8[%dma_start3A_533, %dma_start3A_534, %dma_start3A_535] : memref<8x125x32xf32, #tpu.memory_space<vmem>> -> memref<1x125x32xf32, #tpu.memory_space<vmem>>
      %dma_start3A_537 = tpu.memref_squeeze %dma_start3A_536 : memref<1x125x32xf32, #tpu.memory_space<vmem>> -> memref<125x32xf32, #tpu.memory_space<vmem>>
      %dma_start3A_538 = arith.constant 0 : i32
      %dma_start3A_539 = tpu.memref_slice %arg7[%add3A_532, %dma_start3A_538] : memref<80x125xi32, #tpu.memory_space<vmem>> -> memref<1x125xi32, #tpu.memory_space<vmem>>
      %dma_start3A_540 = tpu.memref_squeeze %dma_start3A_539 : memref<1x125xi32, #tpu.memory_space<vmem>> -> memref<125xi32, #tpu.memory_space<vmem>>
      %dma_start3A_541 = arith.constant 0 : i32
      %dma_start3A_542 = arith.constant 0 : i32
      %dma_start3A_543 = tpu.memref_slice %arg10[%dma_start3A_541, %dma_start3A_542] : memref<10240x32xf32, #tpu.memory_space<vmem_shared>> -> memref<10240x32xf32, #tpu.memory_space<vmem_shared>>
      tpu.enqueue_indirect_dma source(%dma_start3A_537 : memref<125x32xf32, #tpu.memory_space<vmem>>) target(%dma_start3A_543 : memref<10240x32xf32, #tpu.memory_space<vmem_shared>>) offsets(%dma_start3A_540 : memref<125xi32, #tpu.memory_space<vmem>>) semaphore(%arg24 : memref<!tpu.dma_semaphore, #tpu.memory_space<semaphore_mem>>) {add = true}
      %dma_wait3A_544 = arith.constant 0 : i32
      %dma_wait3A_545 = arith.constant 6 : i32
      %dma_wait3A_546 = arith.constant 0 : i32
      %dma_wait3A_547 = arith.constant 0 : i32
      %dma_wait3A_548 = tpu.memref_slice %arg8[%dma_wait3A_545, %dma_wait3A_546, %dma_wait3A_547] : memref<8x125x32xf32, #tpu.memory_space<vmem>> -> memref<1x125x32xf32, #tpu.memory_space<vmem>>
      %dma_wait3A_549 = tpu.memref_squeeze %dma_wait3A_548 : memref<1x125x32xf32, #tpu.memory_space<vmem>> -> memref<125x32xf32, #tpu.memory_space<vmem>>
      %dma_wait3A_550 = arith.constant 0 : i32
      %dma_wait3A_551 = tpu.memref_slice %arg6[%dma_wait3A_544, %dma_wait3A_550] : memref<80x125xi32, #tpu.memory_space<vmem>> -> memref<1x125xi32, #tpu.memory_space<vmem>>
      %dma_wait3A_552 = tpu.memref_squeeze %dma_wait3A_551 : memref<1x125xi32, #tpu.memory_space<vmem>> -> memref<125xi32, #tpu.memory_space<vmem>>
      %dma_wait3A_553 = arith.constant 0 : i32
      %dma_wait3A_554 = arith.constant 0 : i32
      %dma_wait3A_555 = tpu.memref_slice %arg2[%dma_wait3A_553, %dma_wait3A_554] : memref<10240x32xf32, #tpu.memory_space<hbm>> -> memref<10240x32xf32, #tpu.memory_space<hbm>>
      tpu.wait_indirect_dma semaphore(%arg17 : memref<!tpu.dma_semaphore, #tpu.memory_space<semaphore_mem>>) src(%dma_wait3A_555 : memref<10240x32xf32, #tpu.memory_space<hbm>>) dst(%dma_wait3A_549 : memref<125x32xf32, #tpu.memory_space<vmem>>)
      %add3A_556 = arith.constant 6 : i32
      %add3A_557 = arith.addi %mul3A_393, %add3A_556 : i32
      %dma_start3A_558 = arith.constant 6 : i32
      %dma_start3A_559 = arith.constant 0 : i32
      %dma_start3A_560 = arith.constant 0 : i32
      %dma_start3A_561 = tpu.memref_slice %arg8[%dma_start3A_558, %dma_start3A_559, %dma_start3A_560] : memref<8x125x32xf32, #tpu.memory_space<vmem>> -> memref<1x125x32xf32, #tpu.memory_space<vmem>>
      %dma_start3A_562 = tpu.memref_squeeze %dma_start3A_561 : memref<1x125x32xf32, #tpu.memory_space<vmem>> -> memref<125x32xf32, #tpu.memory_space<vmem>>
      %dma_start3A_563 = arith.constant 0 : i32
      %dma_start3A_564 = tpu.memref_slice %arg7[%add3A_557, %dma_start3A_563] : memref<80x125xi32, #tpu.memory_space<vmem>> -> memref<1x125xi32, #tpu.memory_space<vmem>>
      %dma_start3A_565 = tpu.memref_squeeze %dma_start3A_564 : memref<1x125xi32, #tpu.memory_space<vmem>> -> memref<125xi32, #tpu.memory_space<vmem>>
      %dma_start3A_566 = arith.constant 0 : i32
      %dma_start3A_567 = arith.constant 0 : i32
      %dma_start3A_568 = tpu.memref_slice %arg10[%dma_start3A_566, %dma_start3A_567] : memref<10240x32xf32, #tpu.memory_space<vmem_shared>> -> memref<10240x32xf32, #tpu.memory_space<vmem_shared>>
      tpu.enqueue_indirect_dma source(%dma_start3A_562 : memref<125x32xf32, #tpu.memory_space<vmem>>) target(%dma_start3A_568 : memref<10240x32xf32, #tpu.memory_space<vmem_shared>>) offsets(%dma_start3A_565 : memref<125xi32, #tpu.memory_space<vmem>>) semaphore(%arg25 : memref<!tpu.dma_semaphore, #tpu.memory_space<semaphore_mem>>) {add = true}
      %dma_wait3A_569 = arith.constant 0 : i32
      %dma_wait3A_570 = arith.constant 7 : i32
      %dma_wait3A_571 = arith.constant 0 : i32
      %dma_wait3A_572 = arith.constant 0 : i32
      %dma_wait3A_573 = tpu.memref_slice %arg8[%dma_wait3A_570, %dma_wait3A_571, %dma_wait3A_572] : memref<8x125x32xf32, #tpu.memory_space<vmem>> -> memref<1x125x32xf32, #tpu.memory_space<vmem>>
      %dma_wait3A_574 = tpu.memref_squeeze %dma_wait3A_573 : memref<1x125x32xf32, #tpu.memory_space<vmem>> -> memref<125x32xf32, #tpu.memory_space<vmem>>
      %dma_wait3A_575 = arith.constant 0 : i32
      %dma_wait3A_576 = tpu.memref_slice %arg6[%dma_wait3A_569, %dma_wait3A_575] : memref<80x125xi32, #tpu.memory_space<vmem>> -> memref<1x125xi32, #tpu.memory_space<vmem>>
      %dma_wait3A_577 = tpu.memref_squeeze %dma_wait3A_576 : memref<1x125xi32, #tpu.memory_space<vmem>> -> memref<125xi32, #tpu.memory_space<vmem>>
      %dma_wait3A_578 = arith.constant 0 : i32
      %dma_wait3A_579 = arith.constant 0 : i32
      %dma_wait3A_580 = tpu.memref_slice %arg2[%dma_wait3A_578, %dma_wait3A_579] : memref<10240x32xf32, #tpu.memory_space<hbm>> -> memref<10240x32xf32, #tpu.memory_space<hbm>>
      tpu.wait_indirect_dma semaphore(%arg18 : memref<!tpu.dma_semaphore, #tpu.memory_space<semaphore_mem>>) src(%dma_wait3A_580 : memref<10240x32xf32, #tpu.memory_space<hbm>>) dst(%dma_wait3A_574 : memref<125x32xf32, #tpu.memory_space<vmem>>)
      %add3A_581 = arith.constant 7 : i32
      %add3A_582 = arith.addi %mul3A_393, %add3A_581 : i32
      %dma_start3A_583 = arith.constant 7 : i32
      %dma_start3A_584 = arith.constant 0 : i32
      %dma_start3A_585 = arith.constant 0 : i32
      %dma_start3A_586 = tpu.memref_slice %arg8[%dma_start3A_583, %dma_start3A_584, %dma_start3A_585] : memref<8x125x32xf32, #tpu.memory_space<vmem>> -> memref<1x125x32xf32, #tpu.memory_space<vmem>>
      %dma_start3A_587 = tpu.memref_squeeze %dma_start3A_586 : memref<1x125x32xf32, #tpu.memory_space<vmem>> -> memref<125x32xf32, #tpu.memory_space<vmem>>
      %dma_start3A_588 = arith.constant 0 : i32
      %dma_start3A_589 = tpu.memref_slice %arg7[%add3A_582, %dma_start3A_588] : memref<80x125xi32, #tpu.memory_space<vmem>> -> memref<1x125xi32, #tpu.memory_space<vmem>>
      %dma_start3A_590 = tpu.memref_squeeze %dma_start3A_589 : memref<1x125xi32, #tpu.memory_space<vmem>> -> memref<125xi32, #tpu.memory_space<vmem>>
      %dma_start3A_591 = arith.constant 0 : i32
      %dma_start3A_592 = arith.constant 0 : i32
      %dma_start3A_593 = tpu.memref_slice %arg10[%dma_start3A_591, %dma_start3A_592] : memref<10240x32xf32, #tpu.memory_space<vmem_shared>> -> memref<10240x32xf32, #tpu.memory_space<vmem_shared>>
      tpu.enqueue_indirect_dma source(%dma_start3A_587 : memref<125x32xf32, #tpu.memory_space<vmem>>) target(%dma_start3A_593 : memref<10240x32xf32, #tpu.memory_space<vmem_shared>>) offsets(%dma_start3A_590 : memref<125xi32, #tpu.memory_space<vmem>>) semaphore(%arg26 : memref<!tpu.dma_semaphore, #tpu.memory_space<semaphore_mem>>) {add = true}
      %add3A_594 = arith.constant 0 : i32
      %add3A_595 = arith.addi %mul3A_393, %add3A_594 : i32
      %dma_wait3A_596 = arith.constant 0 : i32
      %dma_wait3A_597 = arith.constant 0 : i32
      %dma_wait3A_598 = arith.constant 0 : i32
      %dma_wait3A_599 = tpu.memref_slice %arg8[%dma_wait3A_596, %dma_wait3A_597, %dma_wait3A_598] : memref<8x125x32xf32, #tpu.memory_space<vmem>> -> memref<1x125x32xf32, #tpu.memory_space<vmem>>
      %dma_wait3A_600 = tpu.memref_squeeze %dma_wait3A_599 : memref<1x125x32xf32, #tpu.memory_space<vmem>> -> memref<125x32xf32, #tpu.memory_space<vmem>>
      %dma_wait3A_601 = arith.constant 0 : i32
      %dma_wait3A_602 = tpu.memref_slice %arg7[%add3A_595, %dma_wait3A_601] : memref<80x125xi32, #tpu.memory_space<vmem>> -> memref<1x125xi32, #tpu.memory_space<vmem>>
      %dma_wait3A_603 = tpu.memref_squeeze %dma_wait3A_602 : memref<1x125xi32, #tpu.memory_space<vmem>> -> memref<125xi32, #tpu.memory_space<vmem>>
      %dma_wait3A_604 = arith.constant 0 : i32
      %dma_wait3A_605 = arith.constant 0 : i32
      %dma_wait3A_606 = tpu.memref_slice %arg10[%dma_wait3A_604, %dma_wait3A_605] : memref<10240x32xf32, #tpu.memory_space<vmem_shared>> -> memref<10240x32xf32, #tpu.memory_space<vmem_shared>>
      tpu.wait_indirect_dma semaphore(%arg19 : memref<!tpu.dma_semaphore, #tpu.memory_space<semaphore_mem>>) src(%dma_wait3A_600 : memref<125x32xf32, #tpu.memory_space<vmem>>) dst(%dma_wait3A_606 : memref<10240x32xf32, #tpu.memory_space<vmem_shared>>)
      %add3A_607 = arith.constant 8 : i32
      %add3A_608 = arith.addi %mul3A_393, %add3A_607 : i32
      %add3A_609 = arith.constant 0 : i32
      %add3A_610 = arith.addi %add3A_608, %add3A_609 : i32
      %dma_start3A_611 = arith.constant 0 : i32
      %dma_start3A_612 = arith.constant 0 : i32
      %dma_start3A_613 = arith.constant 0 : i32
      %dma_start3A_614 = tpu.memref_slice %arg8[%dma_start3A_611, %dma_start3A_612, %dma_start3A_613] : memref<8x125x32xf32, #tpu.memory_space<vmem>> -> memref<1x125x32xf32, #tpu.memory_space<vmem>>
      %dma_start3A_615 = tpu.memref_squeeze %dma_start3A_614 : memref<1x125x32xf32, #tpu.memory_space<vmem>> -> memref<125x32xf32, #tpu.memory_space<vmem>>
      %dma_start3A_616 = arith.constant 0 : i32
      %dma_start3A_617 = tpu.memref_slice %arg6[%add3A_610, %dma_start3A_616] : memref<80x125xi32, #tpu.memory_space<vmem>> -> memref<1x125xi32, #tpu.memory_space<vmem>>
      %dma_start3A_618 = tpu.memref_squeeze %dma_start3A_617 : memref<1x125xi32, #tpu.memory_space<vmem>> -> memref<125xi32, #tpu.memory_space<vmem>>
      %dma_start3A_619 = arith.constant 0 : i32
      %dma_start3A_620 = arith.constant 0 : i32
      %dma_start3A_621 = tpu.memref_slice %arg2[%dma_start3A_619, %dma_start3A_620] : memref<10240x32xf32, #tpu.memory_space<hbm>> -> memref<10240x32xf32, #tpu.memory_space<hbm>>
      tpu.enqueue_indirect_dma source(%dma_start3A_621 : memref<10240x32xf32, #tpu.memory_space<hbm>>) target(%dma_start3A_615 : memref<125x32xf32, #tpu.memory_space<vmem>>) offsets(%dma_start3A_618 : memref<125xi32, #tpu.memory_space<vmem>>) semaphore(%arg11 : memref<!tpu.dma_semaphore, #tpu.memory_space<semaphore_mem>>)
      %add3A_622 = arith.constant 1 : i32
      %add3A_623 = arith.addi %mul3A_393, %add3A_622 : i32
      %dma_wait3A_624 = arith.constant 1 : i32
      %dma_wait3A_625 = arith.constant 0 : i32
      %dma_wait3A_626 = arith.constant 0 : i32
      %dma_wait3A_627 = tpu.memref_slice %arg8[%dma_wait3A_624, %dma_wait3A_625, %dma_wait3A_626] : memref<8x125x32xf32, #tpu.memory_space<vmem>> -> memref<1x125x32xf32, #tpu.memory_space<vmem>>
      %dma_wait3A_628 = tpu.memref_squeeze %dma_wait3A_627 : memref<1x125x32xf32, #tpu.memory_space<vmem>> -> memref<125x32xf32, #tpu.memory_space<vmem>>
      %dma_wait3A_629 = arith.constant 0 : i32
      %dma_wait3A_630 = tpu.memref_slice %arg7[%add3A_623, %dma_wait3A_629] : memref<80x125xi32, #tpu.memory_space<vmem>> -> memref<1x125xi32, #tpu.memory_space<vmem>>
      %dma_wait3A_631 = tpu.memref_squeeze %dma_wait3A_630 : memref<1x125xi32, #tpu.memory_space<vmem>> -> memref<125xi32, #tpu.memory_space<vmem>>
      %dma_wait3A_632 = arith.constant 0 : i32
      %dma_wait3A_633 = arith.constant 0 : i32
      %dma_wait3A_634 = tpu.memref_slice %arg10[%dma_wait3A_632, %dma_wait3A_633] : memref<10240x32xf32, #tpu.memory_space<vmem_shared>> -> memref<10240x32xf32, #tpu.memory_space<vmem_shared>>
      tpu.wait_indirect_dma semaphore(%arg20 : memref<!tpu.dma_semaphore, #tpu.memory_space<semaphore_mem>>) src(%dma_wait3A_628 : memref<125x32xf32, #tpu.memory_space<vmem>>) dst(%dma_wait3A_634 : memref<10240x32xf32, #tpu.memory_space<vmem_shared>>)
      %add3A_635 = arith.constant 8 : i32
      %add3A_636 = arith.addi %mul3A_393, %add3A_635 : i32
      %add3A_637 = arith.constant 1 : i32
      %add3A_638 = arith.addi %add3A_636, %add3A_637 : i32
      %dma_start3A_639 = arith.constant 1 : i32
      %dma_start3A_640 = arith.constant 0 : i32
      %dma_start3A_641 = arith.constant 0 : i32
      %dma_start3A_642 = tpu.memref_slice %arg8[%dma_start3A_639, %dma_start3A_640, %dma_start3A_641] : memref<8x125x32xf32, #tpu.memory_space<vmem>> -> memref<1x125x32xf32, #tpu.memory_space<vmem>>
      %dma_start3A_643 = tpu.memref_squeeze %dma_start3A_642 : memref<1x125x32xf32, #tpu.memory_space<vmem>> -> memref<125x32xf32, #tpu.memory_space<vmem>>
      %dma_start3A_644 = arith.constant 0 : i32
      %dma_start3A_645 = tpu.memref_slice %arg6[%add3A_638, %dma_start3A_644] : memref<80x125xi32, #tpu.memory_space<vmem>> -> memref<1x125xi32, #tpu.memory_space<vmem>>
      %dma_start3A_646 = tpu.memref_squeeze %dma_start3A_645 : memref<1x125xi32, #tpu.memory_space<vmem>> -> memref<125xi32, #tpu.memory_space<vmem>>
      %dma_start3A_647 = arith.constant 0 : i32
      %dma_start3A_648 = arith.constant 0 : i32
      %dma_start3A_649 = tpu.memref_slice %arg2[%dma_start3A_647, %dma_start3A_648] : memref<10240x32xf32, #tpu.memory_space<hbm>> -> memref<10240x32xf32, #tpu.memory_space<hbm>>
      tpu.enqueue_indirect_dma source(%dma_start3A_649 : memref<10240x32xf32, #tpu.memory_space<hbm>>) target(%dma_start3A_643 : memref<125x32xf32, #tpu.memory_space<vmem>>) offsets(%dma_start3A_646 : memref<125xi32, #tpu.memory_space<vmem>>) semaphore(%arg12 : memref<!tpu.dma_semaphore, #tpu.memory_space<semaphore_mem>>)
      %add3A_650 = arith.constant 2 : i32
      %add3A_651 = arith.addi %mul3A_393, %add3A_650 : i32
      %dma_wait3A_652 = arith.constant 2 : i32
      %dma_wait3A_653 = arith.constant 0 : i32
      %dma_wait3A_654 = arith.constant 0 : i32
      %dma_wait3A_655 = tpu.memref_slice %arg8[%dma_wait3A_652, %dma_wait3A_653, %dma_wait3A_654] : memref<8x125x32xf32, #tpu.memory_space<vmem>> -> memref<1x125x32xf32, #tpu.memory_space<vmem>>
      %dma_wait3A_656 = tpu.memref_squeeze %dma_wait3A_655 : memref<1x125x32xf32, #tpu.memory_space<vmem>> -> memref<125x32xf32, #tpu.memory_space<vmem>>
      %dma_wait3A_657 = arith.constant 0 : i32
      %dma_wait3A_658 = tpu.memref_slice %arg7[%add3A_651, %dma_wait3A_657] : memref<80x125xi32, #tpu.memory_space<vmem>> -> memref<1x125xi32, #tpu.memory_space<vmem>>
      %dma_wait3A_659 = tpu.memref_squeeze %dma_wait3A_658 : memref<1x125xi32, #tpu.memory_space<vmem>> -> memref<125xi32, #tpu.memory_space<vmem>>
      %dma_wait3A_660 = arith.constant 0 : i32
      %dma_wait3A_661 = arith.constant 0 : i32
      %dma_wait3A_662 = tpu.memref_slice %arg10[%dma_wait3A_660, %dma_wait3A_661] : memref<10240x32xf32, #tpu.memory_space<vmem_shared>> -> memref<10240x32xf32, #tpu.memory_space<vmem_shared>>
      tpu.wait_indirect_dma semaphore(%arg21 : memref<!tpu.dma_semaphore, #tpu.memory_space<semaphore_mem>>) src(%dma_wait3A_656 : memref<125x32xf32, #tpu.memory_space<vmem>>) dst(%dma_wait3A_662 : memref<10240x32xf32, #tpu.memory_space<vmem_shared>>)
      %add3A_663 = arith.constant 8 : i32
      %add3A_664 = arith.addi %mul3A_393, %add3A_663 : i32
      %add3A_665 = arith.constant 2 : i32
      %add3A_666 = arith.addi %add3A_664, %add3A_665 : i32
      %dma_start3A_667 = arith.constant 2 : i32
      %dma_start3A_668 = arith.constant 0 : i32
      %dma_start3A_669 = arith.constant 0 : i32
      %dma_start3A_670 = tpu.memref_slice %arg8[%dma_start3A_667, %dma_start3A_668, %dma_start3A_669] : memref<8x125x32xf32, #tpu.memory_space<vmem>> -> memref<1x125x32xf32, #tpu.memory_space<vmem>>
      %dma_start3A_671 = tpu.memref_squeeze %dma_start3A_670 : memref<1x125x32xf32, #tpu.memory_space<vmem>> -> memref<125x32xf32, #tpu.memory_space<vmem>>
      %dma_start3A_672 = arith.constant 0 : i32
      %dma_start3A_673 = tpu.memref_slice %arg6[%add3A_666, %dma_start3A_672] : memref<80x125xi32, #tpu.memory_space<vmem>> -> memref<1x125xi32, #tpu.memory_space<vmem>>
      %dma_start3A_674 = tpu.memref_squeeze %dma_start3A_673 : memref<1x125xi32, #tpu.memory_space<vmem>> -> memref<125xi32, #tpu.memory_space<vmem>>
      %dma_start3A_675 = arith.constant 0 : i32
      %dma_start3A_676 = arith.constant 0 : i32
      %dma_start3A_677 = tpu.memref_slice %arg2[%dma_start3A_675, %dma_start3A_676] : memref<10240x32xf32, #tpu.memory_space<hbm>> -> memref<10240x32xf32, #tpu.memory_space<hbm>>
      tpu.enqueue_indirect_dma source(%dma_start3A_677 : memref<10240x32xf32, #tpu.memory_space<hbm>>) target(%dma_start3A_671 : memref<125x32xf32, #tpu.memory_space<vmem>>) offsets(%dma_start3A_674 : memref<125xi32, #tpu.memory_space<vmem>>) semaphore(%arg13 : memref<!tpu.dma_semaphore, #tpu.memory_space<semaphore_mem>>)
      %add3A_678 = arith.constant 3 : i32
      %add3A_679 = arith.addi %mul3A_393, %add3A_678 : i32
      %dma_wait3A_680 = arith.constant 3 : i32
      %dma_wait3A_681 = arith.constant 0 : i32
      %dma_wait3A_682 = arith.constant 0 : i32
      %dma_wait3A_683 = tpu.memref_slice %arg8[%dma_wait3A_680, %dma_wait3A_681, %dma_wait3A_682] : memref<8x125x32xf32, #tpu.memory_space<vmem>> -> memref<1x125x32xf32, #tpu.memory_space<vmem>>
      %dma_wait3A_684 = tpu.memref_squeeze %dma_wait3A_683 : memref<1x125x32xf32, #tpu.memory_space<vmem>> -> memref<125x32xf32, #tpu.memory_space<vmem>>
      %dma_wait3A_685 = arith.constant 0 : i32
      %dma_wait3A_686 = tpu.memref_slice %arg7[%add3A_679, %dma_wait3A_685] : memref<80x125xi32, #tpu.memory_space<vmem>> -> memref<1x125xi32, #tpu.memory_space<vmem>>
      %dma_wait3A_687 = tpu.memref_squeeze %dma_wait3A_686 : memref<1x125xi32, #tpu.memory_space<vmem>> -> memref<125xi32, #tpu.memory_space<vmem>>
      %dma_wait3A_688 = arith.constant 0 : i32
      %dma_wait3A_689 = arith.constant 0 : i32
      %dma_wait3A_690 = tpu.memref_slice %arg10[%dma_wait3A_688, %dma_wait3A_689] : memref<10240x32xf32, #tpu.memory_space<vmem_shared>> -> memref<10240x32xf32, #tpu.memory_space<vmem_shared>>
      tpu.wait_indirect_dma semaphore(%arg22 : memref<!tpu.dma_semaphore, #tpu.memory_space<semaphore_mem>>) src(%dma_wait3A_684 : memref<125x32xf32, #tpu.memory_space<vmem>>) dst(%dma_wait3A_690 : memref<10240x32xf32, #tpu.memory_space<vmem_shared>>)
      %add3A_691 = arith.constant 8 : i32
      %add3A_692 = arith.addi %mul3A_393, %add3A_691 : i32
      %add3A_693 = arith.constant 3 : i32
      %add3A_694 = arith.addi %add3A_692, %add3A_693 : i32
      %dma_start3A_695 = arith.constant 3 : i32
      %dma_start3A_696 = arith.constant 0 : i32
      %dma_start3A_697 = arith.constant 0 : i32
      %dma_start3A_698 = tpu.memref_slice %arg8[%dma_start3A_695, %dma_start3A_696, %dma_start3A_697] : memref<8x125x32xf32, #tpu.memory_space<vmem>> -> memref<1x125x32xf32, #tpu.memory_space<vmem>>
      %dma_start3A_699 = tpu.memref_squeeze %dma_start3A_698 : memref<1x125x32xf32, #tpu.memory_space<vmem>> -> memref<125x32xf32, #tpu.memory_space<vmem>>
      %dma_start3A_700 = arith.constant 0 : i32
      %dma_start3A_701 = tpu.memref_slice %arg6[%add3A_694, %dma_start3A_700] : memref<80x125xi32, #tpu.memory_space<vmem>> -> memref<1x125xi32, #tpu.memory_space<vmem>>
      %dma_start3A_702 = tpu.memref_squeeze %dma_start3A_701 : memref<1x125xi32, #tpu.memory_space<vmem>> -> memref<125xi32, #tpu.memory_space<vmem>>
      %dma_start3A_703 = arith.constant 0 : i32
      %dma_start3A_704 = arith.constant 0 : i32
      %dma_start3A_705 = tpu.memref_slice %arg2[%dma_start3A_703, %dma_start3A_704] : memref<10240x32xf32, #tpu.memory_space<hbm>> -> memref<10240x32xf32, #tpu.memory_space<hbm>>
      tpu.enqueue_indirect_dma source(%dma_start3A_705 : memref<10240x32xf32, #tpu.memory_space<hbm>>) target(%dma_start3A_699 : memref<125x32xf32, #tpu.memory_space<vmem>>) offsets(%dma_start3A_702 : memref<125xi32, #tpu.memory_space<vmem>>) semaphore(%arg14 : memref<!tpu.dma_semaphore, #tpu.memory_space<semaphore_mem>>)
      %add3A_706 = arith.constant 4 : i32
      %add3A_707 = arith.addi %mul3A_393, %add3A_706 : i32
      %dma_wait3A_708 = arith.constant 4 : i32
      %dma_wait3A_709 = arith.constant 0 : i32
      %dma_wait3A_710 = arith.constant 0 : i32
      %dma_wait3A_711 = tpu.memref_slice %arg8[%dma_wait3A_708, %dma_wait3A_709, %dma_wait3A_710] : memref<8x125x32xf32, #tpu.memory_space<vmem>> -> memref<1x125x32xf32, #tpu.memory_space<vmem>>
      %dma_wait3A_712 = tpu.memref_squeeze %dma_wait3A_711 : memref<1x125x32xf32, #tpu.memory_space<vmem>> -> memref<125x32xf32, #tpu.memory_space<vmem>>
      %dma_wait3A_713 = arith.constant 0 : i32
      %dma_wait3A_714 = tpu.memref_slice %arg7[%add3A_707, %dma_wait3A_713] : memref<80x125xi32, #tpu.memory_space<vmem>> -> memref<1x125xi32, #tpu.memory_space<vmem>>
      %dma_wait3A_715 = tpu.memref_squeeze %dma_wait3A_714 : memref<1x125xi32, #tpu.memory_space<vmem>> -> memref<125xi32, #tpu.memory_space<vmem>>
      %dma_wait3A_716 = arith.constant 0 : i32
      %dma_wait3A_717 = arith.constant 0 : i32
      %dma_wait3A_718 = tpu.memref_slice %arg10[%dma_wait3A_716, %dma_wait3A_717] : memref<10240x32xf32, #tpu.memory_space<vmem_shared>> -> memref<10240x32xf32, #tpu.memory_space<vmem_shared>>
      tpu.wait_indirect_dma semaphore(%arg23 : memref<!tpu.dma_semaphore, #tpu.memory_space<semaphore_mem>>) src(%dma_wait3A_712 : memref<125x32xf32, #tpu.memory_space<vmem>>) dst(%dma_wait3A_718 : memref<10240x32xf32, #tpu.memory_space<vmem_shared>>)
      %add3A_719 = arith.constant 8 : i32
      %add3A_720 = arith.addi %mul3A_393, %add3A_719 : i32
      %add3A_721 = arith.constant 4 : i32
      %add3A_722 = arith.addi %add3A_720, %add3A_721 : i32
      %dma_start3A_723 = arith.constant 4 : i32
      %dma_start3A_724 = arith.constant 0 : i32
      %dma_start3A_725 = arith.constant 0 : i32
      %dma_start3A_726 = tpu.memref_slice %arg8[%dma_start3A_723, %dma_start3A_724, %dma_start3A_725] : memref<8x125x32xf32, #tpu.memory_space<vmem>> -> memref<1x125x32xf32, #tpu.memory_space<vmem>>
      %dma_start3A_727 = tpu.memref_squeeze %dma_start3A_726 : memref<1x125x32xf32, #tpu.memory_space<vmem>> -> memref<125x32xf32, #tpu.memory_space<vmem>>
      %dma_start3A_728 = arith.constant 0 : i32
      %dma_start3A_729 = tpu.memref_slice %arg6[%add3A_722, %dma_start3A_728] : memref<80x125xi32, #tpu.memory_space<vmem>> -> memref<1x125xi32, #tpu.memory_space<vmem>>
      %dma_start3A_730 = tpu.memref_squeeze %dma_start3A_729 : memref<1x125xi32, #tpu.memory_space<vmem>> -> memref<125xi32, #tpu.memory_space<vmem>>
      %dma_start3A_731 = arith.constant 0 : i32
      %dma_start3A_732 = arith.constant 0 : i32
      %dma_start3A_733 = tpu.memref_slice %arg2[%dma_start3A_731, %dma_start3A_732] : memref<10240x32xf32, #tpu.memory_space<hbm>> -> memref<10240x32xf32, #tpu.memory_space<hbm>>
      tpu.enqueue_indirect_dma source(%dma_start3A_733 : memref<10240x32xf32, #tpu.memory_space<hbm>>) target(%dma_start3A_727 : memref<125x32xf32, #tpu.memory_space<vmem>>) offsets(%dma_start3A_730 : memref<125xi32, #tpu.memory_space<vmem>>) semaphore(%arg15 : memref<!tpu.dma_semaphore, #tpu.memory_space<semaphore_mem>>)
      %add3A_734 = arith.constant 5 : i32
      %add3A_735 = arith.addi %mul3A_393, %add3A_734 : i32
      %dma_wait3A_736 = arith.constant 5 : i32
      %dma_wait3A_737 = arith.constant 0 : i32
      %dma_wait3A_738 = arith.constant 0 : i32
      %dma_wait3A_739 = tpu.memref_slice %arg8[%dma_wait3A_736, %dma_wait3A_737, %dma_wait3A_738] : memref<8x125x32xf32, #tpu.memory_space<vmem>> -> memref<1x125x32xf32, #tpu.memory_space<vmem>>
      %dma_wait3A_740 = tpu.memref_squeeze %dma_wait3A_739 : memref<1x125x32xf32, #tpu.memory_space<vmem>> -> memref<125x32xf32, #tpu.memory_space<vmem>>
      %dma_wait3A_741 = arith.constant 0 : i32
      %dma_wait3A_742 = tpu.memref_slice %arg7[%add3A_735, %dma_wait3A_741] : memref<80x125xi32, #tpu.memory_space<vmem>> -> memref<1x125xi32, #tpu.memory_space<vmem>>
      %dma_wait3A_743 = tpu.memref_squeeze %dma_wait3A_742 : memref<1x125xi32, #tpu.memory_space<vmem>> -> memref<125xi32, #tpu.memory_space<vmem>>
      %dma_wait3A_744 = arith.constant 0 : i32
      %dma_wait3A_745 = arith.constant 0 : i32
      %dma_wait3A_746 = tpu.memref_slice %arg10[%dma_wait3A_744, %dma_wait3A_745] : memref<10240x32xf32, #tpu.memory_space<vmem_shared>> -> memref<10240x32xf32, #tpu.memory_space<vmem_shared>>
      tpu.wait_indirect_dma semaphore(%arg24 : memref<!tpu.dma_semaphore, #tpu.memory_space<semaphore_mem>>) src(%dma_wait3A_740 : memref<125x32xf32, #tpu.memory_space<vmem>>) dst(%dma_wait3A_746 : memref<10240x32xf32, #tpu.memory_space<vmem_shared>>)
      %add3A_747 = arith.constant 8 : i32
      %add3A_748 = arith.addi %mul3A_393, %add3A_747 : i32
      %add3A_749 = arith.constant 5 : i32
      %add3A_750 = arith.addi %add3A_748, %add3A_749 : i32
      %dma_start3A_751 = arith.constant 5 : i32
      %dma_start3A_752 = arith.constant 0 : i32
      %dma_start3A_753 = arith.constant 0 : i32
      %dma_start3A_754 = tpu.memref_slice %arg8[%dma_start3A_751, %dma_start3A_752, %dma_start3A_753] : memref<8x125x32xf32, #tpu.memory_space<vmem>> -> memref<1x125x32xf32, #tpu.memory_space<vmem>>
      %dma_start3A_755 = tpu.memref_squeeze %dma_start3A_754 : memref<1x125x32xf32, #tpu.memory_space<vmem>> -> memref<125x32xf32, #tpu.memory_space<vmem>>
      %dma_start3A_756 = arith.constant 0 : i32
      %dma_start3A_757 = tpu.memref_slice %arg6[%add3A_750, %dma_start3A_756] : memref<80x125xi32, #tpu.memory_space<vmem>> -> memref<1x125xi32, #tpu.memory_space<vmem>>
      %dma_start3A_758 = tpu.memref_squeeze %dma_start3A_757 : memref<1x125xi32, #tpu.memory_space<vmem>> -> memref<125xi32, #tpu.memory_space<vmem>>
      %dma_start3A_759 = arith.constant 0 : i32
      %dma_start3A_760 = arith.constant 0 : i32
      %dma_start3A_761 = tpu.memref_slice %arg2[%dma_start3A_759, %dma_start3A_760] : memref<10240x32xf32, #tpu.memory_space<hbm>> -> memref<10240x32xf32, #tpu.memory_space<hbm>>
      tpu.enqueue_indirect_dma source(%dma_start3A_761 : memref<10240x32xf32, #tpu.memory_space<hbm>>) target(%dma_start3A_755 : memref<125x32xf32, #tpu.memory_space<vmem>>) offsets(%dma_start3A_758 : memref<125xi32, #tpu.memory_space<vmem>>) semaphore(%arg16 : memref<!tpu.dma_semaphore, #tpu.memory_space<semaphore_mem>>)
      %add3A_762 = arith.constant 6 : i32
      %add3A_763 = arith.addi %mul3A_393, %add3A_762 : i32
      %dma_wait3A_764 = arith.constant 6 : i32
      %dma_wait3A_765 = arith.constant 0 : i32
      %dma_wait3A_766 = arith.constant 0 : i32
      %dma_wait3A_767 = tpu.memref_slice %arg8[%dma_wait3A_764, %dma_wait3A_765, %dma_wait3A_766] : memref<8x125x32xf32, #tpu.memory_space<vmem>> -> memref<1x125x32xf32, #tpu.memory_space<vmem>>
      %dma_wait3A_768 = tpu.memref_squeeze %dma_wait3A_767 : memref<1x125x32xf32, #tpu.memory_space<vmem>> -> memref<125x32xf32, #tpu.memory_space<vmem>>
      %dma_wait3A_769 = arith.constant 0 : i32
      %dma_wait3A_770 = tpu.memref_slice %arg7[%add3A_763, %dma_wait3A_769] : memref<80x125xi32, #tpu.memory_space<vmem>> -> memref<1x125xi32, #tpu.memory_space<vmem>>
      %dma_wait3A_771 = tpu.memref_squeeze %dma_wait3A_770 : memref<1x125xi32, #tpu.memory_space<vmem>> -> memref<125xi32, #tpu.memory_space<vmem>>
      %dma_wait3A_772 = arith.constant 0 : i32
      %dma_wait3A_773 = arith.constant 0 : i32
      %dma_wait3A_774 = tpu.memref_slice %arg10[%dma_wait3A_772, %dma_wait3A_773] : memref<10240x32xf32, #tpu.memory_space<vmem_shared>> -> memref<10240x32xf32, #tpu.memory_space<vmem_shared>>
      tpu.wait_indirect_dma semaphore(%arg25 : memref<!tpu.dma_semaphore, #tpu.memory_space<semaphore_mem>>) src(%dma_wait3A_768 : memref<125x32xf32, #tpu.memory_space<vmem>>) dst(%dma_wait3A_774 : memref<10240x32xf32, #tpu.memory_space<vmem_shared>>)
      %add3A_775 = arith.constant 8 : i32
      %add3A_776 = arith.addi %mul3A_393, %add3A_775 : i32
      %add3A_777 = arith.constant 6 : i32
      %add3A_778 = arith.addi %add3A_776, %add3A_777 : i32
      %dma_start3A_779 = arith.constant 6 : i32
      %dma_start3A_780 = arith.constant 0 : i32
      %dma_start3A_781 = arith.constant 0 : i32
      %dma_start3A_782 = tpu.memref_slice %arg8[%dma_start3A_779, %dma_start3A_780, %dma_start3A_781] : memref<8x125x32xf32, #tpu.memory_space<vmem>> -> memref<1x125x32xf32, #tpu.memory_space<vmem>>
      %dma_start3A_783 = tpu.memref_squeeze %dma_start3A_782 : memref<1x125x32xf32, #tpu.memory_space<vmem>> -> memref<125x32xf32, #tpu.memory_space<vmem>>
      %dma_start3A_784 = arith.constant 0 : i32
      %dma_start3A_785 = tpu.memref_slice %arg6[%add3A_778, %dma_start3A_784] : memref<80x125xi32, #tpu.memory_space<vmem>> -> memref<1x125xi32, #tpu.memory_space<vmem>>
      %dma_start3A_786 = tpu.memref_squeeze %dma_start3A_785 : memref<1x125xi32, #tpu.memory_space<vmem>> -> memref<125xi32, #tpu.memory_space<vmem>>
      %dma_start3A_787 = arith.constant 0 : i32
      %dma_start3A_788 = arith.constant 0 : i32
      %dma_start3A_789 = tpu.memref_slice %arg2[%dma_start3A_787, %dma_start3A_788] : memref<10240x32xf32, #tpu.memory_space<hbm>> -> memref<10240x32xf32, #tpu.memory_space<hbm>>
      tpu.enqueue_indirect_dma source(%dma_start3A_789 : memref<10240x32xf32, #tpu.memory_space<hbm>>) target(%dma_start3A_783 : memref<125x32xf32, #tpu.memory_space<vmem>>) offsets(%dma_start3A_786 : memref<125xi32, #tpu.memory_space<vmem>>) semaphore(%arg17 : memref<!tpu.dma_semaphore, #tpu.memory_space<semaphore_mem>>)
      %add3A_790 = arith.constant 7 : i32
      %add3A_791 = arith.addi %mul3A_393, %add3A_790 : i32
      %dma_wait3A_792 = arith.constant 7 : i32
      %dma_wait3A_793 = arith.constant 0 : i32
      %dma_wait3A_794 = arith.constant 0 : i32
      %dma_wait3A_795 = tpu.memref_slice %arg8[%dma_wait3A_792, %dma_wait3A_793, %dma_wait3A_794] : memref<8x125x32xf32, #tpu.memory_space<vmem>> -> memref<1x125x32xf32, #tpu.memory_space<vmem>>
      %dma_wait3A_796 = tpu.memref_squeeze %dma_wait3A_795 : memref<1x125x32xf32, #tpu.memory_space<vmem>> -> memref<125x32xf32, #tpu.memory_space<vmem>>
      %dma_wait3A_797 = arith.constant 0 : i32
      %dma_wait3A_798 = tpu.memref_slice %arg7[%add3A_791, %dma_wait3A_797] : memref<80x125xi32, #tpu.memory_space<vmem>> -> memref<1x125xi32, #tpu.memory_space<vmem>>
      %dma_wait3A_799 = tpu.memref_squeeze %dma_wait3A_798 : memref<1x125xi32, #tpu.memory_space<vmem>> -> memref<125xi32, #tpu.memory_space<vmem>>
      %dma_wait3A_800 = arith.constant 0 : i32
      %dma_wait3A_801 = arith.constant 0 : i32
      %dma_wait3A_802 = tpu.memref_slice %arg10[%dma_wait3A_800, %dma_wait3A_801] : memref<10240x32xf32, #tpu.memory_space<vmem_shared>> -> memref<10240x32xf32, #tpu.memory_space<vmem_shared>>
      tpu.wait_indirect_dma semaphore(%arg26 : memref<!tpu.dma_semaphore, #tpu.memory_space<semaphore_mem>>) src(%dma_wait3A_796 : memref<125x32xf32, #tpu.memory_space<vmem>>) dst(%dma_wait3A_802 : memref<10240x32xf32, #tpu.memory_space<vmem_shared>>)
      %add3A_803 = arith.constant 8 : i32
      %add3A_804 = arith.addi %mul3A_393, %add3A_803 : i32
      %add3A_805 = arith.constant 7 : i32
      %add3A_806 = arith.addi %add3A_804, %add3A_805 : i32
      %dma_start3A_807 = arith.constant 7 : i32
      %dma_start3A_808 = arith.constant 0 : i32
      %dma_start3A_809 = arith.constant 0 : i32
      %dma_start3A_810 = tpu.memref_slice %arg8[%dma_start3A_807, %dma_start3A_808, %dma_start3A_809] : memref<8x125x32xf32, #tpu.memory_space<vmem>> -> memref<1x125x32xf32, #tpu.memory_space<vmem>>
      %dma_start3A_811 = tpu.memref_squeeze %dma_start3A_810 : memref<1x125x32xf32, #tpu.memory_space<vmem>> -> memref<125x32xf32, #tpu.memory_space<vmem>>
      %dma_start3A_812 = arith.constant 0 : i32
      %dma_start3A_813 = tpu.memref_slice %arg6[%add3A_806, %dma_start3A_812] : memref<80x125xi32, #tpu.memory_space<vmem>> -> memref<1x125xi32, #tpu.memory_space<vmem>>
      %dma_start3A_814 = tpu.memref_squeeze %dma_start3A_813 : memref<1x125xi32, #tpu.memory_space<vmem>> -> memref<125xi32, #tpu.memory_space<vmem>>
      %dma_start3A_815 = arith.constant 0 : i32
      %dma_start3A_816 = arith.constant 0 : i32
      %dma_start3A_817 = tpu.memref_slice %arg2[%dma_start3A_815, %dma_start3A_816] : memref<10240x32xf32, #tpu.memory_space<hbm>> -> memref<10240x32xf32, #tpu.memory_space<hbm>>
      tpu.enqueue_indirect_dma source(%dma_start3A_817 : memref<10240x32xf32, #tpu.memory_space<hbm>>) target(%dma_start3A_811 : memref<125x32xf32, #tpu.memory_space<vmem>>) offsets(%dma_start3A_814 : memref<125xi32, #tpu.memory_space<vmem>>) semaphore(%arg18 : memref<!tpu.dma_semaphore, #tpu.memory_space<semaphore_mem>>)
    }
    %scan3A_102 = arith.constant 9 : i32
    %dma_wait3A = arith.constant 0 : i32
    %dma_wait3A_103 = arith.constant 0 : i32
    %dma_wait3A_104 = arith.constant 0 : i32
    %dma_wait3A_105 = arith.constant 0 : i32
    %dma_wait3A_106 = tpu.memref_slice %arg8[%dma_wait3A_103, %dma_wait3A_104, %dma_wait3A_105] : memref<8x125x32xf32, #tpu.memory_space<vmem>> -> memref<1x125x32xf32, #tpu.memory_space<vmem>>
    %dma_wait3A_107 = tpu.memref_squeeze %dma_wait3A_106 : memref<1x125x32xf32, #tpu.memory_space<vmem>> -> memref<125x32xf32, #tpu.memory_space<vmem>>
    %dma_wait3A_108 = arith.constant 0 : i32
    %dma_wait3A_109 = tpu.memref_slice %arg6[%dma_wait3A, %dma_wait3A_108] : memref<80x125xi32, #tpu.memory_space<vmem>> -> memref<1x125xi32, #tpu.memory_space<vmem>>
    %dma_wait3A_110 = tpu.memref_squeeze %dma_wait3A_109 : memref<1x125xi32, #tpu.memory_space<vmem>> -> memref<125xi32, #tpu.memory_space<vmem>>
    %dma_wait3A_111 = arith.constant 0 : i32
    %dma_wait3A_112 = arith.constant 0 : i32
    %dma_wait3A_113 = tpu.memref_slice %arg2[%dma_wait3A_111, %dma_wait3A_112] : memref<10240x32xf32, #tpu.memory_space<hbm>> -> memref<10240x32xf32, #tpu.memory_space<hbm>>
    tpu.wait_indirect_dma semaphore(%arg11 : memref<!tpu.dma_semaphore, #tpu.memory_space<semaphore_mem>>) src(%dma_wait3A_113 : memref<10240x32xf32, #tpu.memory_space<hbm>>) dst(%dma_wait3A_107 : memref<125x32xf32, #tpu.memory_space<vmem>>)
    %dma_start3A_114 = arith.constant 0 : i32
    %dma_start3A_115 = arith.constant 72 : i32
    %dma_start3A_116 = arith.constant 0 : i32
    %dma_start3A_117 = arith.constant 0 : i32
    %dma_start3A_118 = tpu.memref_slice %arg8[%dma_start3A_114, %dma_start3A_116, %dma_start3A_117] : memref<8x125x32xf32, #tpu.memory_space<vmem>> -> memref<1x125x32xf32, #tpu.memory_space<vmem>>
    %dma_start3A_119 = tpu.memref_squeeze %dma_start3A_118 : memref<1x125x32xf32, #tpu.memory_space<vmem>> -> memref<125x32xf32, #tpu.memory_space<vmem>>
    %dma_start3A_120 = arith.constant 0 : i32
    %dma_start3A_121 = tpu.memref_slice %arg7[%dma_start3A_115, %dma_start3A_120] : memref<80x125xi32, #tpu.memory_space<vmem>> -> memref<1x125xi32, #tpu.memory_space<vmem>>
    %dma_start3A_122 = tpu.memref_squeeze %dma_start3A_121 : memref<1x125xi32, #tpu.memory_space<vmem>> -> memref<125xi32, #tpu.memory_space<vmem>>
    %dma_start3A_123 = arith.constant 0 : i32
    %dma_start3A_124 = arith.constant 0 : i32
    %dma_start3A_125 = tpu.memref_slice %arg10[%dma_start3A_123, %dma_start3A_124] : memref<10240x32xf32, #tpu.memory_space<vmem_shared>> -> memref<10240x32xf32, #tpu.memory_space<vmem_shared>>
    tpu.enqueue_indirect_dma source(%dma_start3A_119 : memref<125x32xf32, #tpu.memory_space<vmem>>) target(%dma_start3A_125 : memref<10240x32xf32, #tpu.memory_space<vmem_shared>>) offsets(%dma_start3A_122 : memref<125xi32, #tpu.memory_space<vmem>>) semaphore(%arg19 : memref<!tpu.dma_semaphore, #tpu.memory_space<semaphore_mem>>) {add = true}
    %dma_wait3A_126 = arith.constant 0 : i32
    %dma_wait3A_127 = arith.constant 1 : i32
    %dma_wait3A_128 = arith.constant 0 : i32
    %dma_wait3A_129 = arith.constant 0 : i32
    %dma_wait3A_130 = tpu.memref_slice %arg8[%dma_wait3A_127, %dma_wait3A_128, %dma_wait3A_129] : memref<8x125x32xf32, #tpu.memory_space<vmem>> -> memref<1x125x32xf32, #tpu.memory_space<vmem>>
    %dma_wait3A_131 = tpu.memref_squeeze %dma_wait3A_130 : memref<1x125x32xf32, #tpu.memory_space<vmem>> -> memref<125x32xf32, #tpu.memory_space<vmem>>
    %dma_wait3A_132 = arith.constant 0 : i32
    %dma_wait3A_133 = tpu.memref_slice %arg6[%dma_wait3A_126, %dma_wait3A_132] : memref<80x125xi32, #tpu.memory_space<vmem>> -> memref<1x125xi32, #tpu.memory_space<vmem>>
    %dma_wait3A_134 = tpu.memref_squeeze %dma_wait3A_133 : memref<1x125xi32, #tpu.memory_space<vmem>> -> memref<125xi32, #tpu.memory_space<vmem>>
    %dma_wait3A_135 = arith.constant 0 : i32
    %dma_wait3A_136 = arith.constant 0 : i32
    %dma_wait3A_137 = tpu.memref_slice %arg2[%dma_wait3A_135, %dma_wait3A_136] : memref<10240x32xf32, #tpu.memory_space<hbm>> -> memref<10240x32xf32, #tpu.memory_space<hbm>>
    tpu.wait_indirect_dma semaphore(%arg12 : memref<!tpu.dma_semaphore, #tpu.memory_space<semaphore_mem>>) src(%dma_wait3A_137 : memref<10240x32xf32, #tpu.memory_space<hbm>>) dst(%dma_wait3A_131 : memref<125x32xf32, #tpu.memory_space<vmem>>)
    %dma_start3A_138 = arith.constant 1 : i32
    %dma_start3A_139 = arith.constant 73 : i32
    %dma_start3A_140 = arith.constant 0 : i32
    %dma_start3A_141 = arith.constant 0 : i32
    %dma_start3A_142 = tpu.memref_slice %arg8[%dma_start3A_138, %dma_start3A_140, %dma_start3A_141] : memref<8x125x32xf32, #tpu.memory_space<vmem>> -> memref<1x125x32xf32, #tpu.memory_space<vmem>>
    %dma_start3A_143 = tpu.memref_squeeze %dma_start3A_142 : memref<1x125x32xf32, #tpu.memory_space<vmem>> -> memref<125x32xf32, #tpu.memory_space<vmem>>
    %dma_start3A_144 = arith.constant 0 : i32
    %dma_start3A_145 = tpu.memref_slice %arg7[%dma_start3A_139, %dma_start3A_144] : memref<80x125xi32, #tpu.memory_space<vmem>> -> memref<1x125xi32, #tpu.memory_space<vmem>>
    %dma_start3A_146 = tpu.memref_squeeze %dma_start3A_145 : memref<1x125xi32, #tpu.memory_space<vmem>> -> memref<125xi32, #tpu.memory_space<vmem>>
    %dma_start3A_147 = arith.constant 0 : i32
    %dma_start3A_148 = arith.constant 0 : i32
    %dma_start3A_149 = tpu.memref_slice %arg10[%dma_start3A_147, %dma_start3A_148] : memref<10240x32xf32, #tpu.memory_space<vmem_shared>> -> memref<10240x32xf32, #tpu.memory_space<vmem_shared>>
    tpu.enqueue_indirect_dma source(%dma_start3A_143 : memref<125x32xf32, #tpu.memory_space<vmem>>) target(%dma_start3A_149 : memref<10240x32xf32, #tpu.memory_space<vmem_shared>>) offsets(%dma_start3A_146 : memref<125xi32, #tpu.memory_space<vmem>>) semaphore(%arg20 : memref<!tpu.dma_semaphore, #tpu.memory_space<semaphore_mem>>) {add = true}
    %dma_wait3A_150 = arith.constant 0 : i32
    %dma_wait3A_151 = arith.constant 2 : i32
    %dma_wait3A_152 = arith.constant 0 : i32
    %dma_wait3A_153 = arith.constant 0 : i32
    %dma_wait3A_154 = tpu.memref_slice %arg8[%dma_wait3A_151, %dma_wait3A_152, %dma_wait3A_153] : memref<8x125x32xf32, #tpu.memory_space<vmem>> -> memref<1x125x32xf32, #tpu.memory_space<vmem>>
    %dma_wait3A_155 = tpu.memref_squeeze %dma_wait3A_154 : memref<1x125x32xf32, #tpu.memory_space<vmem>> -> memref<125x32xf32, #tpu.memory_space<vmem>>
    %dma_wait3A_156 = arith.constant 0 : i32
    %dma_wait3A_157 = tpu.memref_slice %arg6[%dma_wait3A_150, %dma_wait3A_156] : memref<80x125xi32, #tpu.memory_space<vmem>> -> memref<1x125xi32, #tpu.memory_space<vmem>>
    %dma_wait3A_158 = tpu.memref_squeeze %dma_wait3A_157 : memref<1x125xi32, #tpu.memory_space<vmem>> -> memref<125xi32, #tpu.memory_space<vmem>>
    %dma_wait3A_159 = arith.constant 0 : i32
    %dma_wait3A_160 = arith.constant 0 : i32
    %dma_wait3A_161 = tpu.memref_slice %arg2[%dma_wait3A_159, %dma_wait3A_160] : memref<10240x32xf32, #tpu.memory_space<hbm>> -> memref<10240x32xf32, #tpu.memory_space<hbm>>
    tpu.wait_indirect_dma semaphore(%arg13 : memref<!tpu.dma_semaphore, #tpu.memory_space<semaphore_mem>>) src(%dma_wait3A_161 : memref<10240x32xf32, #tpu.memory_space<hbm>>) dst(%dma_wait3A_155 : memref<125x32xf32, #tpu.memory_space<vmem>>)
    %dma_start3A_162 = arith.constant 2 : i32
    %dma_start3A_163 = arith.constant 74 : i32
    %dma_start3A_164 = arith.constant 0 : i32
    %dma_start3A_165 = arith.constant 0 : i32
    %dma_start3A_166 = tpu.memref_slice %arg8[%dma_start3A_162, %dma_start3A_164, %dma_start3A_165] : memref<8x125x32xf32, #tpu.memory_space<vmem>> -> memref<1x125x32xf32, #tpu.memory_space<vmem>>
    %dma_start3A_167 = tpu.memref_squeeze %dma_start3A_166 : memref<1x125x32xf32, #tpu.memory_space<vmem>> -> memref<125x32xf32, #tpu.memory_space<vmem>>
    %dma_start3A_168 = arith.constant 0 : i32
    %dma_start3A_169 = tpu.memref_slice %arg7[%dma_start3A_163, %dma_start3A_168] : memref<80x125xi32, #tpu.memory_space<vmem>> -> memref<1x125xi32, #tpu.memory_space<vmem>>
    %dma_start3A_170 = tpu.memref_squeeze %dma_start3A_169 : memref<1x125xi32, #tpu.memory_space<vmem>> -> memref<125xi32, #tpu.memory_space<vmem>>
    %dma_start3A_171 = arith.constant 0 : i32
    %dma_start3A_172 = arith.constant 0 : i32
    %dma_start3A_173 = tpu.memref_slice %arg10[%dma_start3A_171, %dma_start3A_172] : memref<10240x32xf32, #tpu.memory_space<vmem_shared>> -> memref<10240x32xf32, #tpu.memory_space<vmem_shared>>
    tpu.enqueue_indirect_dma source(%dma_start3A_167 : memref<125x32xf32, #tpu.memory_space<vmem>>) target(%dma_start3A_173 : memref<10240x32xf32, #tpu.memory_space<vmem_shared>>) offsets(%dma_start3A_170 : memref<125xi32, #tpu.memory_space<vmem>>) semaphore(%arg21 : memref<!tpu.dma_semaphore, #tpu.memory_space<semaphore_mem>>) {add = true}
    %dma_wait3A_174 = arith.constant 0 : i32
    %dma_wait3A_175 = arith.constant 3 : i32
    %dma_wait3A_176 = arith.constant 0 : i32
    %dma_wait3A_177 = arith.constant 0 : i32
    %dma_wait3A_178 = tpu.memref_slice %arg8[%dma_wait3A_175, %dma_wait3A_176, %dma_wait3A_177] : memref<8x125x32xf32, #tpu.memory_space<vmem>> -> memref<1x125x32xf32, #tpu.memory_space<vmem>>
    %dma_wait3A_179 = tpu.memref_squeeze %dma_wait3A_178 : memref<1x125x32xf32, #tpu.memory_space<vmem>> -> memref<125x32xf32, #tpu.memory_space<vmem>>
    %dma_wait3A_180 = arith.constant 0 : i32
    %dma_wait3A_181 = tpu.memref_slice %arg6[%dma_wait3A_174, %dma_wait3A_180] : memref<80x125xi32, #tpu.memory_space<vmem>> -> memref<1x125xi32, #tpu.memory_space<vmem>>
    %dma_wait3A_182 = tpu.memref_squeeze %dma_wait3A_181 : memref<1x125xi32, #tpu.memory_space<vmem>> -> memref<125xi32, #tpu.memory_space<vmem>>
    %dma_wait3A_183 = arith.constant 0 : i32
    %dma_wait3A_184 = arith.constant 0 : i32
    %dma_wait3A_185 = tpu.memref_slice %arg2[%dma_wait3A_183, %dma_wait3A_184] : memref<10240x32xf32, #tpu.memory_space<hbm>> -> memref<10240x32xf32, #tpu.memory_space<hbm>>
    tpu.wait_indirect_dma semaphore(%arg14 : memref<!tpu.dma_semaphore, #tpu.memory_space<semaphore_mem>>) src(%dma_wait3A_185 : memref<10240x32xf32, #tpu.memory_space<hbm>>) dst(%dma_wait3A_179 : memref<125x32xf32, #tpu.memory_space<vmem>>)
    %dma_start3A_186 = arith.constant 3 : i32
    %dma_start3A_187 = arith.constant 75 : i32
    %dma_start3A_188 = arith.constant 0 : i32
    %dma_start3A_189 = arith.constant 0 : i32
    %dma_start3A_190 = tpu.memref_slice %arg8[%dma_start3A_186, %dma_start3A_188, %dma_start3A_189] : memref<8x125x32xf32, #tpu.memory_space<vmem>> -> memref<1x125x32xf32, #tpu.memory_space<vmem>>
    %dma_start3A_191 = tpu.memref_squeeze %dma_start3A_190 : memref<1x125x32xf32, #tpu.memory_space<vmem>> -> memref<125x32xf32, #tpu.memory_space<vmem>>
    %dma_start3A_192 = arith.constant 0 : i32
    %dma_start3A_193 = tpu.memref_slice %arg7[%dma_start3A_187, %dma_start3A_192] : memref<80x125xi32, #tpu.memory_space<vmem>> -> memref<1x125xi32, #tpu.memory_space<vmem>>
    %dma_start3A_194 = tpu.memref_squeeze %dma_start3A_193 : memref<1x125xi32, #tpu.memory_space<vmem>> -> memref<125xi32, #tpu.memory_space<vmem>>
    %dma_start3A_195 = arith.constant 0 : i32
    %dma_start3A_196 = arith.constant 0 : i32
    %dma_start3A_197 = tpu.memref_slice %arg10[%dma_start3A_195, %dma_start3A_196] : memref<10240x32xf32, #tpu.memory_space<vmem_shared>> -> memref<10240x32xf32, #tpu.memory_space<vmem_shared>>
    tpu.enqueue_indirect_dma source(%dma_start3A_191 : memref<125x32xf32, #tpu.memory_space<vmem>>) target(%dma_start3A_197 : memref<10240x32xf32, #tpu.memory_space<vmem_shared>>) offsets(%dma_start3A_194 : memref<125xi32, #tpu.memory_space<vmem>>) semaphore(%arg22 : memref<!tpu.dma_semaphore, #tpu.memory_space<semaphore_mem>>) {add = true}
    %dma_wait3A_198 = arith.constant 0 : i32
    %dma_wait3A_199 = arith.constant 4 : i32
    %dma_wait3A_200 = arith.constant 0 : i32
    %dma_wait3A_201 = arith.constant 0 : i32
    %dma_wait3A_202 = tpu.memref_slice %arg8[%dma_wait3A_199, %dma_wait3A_200, %dma_wait3A_201] : memref<8x125x32xf32, #tpu.memory_space<vmem>> -> memref<1x125x32xf32, #tpu.memory_space<vmem>>
    %dma_wait3A_203 = tpu.memref_squeeze %dma_wait3A_202 : memref<1x125x32xf32, #tpu.memory_space<vmem>> -> memref<125x32xf32, #tpu.memory_space<vmem>>
    %dma_wait3A_204 = arith.constant 0 : i32
    %dma_wait3A_205 = tpu.memref_slice %arg6[%dma_wait3A_198, %dma_wait3A_204] : memref<80x125xi32, #tpu.memory_space<vmem>> -> memref<1x125xi32, #tpu.memory_space<vmem>>
    %dma_wait3A_206 = tpu.memref_squeeze %dma_wait3A_205 : memref<1x125xi32, #tpu.memory_space<vmem>> -> memref<125xi32, #tpu.memory_space<vmem>>
    %dma_wait3A_207 = arith.constant 0 : i32
    %dma_wait3A_208 = arith.constant 0 : i32
    %dma_wait3A_209 = tpu.memref_slice %arg2[%dma_wait3A_207, %dma_wait3A_208] : memref<10240x32xf32, #tpu.memory_space<hbm>> -> memref<10240x32xf32, #tpu.memory_space<hbm>>
    tpu.wait_indirect_dma semaphore(%arg15 : memref<!tpu.dma_semaphore, #tpu.memory_space<semaphore_mem>>) src(%dma_wait3A_209 : memref<10240x32xf32, #tpu.memory_space<hbm>>) dst(%dma_wait3A_203 : memref<125x32xf32, #tpu.memory_space<vmem>>)
    %dma_start3A_210 = arith.constant 4 : i32
    %dma_start3A_211 = arith.constant 76 : i32
    %dma_start3A_212 = arith.constant 0 : i32
    %dma_start3A_213 = arith.constant 0 : i32
    %dma_start3A_214 = tpu.memref_slice %arg8[%dma_start3A_210, %dma_start3A_212, %dma_start3A_213] : memref<8x125x32xf32, #tpu.memory_space<vmem>> -> memref<1x125x32xf32, #tpu.memory_space<vmem>>
    %dma_start3A_215 = tpu.memref_squeeze %dma_start3A_214 : memref<1x125x32xf32, #tpu.memory_space<vmem>> -> memref<125x32xf32, #tpu.memory_space<vmem>>
    %dma_start3A_216 = arith.constant 0 : i32
    %dma_start3A_217 = tpu.memref_slice %arg7[%dma_start3A_211, %dma_start3A_216] : memref<80x125xi32, #tpu.memory_space<vmem>> -> memref<1x125xi32, #tpu.memory_space<vmem>>
    %dma_start3A_218 = tpu.memref_squeeze %dma_start3A_217 : memref<1x125xi32, #tpu.memory_space<vmem>> -> memref<125xi32, #tpu.memory_space<vmem>>
    %dma_start3A_219 = arith.constant 0 : i32
    %dma_start3A_220 = arith.constant 0 : i32
    %dma_start3A_221 = tpu.memref_slice %arg10[%dma_start3A_219, %dma_start3A_220] : memref<10240x32xf32, #tpu.memory_space<vmem_shared>> -> memref<10240x32xf32, #tpu.memory_space<vmem_shared>>
    tpu.enqueue_indirect_dma source(%dma_start3A_215 : memref<125x32xf32, #tpu.memory_space<vmem>>) target(%dma_start3A_221 : memref<10240x32xf32, #tpu.memory_space<vmem_shared>>) offsets(%dma_start3A_218 : memref<125xi32, #tpu.memory_space<vmem>>) semaphore(%arg23 : memref<!tpu.dma_semaphore, #tpu.memory_space<semaphore_mem>>) {add = true}
    %dma_wait3A_222 = arith.constant 0 : i32
    %dma_wait3A_223 = arith.constant 5 : i32
    %dma_wait3A_224 = arith.constant 0 : i32
    %dma_wait3A_225 = arith.constant 0 : i32
    %dma_wait3A_226 = tpu.memref_slice %arg8[%dma_wait3A_223, %dma_wait3A_224, %dma_wait3A_225] : memref<8x125x32xf32, #tpu.memory_space<vmem>> -> memref<1x125x32xf32, #tpu.memory_space<vmem>>
    %dma_wait3A_227 = tpu.memref_squeeze %dma_wait3A_226 : memref<1x125x32xf32, #tpu.memory_space<vmem>> -> memref<125x32xf32, #tpu.memory_space<vmem>>
    %dma_wait3A_228 = arith.constant 0 : i32
    %dma_wait3A_229 = tpu.memref_slice %arg6[%dma_wait3A_222, %dma_wait3A_228] : memref<80x125xi32, #tpu.memory_space<vmem>> -> memref<1x125xi32, #tpu.memory_space<vmem>>
    %dma_wait3A_230 = tpu.memref_squeeze %dma_wait3A_229 : memref<1x125xi32, #tpu.memory_space<vmem>> -> memref<125xi32, #tpu.memory_space<vmem>>
    %dma_wait3A_231 = arith.constant 0 : i32
    %dma_wait3A_232 = arith.constant 0 : i32
    %dma_wait3A_233 = tpu.memref_slice %arg2[%dma_wait3A_231, %dma_wait3A_232] : memref<10240x32xf32, #tpu.memory_space<hbm>> -> memref<10240x32xf32, #tpu.memory_space<hbm>>
    tpu.wait_indirect_dma semaphore(%arg16 : memref<!tpu.dma_semaphore, #tpu.memory_space<semaphore_mem>>) src(%dma_wait3A_233 : memref<10240x32xf32, #tpu.memory_space<hbm>>) dst(%dma_wait3A_227 : memref<125x32xf32, #tpu.memory_space<vmem>>)
    %dma_start3A_234 = arith.constant 5 : i32
    %dma_start3A_235 = arith.constant 77 : i32
    %dma_start3A_236 = arith.constant 0 : i32
    %dma_start3A_237 = arith.constant 0 : i32
    %dma_start3A_238 = tpu.memref_slice %arg8[%dma_start3A_234, %dma_start3A_236, %dma_start3A_237] : memref<8x125x32xf32, #tpu.memory_space<vmem>> -> memref<1x125x32xf32, #tpu.memory_space<vmem>>
    %dma_start3A_239 = tpu.memref_squeeze %dma_start3A_238 : memref<1x125x32xf32, #tpu.memory_space<vmem>> -> memref<125x32xf32, #tpu.memory_space<vmem>>
    %dma_start3A_240 = arith.constant 0 : i32
    %dma_start3A_241 = tpu.memref_slice %arg7[%dma_start3A_235, %dma_start3A_240] : memref<80x125xi32, #tpu.memory_space<vmem>> -> memref<1x125xi32, #tpu.memory_space<vmem>>
    %dma_start3A_242 = tpu.memref_squeeze %dma_start3A_241 : memref<1x125xi32, #tpu.memory_space<vmem>> -> memref<125xi32, #tpu.memory_space<vmem>>
    %dma_start3A_243 = arith.constant 0 : i32
    %dma_start3A_244 = arith.constant 0 : i32
    %dma_start3A_245 = tpu.memref_slice %arg10[%dma_start3A_243, %dma_start3A_244] : memref<10240x32xf32, #tpu.memory_space<vmem_shared>> -> memref<10240x32xf32, #tpu.memory_space<vmem_shared>>
    tpu.enqueue_indirect_dma source(%dma_start3A_239 : memref<125x32xf32, #tpu.memory_space<vmem>>) target(%dma_start3A_245 : memref<10240x32xf32, #tpu.memory_space<vmem_shared>>) offsets(%dma_start3A_242 : memref<125xi32, #tpu.memory_space<vmem>>) semaphore(%arg24 : memref<!tpu.dma_semaphore, #tpu.memory_space<semaphore_mem>>) {add = true}
    %dma_wait3A_246 = arith.constant 0 : i32
    %dma_wait3A_247 = arith.constant 6 : i32
    %dma_wait3A_248 = arith.constant 0 : i32
    %dma_wait3A_249 = arith.constant 0 : i32
    %dma_wait3A_250 = tpu.memref_slice %arg8[%dma_wait3A_247, %dma_wait3A_248, %dma_wait3A_249] : memref<8x125x32xf32, #tpu.memory_space<vmem>> -> memref<1x125x32xf32, #tpu.memory_space<vmem>>
    %dma_wait3A_251 = tpu.memref_squeeze %dma_wait3A_250 : memref<1x125x32xf32, #tpu.memory_space<vmem>> -> memref<125x32xf32, #tpu.memory_space<vmem>>
    %dma_wait3A_252 = arith.constant 0 : i32
    %dma_wait3A_253 = tpu.memref_slice %arg6[%dma_wait3A_246, %dma_wait3A_252] : memref<80x125xi32, #tpu.memory_space<vmem>> -> memref<1x125xi32, #tpu.memory_space<vmem>>
    %dma_wait3A_254 = tpu.memref_squeeze %dma_wait3A_253 : memref<1x125xi32, #tpu.memory_space<vmem>> -> memref<125xi32, #tpu.memory_space<vmem>>
    %dma_wait3A_255 = arith.constant 0 : i32
    %dma_wait3A_256 = arith.constant 0 : i32
    %dma_wait3A_257 = tpu.memref_slice %arg2[%dma_wait3A_255, %dma_wait3A_256] : memref<10240x32xf32, #tpu.memory_space<hbm>> -> memref<10240x32xf32, #tpu.memory_space<hbm>>
    tpu.wait_indirect_dma semaphore(%arg17 : memref<!tpu.dma_semaphore, #tpu.memory_space<semaphore_mem>>) src(%dma_wait3A_257 : memref<10240x32xf32, #tpu.memory_space<hbm>>) dst(%dma_wait3A_251 : memref<125x32xf32, #tpu.memory_space<vmem>>)
    %dma_start3A_258 = arith.constant 6 : i32
    %dma_start3A_259 = arith.constant 78 : i32
    %dma_start3A_260 = arith.constant 0 : i32
    %dma_start3A_261 = arith.constant 0 : i32
    %dma_start3A_262 = tpu.memref_slice %arg8[%dma_start3A_258, %dma_start3A_260, %dma_start3A_261] : memref<8x125x32xf32, #tpu.memory_space<vmem>> -> memref<1x125x32xf32, #tpu.memory_space<vmem>>
    %dma_start3A_263 = tpu.memref_squeeze %dma_start3A_262 : memref<1x125x32xf32, #tpu.memory_space<vmem>> -> memref<125x32xf32, #tpu.memory_space<vmem>>
    %dma_start3A_264 = arith.constant 0 : i32
    %dma_start3A_265 = tpu.memref_slice %arg7[%dma_start3A_259, %dma_start3A_264] : memref<80x125xi32, #tpu.memory_space<vmem>> -> memref<1x125xi32, #tpu.memory_space<vmem>>
    %dma_start3A_266 = tpu.memref_squeeze %dma_start3A_265 : memref<1x125xi32, #tpu.memory_space<vmem>> -> memref<125xi32, #tpu.memory_space<vmem>>
    %dma_start3A_267 = arith.constant 0 : i32
    %dma_start3A_268 = arith.constant 0 : i32
    %dma_start3A_269 = tpu.memref_slice %arg10[%dma_start3A_267, %dma_start3A_268] : memref<10240x32xf32, #tpu.memory_space<vmem_shared>> -> memref<10240x32xf32, #tpu.memory_space<vmem_shared>>
    tpu.enqueue_indirect_dma source(%dma_start3A_263 : memref<125x32xf32, #tpu.memory_space<vmem>>) target(%dma_start3A_269 : memref<10240x32xf32, #tpu.memory_space<vmem_shared>>) offsets(%dma_start3A_266 : memref<125xi32, #tpu.memory_space<vmem>>) semaphore(%arg25 : memref<!tpu.dma_semaphore, #tpu.memory_space<semaphore_mem>>) {add = true}
    %dma_wait3A_270 = arith.constant 0 : i32
    %dma_wait3A_271 = arith.constant 7 : i32
    %dma_wait3A_272 = arith.constant 0 : i32
    %dma_wait3A_273 = arith.constant 0 : i32
    %dma_wait3A_274 = tpu.memref_slice %arg8[%dma_wait3A_271, %dma_wait3A_272, %dma_wait3A_273] : memref<8x125x32xf32, #tpu.memory_space<vmem>> -> memref<1x125x32xf32, #tpu.memory_space<vmem>>
    %dma_wait3A_275 = tpu.memref_squeeze %dma_wait3A_274 : memref<1x125x32xf32, #tpu.memory_space<vmem>> -> memref<125x32xf32, #tpu.memory_space<vmem>>
    %dma_wait3A_276 = arith.constant 0 : i32
    %dma_wait3A_277 = tpu.memref_slice %arg6[%dma_wait3A_270, %dma_wait3A_276] : memref<80x125xi32, #tpu.memory_space<vmem>> -> memref<1x125xi32, #tpu.memory_space<vmem>>
    %dma_wait3A_278 = tpu.memref_squeeze %dma_wait3A_277 : memref<1x125xi32, #tpu.memory_space<vmem>> -> memref<125xi32, #tpu.memory_space<vmem>>
    %dma_wait3A_279 = arith.constant 0 : i32
    %dma_wait3A_280 = arith.constant 0 : i32
    %dma_wait3A_281 = tpu.memref_slice %arg2[%dma_wait3A_279, %dma_wait3A_280] : memref<10240x32xf32, #tpu.memory_space<hbm>> -> memref<10240x32xf32, #tpu.memory_space<hbm>>
    tpu.wait_indirect_dma semaphore(%arg18 : memref<!tpu.dma_semaphore, #tpu.memory_space<semaphore_mem>>) src(%dma_wait3A_281 : memref<10240x32xf32, #tpu.memory_space<hbm>>) dst(%dma_wait3A_275 : memref<125x32xf32, #tpu.memory_space<vmem>>)
    %dma_start3A_282 = arith.constant 7 : i32
    %dma_start3A_283 = arith.constant 79 : i32
    %dma_start3A_284 = arith.constant 0 : i32
    %dma_start3A_285 = arith.constant 0 : i32
    %dma_start3A_286 = tpu.memref_slice %arg8[%dma_start3A_282, %dma_start3A_284, %dma_start3A_285] : memref<8x125x32xf32, #tpu.memory_space<vmem>> -> memref<1x125x32xf32, #tpu.memory_space<vmem>>
    %dma_start3A_287 = tpu.memref_squeeze %dma_start3A_286 : memref<1x125x32xf32, #tpu.memory_space<vmem>> -> memref<125x32xf32, #tpu.memory_space<vmem>>
    %dma_start3A_288 = arith.constant 0 : i32
    %dma_start3A_289 = tpu.memref_slice %arg7[%dma_start3A_283, %dma_start3A_288] : memref<80x125xi32, #tpu.memory_space<vmem>> -> memref<1x125xi32, #tpu.memory_space<vmem>>
    %dma_start3A_290 = tpu.memref_squeeze %dma_start3A_289 : memref<1x125xi32, #tpu.memory_space<vmem>> -> memref<125xi32, #tpu.memory_space<vmem>>
    %dma_start3A_291 = arith.constant 0 : i32
    %dma_start3A_292 = arith.constant 0 : i32
    %dma_start3A_293 = tpu.memref_slice %arg10[%dma_start3A_291, %dma_start3A_292] : memref<10240x32xf32, #tpu.memory_space<vmem_shared>> -> memref<10240x32xf32, #tpu.memory_space<vmem_shared>>
    tpu.enqueue_indirect_dma source(%dma_start3A_287 : memref<125x32xf32, #tpu.memory_space<vmem>>) target(%dma_start3A_293 : memref<10240x32xf32, #tpu.memory_space<vmem_shared>>) offsets(%dma_start3A_290 : memref<125xi32, #tpu.memory_space<vmem>>) semaphore(%arg26 : memref<!tpu.dma_semaphore, #tpu.memory_space<semaphore_mem>>) {add = true}
    %dma_wait3A_294 = arith.constant 0 : i32
    %dma_wait3A_295 = arith.constant 72 : i32
    %dma_wait3A_296 = arith.constant 0 : i32
    %dma_wait3A_297 = arith.constant 0 : i32
    %dma_wait3A_298 = tpu.memref_slice %arg8[%dma_wait3A_294, %dma_wait3A_296, %dma_wait3A_297] : memref<8x125x32xf32, #tpu.memory_space<vmem>> -> memref<1x125x32xf32, #tpu.memory_space<vmem>>
    %dma_wait3A_299 = tpu.memref_squeeze %dma_wait3A_298 : memref<1x125x32xf32, #tpu.memory_space<vmem>> -> memref<125x32xf32, #tpu.memory_space<vmem>>
    %dma_wait3A_300 = arith.constant 0 : i32
    %dma_wait3A_301 = tpu.memref_slice %arg7[%dma_wait3A_295, %dma_wait3A_300] : memref<80x125xi32, #tpu.memory_space<vmem>> -> memref<1x125xi32, #tpu.memory_space<vmem>>
    %dma_wait3A_302 = tpu.memref_squeeze %dma_wait3A_301 : memref<1x125xi32, #tpu.memory_space<vmem>> -> memref<125xi32, #tpu.memory_space<vmem>>
    %dma_wait3A_303 = arith.constant 0 : i32
    %dma_wait3A_304 = arith.constant 0 : i32
    %dma_wait3A_305 = tpu.memref_slice %arg10[%dma_wait3A_303, %dma_wait3A_304] : memref<10240x32xf32, #tpu.memory_space<vmem_shared>> -> memref<10240x32xf32, #tpu.memory_space<vmem_shared>>
    tpu.wait_indirect_dma semaphore(%arg19 : memref<!tpu.dma_semaphore, #tpu.memory_space<semaphore_mem>>) src(%dma_wait3A_299 : memref<125x32xf32, #tpu.memory_space<vmem>>) dst(%dma_wait3A_305 : memref<10240x32xf32, #tpu.memory_space<vmem_shared>>)
    %dma_wait3A_306 = arith.constant 1 : i32
    %dma_wait3A_307 = arith.constant 73 : i32
    %dma_wait3A_308 = arith.constant 0 : i32
    %dma_wait3A_309 = arith.constant 0 : i32
    %dma_wait3A_310 = tpu.memref_slice %arg8[%dma_wait3A_306, %dma_wait3A_308, %dma_wait3A_309] : memref<8x125x32xf32, #tpu.memory_space<vmem>> -> memref<1x125x32xf32, #tpu.memory_space<vmem>>
    %dma_wait3A_311 = tpu.memref_squeeze %dma_wait3A_310 : memref<1x125x32xf32, #tpu.memory_space<vmem>> -> memref<125x32xf32, #tpu.memory_space<vmem>>
    %dma_wait3A_312 = arith.constant 0 : i32
    %dma_wait3A_313 = tpu.memref_slice %arg7[%dma_wait3A_307, %dma_wait3A_312] : memref<80x125xi32, #tpu.memory_space<vmem>> -> memref<1x125xi32, #tpu.memory_space<vmem>>
    %dma_wait3A_314 = tpu.memref_squeeze %dma_wait3A_313 : memref<1x125xi32, #tpu.memory_space<vmem>> -> memref<125xi32, #tpu.memory_space<vmem>>
    %dma_wait3A_315 = arith.constant 0 : i32
    %dma_wait3A_316 = arith.constant 0 : i32
    %dma_wait3A_317 = tpu.memref_slice %arg10[%dma_wait3A_315, %dma_wait3A_316] : memref<10240x32xf32, #tpu.memory_space<vmem_shared>> -> memref<10240x32xf32, #tpu.memory_space<vmem_shared>>
    tpu.wait_indirect_dma semaphore(%arg20 : memref<!tpu.dma_semaphore, #tpu.memory_space<semaphore_mem>>) src(%dma_wait3A_311 : memref<125x32xf32, #tpu.memory_space<vmem>>) dst(%dma_wait3A_317 : memref<10240x32xf32, #tpu.memory_space<vmem_shared>>)
    %dma_wait3A_318 = arith.constant 2 : i32
    %dma_wait3A_319 = arith.constant 74 : i32
    %dma_wait3A_320 = arith.constant 0 : i32
    %dma_wait3A_321 = arith.constant 0 : i32
    %dma_wait3A_322 = tpu.memref_slice %arg8[%dma_wait3A_318, %dma_wait3A_320, %dma_wait3A_321] : memref<8x125x32xf32, #tpu.memory_space<vmem>> -> memref<1x125x32xf32, #tpu.memory_space<vmem>>
    %dma_wait3A_323 = tpu.memref_squeeze %dma_wait3A_322 : memref<1x125x32xf32, #tpu.memory_space<vmem>> -> memref<125x32xf32, #tpu.memory_space<vmem>>
    %dma_wait3A_324 = arith.constant 0 : i32
    %dma_wait3A_325 = tpu.memref_slice %arg7[%dma_wait3A_319, %dma_wait3A_324] : memref<80x125xi32, #tpu.memory_space<vmem>> -> memref<1x125xi32, #tpu.memory_space<vmem>>
    %dma_wait3A_326 = tpu.memref_squeeze %dma_wait3A_325 : memref<1x125xi32, #tpu.memory_space<vmem>> -> memref<125xi32, #tpu.memory_space<vmem>>
    %dma_wait3A_327 = arith.constant 0 : i32
    %dma_wait3A_328 = arith.constant 0 : i32
    %dma_wait3A_329 = tpu.memref_slice %arg10[%dma_wait3A_327, %dma_wait3A_328] : memref<10240x32xf32, #tpu.memory_space<vmem_shared>> -> memref<10240x32xf32, #tpu.memory_space<vmem_shared>>
    tpu.wait_indirect_dma semaphore(%arg21 : memref<!tpu.dma_semaphore, #tpu.memory_space<semaphore_mem>>) src(%dma_wait3A_323 : memref<125x32xf32, #tpu.memory_space<vmem>>) dst(%dma_wait3A_329 : memref<10240x32xf32, #tpu.memory_space<vmem_shared>>)
    %dma_wait3A_330 = arith.constant 3 : i32
    %dma_wait3A_331 = arith.constant 75 : i32
    %dma_wait3A_332 = arith.constant 0 : i32
    %dma_wait3A_333 = arith.constant 0 : i32
    %dma_wait3A_334 = tpu.memref_slice %arg8[%dma_wait3A_330, %dma_wait3A_332, %dma_wait3A_333] : memref<8x125x32xf32, #tpu.memory_space<vmem>> -> memref<1x125x32xf32, #tpu.memory_space<vmem>>
    %dma_wait3A_335 = tpu.memref_squeeze %dma_wait3A_334 : memref<1x125x32xf32, #tpu.memory_space<vmem>> -> memref<125x32xf32, #tpu.memory_space<vmem>>
    %dma_wait3A_336 = arith.constant 0 : i32
    %dma_wait3A_337 = tpu.memref_slice %arg7[%dma_wait3A_331, %dma_wait3A_336] : memref<80x125xi32, #tpu.memory_space<vmem>> -> memref<1x125xi32, #tpu.memory_space<vmem>>
    %dma_wait3A_338 = tpu.memref_squeeze %dma_wait3A_337 : memref<1x125xi32, #tpu.memory_space<vmem>> -> memref<125xi32, #tpu.memory_space<vmem>>
    %dma_wait3A_339 = arith.constant 0 : i32
    %dma_wait3A_340 = arith.constant 0 : i32
    %dma_wait3A_341 = tpu.memref_slice %arg10[%dma_wait3A_339, %dma_wait3A_340] : memref<10240x32xf32, #tpu.memory_space<vmem_shared>> -> memref<10240x32xf32, #tpu.memory_space<vmem_shared>>
    tpu.wait_indirect_dma semaphore(%arg22 : memref<!tpu.dma_semaphore, #tpu.memory_space<semaphore_mem>>) src(%dma_wait3A_335 : memref<125x32xf32, #tpu.memory_space<vmem>>) dst(%dma_wait3A_341 : memref<10240x32xf32, #tpu.memory_space<vmem_shared>>)
    %dma_wait3A_342 = arith.constant 4 : i32
    %dma_wait3A_343 = arith.constant 76 : i32
    %dma_wait3A_344 = arith.constant 0 : i32
    %dma_wait3A_345 = arith.constant 0 : i32
    %dma_wait3A_346 = tpu.memref_slice %arg8[%dma_wait3A_342, %dma_wait3A_344, %dma_wait3A_345] : memref<8x125x32xf32, #tpu.memory_space<vmem>> -> memref<1x125x32xf32, #tpu.memory_space<vmem>>
    %dma_wait3A_347 = tpu.memref_squeeze %dma_wait3A_346 : memref<1x125x32xf32, #tpu.memory_space<vmem>> -> memref<125x32xf32, #tpu.memory_space<vmem>>
    %dma_wait3A_348 = arith.constant 0 : i32
    %dma_wait3A_349 = tpu.memref_slice %arg7[%dma_wait3A_343, %dma_wait3A_348] : memref<80x125xi32, #tpu.memory_space<vmem>> -> memref<1x125xi32, #tpu.memory_space<vmem>>
    %dma_wait3A_350 = tpu.memref_squeeze %dma_wait3A_349 : memref<1x125xi32, #tpu.memory_space<vmem>> -> memref<125xi32, #tpu.memory_space<vmem>>
    %dma_wait3A_351 = arith.constant 0 : i32
    %dma_wait3A_352 = arith.constant 0 : i32
    %dma_wait3A_353 = tpu.memref_slice %arg10[%dma_wait3A_351, %dma_wait3A_352] : memref<10240x32xf32, #tpu.memory_space<vmem_shared>> -> memref<10240x32xf32, #tpu.memory_space<vmem_shared>>
    tpu.wait_indirect_dma semaphore(%arg23 : memref<!tpu.dma_semaphore, #tpu.memory_space<semaphore_mem>>) src(%dma_wait3A_347 : memref<125x32xf32, #tpu.memory_space<vmem>>) dst(%dma_wait3A_353 : memref<10240x32xf32, #tpu.memory_space<vmem_shared>>)
    %dma_wait3A_354 = arith.constant 5 : i32
    %dma_wait3A_355 = arith.constant 77 : i32
    %dma_wait3A_356 = arith.constant 0 : i32
    %dma_wait3A_357 = arith.constant 0 : i32
    %dma_wait3A_358 = tpu.memref_slice %arg8[%dma_wait3A_354, %dma_wait3A_356, %dma_wait3A_357] : memref<8x125x32xf32, #tpu.memory_space<vmem>> -> memref<1x125x32xf32, #tpu.memory_space<vmem>>
    %dma_wait3A_359 = tpu.memref_squeeze %dma_wait3A_358 : memref<1x125x32xf32, #tpu.memory_space<vmem>> -> memref<125x32xf32, #tpu.memory_space<vmem>>
    %dma_wait3A_360 = arith.constant 0 : i32
    %dma_wait3A_361 = tpu.memref_slice %arg7[%dma_wait3A_355, %dma_wait3A_360] : memref<80x125xi32, #tpu.memory_space<vmem>> -> memref<1x125xi32, #tpu.memory_space<vmem>>
    %dma_wait3A_362 = tpu.memref_squeeze %dma_wait3A_361 : memref<1x125xi32, #tpu.memory_space<vmem>> -> memref<125xi32, #tpu.memory_space<vmem>>
    %dma_wait3A_363 = arith.constant 0 : i32
    %dma_wait3A_364 = arith.constant 0 : i32
    %dma_wait3A_365 = tpu.memref_slice %arg10[%dma_wait3A_363, %dma_wait3A_364] : memref<10240x32xf32, #tpu.memory_space<vmem_shared>> -> memref<10240x32xf32, #tpu.memory_space<vmem_shared>>
    tpu.wait_indirect_dma semaphore(%arg24 : memref<!tpu.dma_semaphore, #tpu.memory_space<semaphore_mem>>) src(%dma_wait3A_359 : memref<125x32xf32, #tpu.memory_space<vmem>>) dst(%dma_wait3A_365 : memref<10240x32xf32, #tpu.memory_space<vmem_shared>>)
    %dma_wait3A_366 = arith.constant 6 : i32
    %dma_wait3A_367 = arith.constant 78 : i32
    %dma_wait3A_368 = arith.constant 0 : i32
    %dma_wait3A_369 = arith.constant 0 : i32
    %dma_wait3A_370 = tpu.memref_slice %arg8[%dma_wait3A_366, %dma_wait3A_368, %dma_wait3A_369] : memref<8x125x32xf32, #tpu.memory_space<vmem>> -> memref<1x125x32xf32, #tpu.memory_space<vmem>>
    %dma_wait3A_371 = tpu.memref_squeeze %dma_wait3A_370 : memref<1x125x32xf32, #tpu.memory_space<vmem>> -> memref<125x32xf32, #tpu.memory_space<vmem>>
    %dma_wait3A_372 = arith.constant 0 : i32
    %dma_wait3A_373 = tpu.memref_slice %arg7[%dma_wait3A_367, %dma_wait3A_372] : memref<80x125xi32, #tpu.memory_space<vmem>> -> memref<1x125xi32, #tpu.memory_space<vmem>>
    %dma_wait3A_374 = tpu.memref_squeeze %dma_wait3A_373 : memref<1x125xi32, #tpu.memory_space<vmem>> -> memref<125xi32, #tpu.memory_space<vmem>>
    %dma_wait3A_375 = arith.constant 0 : i32
    %dma_wait3A_376 = arith.constant 0 : i32
    %dma_wait3A_377 = tpu.memref_slice %arg10[%dma_wait3A_375, %dma_wait3A_376] : memref<10240x32xf32, #tpu.memory_space<vmem_shared>> -> memref<10240x32xf32, #tpu.memory_space<vmem_shared>>
    tpu.wait_indirect_dma semaphore(%arg25 : memref<!tpu.dma_semaphore, #tpu.memory_space<semaphore_mem>>) src(%dma_wait3A_371 : memref<125x32xf32, #tpu.memory_space<vmem>>) dst(%dma_wait3A_377 : memref<10240x32xf32, #tpu.memory_space<vmem_shared>>)
    %dma_wait3A_378 = arith.constant 7 : i32
    %dma_wait3A_379 = arith.constant 79 : i32
    %dma_wait3A_380 = arith.constant 0 : i32
    %dma_wait3A_381 = arith.constant 0 : i32
    %dma_wait3A_382 = tpu.memref_slice %arg8[%dma_wait3A_378, %dma_wait3A_380, %dma_wait3A_381] : memref<8x125x32xf32, #tpu.memory_space<vmem>> -> memref<1x125x32xf32, #tpu.memory_space<vmem>>
    %dma_wait3A_383 = tpu.memref_squeeze %dma_wait3A_382 : memref<1x125x32xf32, #tpu.memory_space<vmem>> -> memref<125x32xf32, #tpu.memory_space<vmem>>
    %dma_wait3A_384 = arith.constant 0 : i32
    %dma_wait3A_385 = tpu.memref_slice %arg7[%dma_wait3A_379, %dma_wait3A_384] : memref<80x125xi32, #tpu.memory_space<vmem>> -> memref<1x125xi32, #tpu.memory_space<vmem>>
    %dma_wait3A_386 = tpu.memref_squeeze %dma_wait3A_385 : memref<1x125xi32, #tpu.memory_space<vmem>> -> memref<125xi32, #tpu.memory_space<vmem>>
    %dma_wait3A_387 = arith.constant 0 : i32
    %dma_wait3A_388 = arith.constant 0 : i32
    %dma_wait3A_389 = tpu.memref_slice %arg10[%dma_wait3A_387, %dma_wait3A_388] : memref<10240x32xf32, #tpu.memory_space<vmem_shared>> -> memref<10240x32xf32, #tpu.memory_space<vmem_shared>>
    tpu.wait_indirect_dma semaphore(%arg26 : memref<!tpu.dma_semaphore, #tpu.memory_space<semaphore_mem>>) src(%dma_wait3A_383 : memref<125x32xf32, #tpu.memory_space<vmem>>) dst(%dma_wait3A_389 : memref<10240x32xf32, #tpu.memory_space<vmem_shared>>)
    %barrier3A_390 = arith.constant 0 : index
    tpu.barrier barrier_id(%barrier3A_390)
    "tpu.region"() ({
      %run_scoped3A = tpu.sem_alloc : memref<!tpu.dma_semaphore, #tpu.memory_space<semaphore_mem>>
      %dma_start3A_391 = arith.constant 0 : i32
      %dma_start3A_392 = tpu.memref_slice %arg10[%mul3A_2, %dma_start3A_391] : memref<10240x32xf32, #tpu.memory_space<vmem_shared>> -> memref<640x32xf32, #tpu.memory_space<vmem_shared>>
      %dma_start3A_393 = arith.constant 0 : i32
      %dma_start3A_394 = tpu.memref_slice %arg10[%mul3A_2, %dma_start3A_393] : memref<10240x32xf32, #tpu.memory_space<vmem_shared>> -> memref<640x32xf32, #tpu.memory_space<vmem_shared>>
      tpu.enqueue_dma source(%dma_start3A_394 : memref<640x32xf32, #tpu.memory_space<vmem_shared>>) target(%arg9 : memref<640x32xf32, #tpu.memory_space<vmem>>) target_semaphore(%run_scoped3A : memref<!tpu.dma_semaphore, #tpu.memory_space<semaphore_mem>>)
      %dma_wait3A_395 = arith.constant 0 : i32
      %dma_wait3A_396 = tpu.memref_slice %arg10[%mul3A_2, %dma_wait3A_395] : memref<10240x32xf32, #tpu.memory_space<vmem_shared>> -> memref<640x32xf32, #tpu.memory_space<vmem_shared>>
      %dma_wait3A_397 = arith.constant 0 : i32
      %dma_wait3A_398 = tpu.memref_slice %arg10[%mul3A_2, %dma_wait3A_397] : memref<10240x32xf32, #tpu.memory_space<vmem_shared>> -> memref<640x32xf32, #tpu.memory_space<vmem_shared>>
      tpu.wait_dma2 semaphore(%run_scoped3A : memref<!tpu.dma_semaphore, #tpu.memory_space<semaphore_mem>>) src(%dma_wait3A_398 : memref<640x32xf32, #tpu.memory_space<vmem_shared>>) dst(%arg9 : memref<640x32xf32, #tpu.memory_space<vmem>>)
      tpu.yield
    }) : () -> ()
    "tpu.region"() ({
      %run_scoped3A = tpu.sem_alloc : memref<!tpu.dma_semaphore, #tpu.memory_space<semaphore_mem>>
      %dma_start3A_391 = arith.constant 0 : i32
      %dma_start3A_392 = arith.constant 0 : i32
      %dma_start3A_393 = tpu.memref_slice %arg5[%arg0, %dma_start3A_391, %dma_start3A_392] : memref<2x10240x32xf32, #tpu.memory_space<hbm>> -> memref<1x10240x32xf32, #tpu.memory_space<hbm>>
      %dma_start3A_394 = tpu.memref_squeeze %dma_start3A_393 : memref<1x10240x32xf32, #tpu.memory_space<hbm>> -> memref<10240x32xf32, #tpu.memory_space<hbm>>
      %dma_start3A_395 = arith.constant 0 : i32
      %dma_start3A_396 = tpu.memref_slice %dma_start3A_394[%mul3A_2, %dma_start3A_395] : memref<10240x32xf32, #tpu.memory_space<hbm>> -> memref<640x32xf32, #tpu.memory_space<hbm>>
      %dma_start3A_397 = arith.constant 0 : i32
      %dma_start3A_398 = arith.constant 0 : i32
      %dma_start3A_399 = tpu.memref_slice %arg5[%arg0, %dma_start3A_397, %dma_start3A_398] : memref<2x10240x32xf32, #tpu.memory_space<hbm>> -> memref<1x10240x32xf32, #tpu.memory_space<hbm>>
      %dma_start3A_400 = tpu.memref_squeeze %dma_start3A_399 : memref<1x10240x32xf32, #tpu.memory_space<hbm>> -> memref<10240x32xf32, #tpu.memory_space<hbm>>
      %dma_start3A_401 = arith.constant 0 : i32
      %dma_start3A_402 = tpu.memref_slice %dma_start3A_400[%mul3A_2, %dma_start3A_401] : memref<10240x32xf32, #tpu.memory_space<hbm>> -> memref<640x32xf32, #tpu.memory_space<hbm>>
      tpu.enqueue_dma source(%arg9 : memref<640x32xf32, #tpu.memory_space<vmem>>) target(%dma_start3A_402 : memref<640x32xf32, #tpu.memory_space<hbm>>) target_semaphore(%run_scoped3A : memref<!tpu.dma_semaphore, #tpu.memory_space<semaphore_mem>>)
      %dma_wait3A_403 = arith.constant 0 : i32
      %dma_wait3A_404 = arith.constant 0 : i32
      %dma_wait3A_405 = tpu.memref_slice %arg5[%arg0, %dma_wait3A_403, %dma_wait3A_404] : memref<2x10240x32xf32, #tpu.memory_space<hbm>> -> memref<1x10240x32xf32, #tpu.memory_space<hbm>>
      %dma_wait3A_406 = tpu.memref_squeeze %dma_wait3A_405 : memref<1x10240x32xf32, #tpu.memory_space<hbm>> -> memref<10240x32xf32, #tpu.memory_space<hbm>>
      %dma_wait3A_407 = arith.constant 0 : i32
      %dma_wait3A_408 = tpu.memref_slice %dma_wait3A_406[%mul3A_2, %dma_wait3A_407] : memref<10240x32xf32, #tpu.memory_space<hbm>> -> memref<640x32xf32, #tpu.memory_space<hbm>>
      %dma_wait3A_409 = arith.constant 0 : i32
      %dma_wait3A_410 = arith.constant 0 : i32
      %dma_wait3A_411 = tpu.memref_slice %arg5[%arg0, %dma_wait3A_409, %dma_wait3A_410] : memref<2x10240x32xf32, #tpu.memory_space<hbm>> -> memref<1x10240x32xf32, #tpu.memory_space<hbm>>
      %dma_wait3A_412 = tpu.memref_squeeze %dma_wait3A_411 : memref<1x10240x32xf32, #tpu.memory_space<hbm>> -> memref<10240x32xf32, #tpu.memory_space<hbm>>
      %dma_wait3A_413 = arith.constant 0 : i32
      %dma_wait3A_414 = tpu.memref_slice %dma_wait3A_412[%mul3A_2, %dma_wait3A_413] : memref<10240x32xf32, #tpu.memory_space<hbm>> -> memref<640x32xf32, #tpu.memory_space<hbm>>
      tpu.wait_dma2 semaphore(%run_scoped3A : memref<!tpu.dma_semaphore, #tpu.memory_space<semaphore_mem>>) src(%arg9 : memref<640x32xf32, #tpu.memory_space<vmem>>) dst(%dma_wait3A_414 : memref<640x32xf32, #tpu.memory_space<hbm>>)
      tpu.yield
    }) : () -> ()
    return
  }
}

module attributes {stable_mosaic.version = 14 : i64} {
  func.func @_tca_body(%arg0: memref<2x2560x4xf32, #tpu.memory_space<vmem>>, %arg1: memref<2560x512xf32, #tpu.memory_space<vmem>>, %arg2: memref<128x32xf32, #tpu.memory_space<vmem>>, %arg3: memref<2560x128xf32, #tpu.memory_space<vmem>>, %arg4: memref<2560x128xf32, #tpu.memory_space<vmem>>) attributes {dimension_semantics = [], scalar_prefetch = 0 : i64, scratch_operands = 0 : i64, tpu.core_type = #tpu.core_type<tc>} {
    %get3A = arith.constant 0 : index
    %get3A_0 = arith.constant 0 : index
    %get3A_1 = arith.constant 0 : index
    %get3A_2 = vector.load %arg0[%get3A, %get3A_0, %get3A_1] : memref<2x2560x4xf32, #tpu.memory_space<vmem>>, vector<1x2560x4xf32>
    %get3A_3 = vector.shape_cast %get3A_2 : vector<1x2560x4xf32> to vector<2560x4xf32>
    %get3A_4 = arith.constant 1 : index
    %get3A_5 = arith.constant 0 : index
    %get3A_6 = arith.constant 0 : index
    %get3A_7 = vector.load %arg0[%get3A_4, %get3A_5, %get3A_6] : memref<2x2560x4xf32, #tpu.memory_space<vmem>>, vector<1x2560x4xf32>
    %get3A_8 = vector.shape_cast %get3A_7 : vector<1x2560x4xf32> to vector<2560x4xf32>
    %add3A = arith.addf %get3A_3, %get3A_8 : vector<2560x4xf32>
    %add3A_9 = arith.constant 1.000000e+00 : f32
    %add3A_10 = vector.broadcast %add3A_9 : f32 to vector<2560x4xf32>
    %add3A_11 = arith.addf %add3A, %add3A_10 : vector<2560x4xf32>
    %rsqrt3A = math.rsqrt %add3A_11 : vector<2560x4xf32>
    %iota3A = tpu.iota {dimensions = array<i32: 1>} : vector<1x128xi32>
    %jit3A = arith.constant 32 : i32
    %div3A = vector.broadcast %jit3A : i32 to vector<1x128xi32>
    %div3A_12 = arith.divsi %iota3A, %div3A : vector<1x128xi32>
    %sign3A = arith.constant 0 : i32
    %sign3A_13 = vector.broadcast %sign3A : i32 to vector<1x128xi32>
    %sign3A_14 = arith.cmpi sgt, %iota3A, %sign3A_13 : vector<1x128xi32>
    %sign3A_15 = arith.extui %sign3A_14 : vector<1x128xi1> to vector<1x128xi32>
    %sign3A_16 = arith.constant 0 : i32
    %sign3A_17 = vector.broadcast %sign3A_16 : i32 to vector<1x128xi32>
    %sign3A_18 = arith.cmpi slt, %iota3A, %sign3A_17 : vector<1x128xi32>
    %sign3A_19 = arith.extui %sign3A_18 : vector<1x128xi1> to vector<1x128xi32>
    %sign3A_20 = arith.subi %sign3A_15, %sign3A_19 : vector<1x128xi32>
    %sign3A_21 = arith.constant 0 : i32
    %sign3A_22 = arith.cmpi sgt, %jit3A, %sign3A_21 : i32
    %sign3A_23 = arith.extui %sign3A_22 : i1 to i32
    %sign3A_24 = arith.constant 0 : i32
    %sign3A_25 = arith.cmpi slt, %jit3A, %sign3A_24 : i32
    %sign3A_26 = arith.extui %sign3A_25 : i1 to i32
    %sign3A_27 = arith.subi %sign3A_23, %sign3A_26 : i32
    %ne3A = vector.broadcast %sign3A_27 : i32 to vector<1x128xi32>
    %ne3A_28 = arith.cmpi ne, %sign3A_20, %ne3A : vector<1x128xi32>
    %rem3A = vector.broadcast %jit3A : i32 to vector<1x128xi32>
    %rem3A_29 = arith.remsi %iota3A, %rem3A : vector<1x128xi32>
    %ne3A_30 = arith.constant 0 : i32
    %ne3A_31 = vector.broadcast %ne3A_30 : i32 to vector<1x128xi32>
    %ne3A_32 = arith.cmpi ne, %rem3A_29, %ne3A_31 : vector<1x128xi32>
    %and3A = arith.andi %ne3A_28, %ne3A_32 : vector<1x128xi1>
    %sub3A = arith.constant 1 : i32
    %sub3A_33 = vector.broadcast %sub3A : i32 to vector<1x128xi32>
    %sub3A_34 = arith.subi %div3A_12, %sub3A_33 : vector<1x128xi32>
    %select_n3A = arith.select %and3A, %sub3A_34, %div3A_12 : vector<1x128xi1>, vector<1x128xi32>
    %slice3A = vector.extract_strided_slice %rsqrt3A {offsets = [0, 0], sizes = [2560, 1], strides = [1, 1]} : vector<2560x4xf32> to vector<2560x1xf32>
    %eq3A = arith.constant 0 : i32
    %eq3A_35 = vector.broadcast %eq3A : i32 to vector<1x128xi32>
    %eq3A_36 = arith.cmpi eq, %select_n3A, %eq3A_35 : vector<1x128xi32>
    %jit3A_37 = arith.constant 1.000000e+00 : f32
    %jit3A_38 = arith.constant 0.000000e+00 : f32
    %broadcast_in_dim3A = vector.broadcast %jit3A_37 : f32 to vector<1x128xf32>
    %broadcast_in_dim3A_39 = vector.broadcast %jit3A_38 : f32 to vector<1x128xf32>
    %select_n3A_40 = arith.select %eq3A_36, %broadcast_in_dim3A, %broadcast_in_dim3A_39 : vector<1x128xi1>, vector<1x128xf32>
    %mul3A = vector.broadcast %slice3A : vector<2560x1xf32> to vector<2560x128xf32>
    %mul3A_41 = vector.broadcast %select_n3A_40 : vector<1x128xf32> to vector<2560x128xf32>
    %mul3A_42 = arith.mulf %mul3A, %mul3A_41 : vector<2560x128xf32>
    %add3A_43 = arith.constant 0.000000e+00 : f32
    %add3A_44 = vector.broadcast %add3A_43 : f32 to vector<2560x128xf32>
    %add3A_45 = arith.addf %add3A_44, %mul3A_42 : vector<2560x128xf32>
    %slice3A_46 = vector.extract_strided_slice %rsqrt3A {offsets = [0, 1], sizes = [2560, 1], strides = [1, 1]} : vector<2560x4xf32> to vector<2560x1xf32>
    %eq3A_47 = arith.constant 1 : i32
    %eq3A_48 = vector.broadcast %eq3A_47 : i32 to vector<1x128xi32>
    %eq3A_49 = arith.cmpi eq, %select_n3A, %eq3A_48 : vector<1x128xi32>
    %jit3A_50 = arith.constant 1.000000e+00 : f32
    %jit3A_51 = arith.constant 0.000000e+00 : f32
    %broadcast_in_dim3A_52 = vector.broadcast %jit3A_50 : f32 to vector<1x128xf32>
    %broadcast_in_dim3A_53 = vector.broadcast %jit3A_51 : f32 to vector<1x128xf32>
    %select_n3A_54 = arith.select %eq3A_49, %broadcast_in_dim3A_52, %broadcast_in_dim3A_53 : vector<1x128xi1>, vector<1x128xf32>
    %mul3A_55 = vector.broadcast %slice3A_46 : vector<2560x1xf32> to vector<2560x128xf32>
    %mul3A_56 = vector.broadcast %select_n3A_54 : vector<1x128xf32> to vector<2560x128xf32>
    %mul3A_57 = arith.mulf %mul3A_55, %mul3A_56 : vector<2560x128xf32>
    %add3A_58 = arith.addf %add3A_45, %mul3A_57 : vector<2560x128xf32>
    %slice3A_59 = vector.extract_strided_slice %rsqrt3A {offsets = [0, 2], sizes = [2560, 1], strides = [1, 1]} : vector<2560x4xf32> to vector<2560x1xf32>
    %eq3A_60 = arith.constant 2 : i32
    %eq3A_61 = vector.broadcast %eq3A_60 : i32 to vector<1x128xi32>
    %eq3A_62 = arith.cmpi eq, %select_n3A, %eq3A_61 : vector<1x128xi32>
    %jit3A_63 = arith.constant 1.000000e+00 : f32
    %jit3A_64 = arith.constant 0.000000e+00 : f32
    %broadcast_in_dim3A_65 = vector.broadcast %jit3A_63 : f32 to vector<1x128xf32>
    %broadcast_in_dim3A_66 = vector.broadcast %jit3A_64 : f32 to vector<1x128xf32>
    %select_n3A_67 = arith.select %eq3A_62, %broadcast_in_dim3A_65, %broadcast_in_dim3A_66 : vector<1x128xi1>, vector<1x128xf32>
    %mul3A_68 = vector.broadcast %slice3A_59 : vector<2560x1xf32> to vector<2560x128xf32>
    %mul3A_69 = vector.broadcast %select_n3A_67 : vector<1x128xf32> to vector<2560x128xf32>
    %mul3A_70 = arith.mulf %mul3A_68, %mul3A_69 : vector<2560x128xf32>
    %add3A_71 = arith.addf %add3A_58, %mul3A_70 : vector<2560x128xf32>
    %slice3A_72 = vector.extract_strided_slice %rsqrt3A {offsets = [0, 3], sizes = [2560, 1], strides = [1, 1]} : vector<2560x4xf32> to vector<2560x1xf32>
    %eq3A_73 = arith.constant 3 : i32
    %eq3A_74 = vector.broadcast %eq3A_73 : i32 to vector<1x128xi32>
    %eq3A_75 = arith.cmpi eq, %select_n3A, %eq3A_74 : vector<1x128xi32>
    %jit3A_76 = arith.constant 1.000000e+00 : f32
    %jit3A_77 = arith.constant 0.000000e+00 : f32
    %broadcast_in_dim3A_78 = vector.broadcast %jit3A_76 : f32 to vector<1x128xf32>
    %broadcast_in_dim3A_79 = vector.broadcast %jit3A_77 : f32 to vector<1x128xf32>
    %select_n3A_80 = arith.select %eq3A_75, %broadcast_in_dim3A_78, %broadcast_in_dim3A_79 : vector<1x128xi1>, vector<1x128xf32>
    %mul3A_81 = vector.broadcast %slice3A_72 : vector<2560x1xf32> to vector<2560x128xf32>
    %mul3A_82 = vector.broadcast %select_n3A_80 : vector<1x128xf32> to vector<2560x128xf32>
    %mul3A_83 = arith.mulf %mul3A_81, %mul3A_82 : vector<2560x128xf32>
    %add3A_84 = arith.addf %add3A_71, %mul3A_83 : vector<2560x128xf32>
    %get3A_85 = arith.constant 0 : index
    %get3A_86 = arith.constant 0 : index
    %get3A_87 = vector.load %arg1[%get3A_85, %get3A_86] : memref<2560x512xf32, #tpu.memory_space<vmem>>, vector<2560x512xf32>
    %get3A_88 = arith.constant 0 : index
    %get3A_89 = arith.constant 0 : index
    %get3A_90 = vector.load %arg2[%get3A_88, %get3A_89] : memref<128x32xf32, #tpu.memory_space<vmem>>, vector<128x32xf32>
    %slice3A_91 = vector.extract_strided_slice %get3A_87 {offsets = [0, 0], sizes = [2560, 128], strides = [1, 1]} : vector<2560x512xf32> to vector<2560x128xf32>
    %dot_general3A = arith.constant dense<0.000000e+00> : vector<2560x32xf32>
    %dot_general3A_92 = tpu.matmul %slice3A_91, %get3A_90, %dot_general3A {dimension_numbers = #tpu.dot_dimension_numbers<[1], [0], [0], [1], [0, 0, 1, 1], [], []>, transpose_lhs_hint = false} : vector<2560x128xf32>, vector<128x32xf32>, vector<2560x32xf32> -> vector<2560x32xf32>
    %slice3A_93 = vector.extract_strided_slice %get3A_87 {offsets = [0, 128], sizes = [2560, 128], strides = [1, 1]} : vector<2560x512xf32> to vector<2560x128xf32>
    %dot_general3A_94 = arith.constant dense<0.000000e+00> : vector<2560x32xf32>
    %dot_general3A_95 = tpu.matmul %slice3A_93, %get3A_90, %dot_general3A_94 {dimension_numbers = #tpu.dot_dimension_numbers<[1], [0], [0], [1], [0, 0, 1, 1], [], []>, transpose_lhs_hint = false} : vector<2560x128xf32>, vector<128x32xf32>, vector<2560x32xf32> -> vector<2560x32xf32>
    %slice3A_96 = vector.extract_strided_slice %get3A_87 {offsets = [0, 256], sizes = [2560, 128], strides = [1, 1]} : vector<2560x512xf32> to vector<2560x128xf32>
    %dot_general3A_97 = arith.constant dense<0.000000e+00> : vector<2560x32xf32>
    %dot_general3A_98 = tpu.matmul %slice3A_96, %get3A_90, %dot_general3A_97 {dimension_numbers = #tpu.dot_dimension_numbers<[1], [0], [0], [1], [0, 0, 1, 1], [], []>, transpose_lhs_hint = false} : vector<2560x128xf32>, vector<128x32xf32>, vector<2560x32xf32> -> vector<2560x32xf32>
    %slice3A_99 = vector.extract_strided_slice %get3A_87 {offsets = [0, 384], sizes = [2560, 128], strides = [1, 1]} : vector<2560x512xf32> to vector<2560x128xf32>
    %dot_general3A_100 = arith.constant dense<0.000000e+00> : vector<2560x32xf32>
    %dot_general3A_101 = tpu.matmul %slice3A_99, %get3A_90, %dot_general3A_100 {dimension_numbers = #tpu.dot_dimension_numbers<[1], [0], [0], [1], [0, 0, 1, 1], [], []>, transpose_lhs_hint = false} : vector<2560x128xf32>, vector<128x32xf32>, vector<2560x32xf32> -> vector<2560x32xf32>
    %concatenate3A = tpu.concatenate %dot_general3A_92, %dot_general3A_95, %dot_general3A_98, %dot_general3A_101 in 1 : vector<2560x32xf32>, vector<2560x32xf32>, vector<2560x32xf32>, vector<2560x32xf32> -> vector<2560x128xf32>
    %swap3A = arith.constant 0 : index
    %swap3A_102 = arith.constant 0 : index
    %swap3A_103 = vector.load %arg3[%swap3A, %swap3A_102] : memref<2560x128xf32, #tpu.memory_space<vmem>>, vector<2560x128xf32>
    tpu.vector_store %arg3[%swap3A, %swap3A_102], %add3A_84 {strides = array<i32>} : memref<2560x128xf32, #tpu.memory_space<vmem>>, vector<2560x128xf32>,
    %mul3A_104 = arith.mulf %concatenate3A, %add3A_84 : vector<2560x128xf32>
    %swap3A_105 = arith.constant 0 : index
    %swap3A_106 = arith.constant 0 : index
    %swap3A_107 = vector.load %arg4[%swap3A_105, %swap3A_106] : memref<2560x128xf32, #tpu.memory_space<vmem>>, vector<2560x128xf32>
    tpu.vector_store %arg4[%swap3A_105, %swap3A_106], %mul3A_104 {strides = array<i32>} : memref<2560x128xf32, #tpu.memory_space<vmem>>, vector<2560x128xf32>,
    return
  }
}

module attributes {stable_mosaic.version = 14 : i64} {
  func.func @_mid_packed_body(%arg0: memref<2x2560x128xf32, #tpu.memory_space<vmem>>, %arg1: memref<2560x128xf32, #tpu.memory_space<vmem>>, %arg2: memref<2560x128xf32, #tpu.memory_space<vmem>>, %arg3: memref<1x32xf32, #tpu.memory_space<vmem>>, %arg4: memref<32x32xf32, #tpu.memory_space<vmem>>, %arg5: memref<2560x128xf32, #tpu.memory_space<vmem>>) attributes {dimension_semantics = [], scalar_prefetch = 0 : i64, scratch_operands = 0 : i64, tpu.core_type = #tpu.core_type<tc>} {
    %get3A = arith.constant 0 : index
    %get3A_0 = arith.constant 0 : index
    %get3A_1 = vector.load %arg3[%get3A, %get3A_0] : memref<1x32xf32, #tpu.memory_space<vmem>>, vector<1x32xf32>
    %tile3A = tpu.concatenate %get3A_1, %get3A_1, %get3A_1, %get3A_1 in 1 : vector<1x32xf32>, vector<1x32xf32>, vector<1x32xf32>, vector<1x32xf32> -> vector<1x128xf32>
    %get3A_2 = arith.constant 0 : index
    %get3A_3 = arith.constant 0 : index
    %get3A_4 = arith.constant 0 : index
    %get3A_5 = vector.load %arg0[%get3A_2, %get3A_3, %get3A_4] : memref<2x2560x128xf32, #tpu.memory_space<vmem>>, vector<1x2560x128xf32>
    %get3A_6 = vector.shape_cast %get3A_5 : vector<1x2560x128xf32> to vector<2560x128xf32>
    %get3A_7 = arith.constant 1 : index
    %get3A_8 = arith.constant 0 : index
    %get3A_9 = arith.constant 0 : index
    %get3A_10 = vector.load %arg0[%get3A_7, %get3A_8, %get3A_9] : memref<2x2560x128xf32, #tpu.memory_space<vmem>>, vector<1x2560x128xf32>
    %get3A_11 = vector.shape_cast %get3A_10 : vector<1x2560x128xf32> to vector<2560x128xf32>
    %add3A = arith.addf %get3A_6, %get3A_11 : vector<2560x128xf32>
    %get3A_12 = arith.constant 0 : index
    %get3A_13 = arith.constant 0 : index
    %get3A_14 = vector.load %arg1[%get3A_12, %get3A_13] : memref<2560x128xf32, #tpu.memory_space<vmem>>, vector<2560x128xf32>
    %sub3A = arith.subf %add3A, %get3A_14 : vector<2560x128xf32>
    %get3A_15 = arith.constant 0 : index
    %get3A_16 = arith.constant 0 : index
    %get3A_17 = vector.load %arg2[%get3A_15, %get3A_16] : memref<2560x128xf32, #tpu.memory_space<vmem>>, vector<2560x128xf32>
    %mul3A = arith.mulf %sub3A, %get3A_17 : vector<2560x128xf32>
    %add3A_18 = vector.broadcast %tile3A : vector<1x128xf32> to vector<2560x128xf32>
    %add3A_19 = arith.addf %mul3A, %add3A_18 : vector<2560x128xf32>
    %tanh3A = math.tanh %add3A_19 : vector<2560x128xf32>
    %get3A_20 = arith.constant 0 : index
    %get3A_21 = arith.constant 0 : index
    %get3A_22 = vector.load %arg4[%get3A_20, %get3A_21] : memref<32x32xf32, #tpu.memory_space<vmem>>, vector<32x32xf32>
    %slice3A = vector.extract_strided_slice %tanh3A {offsets = [0, 0], sizes = [2560, 32], strides = [1, 1]} : vector<2560x128xf32> to vector<2560x32xf32>
    %dot_general3A = arith.constant dense<0.000000e+00> : vector<2560x32xf32>
    %dot_general3A_23 = tpu.matmul %slice3A, %get3A_22, %dot_general3A {dimension_numbers = #tpu.dot_dimension_numbers<[1], [0], [0], [1], [0, 0, 1, 1], [], []>, transpose_lhs_hint = false} : vector<2560x32xf32>, vector<32x32xf32>, vector<2560x32xf32> -> vector<2560x32xf32>
    %slice3A_24 = vector.extract_strided_slice %tanh3A {offsets = [0, 32], sizes = [2560, 32], strides = [1, 1]} : vector<2560x128xf32> to vector<2560x32xf32>
    %dot_general3A_25 = arith.constant dense<0.000000e+00> : vector<2560x32xf32>
    %dot_general3A_26 = tpu.matmul %slice3A_24, %get3A_22, %dot_general3A_25 {dimension_numbers = #tpu.dot_dimension_numbers<[1], [0], [0], [1], [0, 0, 1, 1], [], []>, transpose_lhs_hint = false} : vector<2560x32xf32>, vector<32x32xf32>, vector<2560x32xf32> -> vector<2560x32xf32>
    %slice3A_27 = vector.extract_strided_slice %tanh3A {offsets = [0, 64], sizes = [2560, 32], strides = [1, 1]} : vector<2560x128xf32> to vector<2560x32xf32>
    %dot_general3A_28 = arith.constant dense<0.000000e+00> : vector<2560x32xf32>
    %dot_general3A_29 = tpu.matmul %slice3A_27, %get3A_22, %dot_general3A_28 {dimension_numbers = #tpu.dot_dimension_numbers<[1], [0], [0], [1], [0, 0, 1, 1], [], []>, transpose_lhs_hint = false} : vector<2560x32xf32>, vector<32x32xf32>, vector<2560x32xf32> -> vector<2560x32xf32>
    %slice3A_30 = vector.extract_strided_slice %tanh3A {offsets = [0, 96], sizes = [2560, 32], strides = [1, 1]} : vector<2560x128xf32> to vector<2560x32xf32>
    %dot_general3A_31 = arith.constant dense<0.000000e+00> : vector<2560x32xf32>
    %dot_general3A_32 = tpu.matmul %slice3A_30, %get3A_22, %dot_general3A_31 {dimension_numbers = #tpu.dot_dimension_numbers<[1], [0], [0], [1], [0, 0, 1, 1], [], []>, transpose_lhs_hint = false} : vector<2560x32xf32>, vector<32x32xf32>, vector<2560x32xf32> -> vector<2560x32xf32>
    %concatenate3A = tpu.concatenate %dot_general3A_23, %dot_general3A_26, %dot_general3A_29, %dot_general3A_32 in 1 : vector<2560x32xf32>, vector<2560x32xf32>, vector<2560x32xf32>, vector<2560x32xf32> -> vector<2560x128xf32>
    %get3A_33 = arith.constant 0 : index
    %get3A_34 = arith.constant 0 : index
    %get3A_35 = vector.load %arg2[%get3A_33, %get3A_34] : memref<2560x128xf32, #tpu.memory_space<vmem>>, vector<2560x128xf32>
    %mul3A_36 = arith.mulf %concatenate3A, %get3A_35 : vector<2560x128xf32>
    %swap3A = arith.constant 0 : index
    %swap3A_37 = arith.constant 0 : index
    %swap3A_38 = vector.load %arg5[%swap3A, %swap3A_37] : memref<2560x128xf32, #tpu.memory_space<vmem>>, vector<2560x128xf32>
    tpu.vector_store %arg5[%swap3A, %swap3A_37], %mul3A_36 {strides = array<i32>} : memref<2560x128xf32, #tpu.memory_space<vmem>>, vector<2560x128xf32>,
    return
  }
}

module attributes {stable_mosaic.version = 14 : i64} {
  func.func @_final_body(%arg0: memref<2x2560x128xf32, #tpu.memory_space<vmem>>, %arg1: memref<2560x128xf32, #tpu.memory_space<vmem>>, %arg2: memref<2560x128xf32, #tpu.memory_space<vmem>>, %arg3: memref<1x32xf32, #tpu.memory_space<vmem>>, %arg4: memref<32x4xf32, #tpu.memory_space<vmem>>, %arg5: memref<1x4xf32, #tpu.memory_space<vmem>>, %arg6: memref<2560x16xf32, #tpu.memory_space<vmem>>) attributes {dimension_semantics = [], scalar_prefetch = 0 : i64, scratch_operands = 0 : i64, tpu.core_type = #tpu.core_type<tc>} {
    %get3A = arith.constant 0 : index
    %get3A_0 = arith.constant 0 : index
    %get3A_1 = vector.load %arg3[%get3A, %get3A_0] : memref<1x32xf32, #tpu.memory_space<vmem>>, vector<1x32xf32>
    %tile3A = tpu.concatenate %get3A_1, %get3A_1, %get3A_1, %get3A_1 in 1 : vector<1x32xf32>, vector<1x32xf32>, vector<1x32xf32>, vector<1x32xf32> -> vector<1x128xf32>
    %get3A_2 = arith.constant 0 : index
    %get3A_3 = arith.constant 0 : index
    %get3A_4 = arith.constant 0 : index
    %get3A_5 = vector.load %arg0[%get3A_2, %get3A_3, %get3A_4] : memref<2x2560x128xf32, #tpu.memory_space<vmem>>, vector<1x2560x128xf32>
    %get3A_6 = vector.shape_cast %get3A_5 : vector<1x2560x128xf32> to vector<2560x128xf32>
    %get3A_7 = arith.constant 1 : index
    %get3A_8 = arith.constant 0 : index
    %get3A_9 = arith.constant 0 : index
    %get3A_10 = vector.load %arg0[%get3A_7, %get3A_8, %get3A_9] : memref<2x2560x128xf32, #tpu.memory_space<vmem>>, vector<1x2560x128xf32>
    %get3A_11 = vector.shape_cast %get3A_10 : vector<1x2560x128xf32> to vector<2560x128xf32>
    %add3A = arith.addf %get3A_6, %get3A_11 : vector<2560x128xf32>
    %get3A_12 = arith.constant 0 : index
    %get3A_13 = arith.constant 0 : index
    %get3A_14 = vector.load %arg1[%get3A_12, %get3A_13] : memref<2560x128xf32, #tpu.memory_space<vmem>>, vector<2560x128xf32>
    %sub3A = arith.subf %add3A, %get3A_14 : vector<2560x128xf32>
    %get3A_15 = arith.constant 0 : index
    %get3A_16 = arith.constant 0 : index
    %get3A_17 = vector.load %arg2[%get3A_15, %get3A_16] : memref<2560x128xf32, #tpu.memory_space<vmem>>, vector<2560x128xf32>
    %mul3A = arith.mulf %sub3A, %get3A_17 : vector<2560x128xf32>
    %add3A_18 = vector.broadcast %tile3A : vector<1x128xf32> to vector<2560x128xf32>
    %add3A_19 = arith.addf %mul3A, %add3A_18 : vector<2560x128xf32>
    %tanh3A = math.tanh %add3A_19 : vector<2560x128xf32>
    %get3A_20 = arith.constant 0 : index
    %get3A_21 = arith.constant 0 : index
    %get3A_22 = vector.load %arg4[%get3A_20, %get3A_21] : memref<32x4xf32, #tpu.memory_space<vmem>>, vector<32x4xf32>
    %slice3A = vector.extract_strided_slice %tanh3A {offsets = [0, 0], sizes = [2560, 32], strides = [1, 1]} : vector<2560x128xf32> to vector<2560x32xf32>
    %dot_general3A = arith.constant dense<0.000000e+00> : vector<2560x4xf32>
    %dot_general3A_23 = tpu.matmul %slice3A, %get3A_22, %dot_general3A {dimension_numbers = #tpu.dot_dimension_numbers<[1], [0], [0], [1], [0, 0, 1, 1], [], []>, transpose_lhs_hint = false} : vector<2560x32xf32>, vector<32x4xf32>, vector<2560x4xf32> -> vector<2560x4xf32>
    %slice3A_24 = vector.extract_strided_slice %tanh3A {offsets = [0, 32], sizes = [2560, 32], strides = [1, 1]} : vector<2560x128xf32> to vector<2560x32xf32>
    %dot_general3A_25 = arith.constant dense<0.000000e+00> : vector<2560x4xf32>
    %dot_general3A_26 = tpu.matmul %slice3A_24, %get3A_22, %dot_general3A_25 {dimension_numbers = #tpu.dot_dimension_numbers<[1], [0], [0], [1], [0, 0, 1, 1], [], []>, transpose_lhs_hint = false} : vector<2560x32xf32>, vector<32x4xf32>, vector<2560x4xf32> -> vector<2560x4xf32>
    %slice3A_27 = vector.extract_strided_slice %tanh3A {offsets = [0, 64], sizes = [2560, 32], strides = [1, 1]} : vector<2560x128xf32> to vector<2560x32xf32>
    %dot_general3A_28 = arith.constant dense<0.000000e+00> : vector<2560x4xf32>
    %dot_general3A_29 = tpu.matmul %slice3A_27, %get3A_22, %dot_general3A_28 {dimension_numbers = #tpu.dot_dimension_numbers<[1], [0], [0], [1], [0, 0, 1, 1], [], []>, transpose_lhs_hint = false} : vector<2560x32xf32>, vector<32x4xf32>, vector<2560x4xf32> -> vector<2560x4xf32>
    %slice3A_30 = vector.extract_strided_slice %tanh3A {offsets = [0, 96], sizes = [2560, 32], strides = [1, 1]} : vector<2560x128xf32> to vector<2560x32xf32>
    %dot_general3A_31 = arith.constant dense<0.000000e+00> : vector<2560x4xf32>
    %dot_general3A_32 = tpu.matmul %slice3A_30, %get3A_22, %dot_general3A_31 {dimension_numbers = #tpu.dot_dimension_numbers<[1], [0], [0], [1], [0, 0, 1, 1], [], []>, transpose_lhs_hint = false} : vector<2560x32xf32>, vector<32x4xf32>, vector<2560x4xf32> -> vector<2560x4xf32>
    %concatenate3A = tpu.concatenate %dot_general3A_23, %dot_general3A_26, %dot_general3A_29, %dot_general3A_32 in 1 : vector<2560x4xf32>, vector<2560x4xf32>, vector<2560x4xf32>, vector<2560x4xf32> -> vector<2560x16xf32>
    %get3A_33 = arith.constant 0 : index
    %get3A_34 = arith.constant 0 : index
    %get3A_35 = vector.load %arg5[%get3A_33, %get3A_34] : memref<1x4xf32, #tpu.memory_space<vmem>>, vector<1x4xf32>
    %tile3A_36 = tpu.concatenate %get3A_35, %get3A_35, %get3A_35, %get3A_35 in 1 : vector<1x4xf32>, vector<1x4xf32>, vector<1x4xf32>, vector<1x4xf32> -> vector<1x16xf32>
    %add3A_37 = vector.broadcast %tile3A_36 : vector<1x16xf32> to vector<2560x16xf32>
    %add3A_38 = arith.addf %concatenate3A, %add3A_37 : vector<2560x16xf32>
    %swap3A = arith.constant 0 : index
    %swap3A_39 = arith.constant 0 : index
    %swap3A_40 = vector.load %arg6[%swap3A, %swap3A_39] : memref<2560x16xf32, #tpu.memory_space<vmem>>, vector<2560x16xf32>
    tpu.vector_store %arg6[%swap3A, %swap3A_39], %add3A_38 {strides = array<i32>} : memref<2560x16xf32, #tpu.memory_space<vmem>>, vector<2560x16xf32>,
    return
  }
}

</mosaic_0001>

<sc_bundles>
// kernel: kernel.10.cloned.1.call-start
scs
__scs_entry_jumppad:
0x0: {  	(pc) =	sbr.rel $0x88, $3  }
0x1: {  	(tag) =	ssettag $0x0;
	lr =	simm.s32 $0x1  }
0x2: {  	[smem:$0x3F97] =	sst lr;
	_ =	strace $0xD0000000  }
0x3: {  	_ = 	snop  }
0x4: {  	_ = 	snop  }
0x5: {  	_ = 	snop  }
0x6: {  	_ = 	snop  }
0x7: {  	_ = 	snop  }
__scs_overlays_trampoline_lowered:
0x8: {  	[smem:$0x3FA6] =	sst s0  }
0x9: {  	[smem:$0x3FA7] =	sst s1  }
0xa: {  	[smem:$0x3FA8] =	sst s2  }
0xb: {  	[smem:$0x3FA9] =	sst s3  }
0xc: {  	[smem:$0x3FAA] =	sst s4  }
0xd: {  	[smem:$0x3FAB] =	sst s5  }
0xe: {  	[smem:$0x3FAC] =	sst s6  }
0xf: {  	[smem:$0x3FAD] =	sst s7  }
0x10: {  	[smem:$0x3FAE] =	sst s8  }
0x11: {  	[smem:$0x3FAF] =	sst s9;
	s0 =	simm.s32 @!p0 $0x0  }
0x12: {  	s1 =	sld [smem:$0x3F95];
	s0 =	simm.s32 @p0 $0x1  }
0x13: {  	[smem:$0x3FB0] =	sst s0;
	s0 =	simm.s32 @!p1 $0x0  }
0x14: {  	s2 =	sld [smem:$0x3F94];
	s0 =	simm.s32 @p1 $0x1  }
0x15: {  	[smem:$0x3FB1] =	sst s0;
	s0 =	simm.s32 @!p2 $0x0  }
0x16: {  	s3 =	sld [smem:$0x3FDB];
	s0 =	simm.s32 @p2 $0x1  }
0x17: {  	s4 =	simm.s32 $0x1BF5;
	[smem:$0x3FB3] =	sst s0  }
0x18: {  	s0 =	sld [smem:$0x3F96];
	_ =	swait.ge [sflag:s4], $0x0  }
0x19: {  	s7 =	sld [smem:$0x3F97]  }
0x1a: {  	s8 =	sadd.s32 $0xFFFFE003, lr  }
0x1b: {  	s9 =	sadd.s32 $0xFFFFFEF7, lr;
	s5 =	simm.s32 $0xFFFFFFFF;
	p2 =	slt.u32 s8, $0xFFFFF086  }
0x1c: {  	p1 =	slt.u32 s9, $0xF7A;
	s5 =	simm.s32 @!p2 $0x0  }
0x1d: {  	s5 =	simm.s32 @p1 $0x1;
	p0 =	seq.s32 s7, s2  }
0x1e: {  	s7 =	smul.u32 @!p0 $0xF7A, s2;
	p2 =	seq.s32 @!p0 s5, $0x0  }
0x1f: {  	s9 =	smul.u32 $0xF7A, s1;
	s8 =	simm.s32 @!p0 $0x1BF5;
	p2 =	por !p2, p0  }
0x20: {  	[sflag:s8] =	ssyncset.s32 @!p0 $0xFFFFF086;
	s6 =	sadd.s32 @!p0 s3, s7;
	s7 =	simm.s32 @!p0 $0x108  }
0x21: {  	s3 =	sadd.s32 s3, s9;
	s6 =	sadd.s32 @!p0 $0x88, s6;
	s7 =	simm.s32 @p2 $0x1082  }
0x22: {  	[simem:s7], [sflag:s8] =	dma.local @!p0 [hbm:s6], $0xF7A  }
0x23: {  	s9 =	sor.u32 $0xD0000000, s2;
	s6 =	simm.s32 $0x108;
	_ =	swait.ge @!p0 [sflag:s8], $0x0  }
0x24: {  	s3 =	sadd.s32 $0x88, s3;
	s6 =	simm.s32 @!p1 $0x1082;
	[sflag:s4] =	ssyncset.s32 $0xFFFFF086  }
0x25: {  	[simem:s6], [sflag:s4] =	dma.local [hbm:s3], $0xF7A  }
0x26: {  	[smem:$0x3F97] =	sst s1;
	(tag) =	ssettag s2;
	_ =	strace s9  }
0x27: {  	s1 =	sld [smem:$0x3FA7]  }
0x28: {  	s2 =	sld [smem:$0x3FA8]  }
0x29: {  	s4 =	sld [smem:$0x3FAA]  }
0x2a: {  	p0 =	seq.s32 s5, $0x0;
	s5 =	sld [smem:$0x3FAB]  }
0x2b: {  	s6 =	sld [smem:$0x3FAC]  }
0x2c: {  	s7 =	sld [smem:$0x3FAD]  }
0x2d: {  	s3 =	simm.s32 $0x108;
	s8 =	sld [smem:$0x3FAE]  }
0x2e: {  	s3 =	simm.s32 @!p0 $0x1082;
	s9 =	sld [smem:$0x3FAF]  }
0x2f: {  	lr =	sadd.s32 s0, s3;
	s0 =	sld [smem:$0x3FA6]  }
0x30: {  	s3 =	sld [smem:$0x3FA9]  }
0x31: {  	[smem:$0x3FB2] =	sst s10  }
0x32: {  	s10 =	sld [smem:$0x3FB0];
	_ =	sdelay $0x3  }
0x33: {  	p0 =	seq.s32 s10, $0x1;
	s10 =	sld [smem:$0x3FB2];
	_ =	sdelay $0x3  }
0x34: {  	[smem:$0x3FB2] =	sst s10  }
0x35: {  	s10 =	sld [smem:$0x3FB1];
	_ =	sdelay $0x3  }
0x36: {  	p1 =	seq.s32 s10, $0x1;
	s10 =	sld [smem:$0x3FB2];
	_ =	sdelay $0x3  }
0x37: {  	[smem:$0x3FB2] =	sst s10  }
0x38: {  	s10 =	sld [smem:$0x3FB3]  }
0x39: {  	_ = 	snop;
	(pc) =	sbr.ind lr, $3  }
0x3a: {  	_ = 	snop  }
0x3b: {  	_ = 	snop  }
0x3c: {  	p2 =	seq.s32 s10, $0x1;
	s10 =	sld [smem:$0x3FB2]  }
0x3d: {  	_ =	shalt  }
0x3e: {  	_ =	shalt  }
0x3f: {  	_ =	shalt  }
0x40: {  	_ =	shalt  }
0x41: {  	_ =	shalt  }
0x42: {  	_ =	shalt  }
0x43: {  	_ =	shalt  }
0x44: {  	_ =	shalt  }
0x45: {  	_ =	shalt  }
0x46: {  	_ =	shalt  }
0x47: {  	_ =	shalt  }
0x48: {  	_ =	shalt  }
0x49: {  	_ =	shalt  }
0x4a: {  	_ =	shalt  }
0x4b: {  	_ =	shalt  }
0x4c: {  	_ =	shalt  }
0x4d: {  	_ =	shalt  }
0x4e: {  	_ =	shalt  }
0x4f: {  	_ =	shalt  }
0x50: {  	_ =	shalt  }
0x51: {  	_ =	shalt  }
0x52: {  	_ =	shalt  }
0x53: {  	_ =	shalt  }
0x54: {  	_ =	shalt  }
0x55: {  	_ =	shalt  }
0x56: {  	_ =	shalt  }
0x57: {  	_ =	shalt  }
0x58: {  	_ =	shalt  }
0x59: {  	_ =	shalt  }
0x5a: {  	_ =	shalt  }
0x5b: {  	_ =	shalt  }
0x5c: {  	_ =	shalt  }
0x5d: {  	_ =	shalt  }
0x5e: {  	_ =	shalt  }
0x5f: {  	_ =	shalt  }
0x60: {  	_ =	shalt  }
0x61: {  	_ =	shalt  }
0x62: {  	_ =	shalt  }
0x63: {  	_ =	shalt  }
0x64: {  	_ =	shalt  }
0x65: {  	_ =	shalt  }
0x66: {  	_ =	shalt  }
0x67: {  	_ =	shalt  }
0x68: {  	_ =	shalt  }
0x69: {  	_ =	shalt  }
0x6a: {  	_ =	shalt  }
0x6b: {  	_ =	shalt  }
0x6c: {  	_ =	shalt  }
0x6d: {  	_ =	shalt  }
0x6e: {  	_ =	shalt  }
0x6f: {  	_ =	shalt  }
0x70: {  	_ =	shalt  }
0x71: {  	_ =	shalt  }
0x72: {  	_ =	shalt  }
0x73: {  	_ =	shalt  }
0x74: {  	_ =	shalt  }
0x75: {  	_ =	shalt  }
0x76: {  	_ =	shalt  }
0x77: {  	_ =	shalt  }
0x78: {  	_ =	shalt  }
0x79: {  	_ =	shalt  }
0x7a: {  	_ =	shalt  }
0x7b: {  	_ =	shalt  }
0x7c: {  	_ =	shalt  }
0x7d: {  	_ =	shalt  }
0x7e: {  	_ =	shalt  }
0x7f: {  	_ =	shalt  }
0x80: {  	_ =	shalt  }
0x81: {  	_ =	shalt  }
0x82: {  	_ =	shalt  }
0x83: {  	_ =	shalt  }
0x84: {  	_ =	shalt  }
0x85: {  	_ =	shalt  }
0x86: {  	_ =	shalt  }
0x87: {  	_ =	shalt  }
.Lfunc_end0:
.L_simem_size_0:
called_computation_lowered:
.L_overlay_start_0:
0x88: {  	s2 =	sld [smem:$0x3FD9]  }
0x89: {  	s3 =	sld [smem:$0x3FFE];
	_ =	sdelay $0x1  }
0x8a: {  	s1 =	srdreg.scid  }
0x8b: {  	s0 =	sand.u32 $0x1, s1  }
0x8c: {  	s17 =	sshll.u32 s0, $0xA;
	s2 =	sadd.s32 s3, s2  }
0x8d: {  	s2 =	sadd.s32 s2, s17  }
0x8e: {  	[smem:$0x3FBE] =	sst s2  }
0x8f: {  	_ = 	snop  }
0x90: {  	s2 =	sld [smem:$0x3FD0];
	(tm) =	ssettm $0x1  }
0x91: {  	s18 =	sld [smem:$0x3FFB];
	_ =	sdelay $0x3  }
0x92: {  	_ =	strace s18  }
0x93: {  	s3 =	sld [smem:$0x3FFC];
	_ =	sdelay $0x3  }
0x94: {  	_ =	strace s3  }
0x95: {  	s3 =	sld [smem:$0x3FFD];
	_ =	sdelay $0x3  }
0x96: {  	_ =	strace s3  }
0x97: {  	_ =	strace $0x8FFFFFFF  }
0x98: {  	s19 =	sld [smem:$0x3FDB];
	_ =	sdelay $0x1  }
0x99: {  	s4 =	simm.s32 $_scs_section_size  }
0x9a: {  	s5 =	simm.s32 $_size__tile_overlayer_lowered;
	s6 =	simm.s32 $_tile_overlayer_lowered  }
0x9b: {  	s22 =	simm.s32 $0x1BFF;
	s21 =	sshll.u32 s6, $0x1;
	s3 =	sadd.s32 s4, s19  }
0x9c: {  	s7 =	simm.s32 $0x0;
	s20 =	sshll.u32 s5, $0x1;
	s5 =	sadd.s32 s21, s3  }
0x9d: {  	[timem:s7], [sflag:s22] =	dma.local [hbm:s5], s20  }
0x9e: {  	_ =	swait.ge [sflag:s22], s20  }
0x9f: {  	s4 =	ssub.s32 $0x0, s20;
	[sflag:s22] =	ssyncset.done $0x0  }
0xa0: {  	[sflag:s22] =	ssyncadd.s32 s4;
	_ =	sdelay $0x1  }
0xa1: {  	s23 =	simm.s32 $0x1B8B  }
0xa2: {  	_ =	swait.ge [sflag:s23], $0x1  }
0xa3: {  	[sflag:s23] =	ssyncset.done $0x0  }
0xa4: {  	s25 =	simm.s32 $0x1B8E;
	s24 =	sld [smem:$0x3FFE];
	[sflag:s23] =	ssyncadd.s32 $0xFFFFFFFF  }
0xa5: {  	s26 =	simm.s32 $execute0_lowered;
	[smem:$0x3FD2] =	sst s25  }
0xa6: {  	s5 =	sshll.u32 s26, $0x1;
	_ =	strace $0x80000046;
	[dreg:$0x1] =	wrdreg $0xFFFFFFFF  }
0xa7: {  	s28 =	simm.s32 $_size_execute0_lowered;
	s3 =	sadd.s32 s3, s5;
	[dreg:$0x0] =	wrdreg $0x0  }
0xa8: {  	s5 =	sshll.u32 s28, $0x1;
	[dreg:$0x2] =	wrdreg s3  }
0xa9: {  	[dreg:$0x3] =	wrdreg s5  }
0xaa: {  	[dreg:$0x4] =	wrdreg $0xC0  }
0xab: {  	_ =	task [dreg:s7], $0x5FFFF  }
0xac: {  	[dreg:$0x1] =	wrdreg $0xFFFFFFFF  }
0xad: {  	[dreg:$0x0] =	wrdreg $0x60  }
0xae: {  	[dreg:$0x2] =	wrdreg s24  }
0xaf: {  	[dreg:$0x3] =	wrdreg s2  }
0xb0: {  	[dreg:$0x4] =	wrdreg $0x28800  }
0xb1: {  	[dreg:$0x5] =	wrdreg $0x9  }
0xb2: {  	_ =	task.clear_ibuf [dreg:s7], $0x6FFFF;
	_ =	strace $0x90000046  }
0xb3: {  	s29 =	simm.s32 $0x9;
	_ =	strace $0x80000048  }
0xb4: {  	_ =	swait.ge [sflag:s29], $0x1  }
0xb5: {  	[sflag:s29] =	ssyncadd.s32 $0xFFFFFFFF  }
0xb6: {  	_ =	strace $0x90000048  }
0xb7: {  	_ =	sfence  }
0xb8: {  	s30 =	sld [smem:$0x0];
	_ =	sdelay $0x2  }
0xb9: {  	s31 =	sshll.u32 s1, $0xD;
	s1 =	sshrl.u32 s1, $0x2  }
0xba: {  	s3 =	sand.u32 $0x4000, s31;
	s1 =	sadd.s32 s1, s30  }
0xbb: {  	s0 =	sor.u32 s3, s0;
	s1 =	sshll.u32 s1, $0x11  }
0xbc: {  	s0 =	sor.u32 s1, s0  }
0xbd: {  	s0 =	sadd.s32 $0x8F2B, s0  }
0xbe: {  	[sflag:s0] =	ssyncadd.remote.s32 $0x1  }
0xbf: {  	_ =	sfence.sel $0xFFFF  }
0xc0: {  	[dreg:$0x0] =	wrdreg $0xFFFFFFFF;
	(pc) =	sbr.abs _section_cstart, $3  }
0xc1: {  	[dreg:$0x1] =	wrdreg $0xFFFFFFFF  }
0xc2: {  	_ =	task.clear_ibuf [dreg:s7], $0x2FFFF;
	_ =	strace $0x9FFFFFFF  }
0xc3: {  	(tm) =	ssettm $0x7FFFFFFF  }
tec
execute0_lowered:
.L_overlay_start_1:
0x0: {  	(tag) =	ssettag $0x1  }
0x1: {  	s4 =	rddreg [dreg:$0x0]  }
0x2: {  	s6 =	rddreg [dreg:$0x1]  }
0x3: {  	s0 =	srdreg.scid;
	s2 =	rddreg [dreg:$0x2];
	s3 =	simm.s32 $0x0  }
0x4: {  	s5 =	sand.u32 $0x1, s0;
	s0 =	stileid.u32;
	[smem:$0x7FF] =	sst s3  }
0x5: {  	s1 =	sshll.u32 s5, $0x4;
	s8 =	smul.u32 $0x280, s0;
	s9 =	ssub.s32 $0x2, s5  }
0x6: {  	s11 =	smul.u32 $0x500, s5;
	s31 =	sshll.u32 s0, $0x6;
	s7 =	sor.u32 s0, s1  }
0x7: {  	s1 =	rddreg [dreg:$0x3];
	_ =	strace $0x80000047;
	s30 =	sshrl.u32 s9, $0x1  }
0x8: {  	s7 =	smul.u32 $0x500, s7;
	s13 =	sshrl.u32 s8, $0x3;
	s9 =	ssub.s32 s9, s30  }
0x9: {  	s12 =	sadd.s32 s8, s2;
	s14 =	sadd.s32 s6, s11;
	s8 =	sor.u32 $0x1C02, s31  }
0xa: {  	s11 =	simm.s32 $0x2800;
	s10 =	sadd.s32 s13, s4;
	s6 =	smax.u32 s9, $0x1  }
0xb: {  	s9 =	sshrl.u32 s12, $0x3;
	s12 =	simm.s32 $0x1;
	s13 =	sadd.s32 s13, s14  }
0xc: {  	s14 =	simm.s32 $0x0;
	s7 =	sadd.s32 s7, s4;
	s5 =	sadd.s32 $0xD400, s10  }
0xd: {  	v0 =	vimm.f32 $1.000000000e+00;
	s10 =	simm.s32 $0x7D;
	s4 =	sadd.s32 $0x3400, s7;
	s7 =	simm.s32 $0x2  }
.LBB2_1:
0xe: {  	[tilespmem:$0x2800] =	vst v0  }
0xf: {  	[tilespmem:$0x2810] =	vst v0  }
0x10: {  	[tilespmem:$0x2820] =	vst v0  }
0x11: {  	[tilespmem:$0x2830] =	vst v0  }
0x12: {  	[tilespmem:$0x2840] =	vst v0  }
0x13: {  	[tilespmem:$0x2850] =	vst v0  }
0x14: {  	[tilespmem:$0x2860] =	vst v0  }
0x15: {  	[tilespmem:$0x286D] =	vst v0  }
0x16: {  	[tilespmem:s3], [sflag:$0x2] =	stream.linear.gather [hbm4b:s4+s3], $0x2800, $0x38;
	[tilespmem:$0x2B00] =	vst v63  }
0x17: {  	_ =	swait.ge [sflag:s7], $0x2800  }
0x18: {  	[sflag:s7] =	ssyncset.done $0x0  }
0x19: {  	[sflag:s7] =	ssyncadd.s32 $0xFFFFD800  }
0x1a: {  	[spmem:s9], [sflag:s8] =	dma.local [hbm:s5], $0x50  }
0x1b: {  	_ =	swait.ge [sflag:s7], $0x50  }
0x1c: {  	[sflag:s7] =	ssyncset.done $0x0  }
0x1d: {  	[sflag:s7] =	ssyncadd.s32 $0xFFFFFFB0  }
0x1e: {  	s15 =	simm.s32 $0x0;
	[bflag:$0x0] =	sbarrier.arrive $0xFFFF  }
.LBB2_2:
0x1f: {  	p0 =	sne.s32 s15, $0x9E00  }
.Ltmp0:
0x20: {  	_ = 	snop;
	(pc) =	sbr.rel @p0 .LBB2_2-.Ltmp0, $3  }
0x21: {  	_ =	sdelay $0x1  }
0x22: {  	s16 =	sshra.s32 s15, $0x2;
	s15 =	sadd.s32 $0x200, s15  }
0x23: {  	[spmem:s2] =	stream.indirect.scatter.add.f32 [tilespmem:s11], [sflag:$0x1], $0x1, s16, s10, $0xb8;
	[tilespmem:$0x2B00] =	vst v63  }
0x24: {  	_ =	swait.ge [sflag:s12], $0x7D  }
0x25: {  	s15 =	simm.s32 $0x4F;
	[sflag:s12] =	ssyncset.done $0x0  }
.LBB2_4:
0x26: {  	p0 =	sne.s32 s15, $0x1;
	s15 =	sadd.s32 $0xFFFFFFFF, s15;
	[sflag:s12] =	ssyncadd.s32 $0xFFFFFF83  }
.Ltmp1:
0x27: {  	(pc) =	sbr.rel @p0 .LBB2_4-.Ltmp1, $3  }
0x28: {  	_ =	sdelay $0x1  }
0x29: {  	_ =	swait.ge [sflag:s12], $0x7D  }
0x2a: {  	[sflag:s12] =	ssyncset.done $0x0  }
0x2b: {  	s14 =	sadd.s32 $0x1, s14  }
0x2c: {  	[sflag:s12] =	ssyncadd.s32 $0xFFFFFF83;
	p0 =	sne.s32 s14, s6  }
.Ltmp2:
0x2d: {  	[bflag:$0x0] =	sbarrier.arrive $0xFFFF;
	(pc) =	sbr.rel @p0 .LBB2_1-.Ltmp2, $4  }
0x2e: {  	[hbm:s13], [sflag:s8] =	dma.local [spmem:s9], $0x50  }
0x2f: {  	_ =	swait.ge [sflag:s7], $0x50  }
0x30: {  	[sflag:s7] =	ssyncset.done $0x0  }
0x31: {  	[sflag:s7] =	ssyncadd.s32 $0xFFFFFFB0  }
0x32: {  	_ =	sfence.sel $0x180000  }
0x33: {  	[bflag:$0x0] =	sbarrier.arrive $0xFFFF  }
0x34: {  	p0 =	sne.s32 s0, $0x0;
	_ =	strace $0x90000047  }
0x35: {  	s0 =	sadd.s32 @!p0 $0x100000, s1;
	[bflag:$0x2] =	sbarrier.arrive $0xFFFF  }
0x36: {  	[sflag:s0] =	ssyncadd.tile.s32 @!p0 $0x1;
	_ =	shalt  }
.Lfunc_end2:
_tile_overlayer_lowered:
.L_overlay_start_2:
0x37: {  	(tag) =	ssettag $0x2  }
0x38: {  	s0 =	rddreg [dreg:$0x0];
	s2 =	stileid.u32  }
0x39: {  	s1 =	rddreg [dreg:$0x1];
	p0 =	sne.s32 s2, $0x0  }
0x3a: {  	s3 =	rddreg [dreg:$0x2];
	[bflag:$0x3] =	sbarrier.arrive $0xFFFF;
	s2 =	simm.s32 @!p0 $0x1C02  }
0x3b: {  	[timem:s3], [sflag:s2] =	dma.local @!p0 [hbm:s0], s1  }
0x3c: {  	s0 =	simm.s32 @!p0 $0x2  }
0x3d: {  	_ =	swait.ge @!p0 [sflag:s0], s1  }
0x3e: {  	s1 =	ssub.s32 @!p0 $0x0, s1;
	[sflag:s0] =	ssyncset.done @!p0 $0x0  }
0x3f: {  	[sflag:s0] =	ssyncadd.s32 @!p0 s1  }
0x40: {  	[bflag:$0x3] =	sbarrier.arrive $0xFFFF  }
0x41: {  	_ =	shalt  }

// kernel: kernel.13.cloned.1.call-start
scs
__scs_entry_jumppad:
0x0: {  	(pc) =	sbr.rel $0x88, $3  }
0x1: {  	(tag) =	ssettag $0x0;
	lr =	simm.s32 $0x1  }
0x2: {  	[smem:$0x3F97] =	sst lr;
	_ =	strace $0xD0000000  }
0x3: {  	_ = 	snop  }
0x4: {  	_ = 	snop  }
0x5: {  	_ = 	snop  }
0x6: {  	_ = 	snop  }
0x7: {  	_ = 	snop  }
__scs_overlays_trampoline_lowered:
0x8: {  	[smem:$0x3FA6] =	sst s0  }
0x9: {  	[smem:$0x3FA7] =	sst s1  }
0xa: {  	[smem:$0x3FA8] =	sst s2  }
0xb: {  	[smem:$0x3FA9] =	sst s3  }
0xc: {  	[smem:$0x3FAA] =	sst s4  }
0xd: {  	[smem:$0x3FAB] =	sst s5  }
0xe: {  	[smem:$0x3FAC] =	sst s6  }
0xf: {  	[smem:$0x3FAD] =	sst s7  }
0x10: {  	[smem:$0x3FAE] =	sst s8  }
0x11: {  	[smem:$0x3FAF] =	sst s9;
	s0 =	simm.s32 @!p0 $0x0  }
0x12: {  	s1 =	sld [smem:$0x3F95];
	s0 =	simm.s32 @p0 $0x1  }
0x13: {  	[smem:$0x3FB0] =	sst s0;
	s0 =	simm.s32 @!p1 $0x0  }
0x14: {  	s2 =	sld [smem:$0x3F94];
	s0 =	simm.s32 @p1 $0x1  }
0x15: {  	[smem:$0x3FB1] =	sst s0;
	s0 =	simm.s32 @!p2 $0x0  }
0x16: {  	s3 =	sld [smem:$0x3FDB];
	s0 =	simm.s32 @p2 $0x1  }
0x17: {  	s4 =	simm.s32 $0x1BF5;
	[smem:$0x3FB3] =	sst s0  }
0x18: {  	s0 =	sld [smem:$0x3F96];
	_ =	swait.ge [sflag:s4], $0x0  }
0x19: {  	s7 =	sld [smem:$0x3F97]  }
0x1a: {  	s8 =	sadd.s32 $0xFFFFE003, lr  }
0x1b: {  	s9 =	sadd.s32 $0xFFFFFEF7, lr;
	s5 =	simm.s32 $0xFFFFFFFF;
	p2 =	slt.u32 s8, $0xFFFFF086  }
0x1c: {  	p1 =	slt.u32 s9, $0xF7A;
	s5 =	simm.s32 @!p2 $0x0  }
0x1d: {  	s5 =	simm.s32 @p1 $0x1;
	p0 =	seq.s32 s7, s2  }
0x1e: {  	s7 =	smul.u32 @!p0 $0xF7A, s2;
	p2 =	seq.s32 @!p0 s5, $0x0  }
0x1f: {  	s9 =	smul.u32 $0xF7A, s1;
	s8 =	simm.s32 @!p0 $0x1BF5;
	p2 =	por !p2, p0  }
0x20: {  	[sflag:s8] =	ssyncset.s32 @!p0 $0xFFFFF086;
	s6 =	sadd.s32 @!p0 s3, s7;
	s7 =	simm.s32 @!p0 $0x108  }
0x21: {  	s3 =	sadd.s32 s3, s9;
	s6 =	sadd.s32 @!p0 $0x88, s6;
	s7 =	simm.s32 @p2 $0x1082  }
0x22: {  	[simem:s7], [sflag:s8] =	dma.local @!p0 [hbm:s6], $0xF7A  }
0x23: {  	s9 =	sor.u32 $0xD0000000, s2;
	s6 =	simm.s32 $0x108;
	_ =	swait.ge @!p0 [sflag:s8], $0x0  }
0x24: {  	s3 =	sadd.s32 $0x88, s3;
	s6 =	simm.s32 @!p1 $0x1082;
	[sflag:s4] =	ssyncset.s32 $0xFFFFF086  }
0x25: {  	[simem:s6], [sflag:s4] =	dma.local [hbm:s3], $0xF7A  }
0x26: {  	[smem:$0x3F97] =	sst s1;
	(tag) =	ssettag s2;
	_ =	strace s9  }
0x27: {  	s1 =	sld [smem:$0x3FA7]  }
0x28: {  	s2 =	sld [smem:$0x3FA8]  }
0x29: {  	s4 =	sld [smem:$0x3FAA]  }
0x2a: {  	p0 =	seq.s32 s5, $0x0;
	s5 =	sld [smem:$0x3FAB]  }
0x2b: {  	s6 =	sld [smem:$0x3FAC]  }
0x2c: {  	s7 =	sld [smem:$0x3FAD]  }
0x2d: {  	s3 =	simm.s32 $0x108;
	s8 =	sld [smem:$0x3FAE]  }
0x2e: {  	s3 =	simm.s32 @!p0 $0x1082;
	s9 =	sld [smem:$0x3FAF]  }
0x2f: {  	lr =	sadd.s32 s0, s3;
	s0 =	sld [smem:$0x3FA6]  }
0x30: {  	s3 =	sld [smem:$0x3FA9]  }
0x31: {  	[smem:$0x3FB2] =	sst s10  }
0x32: {  	s10 =	sld [smem:$0x3FB0];
	_ =	sdelay $0x3  }
0x33: {  	p0 =	seq.s32 s10, $0x1;
	s10 =	sld [smem:$0x3FB2];
	_ =	sdelay $0x3  }
0x34: {  	[smem:$0x3FB2] =	sst s10  }
0x35: {  	s10 =	sld [smem:$0x3FB1];
	_ =	sdelay $0x3  }
0x36: {  	p1 =	seq.s32 s10, $0x1;
	s10 =	sld [smem:$0x3FB2];
	_ =	sdelay $0x3  }
0x37: {  	[smem:$0x3FB2] =	sst s10  }
0x38: {  	s10 =	sld [smem:$0x3FB3]  }
0x39: {  	_ = 	snop;
	(pc) =	sbr.ind lr, $3  }
0x3a: {  	_ = 	snop  }
0x3b: {  	_ = 	snop  }
0x3c: {  	p2 =	seq.s32 s10, $0x1;
	s10 =	sld [smem:$0x3FB2]  }
0x3d: {  	_ =	shalt  }
0x3e: {  	_ =	shalt  }
0x3f: {  	_ =	shalt  }
0x40: {  	_ =	shalt  }
0x41: {  	_ =	shalt  }
0x42: {  	_ =	shalt  }
0x43: {  	_ =	shalt  }
0x44: {  	_ =	shalt  }
0x45: {  	_ =	shalt  }
0x46: {  	_ =	shalt  }
0x47: {  	_ =	shalt  }
0x48: {  	_ =	shalt  }
0x49: {  	_ =	shalt  }
0x4a: {  	_ =	shalt  }
0x4b: {  	_ =	shalt  }
0x4c: {  	_ =	shalt  }
0x4d: {  	_ =	shalt  }
0x4e: {  	_ =	shalt  }
0x4f: {  	_ =	shalt  }
0x50: {  	_ =	shalt  }
0x51: {  	_ =	shalt  }
0x52: {  	_ =	shalt  }
0x53: {  	_ =	shalt  }
0x54: {  	_ =	shalt  }
0x55: {  	_ =	shalt  }
0x56: {  	_ =	shalt  }
0x57: {  	_ =	shalt  }
0x58: {  	_ =	shalt  }
0x59: {  	_ =	shalt  }
0x5a: {  	_ =	shalt  }
0x5b: {  	_ =	shalt  }
0x5c: {  	_ =	shalt  }
0x5d: {  	_ =	shalt  }
0x5e: {  	_ =	shalt  }
0x5f: {  	_ =	shalt  }
0x60: {  	_ =	shalt  }
0x61: {  	_ =	shalt  }
0x62: {  	_ =	shalt  }
0x63: {  	_ =	shalt  }
0x64: {  	_ =	shalt  }
0x65: {  	_ =	shalt  }
0x66: {  	_ =	shalt  }
0x67: {  	_ =	shalt  }
0x68: {  	_ =	shalt  }
0x69: {  	_ =	shalt  }
0x6a: {  	_ =	shalt  }
0x6b: {  	_ =	shalt  }
0x6c: {  	_ =	shalt  }
0x6d: {  	_ =	shalt  }
0x6e: {  	_ =	shalt  }
0x6f: {  	_ =	shalt  }
0x70: {  	_ =	shalt  }
0x71: {  	_ =	shalt  }
0x72: {  	_ =	shalt  }
0x73: {  	_ =	shalt  }
0x74: {  	_ =	shalt  }
0x75: {  	_ =	shalt  }
0x76: {  	_ =	shalt  }
0x77: {  	_ =	shalt  }
0x78: {  	_ =	shalt  }
0x79: {  	_ =	shalt  }
0x7a: {  	_ =	shalt  }
0x7b: {  	_ =	shalt  }
0x7c: {  	_ =	shalt  }
0x7d: {  	_ =	shalt  }
0x7e: {  	_ =	shalt  }
0x7f: {  	_ =	shalt  }
0x80: {  	_ =	shalt  }
0x81: {  	_ =	shalt  }
0x82: {  	_ =	shalt  }
0x83: {  	_ =	shalt  }
0x84: {  	_ =	shalt  }
0x85: {  	_ =	shalt  }
0x86: {  	_ =	shalt  }
0x87: {  	_ =	shalt  }
.Lfunc_end0:
.L_simem_size_0:
called_computation.1_lowered:
.L_overlay_start_0:
0x88: {  	s2 =	sld [smem:$0x3FD9]  }
0x89: {  	s3 =	sld [smem:$0x3FFE];
	_ =	sdelay $0x1  }
0x8a: {  	s1 =	srdreg.scid  }
0x8b: {  	s0 =	sand.u32 $0x1, s1  }
0x8c: {  	s16 =	sshll.u32 s0, $0xA;
	s2 =	sadd.s32 s3, s2  }
0x8d: {  	s2 =	sadd.s32 s2, s16  }
0x8e: {  	[smem:$0x3FBE] =	sst s2  }
0x8f: {  	_ = 	snop  }
0x90: {  	(tm) =	ssettm $0x1  }
0x91: {  	s17 =	sld [smem:$0x3FFB];
	_ =	sdelay $0x3  }
0x92: {  	_ =	strace s17  }
0x93: {  	s2 =	sld [smem:$0x3FFC];
	_ =	sdelay $0x3  }
0x94: {  	_ =	strace s2  }
0x95: {  	s2 =	sld [smem:$0x3FFD];
	_ =	sdelay $0x3  }
0x96: {  	_ =	strace s2  }
0x97: {  	_ =	strace $0x8FFFFFFF  }
0x98: {  	s18 =	sld [smem:$0x3FDB];
	_ =	sdelay $0x1  }
0x99: {  	s19 =	simm.s32 $_scs_section_size  }
0x9a: {  	s4 =	simm.s32 $_size__tile_overlayer_lowered;
	s5 =	simm.s32 $_tile_overlayer_lowered  }
0x9b: {  	s22 =	simm.s32 $0x1BFF;
	s21 =	sshll.u32 s5, $0x1;
	s2 =	sadd.s32 s19, s18  }
0x9c: {  	s6 =	simm.s32 $0x0;
	s20 =	sshll.u32 s4, $0x1;
	s4 =	sadd.s32 s21, s2  }
0x9d: {  	[timem:s6], [sflag:s22] =	dma.local [hbm:s4], s20  }
0x9e: {  	_ =	swait.ge [sflag:s22], s20  }
0x9f: {  	s3 =	ssub.s32 $0x0, s20;
	[sflag:s22] =	ssyncset.done $0x0  }
0xa0: {  	[sflag:s22] =	ssyncadd.s32 s3;
	_ =	sdelay $0x1  }
0xa1: {  	s23 =	simm.s32 $0x1B8B  }
0xa2: {  	_ =	swait.ge [sflag:s23], $0x1  }
0xa3: {  	[sflag:s23] =	ssyncset.done $0x0  }
0xa4: {  	s25 =	simm.s32 $0x1B8E;
	s24 =	sld [smem:$0x3FFE];
	[sflag:s23] =	ssyncadd.s32 $0xFFFFFFFF  }
0xa5: {  	s26 =	simm.s32 $execute0_lowered;
	[smem:$0x3FD2] =	sst s25  }
0xa6: {  	s4 =	sshll.u32 s26, $0x1;
	_ =	strace $0x80000049;
	[dreg:$0x1] =	wrdreg $0xFFFFFFFF  }
0xa7: {  	s28 =	simm.s32 $_size_execute0_lowered;
	s2 =	sadd.s32 s2, s4;
	[dreg:$0x0] =	wrdreg $0x0  }
0xa8: {  	s4 =	sshll.u32 s28, $0x1;
	[dreg:$0x2] =	wrdreg s2  }
0xa9: {  	[dreg:$0x3] =	wrdreg s4  }
0xaa: {  	[dreg:$0x4] =	wrdreg $0xC0  }
0xab: {  	_ =	task [dreg:s6], $0x5FFFF  }
0xac: {  	[dreg:$0x1] =	wrdreg $0xFFFFFFFF  }
0xad: {  	[dreg:$0x0] =	wrdreg $0x60  }
0xae: {  	[dreg:$0x2] =	wrdreg s24  }
0xaf: {  	[dreg:$0x3] =	wrdreg $0x11D000  }
0xb0: {  	[dreg:$0x4] =	wrdreg $0x9  }
0xb1: {  	_ =	task.clear_ibuf [dreg:s6], $0x5FFFF;
	_ =	strace $0x90000049  }
0xb2: {  	s29 =	simm.s32 $0x9;
	_ =	strace $0x8000004B  }
0xb3: {  	_ =	swait.ge [sflag:s29], $0x1  }
0xb4: {  	[sflag:s29] =	ssyncadd.s32 $0xFFFFFFFF  }
0xb5: {  	_ =	strace $0x9000004B  }
0xb6: {  	_ =	sfence  }
0xb7: {  	s30 =	sld [smem:$0x0];
	_ =	sdelay $0x2  }
0xb8: {  	s31 =	sshll.u32 s1, $0xD;
	s1 =	sshrl.u32 s1, $0x2  }
0xb9: {  	s3 =	sand.u32 $0x4000, s31;
	s1 =	sadd.s32 s1, s30  }
0xba: {  	s0 =	sor.u32 s3, s0;
	s1 =	sshll.u32 s1, $0x11  }
0xbb: {  	s0 =	sor.u32 s1, s0  }
0xbc: {  	s0 =	sadd.s32 $0x8F2B, s0  }
0xbd: {  	[sflag:s0] =	ssyncadd.remote.s32 $0x1  }
0xbe: {  	_ =	sfence.sel $0xFFFF  }
0xbf: {  	[dreg:$0x0] =	wrdreg $0xFFFFFFFF;
	(pc) =	sbr.abs _section_cstart, $3  }
0xc0: {  	[dreg:$0x1] =	wrdreg $0xFFFFFFFF  }
0xc1: {  	_ =	task.clear_ibuf [dreg:s6], $0x2FFFF;
	_ =	strace $0x9FFFFFFF  }
0xc2: {  	(tm) =	ssettm $0x7FFFFFFF  }
0xc3: {  	_ =	shalt  }
tec
execute0_lowered:
.L_overlay_start_1:
0x0: {  	(tag) =	ssettag $0x1  }
0x1: {  	s0 =	srdreg.scid;
	s1 =	rddreg [dreg:$0x0]  }
0x2: {  	s4 =	stileid.u32;
	s2 =	rddreg [dreg:$0x1]  }
0x3: {  	s8 =	simm.s32 $0x0;
	s12 =	simm.s32 $0xCD00;
	s13 =	simm.s32 $0x7D  }
0x4: {  	s14 =	simm.s32 $0x5000;
	s16 =	simm.s32 $0x5FA0;
	s18 =	simm.s32 $0x6F40  }
0x5: {  	s20 =	simm.s32 $0x7EE0;
	s22 =	simm.s32 $0x8E80;
	s28 =	simm.s32 $0xADC0  }
0x6: {  	s30 =	simm.s32 $0xBD60;
	s31 =	simm.s32 $0x1;
	s11 =	simm.s32 $0x4  }
0x7: {  	s15 =	simm.s32 $0x5;
	s17 =	simm.s32 $0x6;
	s19 =	simm.s32 $0x7  }
0x8: {  	s21 =	simm.s32 $0x8;
	s23 =	simm.s32 $0x9;
	s29 =	simm.s32 $0xB  }
0x9: {  	s10 =	simm.s32 $0x0;
	s0 =	sand.u32 $0x1, s0;
	s6 =	smul.u32 $0x5000, s4  }
0xa: {  	[smem:$0x7FF] =	sst s8;
	s3 =	sshll.u32 s0, $0x4;
	s5 =	smul.u32 $0xA000, s0  }
0xb: {  	_ =	strace $0x8000004A;
	s0 =	ssub.s32 $0x2, s0;
	[dreg:$0x9] =	wrdreg s10  }
0xc: {  	s3 =	sor.u32 s4, s3;
	s4 =	sadd.s32 $0x17A00, s1;
	s24 =	sshrl.u32 s6, $0x3  }
0xd: {  	s7 =	sshrl.u32 s0, $0x1;
	s3 =	smul.u32 $0x500, s3;
	s26 =	sadd.s32 s4, s24  }
0xe: {  	s0 =	ssub.s32 s0, s7;
	s7 =	sadd.s32 s6, s2;
	[dreg:$0x5] =	wrdreg s26  }
0xf: {  	s6 =	simm.s32 $0xD;
	[dreg:$0x6] =	wrdreg s7;
	s0 =	smax.u32 s0, $0x1  }
0x10: {  	s26 =	simm.s32 $0xA;
	s7 =	simm.s32 $0xE;
	s3 =	sadd.s32 s3, s1  }
0x11: {  	s1 =	sadd.s32 s5, s1;
	[dreg:$0x7] =	wrdreg s0;
	s25 =	sadd.s32 $0xDA00, s3  }
0x12: {  	s0 =	simm.s32 $0x3;
	s3 =	sadd.s32 $0x3400, s3;
	[dreg:$0x3] =	wrdreg s25  }
0x13: {  	s5 =	simm.s32 $0xC;
	s1 =	sadd.s32 $0x21A00, s1;
	[dreg:$0x4] =	wrdreg s3  }
0x14: {  	s9 =	sadd.s32 s24, s1;
	s25 =	simm.s32 $0x9E20;
	s1 =	simm.s32 $0x2  }
0x15: {  	s24 =	simm.s32 $0x10;
	[dreg:$0x8] =	wrdreg s9;
	s9 =	simm.s32 $0xF  }
.LBB2_1:
0x16: {  	s3 =	rddreg [dreg:$0x3];
	s10 =	simm.s32 $0x11  }
0x17: {  	[tilespmem:s8], [sflag:$0x11] =	stream.linear.gather [hbm4b:s3+s8], $0x2800, $0x38;
	[tilespmem:$0x16D00] =	vst v63  }
0x18: {  	_ =	swait.ge [sflag:s10], $0x2800  }
0x19: {  	[sflag:s10] =	ssyncset.done $0x0  }
0x1a: {  	s3 =	rddreg [dreg:$0x4];
	[sflag:s10] =	ssyncadd.s32 $0xFFFFD800;
	s10 =	simm.s32 $0x2800  }
0x1b: {  	[tilespmem:s10], [sflag:$0x11] =	stream.linear.gather [hbm4b:s3+s8], $0x2800, $0x38;
	[tilespmem:$0x16D00] =	vst v63  }
0x1c: {  	s10 =	simm.s32 $0x11  }
0x1d: {  	_ =	swait.ge [sflag:s10], $0x2800  }
0x1e: {  	[sflag:s10] =	ssyncset.done $0x0  }
0x1f: {  	s3 =	rddreg [dreg:$0x5];
	[sflag:s10] =	ssyncadd.s32 $0xFFFFD800  }
0x20: {  	[tilespmem:s12], [sflag:$0x11] =	stream.linear.gather [hbm4b:s3+s8], $0x5000, $0x38;
	[tilespmem:$0x16D00] =	vst v63  }
0x21: {  	_ =	swait.ge [sflag:s10], $0x5000  }
0x22: {  	[sflag:s10] =	ssyncset.done $0x0  }
0x23: {  	s3 =	rddreg [dreg:$0x6];
	[sflag:s10] =	ssyncadd.s32 $0xFFFFB000  }
0x24: {  	[spmem:s3] =	stream.linear.scatter [tilespmem:s12], [sflag:$0x11], $0x5000, $0x38;
	[tilespmem:$0x16D00] =	vst v63  }
0x25: {  	_ =	swait.ge [sflag:s10], $0x5000  }
0x26: {  	[sflag:s10] =	ssyncset.done $0x0  }
0x27: {  	[sflag:s10] =	ssyncadd.s32 $0xFFFFB000  }
0x28: {  	[bflag:$0x0] =	sbarrier.arrive $0xFFFF  }
0x29: {  	[tilespmem:s14], [sflag:$0x1] =	stream.indirect.gather [hbm4b:s4+s13], $0x20, s8, s13, $0xb8;
	[tilespmem:$0x16D00] =	vst v63  }
0x2a: {  	s12 =	simm.s32 $0x80  }
0x2b: {  	[tilespmem:s16], [sflag:$0x2] =	stream.indirect.gather [hbm4b:s4+s13], $0x20, s12, s13, $0xb8;
	[tilespmem:$0x16D00] =	vst v63  }
0x2c: {  	s8 =	simm.s32 $0x100  }
0x2d: {  	[tilespmem:s18], [sflag:$0x3] =	stream.indirect.gather [hbm4b:s4+s13], $0x20, s8, s13, $0xb8;
	[tilespmem:$0x16D00] =	vst v63  }
0x2e: {  	s10 =	simm.s32 $0x180  }
0x2f: {  	[tilespmem:s20], [sflag:$0x4] =	stream.indirect.gather [hbm4b:s4+s13], $0x20, s10, s13, $0xb8;
	[tilespmem:$0x16D00] =	vst v63  }
0x30: {  	s12 =	simm.s32 $0x200  }
0x31: {  	[tilespmem:s22], [sflag:$0x5] =	stream.indirect.gather [hbm4b:s4+s13], $0x20, s12, s13, $0xb8;
	[tilespmem:$0x16D00] =	vst v63  }
0x32: {  	s8 =	simm.s32 $0x280  }
0x33: {  	[tilespmem:s25], [sflag:$0x6] =	stream.indirect.gather [hbm4b:s4+s13], $0x20, s8, s13, $0xb8;
	[tilespmem:$0x16D00] =	vst v63  }
0x34: {  	s10 =	simm.s32 $0x300  }
0x35: {  	[tilespmem:s28], [sflag:$0x7] =	stream.indirect.gather [hbm4b:s4+s13], $0x20, s10, s13, $0xb8;
	[tilespmem:$0x16D00] =	vst v63  }
0x36: {  	s12 =	simm.s32 $0x380  }
0x37: {  	[tilespmem:s30], [sflag:$0x8] =	stream.indirect.gather [hbm4b:s4+s13], $0x20, s12, s13, $0xb8;
	[tilespmem:$0x16D00] =	vst v63  }
0x38: {  	_ =	swait.ge [sflag:s31], $0xFA0  }
0x39: {  	[sflag:s31] =	ssyncset.done $0x0  }
0x3a: {  	s8 =	simm.s32 $0x2800;
	[sflag:s31] =	ssyncadd.s32 $0xFFFFF060  }
0x3b: {  	[spmem:s2] =	stream.indirect.scatter.add.f32 [tilespmem:s14], [sflag:$0x9], $0x20, s8, s13, $0xb8;
	[tilespmem:$0x16D00] =	vst v63  }
0x3c: {  	_ =	swait.ge [sflag:s1], $0xFA0  }
0x3d: {  	[sflag:s1] =	ssyncset.done $0x0  }
0x3e: {  	s10 =	simm.s32 $0x2880;
	[sflag:s1] =	ssyncadd.s32 $0xFFFFF060  }
0x3f: {  	[spmem:s2] =	stream.indirect.scatter.add.f32 [tilespmem:s16], [sflag:$0xA], $0x20, s10, s13, $0xb8;
	[tilespmem:$0x16D00] =	vst v63  }
0x40: {  	_ =	swait.ge [sflag:s0], $0xFA0  }
0x41: {  	[sflag:s0] =	ssyncset.done $0x0  }
0x42: {  	s12 =	simm.s32 $0x2900;
	[sflag:s0] =	ssyncadd.s32 $0xFFFFF060  }
0x43: {  	[spmem:s2] =	stream.indirect.scatter.add.f32 [tilespmem:s18], [sflag:$0xB], $0x20, s12, s13, $0xb8;
	[tilespmem:$0x16D00] =	vst v63  }
0x44: {  	_ =	swait.ge [sflag:s11], $0xFA0  }
0x45: {  	[sflag:s11] =	ssyncset.done $0x0  }
0x46: {  	s8 =	simm.s32 $0x2980;
	[sflag:s11] =	ssyncadd.s32 $0xFFFFF060  }
0x47: {  	[spmem:s2] =	stream.indirect.scatter.add.f32 [tilespmem:s20], [sflag:$0xC], $0x20, s8, s13, $0xb8;
	[tilespmem:$0x16D00] =	vst v63  }
0x48: {  	_ =	swait.ge [sflag:s15], $0xFA0  }
0x49: {  	[sflag:s15] =	ssyncset.done $0x0  }
0x4a: {  	s10 =	simm.s32 $0x2A00;
	[sflag:s15] =	ssyncadd.s32 $0xFFFFF060  }
0x4b: {  	[spmem:s2] =	stream.indirect.scatter.add.f32 [tilespmem:s22], [sflag:$0xD], $0x20, s10, s13, $0xb8;
	[tilespmem:$0x16D00] =	vst v63  }
0x4c: {  	_ =	swait.ge [sflag:s17], $0xFA0  }
0x4d: {  	[sflag:s17] =	ssyncset.done $0x0  }
0x4e: {  	s12 =	simm.s32 $0x2A80;
	[sflag:s17] =	ssyncadd.s32 $0xFFFFF060  }
0x4f: {  	[spmem:s2] =	stream.indirect.scatter.add.f32 [tilespmem:s25], [sflag:$0xE], $0x20, s12, s13, $0xb8;
	[tilespmem:$0x16D00] =	vst v63  }
0x50: {  	_ =	swait.ge [sflag:s19], $0xFA0  }
0x51: {  	[sflag:s19] =	ssyncset.done $0x0  }
0x52: {  	s8 =	simm.s32 $0x2B00;
	[sflag:s19] =	ssyncadd.s32 $0xFFFFF060  }
0x53: {  	[spmem:s2] =	stream.indirect.scatter.add.f32 [tilespmem:s28], [sflag:$0xF], $0x20, s8, s13, $0xb8;
	[tilespmem:$0x16D00] =	vst v63  }
0x54: {  	_ =	swait.ge [sflag:s21], $0xFA0  }
0x55: {  	[sflag:s21] =	ssyncset.done $0x0  }
0x56: {  	s10 =	simm.s32 $0x2B80;
	[sflag:s21] =	ssyncadd.s32 $0xFFFFF060  }
0x57: {  	[spmem:s2] =	stream.indirect.scatter.add.f32 [tilespmem:s30], [sflag:$0x10], $0x20, s10, s13, $0xb8;
	[tilespmem:$0x16D00] =	vst v63  }
0x58: {  	_ =	swait.ge [sflag:s23], $0xFA0  }
0x59: {  	[sflag:s23] =	ssyncset.done $0x0  }
0x5a: {  	s12 =	simm.s32 $0x400;
	[sflag:s23] =	ssyncadd.s32 $0xFFFFF060  }
0x5b: {  	[tilespmem:s14], [sflag:$0x1] =	stream.indirect.gather [hbm4b:s4+s13], $0x20, s12, s13, $0xb8;
	[tilespmem:$0x16D00] =	vst v63  }
0x5c: {  	_ =	swait.ge [sflag:s26], $0xFA0  }
0x5d: {  	[sflag:s26] =	ssyncset.done $0x0  }
0x5e: {  	s8 =	simm.s32 $0x480;
	[sflag:s26] =	ssyncadd.s32 $0xFFFFF060  }
0x5f: {  	[tilespmem:s16], [sflag:$0x2] =	stream.indirect.gather [hbm4b:s4+s13], $0x20, s8, s13, $0xb8;
	[tilespmem:$0x16D00] =	vst v63  }
0x60: {  	_ =	swait.ge [sflag:s29], $0xFA0  }
0x61: {  	[sflag:s29] =	ssyncset.done $0x0  }
0x62: {  	s10 =	simm.s32 $0x500;
	[sflag:s29] =	ssyncadd.s32 $0xFFFFF060  }
0x63: {  	[tilespmem:s18], [sflag:$0x3] =	stream.indirect.gather [hbm4b:s4+s13], $0x20, s10, s13, $0xb8;
	[tilespmem:$0x16D00] =	vst v63  }
0x64: {  	_ =	swait.ge [sflag:s5], $0xFA0  }
0x65: {  	[sflag:s5] =	ssyncset.done $0x0  }
0x66: {  	s12 =	simm.s32 $0x580;
	[sflag:s5] =	ssyncadd.s32 $0xFFFFF060  }
0x67: {  	[tilespmem:s20], [sflag:$0x4] =	stream.indirect.gather [hbm4b:s4+s13], $0x20, s12, s13, $0xb8;
	[tilespmem:$0x16D00] =	vst v63  }
0x68: {  	_ =	swait.ge [sflag:s6], $0xFA0  }
0x69: {  	[sflag:s6] =	ssyncset.done $0x0  }
0x6a: {  	s8 =	simm.s32 $0x600;
	[sflag:s6] =	ssyncadd.s32 $0xFFFFF060  }
0x6b: {  	[tilespmem:s22], [sflag:$0x5] =	stream.indirect.gather [hbm4b:s4+s13], $0x20, s8, s13, $0xb8;
	[tilespmem:$0x16D00] =	vst v63  }
0x6c: {  	_ =	swait.ge [sflag:s7], $0xFA0  }
0x6d: {  	[sflag:s7] =	ssyncset.done $0x0  }
0x6e: {  	s10 =	simm.s32 $0x680;
	[sflag:s7] =	ssyncadd.s32 $0xFFFFF060  }
0x6f: {  	[tilespmem:s25], [sflag:$0x6] =	stream.indirect.gather [hbm4b:s4+s13], $0x20, s10, s13, $0xb8;
	[tilespmem:$0x16D00] =	vst v63  }
0x70: {  	_ =	swait.ge [sflag:s9], $0xFA0  }
0x71: {  	[sflag:s9] =	ssyncset.done $0x0  }
0x72: {  	s12 =	simm.s32 $0x700;
	[sflag:s9] =	ssyncadd.s32 $0xFFFFF060  }
0x73: {  	[tilespmem:s28], [sflag:$0x7] =	stream.indirect.gather [hbm4b:s4+s13], $0x20, s12, s13, $0xb8;
	[tilespmem:$0x16D00] =	vst v63  }
0x74: {  	_ =	swait.ge [sflag:s24], $0xFA0  }
0x75: {  	[sflag:s24] =	ssyncset.done $0x0  }
0x76: {  	s3 =	simm.s32 $0x780;
	s12 =	simm.s32 $0x1000;
	[sflag:s24] =	ssyncadd.s32 $0xFFFFF060  }
.LBB2_2:
0x77: {  	[tilespmem:s30], [sflag:$0x8] =	stream.indirect.gather [hbm4b:s4+s13], $0x20, s3, s13, $0xb8;
	[tilespmem:$0x16D00] =	vst v63  }
0x78: {  	s3 =	smov.u32 s12  }
0x79: {  	p0 =	sne.s32 s12, $0x8000;
	s12 =	sadd.s32 $0x1000, s12;
	_ =	swait.ge [sflag:s31], $0xFA0  }
0x7a: {  	s3 =	sshra.s32 s3, $0x2;
	[sflag:s31] =	ssyncset.done $0x0  }
0x7b: {  	s8 =	sadd.s32 $0x2800, s3;
	[sflag:s31] =	ssyncadd.s32 $0xFFFFF060  }
0x7c: {  	[spmem:s2] =	stream.indirect.scatter.add.f32 [tilespmem:s14], [sflag:$0x9], $0x20, s8, s13, $0xb8;
	[tilespmem:$0x16D00] =	vst v63  }
0x7d: {  	_ =	swait.ge [sflag:s1], $0xFA0  }
0x7e: {  	[sflag:s1] =	ssyncset.done $0x0  }
0x7f: {  	s8 =	sadd.s32 $0x2880, s3;
	[sflag:s1] =	ssyncadd.s32 $0xFFFFF060  }
0x80: {  	[spmem:s2] =	stream.indirect.scatter.add.f32 [tilespmem:s16], [sflag:$0xA], $0x20, s8, s13, $0xb8;
	[tilespmem:$0x16D00] =	vst v63  }
0x81: {  	_ =	swait.ge [sflag:s0], $0xFA0  }
0x82: {  	[sflag:s0] =	ssyncset.done $0x0  }
0x83: {  	s8 =	sadd.s32 $0x2900, s3;
	[sflag:s0] =	ssyncadd.s32 $0xFFFFF060  }
0x84: {  	[spmem:s2] =	stream.indirect.scatter.add.f32 [tilespmem:s18], [sflag:$0xB], $0x20, s8, s13, $0xb8;
	[tilespmem:$0x16D00] =	vst v63  }
0x85: {  	_ =	swait.ge [sflag:s11], $0xFA0  }
0x86: {  	[sflag:s11] =	ssyncset.done $0x0  }
0x87: {  	s8 =	sadd.s32 $0x2980, s3;
	[sflag:s11] =	ssyncadd.s32 $0xFFFFF060  }
0x88: {  	[spmem:s2] =	stream.indirect.scatter.add.f32 [tilespmem:s20], [sflag:$0xC], $0x20, s8, s13, $0xb8;
	[tilespmem:$0x16D00] =	vst v63  }
0x89: {  	_ =	swait.ge [sflag:s15], $0xFA0  }
0x8a: {  	[sflag:s15] =	ssyncset.done $0x0  }
0x8b: {  	s8 =	sadd.s32 $0x2A00, s3;
	[sflag:s15] =	ssyncadd.s32 $0xFFFFF060  }
0x8c: {  	[spmem:s2] =	stream.indirect.scatter.add.f32 [tilespmem:s22], [sflag:$0xD], $0x20, s8, s13, $0xb8;
	[tilespmem:$0x16D00] =	vst v63  }
0x8d: {  	_ =	swait.ge [sflag:s17], $0xFA0  }
0x8e: {  	[sflag:s17] =	ssyncset.done $0x0  }
0x8f: {  	s8 =	sadd.s32 $0x2A80, s3;
	[sflag:s17] =	ssyncadd.s32 $0xFFFFF060  }
0x90: {  	[spmem:s2] =	stream.indirect.scatter.add.f32 [tilespmem:s25], [sflag:$0xE], $0x20, s8, s13, $0xb8;
	[tilespmem:$0x16D00] =	vst v63  }
0x91: {  	_ =	swait.ge [sflag:s19], $0xFA0  }
0x92: {  	[sflag:s19] =	ssyncset.done $0x0  }
0x93: {  	s8 =	sadd.s32 $0x2B00, s3;
	[sflag:s19] =	ssyncadd.s32 $0xFFFFF060  }
0x94: {  	[spmem:s2] =	stream.indirect.scatter.add.f32 [tilespmem:s28], [sflag:$0xF], $0x20, s8, s13, $0xb8;
	[tilespmem:$0x16D00] =	vst v63  }
0x95: {  	_ =	swait.ge [sflag:s21], $0xFA0  }
0x96: {  	[sflag:s21] =	ssyncset.done $0x0  }
0x97: {  	s8 =	sadd.s32 $0x2B80, s3;
	[sflag:s21] =	ssyncadd.s32 $0xFFFFF060  }
0x98: {  	[spmem:s2] =	stream.indirect.scatter.add.f32 [tilespmem:s30], [sflag:$0x10], $0x20, s8, s13, $0xb8;
	[tilespmem:$0x16D00] =	vst v63  }
0x99: {  	_ =	swait.ge [sflag:s23], $0xFA0  }
0x9a: {  	[sflag:s23] =	ssyncset.done $0x0  }
0x9b: {  	s8 =	sadd.s32 $0x400, s3;
	[sflag:s23] =	ssyncadd.s32 $0xFFFFF060  }
0x9c: {  	[tilespmem:s14], [sflag:$0x1] =	stream.indirect.gather [hbm4b:s4+s13], $0x20, s8, s13, $0xb8;
	[tilespmem:$0x16D00] =	vst v63  }
0x9d: {  	_ =	swait.ge [sflag:s26], $0xFA0  }
0x9e: {  	[sflag:s26] =	ssyncset.done $0x0  }
0x9f: {  	s8 =	sadd.s32 $0x480, s3;
	[sflag:s26] =	ssyncadd.s32 $0xFFFFF060  }
0xa0: {  	[tilespmem:s16], [sflag:$0x2] =	stream.indirect.gather [hbm4b:s4+s13], $0x20, s8, s13, $0xb8;
	[tilespmem:$0x16D00] =	vst v63  }
0xa1: {  	_ =	swait.ge [sflag:s29], $0xFA0  }
0xa2: {  	[sflag:s29] =	ssyncset.done $0x0  }
0xa3: {  	s8 =	sadd.s32 $0x500, s3;
	[sflag:s29] =	ssyncadd.s32 $0xFFFFF060  }
0xa4: {  	[tilespmem:s18], [sflag:$0x3] =	stream.indirect.gather [hbm4b:s4+s13], $0x20, s8, s13, $0xb8;
	[tilespmem:$0x16D00] =	vst v63  }
0xa5: {  	_ =	swait.ge [sflag:s5], $0xFA0  }
0xa6: {  	[sflag:s5] =	ssyncset.done $0x0  }
0xa7: {  	s8 =	sadd.s32 $0x580, s3;
	[sflag:s5] =	ssyncadd.s32 $0xFFFFF060  }
0xa8: {  	[tilespmem:s20], [sflag:$0x4] =	stream.indirect.gather [hbm4b:s4+s13], $0x20, s8, s13, $0xb8;
	[tilespmem:$0x16D00] =	vst v63  }
0xa9: {  	_ =	swait.ge [sflag:s6], $0xFA0  }
0xaa: {  	[sflag:s6] =	ssyncset.done $0x0  }
0xab: {  	s8 =	sadd.s32 $0x600, s3;
	[sflag:s6] =	ssyncadd.s32 $0xFFFFF060  }
0xac: {  	[tilespmem:s22], [sflag:$0x5] =	stream.indirect.gather [hbm4b:s4+s13], $0x20, s8, s13, $0xb8;
	[tilespmem:$0x16D00] =	vst v63  }
0xad: {  	_ =	swait.ge [sflag:s7], $0xFA0  }
0xae: {  	[sflag:s7] =	ssyncset.done $0x0  }
0xaf: {  	s8 =	sadd.s32 $0x680, s3;
	[sflag:s7] =	ssyncadd.s32 $0xFFFFF060  }
0xb0: {  	[tilespmem:s25], [sflag:$0x6] =	stream.indirect.gather [hbm4b:s4+s13], $0x20, s8, s13, $0xb8;
	[tilespmem:$0x16D00] =	vst v63  }
0xb1: {  	_ =	swait.ge [sflag:s9], $0xFA0  }
0xb2: {  	[sflag:s9] =	ssyncset.done $0x0  }
.Ltmp0:
0xb3: {  	s8 =	sadd.s32 $0x700, s3;
	[sflag:s9] =	ssyncadd.s32 $0xFFFFF060;
	(pc) =	sbr.rel @p0 .LBB2_2-.Ltmp0, $4  }
0xb4: {  	[tilespmem:s28], [sflag:$0x7] =	stream.indirect.gather [hbm4b:s4+s13], $0x20, s8, s13, $0xb8;
	[tilespmem:$0x16D00] =	vst v63  }
0xb5: {  	_ =	swait.ge [sflag:s24], $0xFA0  }
0xb6: {  	[sflag:s24] =	ssyncset.done $0x0  }
0xb7: {  	s3 =	sadd.s32 $0x780, s3;
	[sflag:s24] =	ssyncadd.s32 $0xFFFFF060  }
0xb8: {  	[tilespmem:s30], [sflag:$0x8] =	stream.indirect.gather [hbm4b:s4+s13], $0x20, s3, s13, $0xb8;
	[tilespmem:$0x16D00] =	vst v63  }
0xb9: {  	_ =	swait.ge [sflag:s31], $0xFA0  }
0xba: {  	[sflag:s31] =	ssyncset.done $0x0  }
0xbb: {  	s12 =	simm.s32 $0x4C00;
	[sflag:s31] =	ssyncadd.s32 $0xFFFFF060  }
0xbc: {  	[spmem:s2] =	stream.indirect.scatter.add.f32 [tilespmem:s14], [sflag:$0x9], $0x20, s12, s13, $0xb8;
	[tilespmem:$0x16D00] =	vst v63  }
0xbd: {  	_ =	swait.ge [sflag:s1], $0xFA0  }
0xbe: {  	[sflag:s1] =	ssyncset.done $0x0  }
0xbf: {  	s8 =	simm.s32 $0x4C80;
	[sflag:s1] =	ssyncadd.s32 $0xFFFFF060  }
0xc0: {  	[spmem:s2] =	stream.indirect.scatter.add.f32 [tilespmem:s16], [sflag:$0xA], $0x20, s8, s13, $0xb8;
	[tilespmem:$0x16D00] =	vst v63  }
0xc1: {  	_ =	swait.ge [sflag:s0], $0xFA0  }
0xc2: {  	[sflag:s0] =	ssyncset.done $0x0  }
0xc3: {  	s10 =	simm.s32 $0x4D00;
	[sflag:s0] =	ssyncadd.s32 $0xFFFFF060  }
0xc4: {  	[spmem:s2] =	stream.indirect.scatter.add.f32 [tilespmem:s18], [sflag:$0xB], $0x20, s10, s13, $0xb8;
	[tilespmem:$0x16D00] =	vst v63  }
0xc5: {  	_ =	swait.ge [sflag:s11], $0xFA0  }
0xc6: {  	[sflag:s11] =	ssyncset.done $0x0  }
0xc7: {  	s12 =	simm.s32 $0x4D80;
	[sflag:s11] =	ssyncadd.s32 $0xFFFFF060  }
0xc8: {  	[spmem:s2] =	stream.indirect.scatter.add.f32 [tilespmem:s20], [sflag:$0xC], $0x20, s12, s13, $0xb8;
	[tilespmem:$0x16D00] =	vst v63  }
0xc9: {  	_ =	swait.ge [sflag:s15], $0xFA0  }
0xca: {  	[sflag:s15] =	ssyncset.done $0x0  }
0xcb: {  	s8 =	simm.s32 $0x4E00;
	[sflag:s15] =	ssyncadd.s32 $0xFFFFF060  }
0xcc: {  	[spmem:s2] =	stream.indirect.scatter.add.f32 [tilespmem:s22], [sflag:$0xD], $0x20, s8, s13, $0xb8;
	[tilespmem:$0x16D00] =	vst v63  }
0xcd: {  	_ =	swait.ge [sflag:s17], $0xFA0  }
0xce: {  	[sflag:s17] =	ssyncset.done $0x0  }
0xcf: {  	s10 =	simm.s32 $0x4E80;
	[sflag:s17] =	ssyncadd.s32 $0xFFFFF060  }
0xd0: {  	[spmem:s2] =	stream.indirect.scatter.add.f32 [tilespmem:s25], [sflag:$0xE], $0x20, s10, s13, $0xb8;
	[tilespmem:$0x16D00] =	vst v63  }
0xd1: {  	_ =	swait.ge [sflag:s19], $0xFA0  }
0xd2: {  	[sflag:s19] =	ssyncset.done $0x0  }
0xd3: {  	s12 =	simm.s32 $0x4F00;
	[sflag:s19] =	ssyncadd.s32 $0xFFFFF060  }
0xd4: {  	[spmem:s2] =	stream.indirect.scatter.add.f32 [tilespmem:s28], [sflag:$0xF], $0x20, s12, s13, $0xb8;
	[tilespmem:$0x16D00] =	vst v63  }
0xd5: {  	_ =	swait.ge [sflag:s21], $0xFA0  }
0xd6: {  	[sflag:s21] =	ssyncset.done $0x0  }
0xd7: {  	s8 =	simm.s32 $0x4F80;
	[sflag:s21] =	ssyncadd.s32 $0xFFFFF060  }
0xd8: {  	[spmem:s2] =	stream.indirect.scatter.add.f32 [tilespmem:s30], [sflag:$0x10], $0x20, s8, s13, $0xb8;
	[tilespmem:$0x16D00] =	vst v63  }
0xd9: {  	_ =	swait.ge [sflag:s23], $0xFA0  }
0xda: {  	[sflag:s23] =	ssyncset.done $0x0  }
0xdb: {  	[sflag:s23] =	ssyncadd.s32 $0xFFFFF060  }
0xdc: {  	_ =	swait.ge [sflag:s26], $0xFA0  }
0xdd: {  	[sflag:s26] =	ssyncset.done $0x0  }
0xde: {  	[sflag:s26] =	ssyncadd.s32 $0xFFFFF060  }
0xdf: {  	_ =	swait.ge [sflag:s29], $0xFA0  }
0xe0: {  	[sflag:s29] =	ssyncset.done $0x0  }
0xe1: {  	[sflag:s29] =	ssyncadd.s32 $0xFFFFF060  }
0xe2: {  	_ =	swait.ge [sflag:s5], $0xFA0  }
0xe3: {  	[sflag:s5] =	ssyncset.done $0x0  }
0xe4: {  	[sflag:s5] =	ssyncadd.s32 $0xFFFFF060  }
0xe5: {  	_ =	swait.ge [sflag:s6], $0xFA0  }
0xe6: {  	[sflag:s6] =	ssyncset.done $0x0  }
0xe7: {  	[sflag:s6] =	ssyncadd.s32 $0xFFFFF060  }
0xe8: {  	_ =	swait.ge [sflag:s7], $0xFA0  }
0xe9: {  	[sflag:s7] =	ssyncset.done $0x0  }
0xea: {  	[sflag:s7] =	ssyncadd.s32 $0xFFFFF060  }
0xeb: {  	_ =	swait.ge [sflag:s9], $0xFA0  }
0xec: {  	[sflag:s9] =	ssyncset.done $0x0  }
0xed: {  	[sflag:s9] =	ssyncadd.s32 $0xFFFFF060  }
0xee: {  	_ =	swait.ge [sflag:s24], $0xFA0  }
0xef: {  	[sflag:s24] =	ssyncset.done $0x0  }
0xf0: {  	[sflag:s24] =	ssyncadd.s32 $0xFFFFF060  }
0xf1: {  	[bflag:$0x0] =	sbarrier.arrive $0xFFFF  }
0xf2: {  	s12 =	simm.s32 $0xCD00;
	s8 =	simm.s32 $0x11;
	s10 =	rddreg [dreg:$0x6]  }
0xf3: {  	[tilespmem:s12], [sflag:$0x11] =	stream.linear.gather [spmem:s10], $0x5000, $0x38;
	[tilespmem:$0x16D00] =	vst v63  }
0xf4: {  	_ =	swait.ge [sflag:s8], $0x5000  }
0xf5: {  	[sflag:s8] =	ssyncset.done $0x0  }
0xf6: {  	s10 =	simm.s32 $0x0;
	s3 =	rddreg [dreg:$0x8];
	[sflag:s8] =	ssyncadd.s32 $0xFFFFB000  }
0xf7: {  	[hbm4b:s3+s10] =	stream.linear.scatter [tilespmem:s12], [sflag:$0x11], $0x5000, $0x38;
	[tilespmem:$0x16D00] =	vst v63  }
0xf8: {  	_ =	swait.ge [sflag:s8], $0x5000  }
0xf9: {  	s3 =	rddreg [dreg:$0x9]  }
0xfa: {  	s10 =	sadd.s32 $0x1, s3;
	s3 =	rddreg [dreg:$0x7]  }
0xfb: {  	p0 =	sne.s32 s10, s3  }
.Ltmp1:
0xfc: {  	_ = 	snop;
	(pc) =	sbr.rel @p0 .LBB2_1-.Ltmp1, $3  }
0xfd: {  	_ =	sdelay $0x1  }
0xfe: {  	[sflag:s8] =	ssyncset.done $0x0  }
0xff: {  	[sflag:s8] =	ssyncadd.s32 $0xFFFFB000;
	s8 =	simm.s32 $0x0;
	[dreg:$0x9] =	wrdreg s10  }
0x100: {  	_ =	sfence.sel $0x180000  }
0x101: {  	[bflag:$0x0] =	sbarrier.arrive $0xFFFF  }
0x102: {  	_ =	strace $0x9000004A  }
0x103: {  	s0 =	stileid.u32;
	[bflag:$0x2] =	sbarrier.arrive $0xFFFF  }
0x104: {  	p0 =	sne.s32 s0, $0x0;
	s0 =	rddreg [dreg:$0x2]  }
0x105: {  	s0 =	sadd.s32 @!p0 $0x100000, s0  }
0x106: {  	[sflag:s0] =	ssyncadd.tile.s32 @!p0 $0x1;
	_ =	shalt  }
.Lfunc_end2:
_tile_overlayer_lowered:
.L_overlay_start_2:
0x107: {  	(tag) =	ssettag $0x2  }
0x108: {  	s0 =	rddreg [dreg:$0x0];
	s2 =	stileid.u32  }
0x109: {  	s1 =	rddreg [dreg:$0x1];
	p0 =	sne.s32 s2, $0x0  }
0x10a: {  	s3 =	rddreg [dreg:$0x2];
	[bflag:$0x3] =	sbarrier.arrive $0xFFFF;
	s2 =	simm.s32 @!p0 $0x1C11  }
0x10b: {  	[timem:s3], [sflag:s2] =	dma.local @!p0 [hbm:s0], s1  }
0x10c: {  	s0 =	simm.s32 @!p0 $0x11  }
0x10d: {  	_ =	swait.ge @!p0 [sflag:s0], s1  }
0x10e: {  	s1 =	ssub.s32 @!p0 $0x0, s1;
	[sflag:s0] =	ssyncset.done @!p0 $0x0  }
0x10f: {  	[sflag:s0] =	ssyncadd.s32 @!p0 s1  }
0x110: {  	[bflag:$0x3] =	sbarrier.arrive $0xFFFF  }
0x111: {  	_ =	shalt  }

// kernel: kernel.16.cloned.1.call-start
scs
__scs_entry_jumppad:
0x0: {  	(pc) =	sbr.rel $0x88, $3  }
0x1: {  	(tag) =	ssettag $0x0;
	lr =	simm.s32 $0x1  }
0x2: {  	[smem:$0x3F97] =	sst lr;
	_ =	strace $0xD0000000  }
0x3: {  	_ = 	snop  }
0x4: {  	_ = 	snop  }
0x5: {  	_ = 	snop  }
0x6: {  	_ = 	snop  }
0x7: {  	_ = 	snop  }
__scs_overlays_trampoline_lowered:
0x8: {  	[smem:$0x3FA6] =	sst s0  }
0x9: {  	[smem:$0x3FA7] =	sst s1  }
0xa: {  	[smem:$0x3FA8] =	sst s2  }
0xb: {  	[smem:$0x3FA9] =	sst s3  }
0xc: {  	[smem:$0x3FAA] =	sst s4  }
0xd: {  	[smem:$0x3FAB] =	sst s5  }
0xe: {  	[smem:$0x3FAC] =	sst s6  }
0xf: {  	[smem:$0x3FAD] =	sst s7  }
0x10: {  	[smem:$0x3FAE] =	sst s8  }
0x11: {  	[smem:$0x3FAF] =	sst s9;
	s0 =	simm.s32 @!p0 $0x0  }
0x12: {  	s1 =	sld [smem:$0x3F95];
	s0 =	simm.s32 @p0 $0x1  }
0x13: {  	[smem:$0x3FB0] =	sst s0;
	s0 =	simm.s32 @!p1 $0x0  }
0x14: {  	s2 =	sld [smem:$0x3F94];
	s0 =	simm.s32 @p1 $0x1  }
0x15: {  	[smem:$0x3FB1] =	sst s0;
	s0 =	simm.s32 @!p2 $0x0  }
0x16: {  	s3 =	sld [smem:$0x3FDB];
	s0 =	simm.s32 @p2 $0x1  }
0x17: {  	s4 =	simm.s32 $0x1BF5;
	[smem:$0x3FB3] =	sst s0  }
0x18: {  	s0 =	sld [smem:$0x3F96];
	_ =	swait.ge [sflag:s4], $0x0  }
0x19: {  	s7 =	sld [smem:$0x3F97]  }
0x1a: {  	s8 =	sadd.s32 $0xFFFFE003, lr  }
0x1b: {  	s9 =	sadd.s32 $0xFFFFFEF7, lr;
	s5 =	simm.s32 $0xFFFFFFFF;
	p2 =	slt.u32 s8, $0xFFFFF086  }
0x1c: {  	p1 =	slt.u32 s9, $0xF7A;
	s5 =	simm.s32 @!p2 $0x0  }
0x1d: {  	s5 =	simm.s32 @p1 $0x1;
	p0 =	seq.s32 s7, s2  }
0x1e: {  	s7 =	smul.u32 @!p0 $0xF7A, s2;
	p2 =	seq.s32 @!p0 s5, $0x0  }
0x1f: {  	s9 =	smul.u32 $0xF7A, s1;
	s8 =	simm.s32 @!p0 $0x1BF5;
	p2 =	por !p2, p0  }
0x20: {  	[sflag:s8] =	ssyncset.s32 @!p0 $0xFFFFF086;
	s6 =	sadd.s32 @!p0 s3, s7;
	s7 =	simm.s32 @!p0 $0x108  }
0x21: {  	s3 =	sadd.s32 s3, s9;
	s6 =	sadd.s32 @!p0 $0x88, s6;
	s7 =	simm.s32 @p2 $0x1082  }
0x22: {  	[simem:s7], [sflag:s8] =	dma.local @!p0 [hbm:s6], $0xF7A  }
0x23: {  	s9 =	sor.u32 $0xD0000000, s2;
	s6 =	simm.s32 $0x108;
	_ =	swait.ge @!p0 [sflag:s8], $0x0  }
0x24: {  	s3 =	sadd.s32 $0x88, s3;
	s6 =	simm.s32 @!p1 $0x1082;
	[sflag:s4] =	ssyncset.s32 $0xFFFFF086  }
0x25: {  	[simem:s6], [sflag:s4] =	dma.local [hbm:s3], $0xF7A  }
0x26: {  	[smem:$0x3F97] =	sst s1;
	(tag) =	ssettag s2;
	_ =	strace s9  }
0x27: {  	s1 =	sld [smem:$0x3FA7]  }
0x28: {  	s2 =	sld [smem:$0x3FA8]  }
0x29: {  	s4 =	sld [smem:$0x3FAA]  }
0x2a: {  	p0 =	seq.s32 s5, $0x0;
	s5 =	sld [smem:$0x3FAB]  }
0x2b: {  	s6 =	sld [smem:$0x3FAC]  }
0x2c: {  	s7 =	sld [smem:$0x3FAD]  }
0x2d: {  	s3 =	simm.s32 $0x108;
	s8 =	sld [smem:$0x3FAE]  }
0x2e: {  	s3 =	simm.s32 @!p0 $0x1082;
	s9 =	sld [smem:$0x3FAF]  }
0x2f: {  	lr =	sadd.s32 s0, s3;
	s0 =	sld [smem:$0x3FA6]  }
0x30: {  	s3 =	sld [smem:$0x3FA9]  }
0x31: {  	[smem:$0x3FB2] =	sst s10  }
0x32: {  	s10 =	sld [smem:$0x3FB0];
	_ =	sdelay $0x3  }
0x33: {  	p0 =	seq.s32 s10, $0x1;
	s10 =	sld [smem:$0x3FB2];
	_ =	sdelay $0x3  }
0x34: {  	[smem:$0x3FB2] =	sst s10  }
0x35: {  	s10 =	sld [smem:$0x3FB1];
	_ =	sdelay $0x3  }
0x36: {  	p1 =	seq.s32 s10, $0x1;
	s10 =	sld [smem:$0x3FB2];
	_ =	sdelay $0x3  }
0x37: {  	[smem:$0x3FB2] =	sst s10  }
0x38: {  	s10 =	sld [smem:$0x3FB3]  }
0x39: {  	_ = 	snop;
	(pc) =	sbr.ind lr, $3  }
0x3a: {  	_ = 	snop  }
0x3b: {  	_ = 	snop  }
0x3c: {  	p2 =	seq.s32 s10, $0x1;
	s10 =	sld [smem:$0x3FB2]  }
0x3d: {  	_ =	shalt  }
0x3e: {  	_ =	shalt  }
0x3f: {  	_ =	shalt  }
0x40: {  	_ =	shalt  }
0x41: {  	_ =	shalt  }
0x42: {  	_ =	shalt  }
0x43: {  	_ =	shalt  }
0x44: {  	_ =	shalt  }
0x45: {  	_ =	shalt  }
0x46: {  	_ =	shalt  }
0x47: {  	_ =	shalt  }
0x48: {  	_ =	shalt  }
0x49: {  	_ =	shalt  }
0x4a: {  	_ =	shalt  }
0x4b: {  	_ =	shalt  }
0x4c: {  	_ =	shalt  }
0x4d: {  	_ =	shalt  }
0x4e: {  	_ =	shalt  }
0x4f: {  	_ =	shalt  }
0x50: {  	_ =	shalt  }
0x51: {  	_ =	shalt  }
0x52: {  	_ =	shalt  }
0x53: {  	_ =	shalt  }
0x54: {  	_ =	shalt  }
0x55: {  	_ =	shalt  }
0x56: {  	_ =	shalt  }
0x57: {  	_ =	shalt  }
0x58: {  	_ =	shalt  }
0x59: {  	_ =	shalt  }
0x5a: {  	_ =	shalt  }
0x5b: {  	_ =	shalt  }
0x5c: {  	_ =	shalt  }
0x5d: {  	_ =	shalt  }
0x5e: {  	_ =	shalt  }
0x5f: {  	_ =	shalt  }
0x60: {  	_ =	shalt  }
0x61: {  	_ =	shalt  }
0x62: {  	_ =	shalt  }
0x63: {  	_ =	shalt  }
0x64: {  	_ =	shalt  }
0x65: {  	_ =	shalt  }
0x66: {  	_ =	shalt  }
0x67: {  	_ =	shalt  }
0x68: {  	_ =	shalt  }
0x69: {  	_ =	shalt  }
0x6a: {  	_ =	shalt  }
0x6b: {  	_ =	shalt  }
0x6c: {  	_ =	shalt  }
0x6d: {  	_ =	shalt  }
0x6e: {  	_ =	shalt  }
0x6f: {  	_ =	shalt  }
0x70: {  	_ =	shalt  }
0x71: {  	_ =	shalt  }
0x72: {  	_ =	shalt  }
0x73: {  	_ =	shalt  }
0x74: {  	_ =	shalt  }
0x75: {  	_ =	shalt  }
0x76: {  	_ =	shalt  }
0x77: {  	_ =	shalt  }
0x78: {  	_ =	shalt  }
0x79: {  	_ =	shalt  }
0x7a: {  	_ =	shalt  }
0x7b: {  	_ =	shalt  }
0x7c: {  	_ =	shalt  }
0x7d: {  	_ =	shalt  }
0x7e: {  	_ =	shalt  }
0x7f: {  	_ =	shalt  }
0x80: {  	_ =	shalt  }
0x81: {  	_ =	shalt  }
0x82: {  	_ =	shalt  }
0x83: {  	_ =	shalt  }
0x84: {  	_ =	shalt  }
0x85: {  	_ =	shalt  }
0x86: {  	_ =	shalt  }
0x87: {  	_ =	shalt  }
.Lfunc_end0:
.L_simem_size_0:
called_computation.2_lowered:
.L_overlay_start_0:
0x88: {  	s2 =	sld [smem:$0x3FD9]  }
0x89: {  	s3 =	sld [smem:$0x3FFE];
	_ =	sdelay $0x1  }
0x8a: {  	s1 =	srdreg.scid  }
0x8b: {  	s0 =	sand.u32 $0x1, s1  }
0x8c: {  	s16 =	sshll.u32 s0, $0xA;
	s2 =	sadd.s32 s3, s2  }
0x8d: {  	s2 =	sadd.s32 s2, s16  }
0x8e: {  	[smem:$0x3FBE] =	sst s2  }
0x8f: {  	_ = 	snop  }
0x90: {  	(tm) =	ssettm $0x1  }
0x91: {  	s17 =	sld [smem:$0x3FFB];
	_ =	sdelay $0x3  }
0x92: {  	_ =	strace s17  }
0x93: {  	s2 =	sld [smem:$0x3FFC];
	_ =	sdelay $0x3  }
0x94: {  	_ =	strace s2  }
0x95: {  	s2 =	sld [smem:$0x3FFD];
	_ =	sdelay $0x3  }
0x96: {  	_ =	strace s2  }
0x97: {  	_ =	strace $0x8FFFFFFF  }
0x98: {  	s18 =	sld [smem:$0x3FDB];
	_ =	sdelay $0x1  }
0x99: {  	s19 =	simm.s32 $_scs_section_size  }
0x9a: {  	s4 =	simm.s32 $_size__tile_overlayer_lowered;
	s5 =	simm.s32 $_tile_overlayer_lowered  }
0x9b: {  	s22 =	simm.s32 $0x1BFF;
	s21 =	sshll.u32 s5, $0x1;
	s2 =	sadd.s32 s19, s18  }
0x9c: {  	s6 =	simm.s32 $0x0;
	s20 =	sshll.u32 s4, $0x1;
	s4 =	sadd.s32 s21, s2  }
0x9d: {  	[timem:s6], [sflag:s22] =	dma.local [hbm:s4], s20  }
0x9e: {  	_ =	swait.ge [sflag:s22], s20  }
0x9f: {  	s3 =	ssub.s32 $0x0, s20;
	[sflag:s22] =	ssyncset.done $0x0  }
0xa0: {  	[sflag:s22] =	ssyncadd.s32 s3;
	_ =	sdelay $0x1  }
0xa1: {  	s23 =	simm.s32 $0x1B8B  }
0xa2: {  	_ =	swait.ge [sflag:s23], $0x1  }
0xa3: {  	[sflag:s23] =	ssyncset.done $0x0  }
0xa4: {  	s25 =	simm.s32 $0x1B8E;
	s24 =	sld [smem:$0x3FFE];
	[sflag:s23] =	ssyncadd.s32 $0xFFFFFFFF  }
0xa5: {  	s26 =	simm.s32 $execute0_lowered;
	[smem:$0x3FD2] =	sst s25  }
0xa6: {  	s4 =	sshll.u32 s26, $0x1;
	_ =	strace $0x8000004C;
	[dreg:$0x1] =	wrdreg $0xFFFFFFFF  }
0xa7: {  	s28 =	simm.s32 $_size_execute0_lowered;
	s2 =	sadd.s32 s2, s4;
	[dreg:$0x0] =	wrdreg $0x0  }
0xa8: {  	s4 =	sshll.u32 s28, $0x1;
	[dreg:$0x2] =	wrdreg s2  }
0xa9: {  	[dreg:$0x3] =	wrdreg s4  }
0xaa: {  	[dreg:$0x4] =	wrdreg $0xC0  }
0xab: {  	_ =	task [dreg:s6], $0x5FFFF  }
0xac: {  	[dreg:$0x1] =	wrdreg $0xFFFFFFFF  }
0xad: {  	[dreg:$0x0] =	wrdreg $0x60  }
0xae: {  	[dreg:$0x2] =	wrdreg s24  }
0xaf: {  	[dreg:$0x3] =	wrdreg $0x11D000  }
0xb0: {  	[dreg:$0x4] =	wrdreg $0x9  }
0xb1: {  	_ =	task.clear_ibuf [dreg:s6], $0x5FFFF;
	_ =	strace $0x9000004C  }
0xb2: {  	s29 =	simm.s32 $0x9;
	_ =	strace $0x8000004E  }
0xb3: {  	_ =	swait.ge [sflag:s29], $0x1  }
0xb4: {  	[sflag:s29] =	ssyncadd.s32 $0xFFFFFFFF  }
0xb5: {  	_ =	strace $0x9000004E  }
0xb6: {  	_ =	sfence  }
0xb7: {  	s30 =	sld [smem:$0x0];
	_ =	sdelay $0x2  }
0xb8: {  	s31 =	sshll.u32 s1, $0xD;
	s1 =	sshrl.u32 s1, $0x2  }
0xb9: {  	s3 =	sand.u32 $0x4000, s31;
	s1 =	sadd.s32 s1, s30  }
0xba: {  	s0 =	sor.u32 s3, s0;
	s1 =	sshll.u32 s1, $0x11  }
0xbb: {  	s0 =	sor.u32 s1, s0  }
0xbc: {  	s0 =	sadd.s32 $0x8F2B, s0  }
0xbd: {  	[sflag:s0] =	ssyncadd.remote.s32 $0x1  }
0xbe: {  	_ =	sfence.sel $0xFFFF  }
0xbf: {  	[dreg:$0x0] =	wrdreg $0xFFFFFFFF;
	(pc) =	sbr.abs _section_cstart, $3  }
0xc0: {  	[dreg:$0x1] =	wrdreg $0xFFFFFFFF  }
0xc1: {  	_ =	task.clear_ibuf [dreg:s6], $0x2FFFF;
	_ =	strace $0x9FFFFFFF  }
0xc2: {  	(tm) =	ssettm $0x7FFFFFFF  }
0xc3: {  	_ =	shalt  }
tec
execute0_lowered:
.L_overlay_start_1:
0x0: {  	(tag) =	ssettag $0x1  }
0x1: {  	s0 =	srdreg.scid;
	s1 =	rddreg [dreg:$0x0]  }
0x2: {  	s4 =	stileid.u32;
	s2 =	rddreg [dreg:$0x1]  }
0x3: {  	s8 =	simm.s32 $0x0;
	s12 =	simm.s32 $0xCD00;
	s13 =	simm.s32 $0x7D  }
0x4: {  	s14 =	simm.s32 $0x5000;
	s16 =	simm.s32 $0x5FA0;
	s18 =	simm.s32 $0x6F40  }
0x5: {  	s20 =	simm.s32 $0x7EE0;
	s22 =	simm.s32 $0x8E80;
	s28 =	simm.s32 $0xADC0  }
0x6: {  	s30 =	simm.s32 $0xBD60;
	s31 =	simm.s32 $0x1;
	s11 =	simm.s32 $0x4  }
0x7: {  	s15 =	simm.s32 $0x5;
	s17 =	simm.s32 $0x6;
	s19 =	simm.s32 $0x7  }
0x8: {  	s21 =	simm.s32 $0x8;
	s23 =	simm.s32 $0x9;
	s29 =	simm.s32 $0xB  }
0x9: {  	s10 =	simm.s32 $0x0;
	s0 =	sand.u32 $0x1, s0;
	s6 =	smul.u32 $0x5000, s4  }
0xa: {  	[smem:$0x7FF] =	sst s8;
	s3 =	sshll.u32 s0, $0x4;
	s5 =	smul.u32 $0xA000, s0  }
0xb: {  	_ =	strace $0x8000004D;
	s0 =	ssub.s32 $0x2, s0;
	[dreg:$0x9] =	wrdreg s10  }
0xc: {  	s3 =	sor.u32 s4, s3;
	s4 =	sadd.s32 $0x17A00, s1;
	s24 =	sshrl.u32 s6, $0x3  }
0xd: {  	s7 =	sshrl.u32 s0, $0x1;
	s3 =	smul.u32 $0x500, s3;
	s26 =	sadd.s32 s4, s24  }
0xe: {  	s0 =	ssub.s32 s0, s7;
	s7 =	sadd.s32 s6, s2;
	[dreg:$0x5] =	wrdreg s26  }
0xf: {  	s6 =	simm.s32 $0xD;
	[dreg:$0x6] =	wrdreg s7;
	s0 =	smax.u32 s0, $0x1  }
0x10: {  	s26 =	simm.s32 $0xA;
	s7 =	simm.s32 $0xE;
	s3 =	sadd.s32 s3, s1  }
0x11: {  	s1 =	sadd.s32 s5, s1;
	[dreg:$0x7] =	wrdreg s0;
	s25 =	sadd.s32 $0xDA00, s3  }
0x12: {  	s0 =	simm.s32 $0x3;
	s3 =	sadd.s32 $0x3400, s3;
	[dreg:$0x3] =	wrdreg s25  }
0x13: {  	s5 =	simm.s32 $0xC;
	s1 =	sadd.s32 $0x21A00, s1;
	[dreg:$0x4] =	wrdreg s3  }
0x14: {  	s9 =	sadd.s32 s24, s1;
	s25 =	simm.s32 $0x9E20;
	s1 =	simm.s32 $0x2  }
0x15: {  	s24 =	simm.s32 $0x10;
	[dreg:$0x8] =	wrdreg s9;
	s9 =	simm.s32 $0xF  }
.LBB2_1:
0x16: {  	s3 =	rddreg [dreg:$0x3];
	s10 =	simm.s32 $0x11  }
0x17: {  	[tilespmem:s8], [sflag:$0x11] =	stream.linear.gather [hbm4b:s3+s8], $0x2800, $0x38;
	[tilespmem:$0x16D00] =	vst v63  }
0x18: {  	_ =	swait.ge [sflag:s10], $0x2800  }
0x19: {  	[sflag:s10] =	ssyncset.done $0x0  }
0x1a: {  	s3 =	rddreg [dreg:$0x4];
	[sflag:s10] =	ssyncadd.s32 $0xFFFFD800;
	s10 =	simm.s32 $0x2800  }
0x1b: {  	[tilespmem:s10], [sflag:$0x11] =	stream.linear.gather [hbm4b:s3+s8], $0x2800, $0x38;
	[tilespmem:$0x16D00] =	vst v63  }
0x1c: {  	s10 =	simm.s32 $0x11  }
0x1d: {  	_ =	swait.ge [sflag:s10], $0x2800  }
0x1e: {  	[sflag:s10] =	ssyncset.done $0x0  }
0x1f: {  	s3 =	rddreg [dreg:$0x5];
	[sflag:s10] =	ssyncadd.s32 $0xFFFFD800  }
0x20: {  	[tilespmem:s12], [sflag:$0x11] =	stream.linear.gather [hbm4b:s3+s8], $0x5000, $0x38;
	[tilespmem:$0x16D00] =	vst v63  }
0x21: {  	_ =	swait.ge [sflag:s10], $0x5000  }
0x22: {  	[sflag:s10] =	ssyncset.done $0x0  }
0x23: {  	s3 =	rddreg [dreg:$0x6];
	[sflag:s10] =	ssyncadd.s32 $0xFFFFB000  }
0x24: {  	[spmem:s3] =	stream.linear.scatter [tilespmem:s12], [sflag:$0x11], $0x5000, $0x38;
	[tilespmem:$0x16D00] =	vst v63  }
0x25: {  	_ =	swait.ge [sflag:s10], $0x5000  }
0x26: {  	[sflag:s10] =	ssyncset.done $0x0  }
0x27: {  	[sflag:s10] =	ssyncadd.s32 $0xFFFFB000  }
0x28: {  	[bflag:$0x0] =	sbarrier.arrive $0xFFFF  }
0x29: {  	[tilespmem:s14], [sflag:$0x1] =	stream.indirect.gather [hbm4b:s4+s13], $0x20, s8, s13, $0xb8;
	[tilespmem:$0x16D00] =	vst v63  }
0x2a: {  	s12 =	simm.s32 $0x80  }
0x2b: {  	[tilespmem:s16], [sflag:$0x2] =	stream.indirect.gather [hbm4b:s4+s13], $0x20, s12, s13, $0xb8;
	[tilespmem:$0x16D00] =	vst v63  }
0x2c: {  	s8 =	simm.s32 $0x100  }
0x2d: {  	[tilespmem:s18], [sflag:$0x3] =	stream.indirect.gather [hbm4b:s4+s13], $0x20, s8, s13, $0xb8;
	[tilespmem:$0x16D00] =	vst v63  }
0x2e: {  	s10 =	simm.s32 $0x180  }
0x2f: {  	[tilespmem:s20], [sflag:$0x4] =	stream.indirect.gather [hbm4b:s4+s13], $0x20, s10, s13, $0xb8;
	[tilespmem:$0x16D00] =	vst v63  }
0x30: {  	s12 =	simm.s32 $0x200  }
0x31: {  	[tilespmem:s22], [sflag:$0x5] =	stream.indirect.gather [hbm4b:s4+s13], $0x20, s12, s13, $0xb8;
	[tilespmem:$0x16D00] =	vst v63  }
0x32: {  	s8 =	simm.s32 $0x280  }
0x33: {  	[tilespmem:s25], [sflag:$0x6] =	stream.indirect.gather [hbm4b:s4+s13], $0x20, s8, s13, $0xb8;
	[tilespmem:$0x16D00] =	vst v63  }
0x34: {  	s10 =	simm.s32 $0x300  }
0x35: {  	[tilespmem:s28], [sflag:$0x7] =	stream.indirect.gather [hbm4b:s4+s13], $0x20, s10, s13, $0xb8;
	[tilespmem:$0x16D00] =	vst v63  }
0x36: {  	s12 =	simm.s32 $0x380  }
0x37: {  	[tilespmem:s30], [sflag:$0x8] =	stream.indirect.gather [hbm4b:s4+s13], $0x20, s12, s13, $0xb8;
	[tilespmem:$0x16D00] =	vst v63  }
0x38: {  	_ =	swait.ge [sflag:s31], $0xFA0  }
0x39: {  	[sflag:s31] =	ssyncset.done $0x0  }
0x3a: {  	s8 =	simm.s32 $0x2800;
	[sflag:s31] =	ssyncadd.s32 $0xFFFFF060  }
0x3b: {  	[spmem:s2] =	stream.indirect.scatter.add.f32 [tilespmem:s14], [sflag:$0x9], $0x20, s8, s13, $0xb8;
	[tilespmem:$0x16D00] =	vst v63  }
0x3c: {  	_ =	swait.ge [sflag:s1], $0xFA0  }
0x3d: {  	[sflag:s1] =	ssyncset.done $0x0  }
0x3e: {  	s10 =	simm.s32 $0x2880;
	[sflag:s1] =	ssyncadd.s32 $0xFFFFF060  }
0x3f: {  	[spmem:s2] =	stream.indirect.scatter.add.f32 [tilespmem:s16], [sflag:$0xA], $0x20, s10, s13, $0xb8;
	[tilespmem:$0x16D00] =	vst v63  }
0x40: {  	_ =	swait.ge [sflag:s0], $0xFA0  }
0x41: {  	[sflag:s0] =	ssyncset.done $0x0  }
0x42: {  	s12 =	simm.s32 $0x2900;
	[sflag:s0] =	ssyncadd.s32 $0xFFFFF060  }
0x43: {  	[spmem:s2] =	stream.indirect.scatter.add.f32 [tilespmem:s18], [sflag:$0xB], $0x20, s12, s13, $0xb8;
	[tilespmem:$0x16D00] =	vst v63  }
0x44: {  	_ =	swait.ge [sflag:s11], $0xFA0  }
0x45: {  	[sflag:s11] =	ssyncset.done $0x0  }
0x46: {  	s8 =	simm.s32 $0x2980;
	[sflag:s11] =	ssyncadd.s32 $0xFFFFF060  }
0x47: {  	[spmem:s2] =	stream.indirect.scatter.add.f32 [tilespmem:s20], [sflag:$0xC], $0x20, s8, s13, $0xb8;
	[tilespmem:$0x16D00] =	vst v63  }
0x48: {  	_ =	swait.ge [sflag:s15], $0xFA0  }
0x49: {  	[sflag:s15] =	ssyncset.done $0x0  }
0x4a: {  	s10 =	simm.s32 $0x2A00;
	[sflag:s15] =	ssyncadd.s32 $0xFFFFF060  }
0x4b: {  	[spmem:s2] =	stream.indirect.scatter.add.f32 [tilespmem:s22], [sflag:$0xD], $0x20, s10, s13, $0xb8;
	[tilespmem:$0x16D00] =	vst v63  }
0x4c: {  	_ =	swait.ge [sflag:s17], $0xFA0  }
0x4d: {  	[sflag:s17] =	ssyncset.done $0x0  }
0x4e: {  	s12 =	simm.s32 $0x2A80;
	[sflag:s17] =	ssyncadd.s32 $0xFFFFF060  }
0x4f: {  	[spmem:s2] =	stream.indirect.scatter.add.f32 [tilespmem:s25], [sflag:$0xE], $0x20, s12, s13, $0xb8;
	[tilespmem:$0x16D00] =	vst v63  }
0x50: {  	_ =	swait.ge [sflag:s19], $0xFA0  }
0x51: {  	[sflag:s19] =	ssyncset.done $0x0  }
0x52: {  	s8 =	simm.s32 $0x2B00;
	[sflag:s19] =	ssyncadd.s32 $0xFFFFF060  }
0x53: {  	[spmem:s2] =	stream.indirect.scatter.add.f32 [tilespmem:s28], [sflag:$0xF], $0x20, s8, s13, $0xb8;
	[tilespmem:$0x16D00] =	vst v63  }
0x54: {  	_ =	swait.ge [sflag:s21], $0xFA0  }
0x55: {  	[sflag:s21] =	ssyncset.done $0x0  }
0x56: {  	s10 =	simm.s32 $0x2B80;
	[sflag:s21] =	ssyncadd.s32 $0xFFFFF060  }
0x57: {  	[spmem:s2] =	stream.indirect.scatter.add.f32 [tilespmem:s30], [sflag:$0x10], $0x20, s10, s13, $0xb8;
	[tilespmem:$0x16D00] =	vst v63  }
0x58: {  	_ =	swait.ge [sflag:s23], $0xFA0  }
0x59: {  	[sflag:s23] =	ssyncset.done $0x0  }
0x5a: {  	s12 =	simm.s32 $0x400;
	[sflag:s23] =	ssyncadd.s32 $0xFFFFF060  }
0x5b: {  	[tilespmem:s14], [sflag:$0x1] =	stream.indirect.gather [hbm4b:s4+s13], $0x20, s12, s13, $0xb8;
	[tilespmem:$0x16D00] =	vst v63  }
0x5c: {  	_ =	swait.ge [sflag:s26], $0xFA0  }
0x5d: {  	[sflag:s26] =	ssyncset.done $0x0  }
0x5e: {  	s8 =	simm.s32 $0x480;
	[sflag:s26] =	ssyncadd.s32 $0xFFFFF060  }
0x5f: {  	[tilespmem:s16], [sflag:$0x2] =	stream.indirect.gather [hbm4b:s4+s13], $0x20, s8, s13, $0xb8;
	[tilespmem:$0x16D00] =	vst v63  }
0x60: {  	_ =	swait.ge [sflag:s29], $0xFA0  }
0x61: {  	[sflag:s29] =	ssyncset.done $0x0  }
0x62: {  	s10 =	simm.s32 $0x500;
	[sflag:s29] =	ssyncadd.s32 $0xFFFFF060  }
0x63: {  	[tilespmem:s18], [sflag:$0x3] =	stream.indirect.gather [hbm4b:s4+s13], $0x20, s10, s13, $0xb8;
	[tilespmem:$0x16D00] =	vst v63  }
0x64: {  	_ =	swait.ge [sflag:s5], $0xFA0  }
0x65: {  	[sflag:s5] =	ssyncset.done $0x0  }
0x66: {  	s12 =	simm.s32 $0x580;
	[sflag:s5] =	ssyncadd.s32 $0xFFFFF060  }
0x67: {  	[tilespmem:s20], [sflag:$0x4] =	stream.indirect.gather [hbm4b:s4+s13], $0x20, s12, s13, $0xb8;
	[tilespmem:$0x16D00] =	vst v63  }
0x68: {  	_ =	swait.ge [sflag:s6], $0xFA0  }
0x69: {  	[sflag:s6] =	ssyncset.done $0x0  }
0x6a: {  	s8 =	simm.s32 $0x600;
	[sflag:s6] =	ssyncadd.s32 $0xFFFFF060  }
0x6b: {  	[tilespmem:s22], [sflag:$0x5] =	stream.indirect.gather [hbm4b:s4+s13], $0x20, s8, s13, $0xb8;
	[tilespmem:$0x16D00] =	vst v63  }
0x6c: {  	_ =	swait.ge [sflag:s7], $0xFA0  }
0x6d: {  	[sflag:s7] =	ssyncset.done $0x0  }
0x6e: {  	s10 =	simm.s32 $0x680;
	[sflag:s7] =	ssyncadd.s32 $0xFFFFF060  }
0x6f: {  	[tilespmem:s25], [sflag:$0x6] =	stream.indirect.gather [hbm4b:s4+s13], $0x20, s10, s13, $0xb8;
	[tilespmem:$0x16D00] =	vst v63  }
0x70: {  	_ =	swait.ge [sflag:s9], $0xFA0  }
0x71: {  	[sflag:s9] =	ssyncset.done $0x0  }
0x72: {  	s12 =	simm.s32 $0x700;
	[sflag:s9] =	ssyncadd.s32 $0xFFFFF060  }
0x73: {  	[tilespmem:s28], [sflag:$0x7] =	stream.indirect.gather [hbm4b:s4+s13], $0x20, s12, s13, $0xb8;
	[tilespmem:$0x16D00] =	vst v63  }
0x74: {  	_ =	swait.ge [sflag:s24], $0xFA0  }
0x75: {  	[sflag:s24] =	ssyncset.done $0x0  }
0x76: {  	s3 =	simm.s32 $0x780;
	s12 =	simm.s32 $0x1000;
	[sflag:s24] =	ssyncadd.s32 $0xFFFFF060  }
.LBB2_2:
0x77: {  	[tilespmem:s30], [sflag:$0x8] =	stream.indirect.gather [hbm4b:s4+s13], $0x20, s3, s13, $0xb8;
	[tilespmem:$0x16D00] =	vst v63  }
0x78: {  	s3 =	smov.u32 s12  }
0x79: {  	p0 =	sne.s32 s12, $0x8000;
	s12 =	sadd.s32 $0x1000, s12;
	_ =	swait.ge [sflag:s31], $0xFA0  }
0x7a: {  	s3 =	sshra.s32 s3, $0x2;
	[sflag:s31] =	ssyncset.done $0x0  }
0x7b: {  	s8 =	sadd.s32 $0x2800, s3;
	[sflag:s31] =	ssyncadd.s32 $0xFFFFF060  }
0x7c: {  	[spmem:s2] =	stream.indirect.scatter.add.f32 [tilespmem:s14], [sflag:$0x9], $0x20, s8, s13, $0xb8;
	[tilespmem:$0x16D00] =	vst v63  }
0x7d: {  	_ =	swait.ge [sflag:s1], $0xFA0  }
0x7e: {  	[sflag:s1] =	ssyncset.done $0x0  }
0x7f: {  	s8 =	sadd.s32 $0x2880, s3;
	[sflag:s1] =	ssyncadd.s32 $0xFFFFF060  }
0x80: {  	[spmem:s2] =	stream.indirect.scatter.add.f32 [tilespmem:s16], [sflag:$0xA], $0x20, s8, s13, $0xb8;
	[tilespmem:$0x16D00] =	vst v63  }
0x81: {  	_ =	swait.ge [sflag:s0], $0xFA0  }
0x82: {  	[sflag:s0] =	ssyncset.done $0x0  }
0x83: {  	s8 =	sadd.s32 $0x2900, s3;
	[sflag:s0] =	ssyncadd.s32 $0xFFFFF060  }
0x84: {  	[spmem:s2] =	stream.indirect.scatter.add.f32 [tilespmem:s18], [sflag:$0xB], $0x20, s8, s13, $0xb8;
	[tilespmem:$0x16D00] =	vst v63  }
0x85: {  	_ =	swait.ge [sflag:s11], $0xFA0  }
0x86: {  	[sflag:s11] =	ssyncset.done $0x0  }
0x87: {  	s8 =	sadd.s32 $0x2980, s3;
	[sflag:s11] =	ssyncadd.s32 $0xFFFFF060  }
0x88: {  	[spmem:s2] =	stream.indirect.scatter.add.f32 [tilespmem:s20], [sflag:$0xC], $0x20, s8, s13, $0xb8;
	[tilespmem:$0x16D00] =	vst v63  }
0x89: {  	_ =	swait.ge [sflag:s15], $0xFA0  }
0x8a: {  	[sflag:s15] =	ssyncset.done $0x0  }
0x8b: {  	s8 =	sadd.s32 $0x2A00, s3;
	[sflag:s15] =	ssyncadd.s32 $0xFFFFF060  }
0x8c: {  	[spmem:s2] =	stream.indirect.scatter.add.f32 [tilespmem:s22], [sflag:$0xD], $0x20, s8, s13, $0xb8;
	[tilespmem:$0x16D00] =	vst v63  }
0x8d: {  	_ =	swait.ge [sflag:s17], $0xFA0  }
0x8e: {  	[sflag:s17] =	ssyncset.done $0x0  }
0x8f: {  	s8 =	sadd.s32 $0x2A80, s3;
	[sflag:s17] =	ssyncadd.s32 $0xFFFFF060  }
0x90: {  	[spmem:s2] =	stream.indirect.scatter.add.f32 [tilespmem:s25], [sflag:$0xE], $0x20, s8, s13, $0xb8;
	[tilespmem:$0x16D00] =	vst v63  }
0x91: {  	_ =	swait.ge [sflag:s19], $0xFA0  }
0x92: {  	[sflag:s19] =	ssyncset.done $0x0  }
0x93: {  	s8 =	sadd.s32 $0x2B00, s3;
	[sflag:s19] =	ssyncadd.s32 $0xFFFFF060  }
0x94: {  	[spmem:s2] =	stream.indirect.scatter.add.f32 [tilespmem:s28], [sflag:$0xF], $0x20, s8, s13, $0xb8;
	[tilespmem:$0x16D00] =	vst v63  }
0x95: {  	_ =	swait.ge [sflag:s21], $0xFA0  }
0x96: {  	[sflag:s21] =	ssyncset.done $0x0  }
0x97: {  	s8 =	sadd.s32 $0x2B80, s3;
	[sflag:s21] =	ssyncadd.s32 $0xFFFFF060  }
0x98: {  	[spmem:s2] =	stream.indirect.scatter.add.f32 [tilespmem:s30], [sflag:$0x10], $0x20, s8, s13, $0xb8;
	[tilespmem:$0x16D00] =	vst v63  }
0x99: {  	_ =	swait.ge [sflag:s23], $0xFA0  }
0x9a: {  	[sflag:s23] =	ssyncset.done $0x0  }
0x9b: {  	s8 =	sadd.s32 $0x400, s3;
	[sflag:s23] =	ssyncadd.s32 $0xFFFFF060  }
0x9c: {  	[tilespmem:s14], [sflag:$0x1] =	stream.indirect.gather [hbm4b:s4+s13], $0x20, s8, s13, $0xb8;
	[tilespmem:$0x16D00] =	vst v63  }
0x9d: {  	_ =	swait.ge [sflag:s26], $0xFA0  }
0x9e: {  	[sflag:s26] =	ssyncset.done $0x0  }
0x9f: {  	s8 =	sadd.s32 $0x480, s3;
	[sflag:s26] =	ssyncadd.s32 $0xFFFFF060  }
0xa0: {  	[tilespmem:s16], [sflag:$0x2] =	stream.indirect.gather [hbm4b:s4+s13], $0x20, s8, s13, $0xb8;
	[tilespmem:$0x16D00] =	vst v63  }
0xa1: {  	_ =	swait.ge [sflag:s29], $0xFA0  }
0xa2: {  	[sflag:s29] =	ssyncset.done $0x0  }
0xa3: {  	s8 =	sadd.s32 $0x500, s3;
	[sflag:s29] =	ssyncadd.s32 $0xFFFFF060  }
0xa4: {  	[tilespmem:s18], [sflag:$0x3] =	stream.indirect.gather [hbm4b:s4+s13], $0x20, s8, s13, $0xb8;
	[tilespmem:$0x16D00] =	vst v63  }
0xa5: {  	_ =	swait.ge [sflag:s5], $0xFA0  }
0xa6: {  	[sflag:s5] =	ssyncset.done $0x0  }
0xa7: {  	s8 =	sadd.s32 $0x580, s3;
	[sflag:s5] =	ssyncadd.s32 $0xFFFFF060  }
0xa8: {  	[tilespmem:s20], [sflag:$0x4] =	stream.indirect.gather [hbm4b:s4+s13], $0x20, s8, s13, $0xb8;
	[tilespmem:$0x16D00] =	vst v63  }
0xa9: {  	_ =	swait.ge [sflag:s6], $0xFA0  }
0xaa: {  	[sflag:s6] =	ssyncset.done $0x0  }
0xab: {  	s8 =	sadd.s32 $0x600, s3;
	[sflag:s6] =	ssyncadd.s32 $0xFFFFF060  }
0xac: {  	[tilespmem:s22], [sflag:$0x5] =	stream.indirect.gather [hbm4b:s4+s13], $0x20, s8, s13, $0xb8;
	[tilespmem:$0x16D00] =	vst v63  }
0xad: {  	_ =	swait.ge [sflag:s7], $0xFA0  }
0xae: {  	[sflag:s7] =	ssyncset.done $0x0  }
0xaf: {  	s8 =	sadd.s32 $0x680, s3;
	[sflag:s7] =	ssyncadd.s32 $0xFFFFF060  }
0xb0: {  	[tilespmem:s25], [sflag:$0x6] =	stream.indirect.gather [hbm4b:s4+s13], $0x20, s8, s13, $0xb8;
	[tilespmem:$0x16D00] =	vst v63  }
0xb1: {  	_ =	swait.ge [sflag:s9], $0xFA0  }
0xb2: {  	[sflag:s9] =	ssyncset.done $0x0  }
.Ltmp0:
0xb3: {  	s8 =	sadd.s32 $0x700, s3;
	[sflag:s9] =	ssyncadd.s32 $0xFFFFF060;
	(pc) =	sbr.rel @p0 .LBB2_2-.Ltmp0, $4  }
0xb4: {  	[tilespmem:s28], [sflag:$0x7] =	stream.indirect.gather [hbm4b:s4+s13], $0x20, s8, s13, $0xb8;
	[tilespmem:$0x16D00] =	vst v63  }
0xb5: {  	_ =	swait.ge [sflag:s24], $0xFA0  }
0xb6: {  	[sflag:s24] =	ssyncset.done $0x0  }
0xb7: {  	s3 =	sadd.s32 $0x780, s3;
	[sflag:s24] =	ssyncadd.s32 $0xFFFFF060  }
0xb8: {  	[tilespmem:s30], [sflag:$0x8] =	stream.indirect.gather [hbm4b:s4+s13], $0x20, s3, s13, $0xb8;
	[tilespmem:$0x16D00] =	vst v63  }
0xb9: {  	_ =	swait.ge [sflag:s31], $0xFA0  }
0xba: {  	[sflag:s31] =	ssyncset.done $0x0  }
0xbb: {  	s12 =	simm.s32 $0x4C00;
	[sflag:s31] =	ssyncadd.s32 $0xFFFFF060  }
0xbc: {  	[spmem:s2] =	stream.indirect.scatter.add.f32 [tilespmem:s14], [sflag:$0x9], $0x20, s12, s13, $0xb8;
	[tilespmem:$0x16D00] =	vst v63  }
0xbd: {  	_ =	swait.ge [sflag:s1], $0xFA0  }
0xbe: {  	[sflag:s1] =	ssyncset.done $0x0  }
0xbf: {  	s8 =	simm.s32 $0x4C80;
	[sflag:s1] =	ssyncadd.s32 $0xFFFFF060  }
0xc0: {  	[spmem:s2] =	stream.indirect.scatter.add.f32 [tilespmem:s16], [sflag:$0xA], $0x20, s8, s13, $0xb8;
	[tilespmem:$0x16D00] =	vst v63  }
0xc1: {  	_ =	swait.ge [sflag:s0], $0xFA0  }
0xc2: {  	[sflag:s0] =	ssyncset.done $0x0  }
0xc3: {  	s10 =	simm.s32 $0x4D00;
	[sflag:s0] =	ssyncadd.s32 $0xFFFFF060  }
0xc4: {  	[spmem:s2] =	stream.indirect.scatter.add.f32 [tilespmem:s18], [sflag:$0xB], $0x20, s10, s13, $0xb8;
	[tilespmem:$0x16D00] =	vst v63  }
0xc5: {  	_ =	swait.ge [sflag:s11], $0xFA0  }
0xc6: {  	[sflag:s11] =	ssyncset.done $0x0  }
0xc7: {  	s12 =	simm.s32 $0x4D80;
	[sflag:s11] =	ssyncadd.s32 $0xFFFFF060  }
0xc8: {  	[spmem:s2] =	stream.indirect.scatter.add.f32 [tilespmem:s20], [sflag:$0xC], $0x20, s12, s13, $0xb8;
	[tilespmem:$0x16D00] =	vst v63  }
0xc9: {  	_ =	swait.ge [sflag:s15], $0xFA0  }
0xca: {  	[sflag:s15] =	ssyncset.done $0x0  }
0xcb: {  	s8 =	simm.s32 $0x4E00;
	[sflag:s15] =	ssyncadd.s32 $0xFFFFF060  }
0xcc: {  	[spmem:s2] =	stream.indirect.scatter.add.f32 [tilespmem:s22], [sflag:$0xD], $0x20, s8, s13, $0xb8;
	[tilespmem:$0x16D00] =	vst v63  }
0xcd: {  	_ =	swait.ge [sflag:s17], $0xFA0  }
0xce: {  	[sflag:s17] =	ssyncset.done $0x0  }
0xcf: {  	s10 =	simm.s32 $0x4E80;
	[sflag:s17] =	ssyncadd.s32 $0xFFFFF060  }
0xd0: {  	[spmem:s2] =	stream.indirect.scatter.add.f32 [tilespmem:s25], [sflag:$0xE], $0x20, s10, s13, $0xb8;
	[tilespmem:$0x16D00] =	vst v63  }
0xd1: {  	_ =	swait.ge [sflag:s19], $0xFA0  }
0xd2: {  	[sflag:s19] =	ssyncset.done $0x0  }
0xd3: {  	s12 =	simm.s32 $0x4F00;
	[sflag:s19] =	ssyncadd.s32 $0xFFFFF060  }
0xd4: {  	[spmem:s2] =	stream.indirect.scatter.add.f32 [tilespmem:s28], [sflag:$0xF], $0x20, s12, s13, $0xb8;
	[tilespmem:$0x16D00] =	vst v63  }
0xd5: {  	_ =	swait.ge [sflag:s21], $0xFA0  }
0xd6: {  	[sflag:s21] =	ssyncset.done $0x0  }
0xd7: {  	s8 =	simm.s32 $0x4F80;
	[sflag:s21] =	ssyncadd.s32 $0xFFFFF060  }
0xd8: {  	[spmem:s2] =	stream.indirect.scatter.add.f32 [tilespmem:s30], [sflag:$0x10], $0x20, s8, s13, $0xb8;
	[tilespmem:$0x16D00] =	vst v63  }
0xd9: {  	_ =	swait.ge [sflag:s23], $0xFA0  }
0xda: {  	[sflag:s23] =	ssyncset.done $0x0  }
0xdb: {  	[sflag:s23] =	ssyncadd.s32 $0xFFFFF060  }
0xdc: {  	_ =	swait.ge [sflag:s26], $0xFA0  }
0xdd: {  	[sflag:s26] =	ssyncset.done $0x0  }
0xde: {  	[sflag:s26] =	ssyncadd.s32 $0xFFFFF060  }
0xdf: {  	_ =	swait.ge [sflag:s29], $0xFA0  }
0xe0: {  	[sflag:s29] =	ssyncset.done $0x0  }
0xe1: {  	[sflag:s29] =	ssyncadd.s32 $0xFFFFF060  }
0xe2: {  	_ =	swait.ge [sflag:s5], $0xFA0  }
0xe3: {  	[sflag:s5] =	ssyncset.done $0x0  }
0xe4: {  	[sflag:s5] =	ssyncadd.s32 $0xFFFFF060  }
0xe5: {  	_ =	swait.ge [sflag:s6], $0xFA0  }
0xe6: {  	[sflag:s6] =	ssyncset.done $0x0  }
0xe7: {  	[sflag:s6] =	ssyncadd.s32 $0xFFFFF060  }
0xe8: {  	_ =	swait.ge [sflag:s7], $0xFA0  }
0xe9: {  	[sflag:s7] =	ssyncset.done $0x0  }
0xea: {  	[sflag:s7] =	ssyncadd.s32 $0xFFFFF060  }
0xeb: {  	_ =	swait.ge [sflag:s9], $0xFA0  }
0xec: {  	[sflag:s9] =	ssyncset.done $0x0  }
0xed: {  	[sflag:s9] =	ssyncadd.s32 $0xFFFFF060  }
0xee: {  	_ =	swait.ge [sflag:s24], $0xFA0  }
0xef: {  	[sflag:s24] =	ssyncset.done $0x0  }
0xf0: {  	[sflag:s24] =	ssyncadd.s32 $0xFFFFF060  }
0xf1: {  	[bflag:$0x0] =	sbarrier.arrive $0xFFFF  }
0xf2: {  	s12 =	simm.s32 $0xCD00;
	s8 =	simm.s32 $0x11;
	s10 =	rddreg [dreg:$0x6]  }
0xf3: {  	[tilespmem:s12], [sflag:$0x11] =	stream.linear.gather [spmem:s10], $0x5000, $0x38;
	[tilespmem:$0x16D00] =	vst v63  }
0xf4: {  	_ =	swait.ge [sflag:s8], $0x5000  }
0xf5: {  	[sflag:s8] =	ssyncset.done $0x0  }
0xf6: {  	s10 =	simm.s32 $0x0;
	s3 =	rddreg [dreg:$0x8];
	[sflag:s8] =	ssyncadd.s32 $0xFFFFB000  }
0xf7: {  	[hbm4b:s3+s10] =	stream.linear.scatter [tilespmem:s12], [sflag:$0x11], $0x5000, $0x38;
	[tilespmem:$0x16D00] =	vst v63  }
0xf8: {  	_ =	swait.ge [sflag:s8], $0x5000  }
0xf9: {  	s3 =	rddreg [dreg:$0x9]  }
0xfa: {  	s10 =	sadd.s32 $0x1, s3;
	s3 =	rddreg [dreg:$0x7]  }
0xfb: {  	p0 =	sne.s32 s10, s3  }
.Ltmp1:
0xfc: {  	_ = 	snop;
	(pc) =	sbr.rel @p0 .LBB2_1-.Ltmp1, $3  }
0xfd: {  	_ =	sdelay $0x1  }
0xfe: {  	[sflag:s8] =	ssyncset.done $0x0  }
0xff: {  	[sflag:s8] =	ssyncadd.s32 $0xFFFFB000;
	s8 =	simm.s32 $0x0;
	[dreg:$0x9] =	wrdreg s10  }
0x100: {  	_ =	sfence.sel $0x180000  }
0x101: {  	[bflag:$0x0] =	sbarrier.arrive $0xFFFF  }
0x102: {  	_ =	strace $0x9000004D  }
0x103: {  	s0 =	stileid.u32;
	[bflag:$0x2] =	sbarrier.arrive $0xFFFF  }
0x104: {  	p0 =	sne.s32 s0, $0x0;
	s0 =	rddreg [dreg:$0x2]  }
0x105: {  	s0 =	sadd.s32 @!p0 $0x100000, s0  }
0x106: {  	[sflag:s0] =	ssyncadd.tile.s32 @!p0 $0x1;
	_ =	shalt  }
.Lfunc_end2:
_tile_overlayer_lowered:
.L_overlay_start_2:
0x107: {  	(tag) =	ssettag $0x2  }
0x108: {  	s0 =	rddreg [dreg:$0x0];
	s2 =	stileid.u32  }
0x109: {  	s1 =	rddreg [dreg:$0x1];
	p0 =	sne.s32 s2, $0x0  }
0x10a: {  	s3 =	rddreg [dreg:$0x2];
	[bflag:$0x3] =	sbarrier.arrive $0xFFFF;
	s2 =	simm.s32 @!p0 $0x1C11  }
0x10b: {  	[timem:s3], [sflag:s2] =	dma.local @!p0 [hbm:s0], s1  }
0x10c: {  	s0 =	simm.s32 @!p0 $0x11  }
0x10d: {  	_ =	swait.ge @!p0 [sflag:s0], s1  }
0x10e: {  	s1 =	ssub.s32 @!p0 $0x0, s1;
	[sflag:s0] =	ssyncset.done @!p0 $0x0  }
0x10f: {  	[sflag:s0] =	ssyncadd.s32 @!p0 s1  }
0x110: {  	[bflag:$0x3] =	sbarrier.arrive $0xFFFF  }
0x111: {  	_ =	shalt  }

// kernel: kernel.19.cloned.1.call-start
scs
__scs_entry_jumppad:
0x0: {  	(pc) =	sbr.rel $0x88, $3  }
0x1: {  	(tag) =	ssettag $0x0;
	lr =	simm.s32 $0x1  }
0x2: {  	[smem:$0x3F97] =	sst lr;
	_ =	strace $0xD0000000  }
0x3: {  	_ = 	snop  }
0x4: {  	_ = 	snop  }
0x5: {  	_ = 	snop  }
0x6: {  	_ = 	snop  }
0x7: {  	_ = 	snop  }
__scs_overlays_trampoline_lowered:
0x8: {  	[smem:$0x3FA6] =	sst s0  }
0x9: {  	[smem:$0x3FA7] =	sst s1  }
0xa: {  	[smem:$0x3FA8] =	sst s2  }
0xb: {  	[smem:$0x3FA9] =	sst s3  }
0xc: {  	[smem:$0x3FAA] =	sst s4  }
0xd: {  	[smem:$0x3FAB] =	sst s5  }
0xe: {  	[smem:$0x3FAC] =	sst s6  }
0xf: {  	[smem:$0x3FAD] =	sst s7  }
0x10: {  	[smem:$0x3FAE] =	sst s8  }
0x11: {  	[smem:$0x3FAF] =	sst s9;
	s0 =	simm.s32 @!p0 $0x0  }
0x12: {  	s1 =	sld [smem:$0x3F95];
	s0 =	simm.s32 @p0 $0x1  }
0x13: {  	[smem:$0x3FB0] =	sst s0;
	s0 =	simm.s32 @!p1 $0x0  }
0x14: {  	s2 =	sld [smem:$0x3F94];
	s0 =	simm.s32 @p1 $0x1  }
0x15: {  	[smem:$0x3FB1] =	sst s0;
	s0 =	simm.s32 @!p2 $0x0  }
0x16: {  	s3 =	sld [smem:$0x3FDB];
	s0 =	simm.s32 @p2 $0x1  }
0x17: {  	s4 =	simm.s32 $0x1BF5;
	[smem:$0x3FB3] =	sst s0  }
0x18: {  	s0 =	sld [smem:$0x3F96];
	_ =	swait.ge [sflag:s4], $0x0  }
0x19: {  	s7 =	sld [smem:$0x3F97]  }
0x1a: {  	s8 =	sadd.s32 $0xFFFFE003, lr  }
0x1b: {  	s9 =	sadd.s32 $0xFFFFFEF7, lr;
	s5 =	simm.s32 $0xFFFFFFFF;
	p2 =	slt.u32 s8, $0xFFFFF086  }
0x1c: {  	p1 =	slt.u32 s9, $0xF7A;
	s5 =	simm.s32 @!p2 $0x0  }
0x1d: {  	s5 =	simm.s32 @p1 $0x1;
	p0 =	seq.s32 s7, s2  }
0x1e: {  	s7 =	smul.u32 @!p0 $0xF7A, s2;
	p2 =	seq.s32 @!p0 s5, $0x0  }
0x1f: {  	s9 =	smul.u32 $0xF7A, s1;
	s8 =	simm.s32 @!p0 $0x1BF5;
	p2 =	por !p2, p0  }
0x20: {  	[sflag:s8] =	ssyncset.s32 @!p0 $0xFFFFF086;
	s6 =	sadd.s32 @!p0 s3, s7;
	s7 =	simm.s32 @!p0 $0x108  }
0x21: {  	s3 =	sadd.s32 s3, s9;
	s6 =	sadd.s32 @!p0 $0x88, s6;
	s7 =	simm.s32 @p2 $0x1082  }
0x22: {  	[simem:s7], [sflag:s8] =	dma.local @!p0 [hbm:s6], $0xF7A  }
0x23: {  	s9 =	sor.u32 $0xD0000000, s2;
	s6 =	simm.s32 $0x108;
	_ =	swait.ge @!p0 [sflag:s8], $0x0  }
0x24: {  	s3 =	sadd.s32 $0x88, s3;
	s6 =	simm.s32 @!p1 $0x1082;
	[sflag:s4] =	ssyncset.s32 $0xFFFFF086  }
0x25: {  	[simem:s6], [sflag:s4] =	dma.local [hbm:s3], $0xF7A  }
0x26: {  	[smem:$0x3F97] =	sst s1;
	(tag) =	ssettag s2;
	_ =	strace s9  }
0x27: {  	s1 =	sld [smem:$0x3FA7]  }
0x28: {  	s2 =	sld [smem:$0x3FA8]  }
0x29: {  	s4 =	sld [smem:$0x3FAA]  }
0x2a: {  	p0 =	seq.s32 s5, $0x0;
	s5 =	sld [smem:$0x3FAB]  }
0x2b: {  	s6 =	sld [smem:$0x3FAC]  }
0x2c: {  	s7 =	sld [smem:$0x3FAD]  }
0x2d: {  	s3 =	simm.s32 $0x108;
	s8 =	sld [smem:$0x3FAE]  }
0x2e: {  	s3 =	simm.s32 @!p0 $0x1082;
	s9 =	sld [smem:$0x3FAF]  }
0x2f: {  	lr =	sadd.s32 s0, s3;
	s0 =	sld [smem:$0x3FA6]  }
0x30: {  	s3 =	sld [smem:$0x3FA9]  }
0x31: {  	[smem:$0x3FB2] =	sst s10  }
0x32: {  	s10 =	sld [smem:$0x3FB0];
	_ =	sdelay $0x3  }
0x33: {  	p0 =	seq.s32 s10, $0x1;
	s10 =	sld [smem:$0x3FB2];
	_ =	sdelay $0x3  }
0x34: {  	[smem:$0x3FB2] =	sst s10  }
0x35: {  	s10 =	sld [smem:$0x3FB1];
	_ =	sdelay $0x3  }
0x36: {  	p1 =	seq.s32 s10, $0x1;
	s10 =	sld [smem:$0x3FB2];
	_ =	sdelay $0x3  }
0x37: {  	[smem:$0x3FB2] =	sst s10  }
0x38: {  	s10 =	sld [smem:$0x3FB3]  }
0x39: {  	_ = 	snop;
	(pc) =	sbr.ind lr, $3  }
0x3a: {  	_ = 	snop  }
0x3b: {  	_ = 	snop  }
0x3c: {  	p2 =	seq.s32 s10, $0x1;
	s10 =	sld [smem:$0x3FB2]  }
0x3d: {  	_ =	shalt  }
0x3e: {  	_ =	shalt  }
0x3f: {  	_ =	shalt  }
0x40: {  	_ =	shalt  }
0x41: {  	_ =	shalt  }
0x42: {  	_ =	shalt  }
0x43: {  	_ =	shalt  }
0x44: {  	_ =	shalt  }
0x45: {  	_ =	shalt  }
0x46: {  	_ =	shalt  }
0x47: {  	_ =	shalt  }
0x48: {  	_ =	shalt  }
0x49: {  	_ =	shalt  }
0x4a: {  	_ =	shalt  }
0x4b: {  	_ =	shalt  }
0x4c: {  	_ =	shalt  }
0x4d: {  	_ =	shalt  }
0x4e: {  	_ =	shalt  }
0x4f: {  	_ =	shalt  }
0x50: {  	_ =	shalt  }
0x51: {  	_ =	shalt  }
0x52: {  	_ =	shalt  }
0x53: {  	_ =	shalt  }
0x54: {  	_ =	shalt  }
0x55: {  	_ =	shalt  }
0x56: {  	_ =	shalt  }
0x57: {  	_ =	shalt  }
0x58: {  	_ =	shalt  }
0x59: {  	_ =	shalt  }
0x5a: {  	_ =	shalt  }
0x5b: {  	_ =	shalt  }
0x5c: {  	_ =	shalt  }
0x5d: {  	_ =	shalt  }
0x5e: {  	_ =	shalt  }
0x5f: {  	_ =	shalt  }
0x60: {  	_ =	shalt  }
0x61: {  	_ =	shalt  }
0x62: {  	_ =	shalt  }
0x63: {  	_ =	shalt  }
0x64: {  	_ =	shalt  }
0x65: {  	_ =	shalt  }
0x66: {  	_ =	shalt  }
0x67: {  	_ =	shalt  }
0x68: {  	_ =	shalt  }
0x69: {  	_ =	shalt  }
0x6a: {  	_ =	shalt  }
0x6b: {  	_ =	shalt  }
0x6c: {  	_ =	shalt  }
0x6d: {  	_ =	shalt  }
0x6e: {  	_ =	shalt  }
0x6f: {  	_ =	shalt  }
0x70: {  	_ =	shalt  }
0x71: {  	_ =	shalt  }
0x72: {  	_ =	shalt  }
0x73: {  	_ =	shalt  }
0x74: {  	_ =	shalt  }
0x75: {  	_ =	shalt  }
0x76: {  	_ =	shalt  }
0x77: {  	_ =	shalt  }
0x78: {  	_ =	shalt  }
0x79: {  	_ =	shalt  }
0x7a: {  	_ =	shalt  }
0x7b: {  	_ =	shalt  }
0x7c: {  	_ =	shalt  }
0x7d: {  	_ =	shalt  }
0x7e: {  	_ =	shalt  }
0x7f: {  	_ =	shalt  }
0x80: {  	_ =	shalt  }
0x81: {  	_ =	shalt  }
0x82: {  	_ =	shalt  }
0x83: {  	_ =	shalt  }
0x84: {  	_ =	shalt  }
0x85: {  	_ =	shalt  }
0x86: {  	_ =	shalt  }
0x87: {  	_ =	shalt  }
.Lfunc_end0:
.L_simem_size_0:
called_computation.3_lowered:
.L_overlay_start_0:
0x88: {  	s2 =	sld [smem:$0x3FD9]  }
0x89: {  	s3 =	sld [smem:$0x3FFE];
	_ =	sdelay $0x1  }
0x8a: {  	s1 =	srdreg.scid  }
0x8b: {  	s0 =	sand.u32 $0x1, s1  }
0x8c: {  	s16 =	sshll.u32 s0, $0xA;
	s2 =	sadd.s32 s3, s2  }
0x8d: {  	s2 =	sadd.s32 s2, s16  }
0x8e: {  	[smem:$0x3FBE] =	sst s2  }
0x8f: {  	_ = 	snop  }
0x90: {  	(tm) =	ssettm $0x1  }
0x91: {  	s17 =	sld [smem:$0x3FFB];
	_ =	sdelay $0x3  }
0x92: {  	_ =	strace s17  }
0x93: {  	s2 =	sld [smem:$0x3FFC];
	_ =	sdelay $0x3  }
0x94: {  	_ =	strace s2  }
0x95: {  	s2 =	sld [smem:$0x3FFD];
	_ =	sdelay $0x3  }
0x96: {  	_ =	strace s2  }
0x97: {  	_ =	strace $0x8FFFFFFF  }
0x98: {  	s18 =	sld [smem:$0x3FDB];
	_ =	sdelay $0x1  }
0x99: {  	s19 =	simm.s32 $_scs_section_size  }
0x9a: {  	s4 =	simm.s32 $_size__tile_overlayer_lowered;
	s5 =	simm.s32 $_tile_overlayer_lowered  }
0x9b: {  	s22 =	simm.s32 $0x1BFF;
	s21 =	sshll.u32 s5, $0x1;
	s2 =	sadd.s32 s19, s18  }
0x9c: {  	s6 =	simm.s32 $0x0;
	s20 =	sshll.u32 s4, $0x1;
	s4 =	sadd.s32 s21, s2  }
0x9d: {  	[timem:s6], [sflag:s22] =	dma.local [hbm:s4], s20  }
0x9e: {  	_ =	swait.ge [sflag:s22], s20  }
0x9f: {  	s3 =	ssub.s32 $0x0, s20;
	[sflag:s22] =	ssyncset.done $0x0  }
0xa0: {  	[sflag:s22] =	ssyncadd.s32 s3;
	_ =	sdelay $0x1  }
0xa1: {  	s23 =	simm.s32 $0x1B8B  }
0xa2: {  	_ =	swait.ge [sflag:s23], $0x1  }
0xa3: {  	[sflag:s23] =	ssyncset.done $0x0  }
0xa4: {  	s25 =	simm.s32 $0x1B8E;
	s24 =	sld [smem:$0x3FFE];
	[sflag:s23] =	ssyncadd.s32 $0xFFFFFFFF  }
0xa5: {  	s26 =	simm.s32 $execute0_lowered;
	[smem:$0x3FD2] =	sst s25  }
0xa6: {  	s4 =	sshll.u32 s26, $0x1;
	_ =	strace $0x8000004F;
	[dreg:$0x1] =	wrdreg $0xFFFFFFFF  }
0xa7: {  	s28 =	simm.s32 $_size_execute0_lowered;
	s2 =	sadd.s32 s2, s4;
	[dreg:$0x0] =	wrdreg $0x0  }
0xa8: {  	s4 =	sshll.u32 s28, $0x1;
	[dreg:$0x2] =	wrdreg s2  }
0xa9: {  	[dreg:$0x3] =	wrdreg s4  }
0xaa: {  	[dreg:$0x4] =	wrdreg $0xC0  }
0xab: {  	_ =	task [dreg:s6], $0x5FFFF  }
0xac: {  	[dreg:$0x1] =	wrdreg $0xFFFFFFFF  }
0xad: {  	[dreg:$0x0] =	wrdreg $0x60  }
0xae: {  	[dreg:$0x2] =	wrdreg s24  }
0xaf: {  	[dreg:$0x3] =	wrdreg $0x11D000  }
0xb0: {  	[dreg:$0x4] =	wrdreg $0x9  }
0xb1: {  	_ =	task.clear_ibuf [dreg:s6], $0x5FFFF;
	_ =	strace $0x9000004F  }
0xb2: {  	s29 =	simm.s32 $0x9;
	_ =	strace $0x80000051  }
0xb3: {  	_ =	swait.ge [sflag:s29], $0x1  }
0xb4: {  	[sflag:s29] =	ssyncadd.s32 $0xFFFFFFFF  }
0xb5: {  	_ =	strace $0x90000051  }
0xb6: {  	_ =	sfence  }
0xb7: {  	s30 =	sld [smem:$0x0];
	_ =	sdelay $0x2  }
0xb8: {  	s31 =	sshll.u32 s1, $0xD;
	s1 =	sshrl.u32 s1, $0x2  }
0xb9: {  	s3 =	sand.u32 $0x4000, s31;
	s1 =	sadd.s32 s1, s30  }
0xba: {  	s0 =	sor.u32 s3, s0;
	s1 =	sshll.u32 s1, $0x11  }
0xbb: {  	s0 =	sor.u32 s1, s0  }
0xbc: {  	s0 =	sadd.s32 $0x8F2B, s0  }
0xbd: {  	[sflag:s0] =	ssyncadd.remote.s32 $0x1  }
0xbe: {  	_ =	sfence.sel $0xFFFF  }
0xbf: {  	[dreg:$0x0] =	wrdreg $0xFFFFFFFF;
	(pc) =	sbr.abs _section_cstart, $3  }
0xc0: {  	[dreg:$0x1] =	wrdreg $0xFFFFFFFF  }
0xc1: {  	_ =	task.clear_ibuf [dreg:s6], $0x2FFFF;
	_ =	strace $0x9FFFFFFF  }
0xc2: {  	(tm) =	ssettm $0x7FFFFFFF  }
0xc3: {  	_ =	shalt  }
tec
execute0_lowered:
.L_overlay_start_1:
0x0: {  	(tag) =	ssettag $0x1  }
0x1: {  	s0 =	srdreg.scid;
	s1 =	rddreg [dreg:$0x0]  }
0x2: {  	s4 =	stileid.u32;
	s2 =	rddreg [dreg:$0x1]  }
0x3: {  	s8 =	simm.s32 $0x0;
	s12 =	simm.s32 $0xCD00;
	s13 =	simm.s32 $0x7D  }
0x4: {  	s14 =	simm.s32 $0x5000;
	s16 =	simm.s32 $0x5FA0;
	s18 =	simm.s32 $0x6F40  }
0x5: {  	s20 =	simm.s32 $0x7EE0;
	s22 =	simm.s32 $0x8E80;
	s28 =	simm.s32 $0xADC0  }
0x6: {  	s30 =	simm.s32 $0xBD60;
	s31 =	simm.s32 $0x1;
	s11 =	simm.s32 $0x4  }
0x7: {  	s15 =	simm.s32 $0x5;
	s17 =	simm.s32 $0x6;
	s19 =	simm.s32 $0x7  }
0x8: {  	s21 =	simm.s32 $0x8;
	s23 =	simm.s32 $0x9;
	s29 =	simm.s32 $0xB  }
0x9: {  	s10 =	simm.s32 $0x0;
	s0 =	sand.u32 $0x1, s0;
	s6 =	smul.u32 $0x5000, s4  }
0xa: {  	[smem:$0x7FF] =	sst s8;
	s3 =	sshll.u32 s0, $0x4;
	s5 =	smul.u32 $0xA000, s0  }
0xb: {  	_ =	strace $0x80000050;
	s0 =	ssub.s32 $0x2, s0;
	[dreg:$0x9] =	wrdreg s10  }
0xc: {  	s3 =	sor.u32 s4, s3;
	s4 =	sadd.s32 $0x17A00, s1;
	s24 =	sshrl.u32 s6, $0x3  }
0xd: {  	s7 =	sshrl.u32 s0, $0x1;
	s3 =	smul.u32 $0x500, s3;
	s26 =	sadd.s32 s4, s24  }
0xe: {  	s0 =	ssub.s32 s0, s7;
	s7 =	sadd.s32 s6, s2;
	[dreg:$0x5] =	wrdreg s26  }
0xf: {  	s6 =	simm.s32 $0xD;
	[dreg:$0x6] =	wrdreg s7;
	s0 =	smax.u32 s0, $0x1  }
0x10: {  	s26 =	simm.s32 $0xA;
	s7 =	simm.s32 $0xE;
	s3 =	sadd.s32 s3, s1  }
0x11: {  	s1 =	sadd.s32 s5, s1;
	[dreg:$0x7] =	wrdreg s0;
	s25 =	sadd.s32 $0xDA00, s3  }
0x12: {  	s0 =	simm.s32 $0x3;
	s3 =	sadd.s32 $0x3400, s3;
	[dreg:$0x3] =	wrdreg s25  }
0x13: {  	s5 =	simm.s32 $0xC;
	s1 =	sadd.s32 $0x21A00, s1;
	[dreg:$0x4] =	wrdreg s3  }
0x14: {  	s9 =	sadd.s32 s24, s1;
	s25 =	simm.s32 $0x9E20;
	s1 =	simm.s32 $0x2  }
0x15: {  	s24 =	simm.s32 $0x10;
	[dreg:$0x8] =	wrdreg s9;
	s9 =	simm.s32 $0xF  }
.LBB2_1:
0x16: {  	s3 =	rddreg [dreg:$0x3];
	s10 =	simm.s32 $0x11  }
0x17: {  	[tilespmem:s8], [sflag:$0x11] =	stream.linear.gather [hbm4b:s3+s8], $0x2800, $0x38;
	[tilespmem:$0x16D00] =	vst v63  }
0x18: {  	_ =	swait.ge [sflag:s10], $0x2800  }
0x19: {  	[sflag:s10] =	ssyncset.done $0x0  }
0x1a: {  	s3 =	rddreg [dreg:$0x4];
	[sflag:s10] =	ssyncadd.s32 $0xFFFFD800;
	s10 =	simm.s32 $0x2800  }
0x1b: {  	[tilespmem:s10], [sflag:$0x11] =	stream.linear.gather [hbm4b:s3+s8], $0x2800, $0x38;
	[tilespmem:$0x16D00] =	vst v63  }
0x1c: {  	s10 =	simm.s32 $0x11  }
0x1d: {  	_ =	swait.ge [sflag:s10], $0x2800  }
0x1e: {  	[sflag:s10] =	ssyncset.done $0x0  }
0x1f: {  	s3 =	rddreg [dreg:$0x5];
	[sflag:s10] =	ssyncadd.s32 $0xFFFFD800  }
0x20: {  	[tilespmem:s12], [sflag:$0x11] =	stream.linear.gather [hbm4b:s3+s8], $0x5000, $0x38;
	[tilespmem:$0x16D00] =	vst v63  }
0x21: {  	_ =	swait.ge [sflag:s10], $0x5000  }
0x22: {  	[sflag:s10] =	ssyncset.done $0x0  }
0x23: {  	s3 =	rddreg [dreg:$0x6];
	[sflag:s10] =	ssyncadd.s32 $0xFFFFB000  }
0x24: {  	[spmem:s3] =	stream.linear.scatter [tilespmem:s12], [sflag:$0x11], $0x5000, $0x38;
	[tilespmem:$0x16D00] =	vst v63  }
0x25: {  	_ =	swait.ge [sflag:s10], $0x5000  }
0x26: {  	[sflag:s10] =	ssyncset.done $0x0  }
0x27: {  	[sflag:s10] =	ssyncadd.s32 $0xFFFFB000  }
0x28: {  	[bflag:$0x0] =	sbarrier.arrive $0xFFFF  }
0x29: {  	[tilespmem:s14], [sflag:$0x1] =	stream.indirect.gather [hbm4b:s4+s13], $0x20, s8, s13, $0xb8;
	[tilespmem:$0x16D00] =	vst v63  }
0x2a: {  	s12 =	simm.s32 $0x80  }
0x2b: {  	[tilespmem:s16], [sflag:$0x2] =	stream.indirect.gather [hbm4b:s4+s13], $0x20, s12, s13, $0xb8;
	[tilespmem:$0x16D00] =	vst v63  }
0x2c: {  	s8 =	simm.s32 $0x100  }
0x2d: {  	[tilespmem:s18], [sflag:$0x3] =	stream.indirect.gather [hbm4b:s4+s13], $0x20, s8, s13, $0xb8;
	[tilespmem:$0x16D00] =	vst v63  }
0x2e: {  	s10 =	simm.s32 $0x180  }
0x2f: {  	[tilespmem:s20], [sflag:$0x4] =	stream.indirect.gather [hbm4b:s4+s13], $0x20, s10, s13, $0xb8;
	[tilespmem:$0x16D00] =	vst v63  }
0x30: {  	s12 =	simm.s32 $0x200  }
0x31: {  	[tilespmem:s22], [sflag:$0x5] =	stream.indirect.gather [hbm4b:s4+s13], $0x20, s12, s13, $0xb8;
	[tilespmem:$0x16D00] =	vst v63  }
0x32: {  	s8 =	simm.s32 $0x280  }
0x33: {  	[tilespmem:s25], [sflag:$0x6] =	stream.indirect.gather [hbm4b:s4+s13], $0x20, s8, s13, $0xb8;
	[tilespmem:$0x16D00] =	vst v63  }
0x34: {  	s10 =	simm.s32 $0x300  }
0x35: {  	[tilespmem:s28], [sflag:$0x7] =	stream.indirect.gather [hbm4b:s4+s13], $0x20, s10, s13, $0xb8;
	[tilespmem:$0x16D00] =	vst v63  }
0x36: {  	s12 =	simm.s32 $0x380  }
0x37: {  	[tilespmem:s30], [sflag:$0x8] =	stream.indirect.gather [hbm4b:s4+s13], $0x20, s12, s13, $0xb8;
	[tilespmem:$0x16D00] =	vst v63  }
0x38: {  	_ =	swait.ge [sflag:s31], $0xFA0  }
0x39: {  	[sflag:s31] =	ssyncset.done $0x0  }
0x3a: {  	s8 =	simm.s32 $0x2800;
	[sflag:s31] =	ssyncadd.s32 $0xFFFFF060  }
0x3b: {  	[spmem:s2] =	stream.indirect.scatter.add.f32 [tilespmem:s14], [sflag:$0x9], $0x20, s8, s13, $0xb8;
	[tilespmem:$0x16D00] =	vst v63  }
0x3c: {  	_ =	swait.ge [sflag:s1], $0xFA0  }
0x3d: {  	[sflag:s1] =	ssyncset.done $0x0  }
0x3e: {  	s10 =	simm.s32 $0x2880;
	[sflag:s1] =	ssyncadd.s32 $0xFFFFF060  }
0x3f: {  	[spmem:s2] =	stream.indirect.scatter.add.f32 [tilespmem:s16], [sflag:$0xA], $0x20, s10, s13, $0xb8;
	[tilespmem:$0x16D00] =	vst v63  }
0x40: {  	_ =	swait.ge [sflag:s0], $0xFA0  }
0x41: {  	[sflag:s0] =	ssyncset.done $0x0  }
0x42: {  	s12 =	simm.s32 $0x2900;
	[sflag:s0] =	ssyncadd.s32 $0xFFFFF060  }
0x43: {  	[spmem:s2] =	stream.indirect.scatter.add.f32 [tilespmem:s18], [sflag:$0xB], $0x20, s12, s13, $0xb8;
	[tilespmem:$0x16D00] =	vst v63  }
0x44: {  	_ =	swait.ge [sflag:s11], $0xFA0  }
0x45: {  	[sflag:s11] =	ssyncset.done $0x0  }
0x46: {  	s8 =	simm.s32 $0x2980;
	[sflag:s11] =	ssyncadd.s32 $0xFFFFF060  }
0x47: {  	[spmem:s2] =	stream.indirect.scatter.add.f32 [tilespmem:s20], [sflag:$0xC], $0x20, s8, s13, $0xb8;
	[tilespmem:$0x16D00] =	vst v63  }
0x48: {  	_ =	swait.ge [sflag:s15], $0xFA0  }
0x49: {  	[sflag:s15] =	ssyncset.done $0x0  }
0x4a: {  	s10 =	simm.s32 $0x2A00;
	[sflag:s15] =	ssyncadd.s32 $0xFFFFF060  }
0x4b: {  	[spmem:s2] =	stream.indirect.scatter.add.f32 [tilespmem:s22], [sflag:$0xD], $0x20, s10, s13, $0xb8;
	[tilespmem:$0x16D00] =	vst v63  }
0x4c: {  	_ =	swait.ge [sflag:s17], $0xFA0  }
0x4d: {  	[sflag:s17] =	ssyncset.done $0x0  }
0x4e: {  	s12 =	simm.s32 $0x2A80;
	[sflag:s17] =	ssyncadd.s32 $0xFFFFF060  }
0x4f: {  	[spmem:s2] =	stream.indirect.scatter.add.f32 [tilespmem:s25], [sflag:$0xE], $0x20, s12, s13, $0xb8;
	[tilespmem:$0x16D00] =	vst v63  }
0x50: {  	_ =	swait.ge [sflag:s19], $0xFA0  }
0x51: {  	[sflag:s19] =	ssyncset.done $0x0  }
0x52: {  	s8 =	simm.s32 $0x2B00;
	[sflag:s19] =	ssyncadd.s32 $0xFFFFF060  }
0x53: {  	[spmem:s2] =	stream.indirect.scatter.add.f32 [tilespmem:s28], [sflag:$0xF], $0x20, s8, s13, $0xb8;
	[tilespmem:$0x16D00] =	vst v63  }
0x54: {  	_ =	swait.ge [sflag:s21], $0xFA0  }
0x55: {  	[sflag:s21] =	ssyncset.done $0x0  }
0x56: {  	s10 =	simm.s32 $0x2B80;
	[sflag:s21] =	ssyncadd.s32 $0xFFFFF060  }
0x57: {  	[spmem:s2] =	stream.indirect.scatter.add.f32 [tilespmem:s30], [sflag:$0x10], $0x20, s10, s13, $0xb8;
	[tilespmem:$0x16D00] =	vst v63  }
0x58: {  	_ =	swait.ge [sflag:s23], $0xFA0  }
0x59: {  	[sflag:s23] =	ssyncset.done $0x0  }
0x5a: {  	s12 =	simm.s32 $0x400;
	[sflag:s23] =	ssyncadd.s32 $0xFFFFF060  }
0x5b: {  	[tilespmem:s14], [sflag:$0x1] =	stream.indirect.gather [hbm4b:s4+s13], $0x20, s12, s13, $0xb8;
	[tilespmem:$0x16D00] =	vst v63  }
0x5c: {  	_ =	swait.ge [sflag:s26], $0xFA0  }
0x5d: {  	[sflag:s26] =	ssyncset.done $0x0  }
0x5e: {  	s8 =	simm.s32 $0x480;
	[sflag:s26] =	ssyncadd.s32 $0xFFFFF060  }
0x5f: {  	[tilespmem:s16], [sflag:$0x2] =	stream.indirect.gather [hbm4b:s4+s13], $0x20, s8, s13, $0xb8;
	[tilespmem:$0x16D00] =	vst v63  }
0x60: {  	_ =	swait.ge [sflag:s29], $0xFA0  }
0x61: {  	[sflag:s29] =	ssyncset.done $0x0  }
0x62: {  	s10 =	simm.s32 $0x500;
	[sflag:s29] =	ssyncadd.s32 $0xFFFFF060  }
0x63: {  	[tilespmem:s18], [sflag:$0x3] =	stream.indirect.gather [hbm4b:s4+s13], $0x20, s10, s13, $0xb8;
	[tilespmem:$0x16D00] =	vst v63  }
0x64: {  	_ =	swait.ge [sflag:s5], $0xFA0  }
0x65: {  	[sflag:s5] =	ssyncset.done $0x0  }
0x66: {  	s12 =	simm.s32 $0x580;
	[sflag:s5] =	ssyncadd.s32 $0xFFFFF060  }
0x67: {  	[tilespmem:s20], [sflag:$0x4] =	stream.indirect.gather [hbm4b:s4+s13], $0x20, s12, s13, $0xb8;
	[tilespmem:$0x16D00] =	vst v63  }
0x68: {  	_ =	swait.ge [sflag:s6], $0xFA0  }
0x69: {  	[sflag:s6] =	ssyncset.done $0x0  }
0x6a: {  	s8 =	simm.s32 $0x600;
	[sflag:s6] =	ssyncadd.s32 $0xFFFFF060  }
0x6b: {  	[tilespmem:s22], [sflag:$0x5] =	stream.indirect.gather [hbm4b:s4+s13], $0x20, s8, s13, $0xb8;
	[tilespmem:$0x16D00] =	vst v63  }
0x6c: {  	_ =	swait.ge [sflag:s7], $0xFA0  }
0x6d: {  	[sflag:s7] =	ssyncset.done $0x0  }
0x6e: {  	s10 =	simm.s32 $0x680;
	[sflag:s7] =	ssyncadd.s32 $0xFFFFF060  }
0x6f: {  	[tilespmem:s25], [sflag:$0x6] =	stream.indirect.gather [hbm4b:s4+s13], $0x20, s10, s13, $0xb8;
	[tilespmem:$0x16D00] =	vst v63  }
0x70: {  	_ =	swait.ge [sflag:s9], $0xFA0  }
0x71: {  	[sflag:s9] =	ssyncset.done $0x0  }
0x72: {  	s12 =	simm.s32 $0x700;
	[sflag:s9] =	ssyncadd.s32 $0xFFFFF060  }
0x73: {  	[tilespmem:s28], [sflag:$0x7] =	stream.indirect.gather [hbm4b:s4+s13], $0x20, s12, s13, $0xb8;
	[tilespmem:$0x16D00] =	vst v63  }
0x74: {  	_ =	swait.ge [sflag:s24], $0xFA0  }
0x75: {  	[sflag:s24] =	ssyncset.done $0x0  }
0x76: {  	s3 =	simm.s32 $0x780;
	s12 =	simm.s32 $0x1000;
	[sflag:s24] =	ssyncadd.s32 $0xFFFFF060  }
.LBB2_2:
0x77: {  	[tilespmem:s30], [sflag:$0x8] =	stream.indirect.gather [hbm4b:s4+s13], $0x20, s3, s13, $0xb8;
	[tilespmem:$0x16D00] =	vst v63  }
0x78: {  	s3 =	smov.u32 s12  }
0x79: {  	p0 =	sne.s32 s12, $0x8000;
	s12 =	sadd.s32 $0x1000, s12;
	_ =	swait.ge [sflag:s31], $0xFA0  }
0x7a: {  	s3 =	sshra.s32 s3, $0x2;
	[sflag:s31] =	ssyncset.done $0x0  }
0x7b: {  	s8 =	sadd.s32 $0x2800, s3;
	[sflag:s31] =	ssyncadd.s32 $0xFFFFF060  }
0x7c: {  	[spmem:s2] =	stream.indirect.scatter.add.f32 [tilespmem:s14], [sflag:$0x9], $0x20, s8, s13, $0xb8;
	[tilespmem:$0x16D00] =	vst v63  }
0x7d: {  	_ =	swait.ge [sflag:s1], $0xFA0  }
0x7e: {  	[sflag:s1] =	ssyncset.done $0x0  }
0x7f: {  	s8 =	sadd.s32 $0x2880, s3;
	[sflag:s1] =	ssyncadd.s32 $0xFFFFF060  }
0x80: {  	[spmem:s2] =	stream.indirect.scatter.add.f32 [tilespmem:s16], [sflag:$0xA], $0x20, s8, s13, $0xb8;
	[tilespmem:$0x16D00] =	vst v63  }
0x81: {  	_ =	swait.ge [sflag:s0], $0xFA0  }
0x82: {  	[sflag:s0] =	ssyncset.done $0x0  }
0x83: {  	s8 =	sadd.s32 $0x2900, s3;
	[sflag:s0] =	ssyncadd.s32 $0xFFFFF060  }
0x84: {  	[spmem:s2] =	stream.indirect.scatter.add.f32 [tilespmem:s18], [sflag:$0xB], $0x20, s8, s13, $0xb8;
	[tilespmem:$0x16D00] =	vst v63  }
0x85: {  	_ =	swait.ge [sflag:s11], $0xFA0  }
0x86: {  	[sflag:s11] =	ssyncset.done $0x0  }
0x87: {  	s8 =	sadd.s32 $0x2980, s3;
	[sflag:s11] =	ssyncadd.s32 $0xFFFFF060  }
0x88: {  	[spmem:s2] =	stream.indirect.scatter.add.f32 [tilespmem:s20], [sflag:$0xC], $0x20, s8, s13, $0xb8;
	[tilespmem:$0x16D00] =	vst v63  }
0x89: {  	_ =	swait.ge [sflag:s15], $0xFA0  }
0x8a: {  	[sflag:s15] =	ssyncset.done $0x0  }
0x8b: {  	s8 =	sadd.s32 $0x2A00, s3;
	[sflag:s15] =	ssyncadd.s32 $0xFFFFF060  }
0x8c: {  	[spmem:s2] =	stream.indirect.scatter.add.f32 [tilespmem:s22], [sflag:$0xD], $0x20, s8, s13, $0xb8;
	[tilespmem:$0x16D00] =	vst v63  }
0x8d: {  	_ =	swait.ge [sflag:s17], $0xFA0  }
0x8e: {  	[sflag:s17] =	ssyncset.done $0x0  }
0x8f: {  	s8 =	sadd.s32 $0x2A80, s3;
	[sflag:s17] =	ssyncadd.s32 $0xFFFFF060  }
0x90: {  	[spmem:s2] =	stream.indirect.scatter.add.f32 [tilespmem:s25], [sflag:$0xE], $0x20, s8, s13, $0xb8;
	[tilespmem:$0x16D00] =	vst v63  }
0x91: {  	_ =	swait.ge [sflag:s19], $0xFA0  }
0x92: {  	[sflag:s19] =	ssyncset.done $0x0  }
0x93: {  	s8 =	sadd.s32 $0x2B00, s3;
	[sflag:s19] =	ssyncadd.s32 $0xFFFFF060  }
0x94: {  	[spmem:s2] =	stream.indirect.scatter.add.f32 [tilespmem:s28], [sflag:$0xF], $0x20, s8, s13, $0xb8;
	[tilespmem:$0x16D00] =	vst v63  }
0x95: {  	_ =	swait.ge [sflag:s21], $0xFA0  }
0x96: {  	[sflag:s21] =	ssyncset.done $0x0  }
0x97: {  	s8 =	sadd.s32 $0x2B80, s3;
	[sflag:s21] =	ssyncadd.s32 $0xFFFFF060  }
0x98: {  	[spmem:s2] =	stream.indirect.scatter.add.f32 [tilespmem:s30], [sflag:$0x10], $0x20, s8, s13, $0xb8;
	[tilespmem:$0x16D00] =	vst v63  }
0x99: {  	_ =	swait.ge [sflag:s23], $0xFA0  }
0x9a: {  	[sflag:s23] =	ssyncset.done $0x0  }
0x9b: {  	s8 =	sadd.s32 $0x400, s3;
	[sflag:s23] =	ssyncadd.s32 $0xFFFFF060  }
0x9c: {  	[tilespmem:s14], [sflag:$0x1] =	stream.indirect.gather [hbm4b:s4+s13], $0x20, s8, s13, $0xb8;
	[tilespmem:$0x16D00] =	vst v63  }
0x9d: {  	_ =	swait.ge [sflag:s26], $0xFA0  }
0x9e: {  	[sflag:s26] =	ssyncset.done $0x0  }
0x9f: {  	s8 =	sadd.s32 $0x480, s3;
	[sflag:s26] =	ssyncadd.s32 $0xFFFFF060  }
0xa0: {  	[tilespmem:s16], [sflag:$0x2] =	stream.indirect.gather [hbm4b:s4+s13], $0x20, s8, s13, $0xb8;
	[tilespmem:$0x16D00] =	vst v63  }
0xa1: {  	_ =	swait.ge [sflag:s29], $0xFA0  }
0xa2: {  	[sflag:s29] =	ssyncset.done $0x0  }
0xa3: {  	s8 =	sadd.s32 $0x500, s3;
	[sflag:s29] =	ssyncadd.s32 $0xFFFFF060  }
0xa4: {  	[tilespmem:s18], [sflag:$0x3] =	stream.indirect.gather [hbm4b:s4+s13], $0x20, s8, s13, $0xb8;
	[tilespmem:$0x16D00] =	vst v63  }
0xa5: {  	_ =	swait.ge [sflag:s5], $0xFA0  }
0xa6: {  	[sflag:s5] =	ssyncset.done $0x0  }
0xa7: {  	s8 =	sadd.s32 $0x580, s3;
	[sflag:s5] =	ssyncadd.s32 $0xFFFFF060  }
0xa8: {  	[tilespmem:s20], [sflag:$0x4] =	stream.indirect.gather [hbm4b:s4+s13], $0x20, s8, s13, $0xb8;
	[tilespmem:$0x16D00] =	vst v63  }
0xa9: {  	_ =	swait.ge [sflag:s6], $0xFA0  }
0xaa: {  	[sflag:s6] =	ssyncset.done $0x0  }
0xab: {  	s8 =	sadd.s32 $0x600, s3;
	[sflag:s6] =	ssyncadd.s32 $0xFFFFF060  }
0xac: {  	[tilespmem:s22], [sflag:$0x5] =	stream.indirect.gather [hbm4b:s4+s13], $0x20, s8, s13, $0xb8;
	[tilespmem:$0x16D00] =	vst v63  }
0xad: {  	_ =	swait.ge [sflag:s7], $0xFA0  }
0xae: {  	[sflag:s7] =	ssyncset.done $0x0  }
0xaf: {  	s8 =	sadd.s32 $0x680, s3;
	[sflag:s7] =	ssyncadd.s32 $0xFFFFF060  }
0xb0: {  	[tilespmem:s25], [sflag:$0x6] =	stream.indirect.gather [hbm4b:s4+s13], $0x20, s8, s13, $0xb8;
	[tilespmem:$0x16D00] =	vst v63  }
0xb1: {  	_ =	swait.ge [sflag:s9], $0xFA0  }
0xb2: {  	[sflag:s9] =	ssyncset.done $0x0  }
.Ltmp0:
0xb3: {  	s8 =	sadd.s32 $0x700, s3;
	[sflag:s9] =	ssyncadd.s32 $0xFFFFF060;
	(pc) =	sbr.rel @p0 .LBB2_2-.Ltmp0, $4  }
0xb4: {  	[tilespmem:s28], [sflag:$0x7] =	stream.indirect.gather [hbm4b:s4+s13], $0x20, s8, s13, $0xb8;
	[tilespmem:$0x16D00] =	vst v63  }
0xb5: {  	_ =	swait.ge [sflag:s24], $0xFA0  }
0xb6: {  	[sflag:s24] =	ssyncset.done $0x0  }
0xb7: {  	s3 =	sadd.s32 $0x780, s3;
	[sflag:s24] =	ssyncadd.s32 $0xFFFFF060  }
0xb8: {  	[tilespmem:s30], [sflag:$0x8] =	stream.indirect.gather [hbm4b:s4+s13], $0x20, s3, s13, $0xb8;
	[tilespmem:$0x16D00] =	vst v63  }
0xb9: {  	_ =	swait.ge [sflag:s31], $0xFA0  }
0xba: {  	[sflag:s31] =	ssyncset.done $0x0  }
0xbb: {  	s12 =	simm.s32 $0x4C00;
	[sflag:s31] =	ssyncadd.s32 $0xFFFFF060  }
0xbc: {  	[spmem:s2] =	stream.indirect.scatter.add.f32 [tilespmem:s14], [sflag:$0x9], $0x20, s12, s13, $0xb8;
	[tilespmem:$0x16D00] =	vst v63  }
0xbd: {  	_ =	swait.ge [sflag:s1], $0xFA0  }
0xbe: {  	[sflag:s1] =	ssyncset.done $0x0  }
0xbf: {  	s8 =	simm.s32 $0x4C80;
	[sflag:s1] =	ssyncadd.s32 $0xFFFFF060  }
0xc0: {  	[spmem:s2] =	stream.indirect.scatter.add.f32 [tilespmem:s16], [sflag:$0xA], $0x20, s8, s13, $0xb8;
	[tilespmem:$0x16D00] =	vst v63  }
0xc1: {  	_ =	swait.ge [sflag:s0], $0xFA0  }
0xc2: {  	[sflag:s0] =	ssyncset.done $0x0  }
0xc3: {  	s10 =	simm.s32 $0x4D00;
	[sflag:s0] =	ssyncadd.s32 $0xFFFFF060  }
0xc4: {  	[spmem:s2] =	stream.indirect.scatter.add.f32 [tilespmem:s18], [sflag:$0xB], $0x20, s10, s13, $0xb8;
	[tilespmem:$0x16D00] =	vst v63  }
0xc5: {  	_ =	swait.ge [sflag:s11], $0xFA0  }
0xc6: {  	[sflag:s11] =	ssyncset.done $0x0  }
0xc7: {  	s12 =	simm.s32 $0x4D80;
	[sflag:s11] =	ssyncadd.s32 $0xFFFFF060  }
0xc8: {  	[spmem:s2] =	stream.indirect.scatter.add.f32 [tilespmem:s20], [sflag:$0xC], $0x20, s12, s13, $0xb8;
	[tilespmem:$0x16D00] =	vst v63  }
0xc9: {  	_ =	swait.ge [sflag:s15], $0xFA0  }
0xca: {  	[sflag:s15] =	ssyncset.done $0x0  }
0xcb: {  	s8 =	simm.s32 $0x4E00;
	[sflag:s15] =	ssyncadd.s32 $0xFFFFF060  }
0xcc: {  	[spmem:s2] =	stream.indirect.scatter.add.f32 [tilespmem:s22], [sflag:$0xD], $0x20, s8, s13, $0xb8;
	[tilespmem:$0x16D00] =	vst v63  }
0xcd: {  	_ =	swait.ge [sflag:s17], $0xFA0  }
0xce: {  	[sflag:s17] =	ssyncset.done $0x0  }
0xcf: {  	s10 =	simm.s32 $0x4E80;
	[sflag:s17] =	ssyncadd.s32 $0xFFFFF060  }
0xd0: {  	[spmem:s2] =	stream.indirect.scatter.add.f32 [tilespmem:s25], [sflag:$0xE], $0x20, s10, s13, $0xb8;
	[tilespmem:$0x16D00] =	vst v63  }
0xd1: {  	_ =	swait.ge [sflag:s19], $0xFA0  }
0xd2: {  	[sflag:s19] =	ssyncset.done $0x0  }
0xd3: {  	s12 =	simm.s32 $0x4F00;
	[sflag:s19] =	ssyncadd.s32 $0xFFFFF060  }
0xd4: {  	[spmem:s2] =	stream.indirect.scatter.add.f32 [tilespmem:s28], [sflag:$0xF], $0x20, s12, s13, $0xb8;
	[tilespmem:$0x16D00] =	vst v63  }
0xd5: {  	_ =	swait.ge [sflag:s21], $0xFA0  }
0xd6: {  	[sflag:s21] =	ssyncset.done $0x0  }
0xd7: {  	s8 =	simm.s32 $0x4F80;
	[sflag:s21] =	ssyncadd.s32 $0xFFFFF060  }
0xd8: {  	[spmem:s2] =	stream.indirect.scatter.add.f32 [tilespmem:s30], [sflag:$0x10], $0x20, s8, s13, $0xb8;
	[tilespmem:$0x16D00] =	vst v63  }
0xd9: {  	_ =	swait.ge [sflag:s23], $0xFA0  }
0xda: {  	[sflag:s23] =	ssyncset.done $0x0  }
0xdb: {  	[sflag:s23] =	ssyncadd.s32 $0xFFFFF060  }
0xdc: {  	_ =	swait.ge [sflag:s26], $0xFA0  }
0xdd: {  	[sflag:s26] =	ssyncset.done $0x0  }
0xde: {  	[sflag:s26] =	ssyncadd.s32 $0xFFFFF060  }
0xdf: {  	_ =	swait.ge [sflag:s29], $0xFA0  }
0xe0: {  	[sflag:s29] =	ssyncset.done $0x0  }
0xe1: {  	[sflag:s29] =	ssyncadd.s32 $0xFFFFF060  }
0xe2: {  	_ =	swait.ge [sflag:s5], $0xFA0  }
0xe3: {  	[sflag:s5] =	ssyncset.done $0x0  }
0xe4: {  	[sflag:s5] =	ssyncadd.s32 $0xFFFFF060  }
0xe5: {  	_ =	swait.ge [sflag:s6], $0xFA0  }
0xe6: {  	[sflag:s6] =	ssyncset.done $0x0  }
0xe7: {  	[sflag:s6] =	ssyncadd.s32 $0xFFFFF060  }
0xe8: {  	_ =	swait.ge [sflag:s7], $0xFA0  }
0xe9: {  	[sflag:s7] =	ssyncset.done $0x0  }
0xea: {  	[sflag:s7] =	ssyncadd.s32 $0xFFFFF060  }
0xeb: {  	_ =	swait.ge [sflag:s9], $0xFA0  }
0xec: {  	[sflag:s9] =	ssyncset.done $0x0  }
0xed: {  	[sflag:s9] =	ssyncadd.s32 $0xFFFFF060  }
0xee: {  	_ =	swait.ge [sflag:s24], $0xFA0  }
0xef: {  	[sflag:s24] =	ssyncset.done $0x0  }
0xf0: {  	[sflag:s24] =	ssyncadd.s32 $0xFFFFF060  }
0xf1: {  	[bflag:$0x0] =	sbarrier.arrive $0xFFFF  }
0xf2: {  	s12 =	simm.s32 $0xCD00;
	s8 =	simm.s32 $0x11;
	s10 =	rddreg [dreg:$0x6]  }
0xf3: {  	[tilespmem:s12], [sflag:$0x11] =	stream.linear.gather [spmem:s10], $0x5000, $0x38;
	[tilespmem:$0x16D00] =	vst v63  }
0xf4: {  	_ =	swait.ge [sflag:s8], $0x5000  }
0xf5: {  	[sflag:s8] =	ssyncset.done $0x0  }
0xf6: {  	s10 =	simm.s32 $0x0;
	s3 =	rddreg [dreg:$0x8];
	[sflag:s8] =	ssyncadd.s32 $0xFFFFB000  }
0xf7: {  	[hbm4b:s3+s10] =	stream.linear.scatter [tilespmem:s12], [sflag:$0x11], $0x5000, $0x38;
	[tilespmem:$0x16D00] =	vst v63  }
0xf8: {  	_ =	swait.ge [sflag:s8], $0x5000  }
0xf9: {  	s3 =	rddreg [dreg:$0x9]  }
0xfa: {  	s10 =	sadd.s32 $0x1, s3;
	s3 =	rddreg [dreg:$0x7]  }
0xfb: {  	p0 =	sne.s32 s10, s3  }
.Ltmp1:
0xfc: {  	_ = 	snop;
	(pc) =	sbr.rel @p0 .LBB2_1-.Ltmp1, $3  }
0xfd: {  	_ =	sdelay $0x1  }
0xfe: {  	[sflag:s8] =	ssyncset.done $0x0  }
0xff: {  	[sflag:s8] =	ssyncadd.s32 $0xFFFFB000;
	s8 =	simm.s32 $0x0;
	[dreg:$0x9] =	wrdreg s10  }
0x100: {  	_ =	sfence.sel $0x180000  }
0x101: {  	[bflag:$0x0] =	sbarrier.arrive $0xFFFF  }
0x102: {  	_ =	strace $0x90000050  }
0x103: {  	s0 =	stileid.u32;
	[bflag:$0x2] =	sbarrier.arrive $0xFFFF  }
0x104: {  	p0 =	sne.s32 s0, $0x0;
	s0 =	rddreg [dreg:$0x2]  }
0x105: {  	s0 =	sadd.s32 @!p0 $0x100000, s0  }
0x106: {  	[sflag:s0] =	ssyncadd.tile.s32 @!p0 $0x1;
	_ =	shalt  }
.Lfunc_end2:
_tile_overlayer_lowered:
.L_overlay_start_2:
0x107: {  	(tag) =	ssettag $0x2  }
0x108: {  	s0 =	rddreg [dreg:$0x0];
	s2 =	stileid.u32  }
0x109: {  	s1 =	rddreg [dreg:$0x1];
	p0 =	sne.s32 s2, $0x0  }
0x10a: {  	s3 =	rddreg [dreg:$0x2];
	[bflag:$0x3] =	sbarrier.arrive $0xFFFF;
	s2 =	simm.s32 @!p0 $0x1C11  }
0x10b: {  	[timem:s3], [sflag:s2] =	dma.local @!p0 [hbm:s0], s1  }
0x10c: {  	s0 =	simm.s32 @!p0 $0x11  }
0x10d: {  	_ =	swait.ge @!p0 [sflag:s0], s1  }
0x10e: {  	s1 =	ssub.s32 @!p0 $0x0, s1;
	[sflag:s0] =	ssyncset.done @!p0 $0x0  }
0x10f: {  	[sflag:s0] =	ssyncadd.s32 @!p0 s1  }
0x110: {  	[bflag:$0x3] =	sbarrier.arrive $0xFFFF  }
0x111: {  	_ =	shalt  }

</sc_bundles>
